<compile_context>
chip_gen: v7x
topology: tpu7x:2x2x1
jax: 0.10.2.dev20260603
libtpu: 0.0.44.dev20260713+nightly
codegen_flags: <defaults>
</compile_context>

<pallas_src>
import functools

import jax
import jax.numpy as jnp
from jax import lax
from jax.experimental import pallas as pl
from jax.experimental.pallas import tpu as pltpu
from jax.experimental.pallas import tpu_sc as plsc

VOCAB = 1000000
D = 64
B = 4096
S = 200
NC = 2
NS = 16
NW = NC * NS
BBLK = B // NW
OP = 129
HV = VOCAB // 2


def _sc_body(idx_hbm, tbl_hbm, pos_hbm, out_hbm,
             idx_v, g0, g1, o0, o1, pos_v, sem0, sem1, osem0, osem1):
    c = lax.axis_index("c")
    s = lax.axis_index("s")
    w = s * NC + c
    pltpu.sync_copy(idx_hbm.at[:, w], idx_v)
    pltpu.sync_copy(pos_hbm, pos_v)

    def xform_body(p):
        for k in range(8):
            v = idx_v[p, pl.ds(16 * k, 16)]
            idx_v[p, pl.ds(16 * k, 16)] = (
                v + v - jnp.where(v >= HV, 2 * HV - 1, 0)
            )

    plsc.parallel_loop(0, S, unroll=2)(xform_body)

    iota = lax.iota(jnp.int32, 16)
    dl_vec = iota & 7
    dt_vecs = [2 * dh + (iota >> 3) for dh in range(4)]

    def start(gbuf, sem, p):
        pltpu.async_copy(tbl_hbm.at[idx_v.at[p]], gbuf, sem)

    def drain_out(obuf, osem, p):
        for dt in range(8):
            pltpu.make_async_copy(obuf.at[dt, :, pl.ds(0, BBLK)],
                                  out_hbm.at[p, dt, w], osem).wait()

    def finish(gbuf, obuf, sem, osem, p):
        pltpu.make_async_copy(tbl_hbm.at[pl.ds(0, BBLK)], gbuf, sem).wait()

        @pl.when(p >= 2)
        def _():
            drain_out(obuf, osem, p)

        pv = [pos_v[p, pl.ds(16 * k, 16)] for k in range(4)]

        def b_body(b):
            bfull = iota * 0 + b
            for dh in range(4):
                vals = gbuf[b, pl.ds(16 * dh, 16)] + pv[dh]
                plsc.store_scatter(obuf, [dt_vecs[dh], dl_vec, bfull], vals)

        plsc.parallel_loop(0, BBLK, unroll=4)(b_body)
        for dt in range(8):
            pltpu.async_copy(obuf.at[dt, :, pl.ds(0, BBLK)],
                             out_hbm.at[p, dt, w], osem)

    start(g0, sem0, 0)

    def pair_body(h, carry):
        p0 = 2 * h
        start(g1, sem1, p0 + 1)
        finish(g0, o0, sem0, osem0, p0)
        start(g0, sem0, p0 + 2)
        finish(g1, o1, sem1, osem1, p0 + 1)
        return carry

    lax.fori_loop(0, S // 2 - 1, pair_body, 0)
    start(g1, sem1, S - 1)
    finish(g0, o0, sem0, osem0, S - 2)
    finish(g1, o1, sem1, osem1, S - 1)
    drain_out(o0, osem0, S - 2)
    drain_out(o1, osem1, S - 1)


@jax.jit
def _run(idx5, tbl, pos2d):
    mesh = plsc.VectorSubcoreMesh(core_axis_name="c", subcore_axis_name="s")
    f = functools.partial(
        pl.kernel,
        out_type=jax.ShapeDtypeStruct((S, 8, NW, 8, 128), jnp.float32),
        mesh=mesh,
        scratch_types=[
            pltpu.VMEM((S, BBLK), jnp.int32),
            pltpu.VMEM((BBLK, D), jnp.float32),
            pltpu.VMEM((BBLK, D), jnp.float32),
            pltpu.VMEM((8, 8, OP), jnp.float32),
            pltpu.VMEM((8, 8, OP), jnp.float32),
            pltpu.VMEM((S, D), jnp.float32),
            pltpu.SemaphoreType.DMA,
            pltpu.SemaphoreType.DMA,
            pltpu.SemaphoreType.DMA,
            pltpu.SemaphoreType.DMA,
        ],
        compiler_params=pltpu.CompilerParams(
            use_tc_tiling_on_sc=False, needs_layout_passes=False),
    )(_sc_body)
    return f(idx5, tbl, pos2d)


def kernel(INPUT, embedding_table, positional_encoding):
    idx5 = INPUT.T.reshape(S, NW, 128)
    pos2d = positional_encoding[0, :S, :]
    tbl_rm = jnp.concatenate(
        [embedding_table[:HV], embedding_table[HV:]], axis=1
    ).reshape(VOCAB, D)
    out5 = _run(idx5, tbl_rm, pos2d)
    return out5.transpose(2, 4, 0, 1, 3).reshape(B, S, D)

# --- scband reference (transcript-rebuilt; emitter-appended) ---
"""Pipeline reference for scband-embedding-layer-90082644066569 (READ-ONLY COPY).

The authoritative reference and input builder live on the scoring server;
editing this copy changes nothing except your own understanding.
"""

import jax, jax.numpy as jnp
import numpy as np

VOCAB_SIZE = 1000000
EMBED_DIM = 64
MAX_SEQ_LEN = 512
BATCH = 4096
SEQ = 200

def setup_inputs(seed: int = 0) -> dict:
    key = jax.random.key(seed)
    k1, k2, k3 = jax.random.split(key, 3)
    INPUT = jax.random.randint(k1, (BATCH, SEQ), 0, VOCAB_SIZE, dtype=jnp.int64 if jax.config.read('jax_enable_x64') else jnp.int32)
    embedding_table = jax.random.normal(k2, (VOCAB_SIZE, EMBED_DIM), dtype=jnp.float32) * 0.02
    positional_encoding = jax.random.normal(k3, (1, MAX_SEQ_LEN, EMBED_DIM), dtype=jnp.float32) * 0.02
    return {"INPUT": INPUT, "embedding_table": embedding_table, "positional_encoding": positional_encoding}

def reference(INPUT, embedding_table, positional_encoding):
    # nn.Embedding lookup: gather rows of the table
    embedded = jnp.take(embedding_table, INPUT, axis=0)  # [B, S, D]
    # Learned positional encoding: add the first S positions
    seq_len = embedded.shape[1]
    out = embedded + positional_encoding[:, :seq_len, :]
    return out

if __name__ == "__main__":
    import jax
    _d = setup_inputs()
    print(jax.jit(kernel)(*tuple(_d.values())))

</pallas_src>

<mosaic_0001>
#map = affine_map<(d0, d1) -> (0, 0, 0)>
#map1 = affine_map<(d0, d1) -> (0, 0)>
#map2 = affine_map<(d0, d1) -> (0, 0, 0, 0, 0)>
module attributes {stable_mosaic.version = 14 : i64} {
  func.func @_sc_body(%arg0: i32, %arg1: i32, %arg2: memref<200x32x128xi32, #tpu.memory_space<hbm>>, %arg3: memref<1000000x64xf32, #tpu.memory_space<hbm>>, %arg4: memref<200x64xf32, #tpu.memory_space<hbm>>, %arg5: memref<200x8x32x8x128xf32, #tpu.memory_space<hbm>>, %arg6: memref<200x128xi32, #tpu.memory_space<vmem>>, %arg7: memref<128x64xf32, #tpu.memory_space<vmem>>, %arg8: memref<128x64xf32, #tpu.memory_space<vmem>>, %arg9: memref<8x8x129xf32, #tpu.memory_space<vmem>>, %arg10: memref<8x8x129xf32, #tpu.memory_space<vmem>>, %arg11: memref<200x64xf32, #tpu.memory_space<vmem>>, %arg12: memref<!tpu.dma_semaphore, #tpu.memory_space<semaphore_mem>>, %arg13: memref<!tpu.dma_semaphore, #tpu.memory_space<semaphore_mem>>, %arg14: memref<!tpu.dma_semaphore, #tpu.memory_space<semaphore_mem>>, %arg15: memref<!tpu.dma_semaphore, #tpu.memory_space<semaphore_mem>>) attributes {dimension_semantics = [#tpu.dimension_semantics<core_parallel>, #tpu.dimension_semantics<subcore_parallel>], iteration_bounds = array<i64: 2, 16>, scalar_prefetch = 0 : i64, scratch_operands = 10 : i64, tpu.core_type = #tpu.core_type<sc_vector_subcore>, window_params = [{transform_indices = #map}, {transform_indices = #map1}, {transform_indices = #map1}, {transform_indices = #map2}]} {
    %mul3A = arith.constant 2 : i32
    %mul3A_0 = arith.muli %arg1, %mul3A : i32
    %add3A = arith.addi %mul3A_0, %arg0 : i32
    "tpu.region"() ({
      %run_scoped3A = tpu.sem_alloc : memref<!tpu.dma_semaphore, #tpu.memory_space<semaphore_mem>>
      %dma_start3A_1006 = arith.constant 0 : i32
      %dma_start3A_1007 = arith.constant 0 : i32
      %dma_start3A_1008 = tpu.memref_slice %arg2[%dma_start3A_1006, %add3A, %dma_start3A_1007] : memref<200x32x128xi32, #tpu.memory_space<hbm>> -> memref<200x1x128xi32, #tpu.memory_space<hbm>>
      %dma_start3A_1009 = tpu.memref_squeeze %dma_start3A_1008 : memref<200x1x128xi32, #tpu.memory_space<hbm>> -> memref<200x128xi32, #tpu.memory_space<hbm>>
      %dma_start3A_1010 = arith.constant 0 : i32
      %dma_start3A_1011 = arith.constant 0 : i32
      %dma_start3A_1012 = tpu.memref_slice %arg2[%dma_start3A_1010, %add3A, %dma_start3A_1011] : memref<200x32x128xi32, #tpu.memory_space<hbm>> -> memref<200x1x128xi32, #tpu.memory_space<hbm>>
      %dma_start3A_1013 = tpu.memref_squeeze %dma_start3A_1012 : memref<200x1x128xi32, #tpu.memory_space<hbm>> -> memref<200x128xi32, #tpu.memory_space<hbm>>
      tpu.enqueue_dma source(%dma_start3A_1013 : memref<200x128xi32, #tpu.memory_space<hbm>>) target(%arg6 : memref<200x128xi32, #tpu.memory_space<vmem>>) target_semaphore(%run_scoped3A : memref<!tpu.dma_semaphore, #tpu.memory_space<semaphore_mem>>)
      %dma_wait3A_1014 = arith.constant 0 : i32
      %dma_wait3A_1015 = arith.constant 0 : i32
      %dma_wait3A_1016 = tpu.memref_slice %arg2[%dma_wait3A_1014, %add3A, %dma_wait3A_1015] : memref<200x32x128xi32, #tpu.memory_space<hbm>> -> memref<200x1x128xi32, #tpu.memory_space<hbm>>
      %dma_wait3A_1017 = tpu.memref_squeeze %dma_wait3A_1016 : memref<200x1x128xi32, #tpu.memory_space<hbm>> -> memref<200x128xi32, #tpu.memory_space<hbm>>
      %dma_wait3A_1018 = arith.constant 0 : i32
      %dma_wait3A_1019 = arith.constant 0 : i32
      %dma_wait3A_1020 = tpu.memref_slice %arg2[%dma_wait3A_1018, %add3A, %dma_wait3A_1019] : memref<200x32x128xi32, #tpu.memory_space<hbm>> -> memref<200x1x128xi32, #tpu.memory_space<hbm>>
      %dma_wait3A_1021 = tpu.memref_squeeze %dma_wait3A_1020 : memref<200x1x128xi32, #tpu.memory_space<hbm>> -> memref<200x128xi32, #tpu.memory_space<hbm>>
      tpu.wait_dma2 semaphore(%run_scoped3A : memref<!tpu.dma_semaphore, #tpu.memory_space<semaphore_mem>>) src(%dma_wait3A_1021 : memref<200x128xi32, #tpu.memory_space<hbm>>) dst(%arg6 : memref<200x128xi32, #tpu.memory_space<vmem>>)
      tpu.yield
    }) : () -> ()
    "tpu.region"() ({
      %run_scoped3A = tpu.sem_alloc : memref<!tpu.dma_semaphore, #tpu.memory_space<semaphore_mem>>
      tpu.enqueue_dma source(%arg4 : memref<200x64xf32, #tpu.memory_space<hbm>>) target(%arg11 : memref<200x64xf32, #tpu.memory_space<vmem>>) target_semaphore(%run_scoped3A : memref<!tpu.dma_semaphore, #tpu.memory_space<semaphore_mem>>)
      tpu.wait_dma2 semaphore(%run_scoped3A : memref<!tpu.dma_semaphore, #tpu.memory_space<semaphore_mem>>) src(%arg4 : memref<200x64xf32, #tpu.memory_space<hbm>>) dst(%arg11 : memref<200x64xf32, #tpu.memory_space<vmem>>)
      tpu.yield
    }) : () -> ()
    %parallel_loop3A = arith.constant 0 : i32
    %parallel_loop3A_1 = arith.constant 200 : i32
    %parallel_loop3A_2 = arith.constant 1 : i32
    scf.for %parallel_loop3A_1006 = %parallel_loop3A to %parallel_loop3A_1 step %parallel_loop3A_2  : i32 {
      %parallel_loop3A_1007 = arith.index_cast %parallel_loop3A_1006 : i32 to index
      %parallel_loop3A_1008 = arith.constant 0 : index
      %parallel_loop3A_1009 = tpu.vector_load %arg6[%parallel_loop3A_1007, %parallel_loop3A_1008] {strides = array<i32>} : memref<200x128xi32, #tpu.memory_space<vmem>>, vector<16xi32>,
      %parallel_loop3A_1010 = arith.addi %parallel_loop3A_1009, %parallel_loop3A_1009 : vector<16xi32>
      %parallel_loop3A_1011 = arith.constant 500000 : i32
      %parallel_loop3A_1012 = vector.broadcast %parallel_loop3A_1011 : i32 to vector<16xi32>
      %parallel_loop3A_1013 = arith.cmpi sge, %parallel_loop3A_1009, %parallel_loop3A_1012 : vector<16xi32>
      %parallel_loop3A_1014 = arith.constant 999999 : i32
      %parallel_loop3A_1015 = arith.constant 0 : i32
      %parallel_loop3A_1016 = vector.broadcast %parallel_loop3A_1014 : i32 to vector<16xi32>
      %parallel_loop3A_1017 = vector.broadcast %parallel_loop3A_1015 : i32 to vector<16xi32>
      %parallel_loop3A_1018 = arith.select %parallel_loop3A_1013, %parallel_loop3A_1016, %parallel_loop3A_1017 : vector<16xi1>, vector<16xi32>
      %parallel_loop3A_1019 = arith.subi %parallel_loop3A_1010, %parallel_loop3A_1018 : vector<16xi32>
      %parallel_loop3A_1020 = arith.index_cast %parallel_loop3A_1006 : i32 to index
      %parallel_loop3A_1021 = arith.constant 0 : index
      %parallel_loop3A_1022 = tpu.vector_load %arg6[%parallel_loop3A_1020, %parallel_loop3A_1021] {strides = array<i32>} : memref<200x128xi32, #tpu.memory_space<vmem>>, vector<16xi32>,
      tpu.vector_store %arg6[%parallel_loop3A_1020, %parallel_loop3A_1021], %parallel_loop3A_1019 {strides = array<i32>} : memref<200x128xi32, #tpu.memory_space<vmem>>, vector<16xi32>,
      %parallel_loop3A_1023 = arith.index_cast %parallel_loop3A_1006 : i32 to index
      %parallel_loop3A_1024 = arith.constant 16 : index
      %parallel_loop3A_1025 = tpu.vector_load %arg6[%parallel_loop3A_1023, %parallel_loop3A_1024] {strides = array<i32>} : memref<200x128xi32, #tpu.memory_space<vmem>>, vector<16xi32>,
      %parallel_loop3A_1026 = arith.addi %parallel_loop3A_1025, %parallel_loop3A_1025 : vector<16xi32>
      %parallel_loop3A_1027 = arith.constant 500000 : i32
      %parallel_loop3A_1028 = vector.broadcast %parallel_loop3A_1027 : i32 to vector<16xi32>
      %parallel_loop3A_1029 = arith.cmpi sge, %parallel_loop3A_1025, %parallel_loop3A_1028 : vector<16xi32>
      %parallel_loop3A_1030 = arith.constant 999999 : i32
      %parallel_loop3A_1031 = arith.constant 0 : i32
      %parallel_loop3A_1032 = vector.broadcast %parallel_loop3A_1030 : i32 to vector<16xi32>
      %parallel_loop3A_1033 = vector.broadcast %parallel_loop3A_1031 : i32 to vector<16xi32>
      %parallel_loop3A_1034 = arith.select %parallel_loop3A_1029, %parallel_loop3A_1032, %parallel_loop3A_1033 : vector<16xi1>, vector<16xi32>
      %parallel_loop3A_1035 = arith.subi %parallel_loop3A_1026, %parallel_loop3A_1034 : vector<16xi32>
      %parallel_loop3A_1036 = arith.index_cast %parallel_loop3A_1006 : i32 to index
      %parallel_loop3A_1037 = arith.constant 16 : index
      %parallel_loop3A_1038 = tpu.vector_load %arg6[%parallel_loop3A_1036, %parallel_loop3A_1037] {strides = array<i32>} : memref<200x128xi32, #tpu.memory_space<vmem>>, vector<16xi32>,
      tpu.vector_store %arg6[%parallel_loop3A_1036, %parallel_loop3A_1037], %parallel_loop3A_1035 {strides = array<i32>} : memref<200x128xi32, #tpu.memory_space<vmem>>, vector<16xi32>,
      %parallel_loop3A_1039 = arith.index_cast %parallel_loop3A_1006 : i32 to index
      %parallel_loop3A_1040 = arith.constant 32 : index
      %parallel_loop3A_1041 = tpu.vector_load %arg6[%parallel_loop3A_1039, %parallel_loop3A_1040] {strides = array<i32>} : memref<200x128xi32, #tpu.memory_space<vmem>>, vector<16xi32>,
      %parallel_loop3A_1042 = arith.addi %parallel_loop3A_1041, %parallel_loop3A_1041 : vector<16xi32>
      %parallel_loop3A_1043 = arith.constant 500000 : i32
      %parallel_loop3A_1044 = vector.broadcast %parallel_loop3A_1043 : i32 to vector<16xi32>
      %parallel_loop3A_1045 = arith.cmpi sge, %parallel_loop3A_1041, %parallel_loop3A_1044 : vector<16xi32>
      %parallel_loop3A_1046 = arith.constant 999999 : i32
      %parallel_loop3A_1047 = arith.constant 0 : i32
      %parallel_loop3A_1048 = vector.broadcast %parallel_loop3A_1046 : i32 to vector<16xi32>
      %parallel_loop3A_1049 = vector.broadcast %parallel_loop3A_1047 : i32 to vector<16xi32>
      %parallel_loop3A_1050 = arith.select %parallel_loop3A_1045, %parallel_loop3A_1048, %parallel_loop3A_1049 : vector<16xi1>, vector<16xi32>
      %parallel_loop3A_1051 = arith.subi %parallel_loop3A_1042, %parallel_loop3A_1050 : vector<16xi32>
      %parallel_loop3A_1052 = arith.index_cast %parallel_loop3A_1006 : i32 to index
      %parallel_loop3A_1053 = arith.constant 32 : index
      %parallel_loop3A_1054 = tpu.vector_load %arg6[%parallel_loop3A_1052, %parallel_loop3A_1053] {strides = array<i32>} : memref<200x128xi32, #tpu.memory_space<vmem>>, vector<16xi32>,
      tpu.vector_store %arg6[%parallel_loop3A_1052, %parallel_loop3A_1053], %parallel_loop3A_1051 {strides = array<i32>} : memref<200x128xi32, #tpu.memory_space<vmem>>, vector<16xi32>,
      %parallel_loop3A_1055 = arith.index_cast %parallel_loop3A_1006 : i32 to index
      %parallel_loop3A_1056 = arith.constant 48 : index
      %parallel_loop3A_1057 = tpu.vector_load %arg6[%parallel_loop3A_1055, %parallel_loop3A_1056] {strides = array<i32>} : memref<200x128xi32, #tpu.memory_space<vmem>>, vector<16xi32>,
      %parallel_loop3A_1058 = arith.addi %parallel_loop3A_1057, %parallel_loop3A_1057 : vector<16xi32>
      %parallel_loop3A_1059 = arith.constant 500000 : i32
      %parallel_loop3A_1060 = vector.broadcast %parallel_loop3A_1059 : i32 to vector<16xi32>
      %parallel_loop3A_1061 = arith.cmpi sge, %parallel_loop3A_1057, %parallel_loop3A_1060 : vector<16xi32>
      %parallel_loop3A_1062 = arith.constant 999999 : i32
      %parallel_loop3A_1063 = arith.constant 0 : i32
      %parallel_loop3A_1064 = vector.broadcast %parallel_loop3A_1062 : i32 to vector<16xi32>
      %parallel_loop3A_1065 = vector.broadcast %parallel_loop3A_1063 : i32 to vector<16xi32>
      %parallel_loop3A_1066 = arith.select %parallel_loop3A_1061, %parallel_loop3A_1064, %parallel_loop3A_1065 : vector<16xi1>, vector<16xi32>
      %parallel_loop3A_1067 = arith.subi %parallel_loop3A_1058, %parallel_loop3A_1066 : vector<16xi32>
      %parallel_loop3A_1068 = arith.index_cast %parallel_loop3A_1006 : i32 to index
      %parallel_loop3A_1069 = arith.constant 48 : index
      %parallel_loop3A_1070 = tpu.vector_load %arg6[%parallel_loop3A_1068, %parallel_loop3A_1069] {strides = array<i32>} : memref<200x128xi32, #tpu.memory_space<vmem>>, vector<16xi32>,
      tpu.vector_store %arg6[%parallel_loop3A_1068, %parallel_loop3A_1069], %parallel_loop3A_1067 {strides = array<i32>} : memref<200x128xi32, #tpu.memory_space<vmem>>, vector<16xi32>,
      %parallel_loop3A_1071 = arith.index_cast %parallel_loop3A_1006 : i32 to index
      %parallel_loop3A_1072 = arith.constant 64 : index
      %parallel_loop3A_1073 = tpu.vector_load %arg6[%parallel_loop3A_1071, %parallel_loop3A_1072] {strides = array<i32>} : memref<200x128xi32, #tpu.memory_space<vmem>>, vector<16xi32>,
      %parallel_loop3A_1074 = arith.addi %parallel_loop3A_1073, %parallel_loop3A_1073 : vector<16xi32>
      %parallel_loop3A_1075 = arith.constant 500000 : i32
      %parallel_loop3A_1076 = vector.broadcast %parallel_loop3A_1075 : i32 to vector<16xi32>
      %parallel_loop3A_1077 = arith.cmpi sge, %parallel_loop3A_1073, %parallel_loop3A_1076 : vector<16xi32>
      %parallel_loop3A_1078 = arith.constant 999999 : i32
      %parallel_loop3A_1079 = arith.constant 0 : i32
      %parallel_loop3A_1080 = vector.broadcast %parallel_loop3A_1078 : i32 to vector<16xi32>
      %parallel_loop3A_1081 = vector.broadcast %parallel_loop3A_1079 : i32 to vector<16xi32>
      %parallel_loop3A_1082 = arith.select %parallel_loop3A_1077, %parallel_loop3A_1080, %parallel_loop3A_1081 : vector<16xi1>, vector<16xi32>
      %parallel_loop3A_1083 = arith.subi %parallel_loop3A_1074, %parallel_loop3A_1082 : vector<16xi32>
      %parallel_loop3A_1084 = arith.index_cast %parallel_loop3A_1006 : i32 to index
      %parallel_loop3A_1085 = arith.constant 64 : index
      %parallel_loop3A_1086 = tpu.vector_load %arg6[%parallel_loop3A_1084, %parallel_loop3A_1085] {strides = array<i32>} : memref<200x128xi32, #tpu.memory_space<vmem>>, vector<16xi32>,
      tpu.vector_store %arg6[%parallel_loop3A_1084, %parallel_loop3A_1085], %parallel_loop3A_1083 {strides = array<i32>} : memref<200x128xi32, #tpu.memory_space<vmem>>, vector<16xi32>,
      %parallel_loop3A_1087 = arith.index_cast %parallel_loop3A_1006 : i32 to index
      %parallel_loop3A_1088 = arith.constant 80 : index
      %parallel_loop3A_1089 = tpu.vector_load %arg6[%parallel_loop3A_1087, %parallel_loop3A_1088] {strides = array<i32>} : memref<200x128xi32, #tpu.memory_space<vmem>>, vector<16xi32>,
      %parallel_loop3A_1090 = arith.addi %parallel_loop3A_1089, %parallel_loop3A_1089 : vector<16xi32>
      %parallel_loop3A_1091 = arith.constant 500000 : i32
      %parallel_loop3A_1092 = vector.broadcast %parallel_loop3A_1091 : i32 to vector<16xi32>
      %parallel_loop3A_1093 = arith.cmpi sge, %parallel_loop3A_1089, %parallel_loop3A_1092 : vector<16xi32>
      %parallel_loop3A_1094 = arith.constant 999999 : i32
      %parallel_loop3A_1095 = arith.constant 0 : i32
      %parallel_loop3A_1096 = vector.broadcast %parallel_loop3A_1094 : i32 to vector<16xi32>
      %parallel_loop3A_1097 = vector.broadcast %parallel_loop3A_1095 : i32 to vector<16xi32>
      %parallel_loop3A_1098 = arith.select %parallel_loop3A_1093, %parallel_loop3A_1096, %parallel_loop3A_1097 : vector<16xi1>, vector<16xi32>
      %parallel_loop3A_1099 = arith.subi %parallel_loop3A_1090, %parallel_loop3A_1098 : vector<16xi32>
      %parallel_loop3A_1100 = arith.index_cast %parallel_loop3A_1006 : i32 to index
      %parallel_loop3A_1101 = arith.constant 80 : index
      %parallel_loop3A_1102 = tpu.vector_load %arg6[%parallel_loop3A_1100, %parallel_loop3A_1101] {strides = array<i32>} : memref<200x128xi32, #tpu.memory_space<vmem>>, vector<16xi32>,
      tpu.vector_store %arg6[%parallel_loop3A_1100, %parallel_loop3A_1101], %parallel_loop3A_1099 {strides = array<i32>} : memref<200x128xi32, #tpu.memory_space<vmem>>, vector<16xi32>,
      %parallel_loop3A_1103 = arith.index_cast %parallel_loop3A_1006 : i32 to index
      %parallel_loop3A_1104 = arith.constant 96 : index
      %parallel_loop3A_1105 = tpu.vector_load %arg6[%parallel_loop3A_1103, %parallel_loop3A_1104] {strides = array<i32>} : memref<200x128xi32, #tpu.memory_space<vmem>>, vector<16xi32>,
      %parallel_loop3A_1106 = arith.addi %parallel_loop3A_1105, %parallel_loop3A_1105 : vector<16xi32>
      %parallel_loop3A_1107 = arith.constant 500000 : i32
      %parallel_loop3A_1108 = vector.broadcast %parallel_loop3A_1107 : i32 to vector<16xi32>
      %parallel_loop3A_1109 = arith.cmpi sge, %parallel_loop3A_1105, %parallel_loop3A_1108 : vector<16xi32>
      %parallel_loop3A_1110 = arith.constant 999999 : i32
      %parallel_loop3A_1111 = arith.constant 0 : i32
      %parallel_loop3A_1112 = vector.broadcast %parallel_loop3A_1110 : i32 to vector<16xi32>
      %parallel_loop3A_1113 = vector.broadcast %parallel_loop3A_1111 : i32 to vector<16xi32>
      %parallel_loop3A_1114 = arith.select %parallel_loop3A_1109, %parallel_loop3A_1112, %parallel_loop3A_1113 : vector<16xi1>, vector<16xi32>
      %parallel_loop3A_1115 = arith.subi %parallel_loop3A_1106, %parallel_loop3A_1114 : vector<16xi32>
      %parallel_loop3A_1116 = arith.index_cast %parallel_loop3A_1006 : i32 to index
      %parallel_loop3A_1117 = arith.constant 96 : index
      %parallel_loop3A_1118 = tpu.vector_load %arg6[%parallel_loop3A_1116, %parallel_loop3A_1117] {strides = array<i32>} : memref<200x128xi32, #tpu.memory_space<vmem>>, vector<16xi32>,
      tpu.vector_store %arg6[%parallel_loop3A_1116, %parallel_loop3A_1117], %parallel_loop3A_1115 {strides = array<i32>} : memref<200x128xi32, #tpu.memory_space<vmem>>, vector<16xi32>,
      %parallel_loop3A_1119 = arith.index_cast %parallel_loop3A_1006 : i32 to index
      %parallel_loop3A_1120 = arith.constant 112 : index
      %parallel_loop3A_1121 = tpu.vector_load %arg6[%parallel_loop3A_1119, %parallel_loop3A_1120] {strides = array<i32>} : memref<200x128xi32, #tpu.memory_space<vmem>>, vector<16xi32>,
      %parallel_loop3A_1122 = arith.addi %parallel_loop3A_1121, %parallel_loop3A_1121 : vector<16xi32>
      %parallel_loop3A_1123 = arith.constant 500000 : i32
      %parallel_loop3A_1124 = vector.broadcast %parallel_loop3A_1123 : i32 to vector<16xi32>
      %parallel_loop3A_1125 = arith.cmpi sge, %parallel_loop3A_1121, %parallel_loop3A_1124 : vector<16xi32>
      %parallel_loop3A_1126 = arith.constant 999999 : i32
      %parallel_loop3A_1127 = arith.constant 0 : i32
      %parallel_loop3A_1128 = vector.broadcast %parallel_loop3A_1126 : i32 to vector<16xi32>
      %parallel_loop3A_1129 = vector.broadcast %parallel_loop3A_1127 : i32 to vector<16xi32>
      %parallel_loop3A_1130 = arith.select %parallel_loop3A_1125, %parallel_loop3A_1128, %parallel_loop3A_1129 : vector<16xi1>, vector<16xi32>
      %parallel_loop3A_1131 = arith.subi %parallel_loop3A_1122, %parallel_loop3A_1130 : vector<16xi32>
      %parallel_loop3A_1132 = arith.index_cast %parallel_loop3A_1006 : i32 to index
      %parallel_loop3A_1133 = arith.constant 112 : index
      %parallel_loop3A_1134 = tpu.vector_load %arg6[%parallel_loop3A_1132, %parallel_loop3A_1133] {strides = array<i32>} : memref<200x128xi32, #tpu.memory_space<vmem>>, vector<16xi32>,
      tpu.vector_store %arg6[%parallel_loop3A_1132, %parallel_loop3A_1133], %parallel_loop3A_1131 {strides = array<i32>} : memref<200x128xi32, #tpu.memory_space<vmem>>, vector<16xi32>,
    } {sc.loop_unroll_factor = 2 : i64, sc.parallel_access}
    %iota3A = tpu.iota {dimensions = array<i32: 0>} : vector<16xi32>
    %and3A = arith.constant 7 : i32
    %and3A_3 = vector.broadcast %and3A : i32 to vector<16xi32>
    %and3A_4 = arith.andi %iota3A, %and3A_3 : vector<16xi32>
    %shift_right_arithmetic3A = arith.constant 3 : i32
    %shift_right_arithmetic3A_5 = vector.broadcast %shift_right_arithmetic3A : i32 to vector<16xi32>
    %shift_right_arithmetic3A_6 = arith.shrsi %iota3A, %shift_right_arithmetic3A_5 : vector<16xi32>
    %add3A_7 = arith.constant 0 : i32
    %add3A_8 = vector.broadcast %add3A_7 : i32 to vector<16xi32>
    %add3A_9 = arith.addi %add3A_8, %shift_right_arithmetic3A_6 : vector<16xi32>
    %shift_right_arithmetic3A_10 = arith.constant 3 : i32
    %shift_right_arithmetic3A_11 = vector.broadcast %shift_right_arithmetic3A_10 : i32 to vector<16xi32>
    %shift_right_arithmetic3A_12 = arith.shrsi %iota3A, %shift_right_arithmetic3A_11 : vector<16xi32>
    %add3A_13 = arith.constant 2 : i32
    %add3A_14 = vector.broadcast %add3A_13 : i32 to vector<16xi32>
    %add3A_15 = arith.addi %add3A_14, %shift_right_arithmetic3A_12 : vector<16xi32>
    %shift_right_arithmetic3A_16 = arith.constant 3 : i32
    %shift_right_arithmetic3A_17 = vector.broadcast %shift_right_arithmetic3A_16 : i32 to vector<16xi32>
    %shift_right_arithmetic3A_18 = arith.shrsi %iota3A, %shift_right_arithmetic3A_17 : vector<16xi32>
    %add3A_19 = arith.constant 4 : i32
    %add3A_20 = vector.broadcast %add3A_19 : i32 to vector<16xi32>
    %add3A_21 = arith.addi %add3A_20, %shift_right_arithmetic3A_18 : vector<16xi32>
    %shift_right_arithmetic3A_22 = arith.constant 3 : i32
    %shift_right_arithmetic3A_23 = vector.broadcast %shift_right_arithmetic3A_22 : i32 to vector<16xi32>
    %shift_right_arithmetic3A_24 = arith.shrsi %iota3A, %shift_right_arithmetic3A_23 : vector<16xi32>
    %add3A_25 = arith.constant 6 : i32
    %add3A_26 = vector.broadcast %add3A_25 : i32 to vector<16xi32>
    %add3A_27 = arith.addi %add3A_26, %shift_right_arithmetic3A_24 : vector<16xi32>
    %dma_start3A = arith.constant 0 : i32
    %dma_start3A_28 = arith.constant 0 : i32
    %dma_start3A_29 = tpu.memref_slice %arg6[%dma_start3A, %dma_start3A_28] : memref<200x128xi32, #tpu.memory_space<vmem>> -> memref<1x128xi32, #tpu.memory_space<vmem>>
    %dma_start3A_30 = tpu.memref_squeeze %dma_start3A_29 : memref<1x128xi32, #tpu.memory_space<vmem>> -> memref<128xi32, #tpu.memory_space<vmem>>
    %dma_start3A_31 = arith.constant 0 : i32
    %dma_start3A_32 = arith.constant 0 : i32
    %dma_start3A_33 = tpu.memref_slice %arg3[%dma_start3A_31, %dma_start3A_32] : memref<1000000x64xf32, #tpu.memory_space<hbm>> -> memref<1000000x64xf32, #tpu.memory_space<hbm>>
    tpu.enqueue_indirect_dma source(%dma_start3A_33 : memref<1000000x64xf32, #tpu.memory_space<hbm>>) target(%arg7 : memref<128x64xf32, #tpu.memory_space<vmem>>) offsets(%dma_start3A_30 : memref<128xi32, #tpu.memory_space<vmem>>) semaphore(%arg12 : memref<!tpu.dma_semaphore, #tpu.memory_space<semaphore_mem>>)
    %scan3A = arith.constant 0 : i32
    %scan3A_34 = arith.constant 0 : i32
    %scan3A_35 = arith.constant 99 : i32
    %scan3A_36 = arith.addi %scan3A_34, %scan3A_35 : i32
    %scan3A_37 = arith.constant 1 : i32
    scf.for %scan3A_1006 = %scan3A_34 to %scan3A_36 step %scan3A_37  : i32 {
      %mul3A_1007 = arith.constant 2 : i32
      %mul3A_1008 = arith.muli %mul3A_1007, %scan3A_1006 : i32
      %add3A_1009 = arith.constant 1 : i32
      %add3A_1010 = arith.addi %mul3A_1008, %add3A_1009 : i32
      %dma_start3A_1011 = arith.constant 0 : i32
      %dma_start3A_1012 = tpu.memref_slice %arg6[%add3A_1010, %dma_start3A_1011] : memref<200x128xi32, #tpu.memory_space<vmem>> -> memref<1x128xi32, #tpu.memory_space<vmem>>
      %dma_start3A_1013 = tpu.memref_squeeze %dma_start3A_1012 : memref<1x128xi32, #tpu.memory_space<vmem>> -> memref<128xi32, #tpu.memory_space<vmem>>
      %dma_start3A_1014 = arith.constant 0 : i32
      %dma_start3A_1015 = arith.constant 0 : i32
      %dma_start3A_1016 = tpu.memref_slice %arg3[%dma_start3A_1014, %dma_start3A_1015] : memref<1000000x64xf32, #tpu.memory_space<hbm>> -> memref<1000000x64xf32, #tpu.memory_space<hbm>>
      tpu.enqueue_indirect_dma source(%dma_start3A_1016 : memref<1000000x64xf32, #tpu.memory_space<hbm>>) target(%arg8 : memref<128x64xf32, #tpu.memory_space<vmem>>) offsets(%dma_start3A_1013 : memref<128xi32, #tpu.memory_space<vmem>>) semaphore(%arg13 : memref<!tpu.dma_semaphore, #tpu.memory_space<semaphore_mem>>)
      %dma_wait3A_1017 = arith.constant 0 : i32
      %dma_wait3A_1018 = arith.constant 0 : i32
      %dma_wait3A_1019 = tpu.memref_slice %arg3[%dma_wait3A_1017, %dma_wait3A_1018] : memref<1000000x64xf32, #tpu.memory_space<hbm>> -> memref<128x64xf32, #tpu.memory_space<hbm>>
      %dma_wait3A_1020 = arith.constant 0 : i32
      %dma_wait3A_1021 = arith.constant 0 : i32
      %dma_wait3A_1022 = tpu.memref_slice %arg3[%dma_wait3A_1020, %dma_wait3A_1021] : memref<1000000x64xf32, #tpu.memory_space<hbm>> -> memref<128x64xf32, #tpu.memory_space<hbm>>
      tpu.wait_dma2 semaphore(%arg12 : memref<!tpu.dma_semaphore, #tpu.memory_space<semaphore_mem>>) src(%dma_wait3A_1022 : memref<128x64xf32, #tpu.memory_space<hbm>>) dst(%arg7 : memref<128x64xf32, #tpu.memory_space<vmem>>)
      %ge3A = arith.constant 2 : i32
      %ge3A_1023 = arith.cmpi sge, %mul3A_1008, %ge3A : i32
      %convert_element_type3A = arith.extui %ge3A_1023 : i1 to i32
      %cond3A = arith.constant 0 : i32
      %cond3A_1024 = arith.cmpi ne, %convert_element_type3A, %cond3A : i32
      scf.if %cond3A_1024 {
        %dma_wait3A_1364 = arith.constant 0 : i32
        %dma_wait3A_1365 = arith.constant 0 : i32
        %dma_wait3A_1366 = arith.constant 0 : i32
        %dma_wait3A_1367 = arith.constant 0 : i32
        %dma_wait3A_1368 = tpu.memref_slice %arg9[%dma_wait3A_1364, %dma_wait3A_1366, %dma_wait3A_1367] : memref<8x8x129xf32, #tpu.memory_space<vmem>> -> memref<1x8x128xf32, #tpu.memory_space<vmem>>
        %dma_wait3A_1369 = tpu.memref_squeeze %dma_wait3A_1368 : memref<1x8x128xf32, #tpu.memory_space<vmem>> -> memref<8x128xf32, #tpu.memory_space<vmem>>
        %dma_wait3A_1370 = arith.constant 0 : i32
        %dma_wait3A_1371 = arith.constant 0 : i32
        %dma_wait3A_1372 = tpu.memref_slice %arg5[%mul3A_1008, %dma_wait3A_1365, %add3A, %dma_wait3A_1370, %dma_wait3A_1371] : memref<200x8x32x8x128xf32, #tpu.memory_space<hbm>> -> memref<1x1x1x8x128xf32, #tpu.memory_space<hbm>>
        %dma_wait3A_1373 = tpu.memref_squeeze %dma_wait3A_1372 : memref<1x1x1x8x128xf32, #tpu.memory_space<hbm>> -> memref<8x128xf32, #tpu.memory_space<hbm>>
        %dma_wait3A_1374 = arith.constant 0 : i32
        %dma_wait3A_1375 = arith.constant 0 : i32
        %dma_wait3A_1376 = tpu.memref_slice %arg5[%mul3A_1008, %dma_wait3A_1365, %add3A, %dma_wait3A_1374, %dma_wait3A_1375] : memref<200x8x32x8x128xf32, #tpu.memory_space<hbm>> -> memref<1x1x1x8x128xf32, #tpu.memory_space<hbm>>
        %dma_wait3A_1377 = tpu.memref_squeeze %dma_wait3A_1376 : memref<1x1x1x8x128xf32, #tpu.memory_space<hbm>> -> memref<8x128xf32, #tpu.memory_space<hbm>>
        %dma_wait3A_1378 = arith.constant 0 : i32
        %dma_wait3A_1379 = arith.constant 0 : i32
        %dma_wait3A_1380 = tpu.memref_slice %arg9[%dma_wait3A_1364, %dma_wait3A_1378, %dma_wait3A_1379] : memref<8x8x129xf32, #tpu.memory_space<vmem>> -> memref<1x8x128xf32, #tpu.memory_space<vmem>>
        %dma_wait3A_1381 = tpu.memref_squeeze %dma_wait3A_1380 : memref<1x8x128xf32, #tpu.memory_space<vmem>> -> memref<8x128xf32, #tpu.memory_space<vmem>>
        tpu.wait_dma2 semaphore(%arg14 : memref<!tpu.dma_semaphore, #tpu.memory_space<semaphore_mem>>) src(%dma_wait3A_1381 : memref<8x128xf32, #tpu.memory_space<vmem>>) dst(%dma_wait3A_1377 : memref<8x128xf32, #tpu.memory_space<hbm>>)
        %dma_wait3A_1382 = arith.constant 1 : i32
        %dma_wait3A_1383 = arith.constant 1 : i32
        %dma_wait3A_1384 = arith.constant 0 : i32
        %dma_wait3A_1385 = arith.constant 0 : i32
        %dma_wait3A_1386 = tpu.memref_slice %arg9[%dma_wait3A_1382, %dma_wait3A_1384, %dma_wait3A_1385] : memref<8x8x129xf32, #tpu.memory_space<vmem>> -> memref<1x8x128xf32, #tpu.memory_space<vmem>>
        %dma_wait3A_1387 = tpu.memref_squeeze %dma_wait3A_1386 : memref<1x8x128xf32, #tpu.memory_space<vmem>> -> memref<8x128xf32, #tpu.memory_space<vmem>>
        %dma_wait3A_1388 = arith.constant 0 : i32
        %dma_wait3A_1389 = arith.constant 0 : i32
        %dma_wait3A_1390 = tpu.memref_slice %arg5[%mul3A_1008, %dma_wait3A_1383, %add3A, %dma_wait3A_1388, %dma_wait3A_1389] : memref<200x8x32x8x128xf32, #tpu.memory_space<hbm>> -> memref<1x1x1x8x128xf32, #tpu.memory_space<hbm>>
        %dma_wait3A_1391 = tpu.memref_squeeze %dma_wait3A_1390 : memref<1x1x1x8x128xf32, #tpu.memory_space<hbm>> -> memref<8x128xf32, #tpu.memory_space<hbm>>
        %dma_wait3A_1392 = arith.constant 0 : i32
        %dma_wait3A_1393 = arith.constant 0 : i32
        %dma_wait3A_1394 = tpu.memref_slice %arg5[%mul3A_1008, %dma_wait3A_1383, %add3A, %dma_wait3A_1392, %dma_wait3A_1393] : memref<200x8x32x8x128xf32, #tpu.memory_space<hbm>> -> memref<1x1x1x8x128xf32, #tpu.memory_space<hbm>>
        %dma_wait3A_1395 = tpu.memref_squeeze %dma_wait3A_1394 : memref<1x1x1x8x128xf32, #tpu.memory_space<hbm>> -> memref<8x128xf32, #tpu.memory_space<hbm>>
        %dma_wait3A_1396 = arith.constant 0 : i32
        %dma_wait3A_1397 = arith.constant 0 : i32
        %dma_wait3A_1398 = tpu.memref_slice %arg9[%dma_wait3A_1382, %dma_wait3A_1396, %dma_wait3A_1397] : memref<8x8x129xf32, #tpu.memory_space<vmem>> -> memref<1x8x128xf32, #tpu.memory_space<vmem>>
        %dma_wait3A_1399 = tpu.memref_squeeze %dma_wait3A_1398 : memref<1x8x128xf32, #tpu.memory_space<vmem>> -> memref<8x128xf32, #tpu.memory_space<vmem>>
        tpu.wait_dma2 semaphore(%arg14 : memref<!tpu.dma_semaphore, #tpu.memory_space<semaphore_mem>>) src(%dma_wait3A_1399 : memref<8x128xf32, #tpu.memory_space<vmem>>) dst(%dma_wait3A_1395 : memref<8x128xf32, #tpu.memory_space<hbm>>)
        %dma_wait3A_1400 = arith.constant 2 : i32
        %dma_wait3A_1401 = arith.constant 2 : i32
        %dma_wait3A_1402 = arith.constant 0 : i32
        %dma_wait3A_1403 = arith.constant 0 : i32
        %dma_wait3A_1404 = tpu.memref_slice %arg9[%dma_wait3A_1400, %dma_wait3A_1402, %dma_wait3A_1403] : memref<8x8x129xf32, #tpu.memory_space<vmem>> -> memref<1x8x128xf32, #tpu.memory_space<vmem>>
        %dma_wait3A_1405 = tpu.memref_squeeze %dma_wait3A_1404 : memref<1x8x128xf32, #tpu.memory_space<vmem>> -> memref<8x128xf32, #tpu.memory_space<vmem>>
        %dma_wait3A_1406 = arith.constant 0 : i32
        %dma_wait3A_1407 = arith.constant 0 : i32
        %dma_wait3A_1408 = tpu.memref_slice %arg5[%mul3A_1008, %dma_wait3A_1401, %add3A, %dma_wait3A_1406, %dma_wait3A_1407] : memref<200x8x32x8x128xf32, #tpu.memory_space<hbm>> -> memref<1x1x1x8x128xf32, #tpu.memory_space<hbm>>
        %dma_wait3A_1409 = tpu.memref_squeeze %dma_wait3A_1408 : memref<1x1x1x8x128xf32, #tpu.memory_space<hbm>> -> memref<8x128xf32, #tpu.memory_space<hbm>>
        %dma_wait3A_1410 = arith.constant 0 : i32
        %dma_wait3A_1411 = arith.constant 0 : i32
        %dma_wait3A_1412 = tpu.memref_slice %arg5[%mul3A_1008, %dma_wait3A_1401, %add3A, %dma_wait3A_1410, %dma_wait3A_1411] : memref<200x8x32x8x128xf32, #tpu.memory_space<hbm>> -> memref<1x1x1x8x128xf32, #tpu.memory_space<hbm>>
        %dma_wait3A_1413 = tpu.memref_squeeze %dma_wait3A_1412 : memref<1x1x1x8x128xf32, #tpu.memory_space<hbm>> -> memref<8x128xf32, #tpu.memory_space<hbm>>
        %dma_wait3A_1414 = arith.constant 0 : i32
        %dma_wait3A_1415 = arith.constant 0 : i32
        %dma_wait3A_1416 = tpu.memref_slice %arg9[%dma_wait3A_1400, %dma_wait3A_1414, %dma_wait3A_1415] : memref<8x8x129xf32, #tpu.memory_space<vmem>> -> memref<1x8x128xf32, #tpu.memory_space<vmem>>
        %dma_wait3A_1417 = tpu.memref_squeeze %dma_wait3A_1416 : memref<1x8x128xf32, #tpu.memory_space<vmem>> -> memref<8x128xf32, #tpu.memory_space<vmem>>
        tpu.wait_dma2 semaphore(%arg14 : memref<!tpu.dma_semaphore, #tpu.memory_space<semaphore_mem>>) src(%dma_wait3A_1417 : memref<8x128xf32, #tpu.memory_space<vmem>>) dst(%dma_wait3A_1413 : memref<8x128xf32, #tpu.memory_space<hbm>>)
        %dma_wait3A_1418 = arith.constant 3 : i32
        %dma_wait3A_1419 = arith.constant 3 : i32
        %dma_wait3A_1420 = arith.constant 0 : i32
        %dma_wait3A_1421 = arith.constant 0 : i32
        %dma_wait3A_1422 = tpu.memref_slice %arg9[%dma_wait3A_1418, %dma_wait3A_1420, %dma_wait3A_1421] : memref<8x8x129xf32, #tpu.memory_space<vmem>> -> memref<1x8x128xf32, #tpu.memory_space<vmem>>
        %dma_wait3A_1423 = tpu.memref_squeeze %dma_wait3A_1422 : memref<1x8x128xf32, #tpu.memory_space<vmem>> -> memref<8x128xf32, #tpu.memory_space<vmem>>
        %dma_wait3A_1424 = arith.constant 0 : i32
        %dma_wait3A_1425 = arith.constant 0 : i32
        %dma_wait3A_1426 = tpu.memref_slice %arg5[%mul3A_1008, %dma_wait3A_1419, %add3A, %dma_wait3A_1424, %dma_wait3A_1425] : memref<200x8x32x8x128xf32, #tpu.memory_space<hbm>> -> memref<1x1x1x8x128xf32, #tpu.memory_space<hbm>>
        %dma_wait3A_1427 = tpu.memref_squeeze %dma_wait3A_1426 : memref<1x1x1x8x128xf32, #tpu.memory_space<hbm>> -> memref<8x128xf32, #tpu.memory_space<hbm>>
        %dma_wait3A_1428 = arith.constant 0 : i32
        %dma_wait3A_1429 = arith.constant 0 : i32
        %dma_wait3A_1430 = tpu.memref_slice %arg5[%mul3A_1008, %dma_wait3A_1419, %add3A, %dma_wait3A_1428, %dma_wait3A_1429] : memref<200x8x32x8x128xf32, #tpu.memory_space<hbm>> -> memref<1x1x1x8x128xf32, #tpu.memory_space<hbm>>
        %dma_wait3A_1431 = tpu.memref_squeeze %dma_wait3A_1430 : memref<1x1x1x8x128xf32, #tpu.memory_space<hbm>> -> memref<8x128xf32, #tpu.memory_space<hbm>>
        %dma_wait3A_1432 = arith.constant 0 : i32
        %dma_wait3A_1433 = arith.constant 0 : i32
        %dma_wait3A_1434 = tpu.memref_slice %arg9[%dma_wait3A_1418, %dma_wait3A_1432, %dma_wait3A_1433] : memref<8x8x129xf32, #tpu.memory_space<vmem>> -> memref<1x8x128xf32, #tpu.memory_space<vmem>>
        %dma_wait3A_1435 = tpu.memref_squeeze %dma_wait3A_1434 : memref<1x8x128xf32, #tpu.memory_space<vmem>> -> memref<8x128xf32, #tpu.memory_space<vmem>>
        tpu.wait_dma2 semaphore(%arg14 : memref<!tpu.dma_semaphore, #tpu.memory_space<semaphore_mem>>) src(%dma_wait3A_1435 : memref<8x128xf32, #tpu.memory_space<vmem>>) dst(%dma_wait3A_1431 : memref<8x128xf32, #tpu.memory_space<hbm>>)
        %dma_wait3A_1436 = arith.constant 4 : i32
        %dma_wait3A_1437 = arith.constant 4 : i32
        %dma_wait3A_1438 = arith.constant 0 : i32
        %dma_wait3A_1439 = arith.constant 0 : i32
        %dma_wait3A_1440 = tpu.memref_slice %arg9[%dma_wait3A_1436, %dma_wait3A_1438, %dma_wait3A_1439] : memref<8x8x129xf32, #tpu.memory_space<vmem>> -> memref<1x8x128xf32, #tpu.memory_space<vmem>>
        %dma_wait3A_1441 = tpu.memref_squeeze %dma_wait3A_1440 : memref<1x8x128xf32, #tpu.memory_space<vmem>> -> memref<8x128xf32, #tpu.memory_space<vmem>>
        %dma_wait3A_1442 = arith.constant 0 : i32
        %dma_wait3A_1443 = arith.constant 0 : i32
        %dma_wait3A_1444 = tpu.memref_slice %arg5[%mul3A_1008, %dma_wait3A_1437, %add3A, %dma_wait3A_1442, %dma_wait3A_1443] : memref<200x8x32x8x128xf32, #tpu.memory_space<hbm>> -> memref<1x1x1x8x128xf32, #tpu.memory_space<hbm>>
        %dma_wait3A_1445 = tpu.memref_squeeze %dma_wait3A_1444 : memref<1x1x1x8x128xf32, #tpu.memory_space<hbm>> -> memref<8x128xf32, #tpu.memory_space<hbm>>
        %dma_wait3A_1446 = arith.constant 0 : i32
        %dma_wait3A_1447 = arith.constant 0 : i32
        %dma_wait3A_1448 = tpu.memref_slice %arg5[%mul3A_1008, %dma_wait3A_1437, %add3A, %dma_wait3A_1446, %dma_wait3A_1447] : memref<200x8x32x8x128xf32, #tpu.memory_space<hbm>> -> memref<1x1x1x8x128xf32, #tpu.memory_space<hbm>>
        %dma_wait3A_1449 = tpu.memref_squeeze %dma_wait3A_1448 : memref<1x1x1x8x128xf32, #tpu.memory_space<hbm>> -> memref<8x128xf32, #tpu.memory_space<hbm>>
        %dma_wait3A_1450 = arith.constant 0 : i32
        %dma_wait3A_1451 = arith.constant 0 : i32
        %dma_wait3A_1452 = tpu.memref_slice %arg9[%dma_wait3A_1436, %dma_wait3A_1450, %dma_wait3A_1451] : memref<8x8x129xf32, #tpu.memory_space<vmem>> -> memref<1x8x128xf32, #tpu.memory_space<vmem>>
        %dma_wait3A_1453 = tpu.memref_squeeze %dma_wait3A_1452 : memref<1x8x128xf32, #tpu.memory_space<vmem>> -> memref<8x128xf32, #tpu.memory_space<vmem>>
        tpu.wait_dma2 semaphore(%arg14 : memref<!tpu.dma_semaphore, #tpu.memory_space<semaphore_mem>>) src(%dma_wait3A_1453 : memref<8x128xf32, #tpu.memory_space<vmem>>) dst(%dma_wait3A_1449 : memref<8x128xf32, #tpu.memory_space<hbm>>)
        %dma_wait3A_1454 = arith.constant 5 : i32
        %dma_wait3A_1455 = arith.constant 5 : i32
        %dma_wait3A_1456 = arith.constant 0 : i32
        %dma_wait3A_1457 = arith.constant 0 : i32
        %dma_wait3A_1458 = tpu.memref_slice %arg9[%dma_wait3A_1454, %dma_wait3A_1456, %dma_wait3A_1457] : memref<8x8x129xf32, #tpu.memory_space<vmem>> -> memref<1x8x128xf32, #tpu.memory_space<vmem>>
        %dma_wait3A_1459 = tpu.memref_squeeze %dma_wait3A_1458 : memref<1x8x128xf32, #tpu.memory_space<vmem>> -> memref<8x128xf32, #tpu.memory_space<vmem>>
        %dma_wait3A_1460 = arith.constant 0 : i32
        %dma_wait3A_1461 = arith.constant 0 : i32
        %dma_wait3A_1462 = tpu.memref_slice %arg5[%mul3A_1008, %dma_wait3A_1455, %add3A, %dma_wait3A_1460, %dma_wait3A_1461] : memref<200x8x32x8x128xf32, #tpu.memory_space<hbm>> -> memref<1x1x1x8x128xf32, #tpu.memory_space<hbm>>
        %dma_wait3A_1463 = tpu.memref_squeeze %dma_wait3A_1462 : memref<1x1x1x8x128xf32, #tpu.memory_space<hbm>> -> memref<8x128xf32, #tpu.memory_space<hbm>>
        %dma_wait3A_1464 = arith.constant 0 : i32
        %dma_wait3A_1465 = arith.constant 0 : i32
        %dma_wait3A_1466 = tpu.memref_slice %arg5[%mul3A_1008, %dma_wait3A_1455, %add3A, %dma_wait3A_1464, %dma_wait3A_1465] : memref<200x8x32x8x128xf32, #tpu.memory_space<hbm>> -> memref<1x1x1x8x128xf32, #tpu.memory_space<hbm>>
        %dma_wait3A_1467 = tpu.memref_squeeze %dma_wait3A_1466 : memref<1x1x1x8x128xf32, #tpu.memory_space<hbm>> -> memref<8x128xf32, #tpu.memory_space<hbm>>
        %dma_wait3A_1468 = arith.constant 0 : i32
        %dma_wait3A_1469 = arith.constant 0 : i32
        %dma_wait3A_1470 = tpu.memref_slice %arg9[%dma_wait3A_1454, %dma_wait3A_1468, %dma_wait3A_1469] : memref<8x8x129xf32, #tpu.memory_space<vmem>> -> memref<1x8x128xf32, #tpu.memory_space<vmem>>
        %dma_wait3A_1471 = tpu.memref_squeeze %dma_wait3A_1470 : memref<1x8x128xf32, #tpu.memory_space<vmem>> -> memref<8x128xf32, #tpu.memory_space<vmem>>
        tpu.wait_dma2 semaphore(%arg14 : memref<!tpu.dma_semaphore, #tpu.memory_space<semaphore_mem>>) src(%dma_wait3A_1471 : memref<8x128xf32, #tpu.memory_space<vmem>>) dst(%dma_wait3A_1467 : memref<8x128xf32, #tpu.memory_space<hbm>>)
        %dma_wait3A_1472 = arith.constant 6 : i32
        %dma_wait3A_1473 = arith.constant 6 : i32
        %dma_wait3A_1474 = arith.constant 0 : i32
        %dma_wait3A_1475 = arith.constant 0 : i32
        %dma_wait3A_1476 = tpu.memref_slice %arg9[%dma_wait3A_1472, %dma_wait3A_1474, %dma_wait3A_1475] : memref<8x8x129xf32, #tpu.memory_space<vmem>> -> memref<1x8x128xf32, #tpu.memory_space<vmem>>
        %dma_wait3A_1477 = tpu.memref_squeeze %dma_wait3A_1476 : memref<1x8x128xf32, #tpu.memory_space<vmem>> -> memref<8x128xf32, #tpu.memory_space<vmem>>
        %dma_wait3A_1478 = arith.constant 0 : i32
        %dma_wait3A_1479 = arith.constant 0 : i32
        %dma_wait3A_1480 = tpu.memref_slice %arg5[%mul3A_1008, %dma_wait3A_1473, %add3A, %dma_wait3A_1478, %dma_wait3A_1479] : memref<200x8x32x8x128xf32, #tpu.memory_space<hbm>> -> memref<1x1x1x8x128xf32, #tpu.memory_space<hbm>>
        %dma_wait3A_1481 = tpu.memref_squeeze %dma_wait3A_1480 : memref<1x1x1x8x128xf32, #tpu.memory_space<hbm>> -> memref<8x128xf32, #tpu.memory_space<hbm>>
        %dma_wait3A_1482 = arith.constant 0 : i32
        %dma_wait3A_1483 = arith.constant 0 : i32
        %dma_wait3A_1484 = tpu.memref_slice %arg5[%mul3A_1008, %dma_wait3A_1473, %add3A, %dma_wait3A_1482, %dma_wait3A_1483] : memref<200x8x32x8x128xf32, #tpu.memory_space<hbm>> -> memref<1x1x1x8x128xf32, #tpu.memory_space<hbm>>
        %dma_wait3A_1485 = tpu.memref_squeeze %dma_wait3A_1484 : memref<1x1x1x8x128xf32, #tpu.memory_space<hbm>> -> memref<8x128xf32, #tpu.memory_space<hbm>>
        %dma_wait3A_1486 = arith.constant 0 : i32
        %dma_wait3A_1487 = arith.constant 0 : i32
        %dma_wait3A_1488 = tpu.memref_slice %arg9[%dma_wait3A_1472, %dma_wait3A_1486, %dma_wait3A_1487] : memref<8x8x129xf32, #tpu.memory_space<vmem>> -> memref<1x8x128xf32, #tpu.memory_space<vmem>>
        %dma_wait3A_1489 = tpu.memref_squeeze %dma_wait3A_1488 : memref<1x8x128xf32, #tpu.memory_space<vmem>> -> memref<8x128xf32, #tpu.memory_space<vmem>>
        tpu.wait_dma2 semaphore(%arg14 : memref<!tpu.dma_semaphore, #tpu.memory_space<semaphore_mem>>) src(%dma_wait3A_1489 : memref<8x128xf32, #tpu.memory_space<vmem>>) dst(%dma_wait3A_1485 : memref<8x128xf32, #tpu.memory_space<hbm>>)
        %dma_wait3A_1490 = arith.constant 7 : i32
        %dma_wait3A_1491 = arith.constant 7 : i32
        %dma_wait3A_1492 = arith.constant 0 : i32
        %dma_wait3A_1493 = arith.constant 0 : i32
        %dma_wait3A_1494 = tpu.memref_slice %arg9[%dma_wait3A_1490, %dma_wait3A_1492, %dma_wait3A_1493] : memref<8x8x129xf32, #tpu.memory_space<vmem>> -> memref<1x8x128xf32, #tpu.memory_space<vmem>>
        %dma_wait3A_1495 = tpu.memref_squeeze %dma_wait3A_1494 : memref<1x8x128xf32, #tpu.memory_space<vmem>> -> memref<8x128xf32, #tpu.memory_space<vmem>>
        %dma_wait3A_1496 = arith.constant 0 : i32
        %dma_wait3A_1497 = arith.constant 0 : i32
        %dma_wait3A_1498 = tpu.memref_slice %arg5[%mul3A_1008, %dma_wait3A_1491, %add3A, %dma_wait3A_1496, %dma_wait3A_1497] : memref<200x8x32x8x128xf32, #tpu.memory_space<hbm>> -> memref<1x1x1x8x128xf32, #tpu.memory_space<hbm>>
        %dma_wait3A_1499 = tpu.memref_squeeze %dma_wait3A_1498 : memref<1x1x1x8x128xf32, #tpu.memory_space<hbm>> -> memref<8x128xf32, #tpu.memory_space<hbm>>
        %dma_wait3A_1500 = arith.constant 0 : i32
        %dma_wait3A_1501 = arith.constant 0 : i32
        %dma_wait3A_1502 = tpu.memref_slice %arg5[%mul3A_1008, %dma_wait3A_1491, %add3A, %dma_wait3A_1500, %dma_wait3A_1501] : memref<200x8x32x8x128xf32, #tpu.memory_space<hbm>> -> memref<1x1x1x8x128xf32, #tpu.memory_space<hbm>>
        %dma_wait3A_1503 = tpu.memref_squeeze %dma_wait3A_1502 : memref<1x1x1x8x128xf32, #tpu.memory_space<hbm>> -> memref<8x128xf32, #tpu.memory_space<hbm>>
        %dma_wait3A_1504 = arith.constant 0 : i32
        %dma_wait3A_1505 = arith.constant 0 : i32
        %dma_wait3A_1506 = tpu.memref_slice %arg9[%dma_wait3A_1490, %dma_wait3A_1504, %dma_wait3A_1505] : memref<8x8x129xf32, #tpu.memory_space<vmem>> -> memref<1x8x128xf32, #tpu.memory_space<vmem>>
        %dma_wait3A_1507 = tpu.memref_squeeze %dma_wait3A_1506 : memref<1x8x128xf32, #tpu.memory_space<vmem>> -> memref<8x128xf32, #tpu.memory_space<vmem>>
        tpu.wait_dma2 semaphore(%arg14 : memref<!tpu.dma_semaphore, #tpu.memory_space<semaphore_mem>>) src(%dma_wait3A_1507 : memref<8x128xf32, #tpu.memory_space<vmem>>) dst(%dma_wait3A_1503 : memref<8x128xf32, #tpu.memory_space<hbm>>)
      } else {
      }
      %get3A_1025 = arith.index_cast %mul3A_1008 : i32 to index
      %get3A_1026 = arith.constant 0 : index
      %get3A_1027 = tpu.vector_load %arg11[%get3A_1025, %get3A_1026] {strides = array<i32>} : memref<200x64xf32, #tpu.memory_space<vmem>>, vector<16xf32>,
      %get3A_1028 = arith.index_cast %mul3A_1008 : i32 to index
      %get3A_1029 = arith.constant 16 : index
      %get3A_1030 = tpu.vector_load %arg11[%get3A_1028, %get3A_1029] {strides = array<i32>} : memref<200x64xf32, #tpu.memory_space<vmem>>, vector<16xf32>,
      %get3A_1031 = arith.index_cast %mul3A_1008 : i32 to index
      %get3A_1032 = arith.constant 32 : index
      %get3A_1033 = tpu.vector_load %arg11[%get3A_1031, %get3A_1032] {strides = array<i32>} : memref<200x64xf32, #tpu.memory_space<vmem>>, vector<16xf32>,
      %get3A_1034 = arith.index_cast %mul3A_1008 : i32 to index
      %get3A_1035 = arith.constant 48 : index
      %get3A_1036 = tpu.vector_load %arg11[%get3A_1034, %get3A_1035] {strides = array<i32>} : memref<200x64xf32, #tpu.memory_space<vmem>>, vector<16xf32>,
      %parallel_loop3A_1037 = arith.constant 0 : i32
      %parallel_loop3A_1038 = arith.constant 128 : i32
      %parallel_loop3A_1039 = arith.constant 1 : i32
      scf.for %parallel_loop3A_1364 = %parallel_loop3A_1037 to %parallel_loop3A_1038 step %parallel_loop3A_1039  : i32 {
        %parallel_loop3A_1365 = arith.constant 0 : i32
        %parallel_loop3A_1366 = vector.broadcast %parallel_loop3A_1365 : i32 to vector<16xi32>
        %parallel_loop3A_1367 = arith.muli %iota3A, %parallel_loop3A_1366 : vector<16xi32>
        %parallel_loop3A_1368 = vector.broadcast %parallel_loop3A_1364 : i32 to vector<16xi32>
        %parallel_loop3A_1369 = arith.addi %parallel_loop3A_1367, %parallel_loop3A_1368 : vector<16xi32>
        %parallel_loop3A_1370 = arith.index_cast %parallel_loop3A_1364 : i32 to index
        %parallel_loop3A_1371 = arith.constant 0 : index
        %parallel_loop3A_1372 = tpu.vector_load %arg7[%parallel_loop3A_1370, %parallel_loop3A_1371] {strides = array<i32>} : memref<128x64xf32, #tpu.memory_space<vmem>>, vector<16xf32>,
        %parallel_loop3A_1373 = arith.addf %parallel_loop3A_1372, %get3A_1027 : vector<16xf32>
        tpu.vector_store_idx %arg9[%add3A_9, %and3A_4, %parallel_loop3A_1369], %parallel_loop3A_1373 : memref<8x8x129xf32, #tpu.memory_space<vmem>>[vector<16xi32>, vector<16xi32>, vector<16xi32>], vector<16xf32>,
        %parallel_loop3A_1374 = arith.index_cast %parallel_loop3A_1364 : i32 to index
        %parallel_loop3A_1375 = arith.constant 16 : index
        %parallel_loop3A_1376 = tpu.vector_load %arg7[%parallel_loop3A_1374, %parallel_loop3A_1375] {strides = array<i32>} : memref<128x64xf32, #tpu.memory_space<vmem>>, vector<16xf32>,
        %parallel_loop3A_1377 = arith.addf %parallel_loop3A_1376, %get3A_1030 : vector<16xf32>
        tpu.vector_store_idx %arg9[%add3A_15, %and3A_4, %parallel_loop3A_1369], %parallel_loop3A_1377 : memref<8x8x129xf32, #tpu.memory_space<vmem>>[vector<16xi32>, vector<16xi32>, vector<16xi32>], vector<16xf32>,
        %parallel_loop3A_1378 = arith.index_cast %parallel_loop3A_1364 : i32 to index
        %parallel_loop3A_1379 = arith.constant 32 : index
        %parallel_loop3A_1380 = tpu.vector_load %arg7[%parallel_loop3A_1378, %parallel_loop3A_1379] {strides = array<i32>} : memref<128x64xf32, #tpu.memory_space<vmem>>, vector<16xf32>,
        %parallel_loop3A_1381 = arith.addf %parallel_loop3A_1380, %get3A_1033 : vector<16xf32>
        tpu.vector_store_idx %arg9[%add3A_21, %and3A_4, %parallel_loop3A_1369], %parallel_loop3A_1381 : memref<8x8x129xf32, #tpu.memory_space<vmem>>[vector<16xi32>, vector<16xi32>, vector<16xi32>], vector<16xf32>,
        %parallel_loop3A_1382 = arith.index_cast %parallel_loop3A_1364 : i32 to index
        %parallel_loop3A_1383 = arith.constant 48 : index
        %parallel_loop3A_1384 = tpu.vector_load %arg7[%parallel_loop3A_1382, %parallel_loop3A_1383] {strides = array<i32>} : memref<128x64xf32, #tpu.memory_space<vmem>>, vector<16xf32>,
        %parallel_loop3A_1385 = arith.addf %parallel_loop3A_1384, %get3A_1036 : vector<16xf32>
        tpu.vector_store_idx %arg9[%add3A_27, %and3A_4, %parallel_loop3A_1369], %parallel_loop3A_1385 : memref<8x8x129xf32, #tpu.memory_space<vmem>>[vector<16xi32>, vector<16xi32>, vector<16xi32>], vector<16xf32>,
      } {sc.loop_unroll_factor = 4 : i64, sc.parallel_access}
      %dma_start3A_1040 = arith.constant 0 : i32
      %dma_start3A_1041 = arith.constant 0 : i32
      %dma_start3A_1042 = arith.constant 0 : i32
      %dma_start3A_1043 = arith.constant 0 : i32
      %dma_start3A_1044 = tpu.memref_slice %arg9[%dma_start3A_1040, %dma_start3A_1042, %dma_start3A_1043] : memref<8x8x129xf32, #tpu.memory_space<vmem>> -> memref<1x8x128xf32, #tpu.memory_space<vmem>>
      %dma_start3A_1045 = tpu.memref_squeeze %dma_start3A_1044 : memref<1x8x128xf32, #tpu.memory_space<vmem>> -> memref<8x128xf32, #tpu.memory_space<vmem>>
      %dma_start3A_1046 = arith.constant 0 : i32
      %dma_start3A_1047 = arith.constant 0 : i32
      %dma_start3A_1048 = tpu.memref_slice %arg5[%mul3A_1008, %dma_start3A_1041, %add3A, %dma_start3A_1046, %dma_start3A_1047] : memref<200x8x32x8x128xf32, #tpu.memory_space<hbm>> -> memref<1x1x1x8x128xf32, #tpu.memory_space<hbm>>
      %dma_start3A_1049 = tpu.memref_squeeze %dma_start3A_1048 : memref<1x1x1x8x128xf32, #tpu.memory_space<hbm>> -> memref<8x128xf32, #tpu.memory_space<hbm>>
      %dma_start3A_1050 = arith.constant 0 : i32
      %dma_start3A_1051 = arith.constant 0 : i32
      %dma_start3A_1052 = tpu.memref_slice %arg5[%mul3A_1008, %dma_start3A_1041, %add3A, %dma_start3A_1050, %dma_start3A_1051] : memref<200x8x32x8x128xf32, #tpu.memory_space<hbm>> -> memref<1x1x1x8x128xf32, #tpu.memory_space<hbm>>
      %dma_start3A_1053 = tpu.memref_squeeze %dma_start3A_1052 : memref<1x1x1x8x128xf32, #tpu.memory_space<hbm>> -> memref<8x128xf32, #tpu.memory_space<hbm>>
      %dma_start3A_1054 = arith.constant 0 : i32
      %dma_start3A_1055 = arith.constant 0 : i32
      %dma_start3A_1056 = tpu.memref_slice %arg9[%dma_start3A_1040, %dma_start3A_1054, %dma_start3A_1055] : memref<8x8x129xf32, #tpu.memory_space<vmem>> -> memref<1x8x128xf32, #tpu.memory_space<vmem>>
      %dma_start3A_1057 = tpu.memref_squeeze %dma_start3A_1056 : memref<1x8x128xf32, #tpu.memory_space<vmem>> -> memref<8x128xf32, #tpu.memory_space<vmem>>
      tpu.enqueue_dma source(%dma_start3A_1057 : memref<8x128xf32, #tpu.memory_space<vmem>>) target(%dma_start3A_1053 : memref<8x128xf32, #tpu.memory_space<hbm>>) target_semaphore(%arg14 : memref<!tpu.dma_semaphore, #tpu.memory_space<semaphore_mem>>)
      %dma_start3A_1058 = arith.constant 1 : i32
      %dma_start3A_1059 = arith.constant 1 : i32
      %dma_start3A_1060 = arith.constant 0 : i32
      %dma_start3A_1061 = arith.constant 0 : i32
      %dma_start3A_1062 = tpu.memref_slice %arg9[%dma_start3A_1058, %dma_start3A_1060, %dma_start3A_1061] : memref<8x8x129xf32, #tpu.memory_space<vmem>> -> memref<1x8x128xf32, #tpu.memory_space<vmem>>
      %dma_start3A_1063 = tpu.memref_squeeze %dma_start3A_1062 : memref<1x8x128xf32, #tpu.memory_space<vmem>> -> memref<8x128xf32, #tpu.memory_space<vmem>>
      %dma_start3A_1064 = arith.constant 0 : i32
      %dma_start3A_1065 = arith.constant 0 : i32
      %dma_start3A_1066 = tpu.memref_slice %arg5[%mul3A_1008, %dma_start3A_1059, %add3A, %dma_start3A_1064, %dma_start3A_1065] : memref<200x8x32x8x128xf32, #tpu.memory_space<hbm>> -> memref<1x1x1x8x128xf32, #tpu.memory_space<hbm>>
      %dma_start3A_1067 = tpu.memref_squeeze %dma_start3A_1066 : memref<1x1x1x8x128xf32, #tpu.memory_space<hbm>> -> memref<8x128xf32, #tpu.memory_space<hbm>>
      %dma_start3A_1068 = arith.constant 0 : i32
      %dma_start3A_1069 = arith.constant 0 : i32
      %dma_start3A_1070 = tpu.memref_slice %arg5[%mul3A_1008, %dma_start3A_1059, %add3A, %dma_start3A_1068, %dma_start3A_1069] : memref<200x8x32x8x128xf32, #tpu.memory_space<hbm>> -> memref<1x1x1x8x128xf32, #tpu.memory_space<hbm>>
      %dma_start3A_1071 = tpu.memref_squeeze %dma_start3A_1070 : memref<1x1x1x8x128xf32, #tpu.memory_space<hbm>> -> memref<8x128xf32, #tpu.memory_space<hbm>>
      %dma_start3A_1072 = arith.constant 0 : i32
      %dma_start3A_1073 = arith.constant 0 : i32
      %dma_start3A_1074 = tpu.memref_slice %arg9[%dma_start3A_1058, %dma_start3A_1072, %dma_start3A_1073] : memref<8x8x129xf32, #tpu.memory_space<vmem>> -> memref<1x8x128xf32, #tpu.memory_space<vmem>>
      %dma_start3A_1075 = tpu.memref_squeeze %dma_start3A_1074 : memref<1x8x128xf32, #tpu.memory_space<vmem>> -> memref<8x128xf32, #tpu.memory_space<vmem>>
      tpu.enqueue_dma source(%dma_start3A_1075 : memref<8x128xf32, #tpu.memory_space<vmem>>) target(%dma_start3A_1071 : memref<8x128xf32, #tpu.memory_space<hbm>>) target_semaphore(%arg14 : memref<!tpu.dma_semaphore, #tpu.memory_space<semaphore_mem>>)
      %dma_start3A_1076 = arith.constant 2 : i32
      %dma_start3A_1077 = arith.constant 2 : i32
      %dma_start3A_1078 = arith.constant 0 : i32
      %dma_start3A_1079 = arith.constant 0 : i32
      %dma_start3A_1080 = tpu.memref_slice %arg9[%dma_start3A_1076, %dma_start3A_1078, %dma_start3A_1079] : memref<8x8x129xf32, #tpu.memory_space<vmem>> -> memref<1x8x128xf32, #tpu.memory_space<vmem>>
      %dma_start3A_1081 = tpu.memref_squeeze %dma_start3A_1080 : memref<1x8x128xf32, #tpu.memory_space<vmem>> -> memref<8x128xf32, #tpu.memory_space<vmem>>
      %dma_start3A_1082 = arith.constant 0 : i32
      %dma_start3A_1083 = arith.constant 0 : i32
      %dma_start3A_1084 = tpu.memref_slice %arg5[%mul3A_1008, %dma_start3A_1077, %add3A, %dma_start3A_1082, %dma_start3A_1083] : memref<200x8x32x8x128xf32, #tpu.memory_space<hbm>> -> memref<1x1x1x8x128xf32, #tpu.memory_space<hbm>>
      %dma_start3A_1085 = tpu.memref_squeeze %dma_start3A_1084 : memref<1x1x1x8x128xf32, #tpu.memory_space<hbm>> -> memref<8x128xf32, #tpu.memory_space<hbm>>
      %dma_start3A_1086 = arith.constant 0 : i32
      %dma_start3A_1087 = arith.constant 0 : i32
      %dma_start3A_1088 = tpu.memref_slice %arg5[%mul3A_1008, %dma_start3A_1077, %add3A, %dma_start3A_1086, %dma_start3A_1087] : memref<200x8x32x8x128xf32, #tpu.memory_space<hbm>> -> memref<1x1x1x8x128xf32, #tpu.memory_space<hbm>>
      %dma_start3A_1089 = tpu.memref_squeeze %dma_start3A_1088 : memref<1x1x1x8x128xf32, #tpu.memory_space<hbm>> -> memref<8x128xf32, #tpu.memory_space<hbm>>
      %dma_start3A_1090 = arith.constant 0 : i32
      %dma_start3A_1091 = arith.constant 0 : i32
      %dma_start3A_1092 = tpu.memref_slice %arg9[%dma_start3A_1076, %dma_start3A_1090, %dma_start3A_1091] : memref<8x8x129xf32, #tpu.memory_space<vmem>> -> memref<1x8x128xf32, #tpu.memory_space<vmem>>
      %dma_start3A_1093 = tpu.memref_squeeze %dma_start3A_1092 : memref<1x8x128xf32, #tpu.memory_space<vmem>> -> memref<8x128xf32, #tpu.memory_space<vmem>>
      tpu.enqueue_dma source(%dma_start3A_1093 : memref<8x128xf32, #tpu.memory_space<vmem>>) target(%dma_start3A_1089 : memref<8x128xf32, #tpu.memory_space<hbm>>) target_semaphore(%arg14 : memref<!tpu.dma_semaphore, #tpu.memory_space<semaphore_mem>>)
      %dma_start3A_1094 = arith.constant 3 : i32
      %dma_start3A_1095 = arith.constant 3 : i32
      %dma_start3A_1096 = arith.constant 0 : i32
      %dma_start3A_1097 = arith.constant 0 : i32
      %dma_start3A_1098 = tpu.memref_slice %arg9[%dma_start3A_1094, %dma_start3A_1096, %dma_start3A_1097] : memref<8x8x129xf32, #tpu.memory_space<vmem>> -> memref<1x8x128xf32, #tpu.memory_space<vmem>>
      %dma_start3A_1099 = tpu.memref_squeeze %dma_start3A_1098 : memref<1x8x128xf32, #tpu.memory_space<vmem>> -> memref<8x128xf32, #tpu.memory_space<vmem>>
      %dma_start3A_1100 = arith.constant 0 : i32
      %dma_start3A_1101 = arith.constant 0 : i32
      %dma_start3A_1102 = tpu.memref_slice %arg5[%mul3A_1008, %dma_start3A_1095, %add3A, %dma_start3A_1100, %dma_start3A_1101] : memref<200x8x32x8x128xf32, #tpu.memory_space<hbm>> -> memref<1x1x1x8x128xf32, #tpu.memory_space<hbm>>
      %dma_start3A_1103 = tpu.memref_squeeze %dma_start3A_1102 : memref<1x1x1x8x128xf32, #tpu.memory_space<hbm>> -> memref<8x128xf32, #tpu.memory_space<hbm>>
      %dma_start3A_1104 = arith.constant 0 : i32
      %dma_start3A_1105 = arith.constant 0 : i32
      %dma_start3A_1106 = tpu.memref_slice %arg5[%mul3A_1008, %dma_start3A_1095, %add3A, %dma_start3A_1104, %dma_start3A_1105] : memref<200x8x32x8x128xf32, #tpu.memory_space<hbm>> -> memref<1x1x1x8x128xf32, #tpu.memory_space<hbm>>
      %dma_start3A_1107 = tpu.memref_squeeze %dma_start3A_1106 : memref<1x1x1x8x128xf32, #tpu.memory_space<hbm>> -> memref<8x128xf32, #tpu.memory_space<hbm>>
      %dma_start3A_1108 = arith.constant 0 : i32
      %dma_start3A_1109 = arith.constant 0 : i32
      %dma_start3A_1110 = tpu.memref_slice %arg9[%dma_start3A_1094, %dma_start3A_1108, %dma_start3A_1109] : memref<8x8x129xf32, #tpu.memory_space<vmem>> -> memref<1x8x128xf32, #tpu.memory_space<vmem>>
      %dma_start3A_1111 = tpu.memref_squeeze %dma_start3A_1110 : memref<1x8x128xf32, #tpu.memory_space<vmem>> -> memref<8x128xf32, #tpu.memory_space<vmem>>
      tpu.enqueue_dma source(%dma_start3A_1111 : memref<8x128xf32, #tpu.memory_space<vmem>>) target(%dma_start3A_1107 : memref<8x128xf32, #tpu.memory_space<hbm>>) target_semaphore(%arg14 : memref<!tpu.dma_semaphore, #tpu.memory_space<semaphore_mem>>)
      %dma_start3A_1112 = arith.constant 4 : i32
      %dma_start3A_1113 = arith.constant 4 : i32
      %dma_start3A_1114 = arith.constant 0 : i32
      %dma_start3A_1115 = arith.constant 0 : i32
      %dma_start3A_1116 = tpu.memref_slice %arg9[%dma_start3A_1112, %dma_start3A_1114, %dma_start3A_1115] : memref<8x8x129xf32, #tpu.memory_space<vmem>> -> memref<1x8x128xf32, #tpu.memory_space<vmem>>
      %dma_start3A_1117 = tpu.memref_squeeze %dma_start3A_1116 : memref<1x8x128xf32, #tpu.memory_space<vmem>> -> memref<8x128xf32, #tpu.memory_space<vmem>>
      %dma_start3A_1118 = arith.constant 0 : i32
      %dma_start3A_1119 = arith.constant 0 : i32
      %dma_start3A_1120 = tpu.memref_slice %arg5[%mul3A_1008, %dma_start3A_1113, %add3A, %dma_start3A_1118, %dma_start3A_1119] : memref<200x8x32x8x128xf32, #tpu.memory_space<hbm>> -> memref<1x1x1x8x128xf32, #tpu.memory_space<hbm>>
      %dma_start3A_1121 = tpu.memref_squeeze %dma_start3A_1120 : memref<1x1x1x8x128xf32, #tpu.memory_space<hbm>> -> memref<8x128xf32, #tpu.memory_space<hbm>>
      %dma_start3A_1122 = arith.constant 0 : i32
      %dma_start3A_1123 = arith.constant 0 : i32
      %dma_start3A_1124 = tpu.memref_slice %arg5[%mul3A_1008, %dma_start3A_1113, %add3A, %dma_start3A_1122, %dma_start3A_1123] : memref<200x8x32x8x128xf32, #tpu.memory_space<hbm>> -> memref<1x1x1x8x128xf32, #tpu.memory_space<hbm>>
      %dma_start3A_1125 = tpu.memref_squeeze %dma_start3A_1124 : memref<1x1x1x8x128xf32, #tpu.memory_space<hbm>> -> memref<8x128xf32, #tpu.memory_space<hbm>>
      %dma_start3A_1126 = arith.constant 0 : i32
      %dma_start3A_1127 = arith.constant 0 : i32
      %dma_start3A_1128 = tpu.memref_slice %arg9[%dma_start3A_1112, %dma_start3A_1126, %dma_start3A_1127] : memref<8x8x129xf32, #tpu.memory_space<vmem>> -> memref<1x8x128xf32, #tpu.memory_space<vmem>>
      %dma_start3A_1129 = tpu.memref_squeeze %dma_start3A_1128 : memref<1x8x128xf32, #tpu.memory_space<vmem>> -> memref<8x128xf32, #tpu.memory_space<vmem>>
      tpu.enqueue_dma source(%dma_start3A_1129 : memref<8x128xf32, #tpu.memory_space<vmem>>) target(%dma_start3A_1125 : memref<8x128xf32, #tpu.memory_space<hbm>>) target_semaphore(%arg14 : memref<!tpu.dma_semaphore, #tpu.memory_space<semaphore_mem>>)
      %dma_start3A_1130 = arith.constant 5 : i32
      %dma_start3A_1131 = arith.constant 5 : i32
      %dma_start3A_1132 = arith.constant 0 : i32
      %dma_start3A_1133 = arith.constant 0 : i32
      %dma_start3A_1134 = tpu.memref_slice %arg9[%dma_start3A_1130, %dma_start3A_1132, %dma_start3A_1133] : memref<8x8x129xf32, #tpu.memory_space<vmem>> -> memref<1x8x128xf32, #tpu.memory_space<vmem>>
      %dma_start3A_1135 = tpu.memref_squeeze %dma_start3A_1134 : memref<1x8x128xf32, #tpu.memory_space<vmem>> -> memref<8x128xf32, #tpu.memory_space<vmem>>
      %dma_start3A_1136 = arith.constant 0 : i32
      %dma_start3A_1137 = arith.constant 0 : i32
      %dma_start3A_1138 = tpu.memref_slice %arg5[%mul3A_1008, %dma_start3A_1131, %add3A, %dma_start3A_1136, %dma_start3A_1137] : memref<200x8x32x8x128xf32, #tpu.memory_space<hbm>> -> memref<1x1x1x8x128xf32, #tpu.memory_space<hbm>>
      %dma_start3A_1139 = tpu.memref_squeeze %dma_start3A_1138 : memref<1x1x1x8x128xf32, #tpu.memory_space<hbm>> -> memref<8x128xf32, #tpu.memory_space<hbm>>
      %dma_start3A_1140 = arith.constant 0 : i32
      %dma_start3A_1141 = arith.constant 0 : i32
      %dma_start3A_1142 = tpu.memref_slice %arg5[%mul3A_1008, %dma_start3A_1131, %add3A, %dma_start3A_1140, %dma_start3A_1141] : memref<200x8x32x8x128xf32, #tpu.memory_space<hbm>> -> memref<1x1x1x8x128xf32, #tpu.memory_space<hbm>>
      %dma_start3A_1143 = tpu.memref_squeeze %dma_start3A_1142 : memref<1x1x1x8x128xf32, #tpu.memory_space<hbm>> -> memref<8x128xf32, #tpu.memory_space<hbm>>
      %dma_start3A_1144 = arith.constant 0 : i32
      %dma_start3A_1145 = arith.constant 0 : i32
      %dma_start3A_1146 = tpu.memref_slice %arg9[%dma_start3A_1130, %dma_start3A_1144, %dma_start3A_1145] : memref<8x8x129xf32, #tpu.memory_space<vmem>> -> memref<1x8x128xf32, #tpu.memory_space<vmem>>
      %dma_start3A_1147 = tpu.memref_squeeze %dma_start3A_1146 : memref<1x8x128xf32, #tpu.memory_space<vmem>> -> memref<8x128xf32, #tpu.memory_space<vmem>>
      tpu.enqueue_dma source(%dma_start3A_1147 : memref<8x128xf32, #tpu.memory_space<vmem>>) target(%dma_start3A_1143 : memref<8x128xf32, #tpu.memory_space<hbm>>) target_semaphore(%arg14 : memref<!tpu.dma_semaphore, #tpu.memory_space<semaphore_mem>>)
      %dma_start3A_1148 = arith.constant 6 : i32
      %dma_start3A_1149 = arith.constant 6 : i32
      %dma_start3A_1150 = arith.constant 0 : i32
      %dma_start3A_1151 = arith.constant 0 : i32
      %dma_start3A_1152 = tpu.memref_slice %arg9[%dma_start3A_1148, %dma_start3A_1150, %dma_start3A_1151] : memref<8x8x129xf32, #tpu.memory_space<vmem>> -> memref<1x8x128xf32, #tpu.memory_space<vmem>>
      %dma_start3A_1153 = tpu.memref_squeeze %dma_start3A_1152 : memref<1x8x128xf32, #tpu.memory_space<vmem>> -> memref<8x128xf32, #tpu.memory_space<vmem>>
      %dma_start3A_1154 = arith.constant 0 : i32
      %dma_start3A_1155 = arith.constant 0 : i32
      %dma_start3A_1156 = tpu.memref_slice %arg5[%mul3A_1008, %dma_start3A_1149, %add3A, %dma_start3A_1154, %dma_start3A_1155] : memref<200x8x32x8x128xf32, #tpu.memory_space<hbm>> -> memref<1x1x1x8x128xf32, #tpu.memory_space<hbm>>
      %dma_start3A_1157 = tpu.memref_squeeze %dma_start3A_1156 : memref<1x1x1x8x128xf32, #tpu.memory_space<hbm>> -> memref<8x128xf32, #tpu.memory_space<hbm>>
      %dma_start3A_1158 = arith.constant 0 : i32
      %dma_start3A_1159 = arith.constant 0 : i32
      %dma_start3A_1160 = tpu.memref_slice %arg5[%mul3A_1008, %dma_start3A_1149, %add3A, %dma_start3A_1158, %dma_start3A_1159] : memref<200x8x32x8x128xf32, #tpu.memory_space<hbm>> -> memref<1x1x1x8x128xf32, #tpu.memory_space<hbm>>
      %dma_start3A_1161 = tpu.memref_squeeze %dma_start3A_1160 : memref<1x1x1x8x128xf32, #tpu.memory_space<hbm>> -> memref<8x128xf32, #tpu.memory_space<hbm>>
      %dma_start3A_1162 = arith.constant 0 : i32
      %dma_start3A_1163 = arith.constant 0 : i32
      %dma_start3A_1164 = tpu.memref_slice %arg9[%dma_start3A_1148, %dma_start3A_1162, %dma_start3A_1163] : memref<8x8x129xf32, #tpu.memory_space<vmem>> -> memref<1x8x128xf32, #tpu.memory_space<vmem>>
      %dma_start3A_1165 = tpu.memref_squeeze %dma_start3A_1164 : memref<1x8x128xf32, #tpu.memory_space<vmem>> -> memref<8x128xf32, #tpu.memory_space<vmem>>
      tpu.enqueue_dma source(%dma_start3A_1165 : memref<8x128xf32, #tpu.memory_space<vmem>>) target(%dma_start3A_1161 : memref<8x128xf32, #tpu.memory_space<hbm>>) target_semaphore(%arg14 : memref<!tpu.dma_semaphore, #tpu.memory_space<semaphore_mem>>)
      %dma_start3A_1166 = arith.constant 7 : i32
      %dma_start3A_1167 = arith.constant 7 : i32
      %dma_start3A_1168 = arith.constant 0 : i32
      %dma_start3A_1169 = arith.constant 0 : i32
      %dma_start3A_1170 = tpu.memref_slice %arg9[%dma_start3A_1166, %dma_start3A_1168, %dma_start3A_1169] : memref<8x8x129xf32, #tpu.memory_space<vmem>> -> memref<1x8x128xf32, #tpu.memory_space<vmem>>
      %dma_start3A_1171 = tpu.memref_squeeze %dma_start3A_1170 : memref<1x8x128xf32, #tpu.memory_space<vmem>> -> memref<8x128xf32, #tpu.memory_space<vmem>>
      %dma_start3A_1172 = arith.constant 0 : i32
      %dma_start3A_1173 = arith.constant 0 : i32
      %dma_start3A_1174 = tpu.memref_slice %arg5[%mul3A_1008, %dma_start3A_1167, %add3A, %dma_start3A_1172, %dma_start3A_1173] : memref<200x8x32x8x128xf32, #tpu.memory_space<hbm>> -> memref<1x1x1x8x128xf32, #tpu.memory_space<hbm>>
      %dma_start3A_1175 = tpu.memref_squeeze %dma_start3A_1174 : memref<1x1x1x8x128xf32, #tpu.memory_space<hbm>> -> memref<8x128xf32, #tpu.memory_space<hbm>>
      %dma_start3A_1176 = arith.constant 0 : i32
      %dma_start3A_1177 = arith.constant 0 : i32
      %dma_start3A_1178 = tpu.memref_slice %arg5[%mul3A_1008, %dma_start3A_1167, %add3A, %dma_start3A_1176, %dma_start3A_1177] : memref<200x8x32x8x128xf32, #tpu.memory_space<hbm>> -> memref<1x1x1x8x128xf32, #tpu.memory_space<hbm>>
      %dma_start3A_1179 = tpu.memref_squeeze %dma_start3A_1178 : memref<1x1x1x8x128xf32, #tpu.memory_space<hbm>> -> memref<8x128xf32, #tpu.memory_space<hbm>>
      %dma_start3A_1180 = arith.constant 0 : i32
      %dma_start3A_1181 = arith.constant 0 : i32
      %dma_start3A_1182 = tpu.memref_slice %arg9[%dma_start3A_1166, %dma_start3A_1180, %dma_start3A_1181] : memref<8x8x129xf32, #tpu.memory_space<vmem>> -> memref<1x8x128xf32, #tpu.memory_space<vmem>>
      %dma_start3A_1183 = tpu.memref_squeeze %dma_start3A_1182 : memref<1x8x128xf32, #tpu.memory_space<vmem>> -> memref<8x128xf32, #tpu.memory_space<vmem>>
      tpu.enqueue_dma source(%dma_start3A_1183 : memref<8x128xf32, #tpu.memory_space<vmem>>) target(%dma_start3A_1179 : memref<8x128xf32, #tpu.memory_space<hbm>>) target_semaphore(%arg14 : memref<!tpu.dma_semaphore, #tpu.memory_space<semaphore_mem>>)
      %add3A_1184 = arith.constant 2 : i32
      %add3A_1185 = arith.addi %mul3A_1008, %add3A_1184 : i32
      %dma_start3A_1186 = arith.constant 0 : i32
      %dma_start3A_1187 = tpu.memref_slice %arg6[%add3A_1185, %dma_start3A_1186] : memref<200x128xi32, #tpu.memory_space<vmem>> -> memref<1x128xi32, #tpu.memory_space<vmem>>
      %dma_start3A_1188 = tpu.memref_squeeze %dma_start3A_1187 : memref<1x128xi32, #tpu.memory_space<vmem>> -> memref<128xi32, #tpu.memory_space<vmem>>
      %dma_start3A_1189 = arith.constant 0 : i32
      %dma_start3A_1190 = arith.constant 0 : i32
      %dma_start3A_1191 = tpu.memref_slice %arg3[%dma_start3A_1189, %dma_start3A_1190] : memref<1000000x64xf32, #tpu.memory_space<hbm>> -> memref<1000000x64xf32, #tpu.memory_space<hbm>>
      tpu.enqueue_indirect_dma source(%dma_start3A_1191 : memref<1000000x64xf32, #tpu.memory_space<hbm>>) target(%arg7 : memref<128x64xf32, #tpu.memory_space<vmem>>) offsets(%dma_start3A_1188 : memref<128xi32, #tpu.memory_space<vmem>>) semaphore(%arg12 : memref<!tpu.dma_semaphore, #tpu.memory_space<semaphore_mem>>)
      %add3A_1192 = arith.constant 1 : i32
      %add3A_1193 = arith.addi %mul3A_1008, %add3A_1192 : i32
      %dma_wait3A_1194 = arith.constant 0 : i32
      %dma_wait3A_1195 = arith.constant 0 : i32
      %dma_wait3A_1196 = tpu.memref_slice %arg3[%dma_wait3A_1194, %dma_wait3A_1195] : memref<1000000x64xf32, #tpu.memory_space<hbm>> -> memref<128x64xf32, #tpu.memory_space<hbm>>
      %dma_wait3A_1197 = arith.constant 0 : i32
      %dma_wait3A_1198 = arith.constant 0 : i32
      %dma_wait3A_1199 = tpu.memref_slice %arg3[%dma_wait3A_1197, %dma_wait3A_1198] : memref<1000000x64xf32, #tpu.memory_space<hbm>> -> memref<128x64xf32, #tpu.memory_space<hbm>>
      tpu.wait_dma2 semaphore(%arg13 : memref<!tpu.dma_semaphore, #tpu.memory_space<semaphore_mem>>) src(%dma_wait3A_1199 : memref<128x64xf32, #tpu.memory_space<hbm>>) dst(%arg8 : memref<128x64xf32, #tpu.memory_space<vmem>>)
      %ge3A_1200 = arith.constant 2 : i32
      %ge3A_1201 = arith.cmpi sge, %add3A_1193, %ge3A_1200 : i32
      %convert_element_type3A_1202 = arith.extui %ge3A_1201 : i1 to i32
      %cond3A_1203 = arith.constant 0 : i32
      %cond3A_1204 = arith.cmpi ne, %convert_element_type3A_1202, %cond3A_1203 : i32
      scf.if %cond3A_1204 {
        %dma_wait3A_1364 = arith.constant 0 : i32
        %dma_wait3A_1365 = arith.constant 0 : i32
        %dma_wait3A_1366 = arith.constant 0 : i32
        %dma_wait3A_1367 = arith.constant 0 : i32
        %dma_wait3A_1368 = tpu.memref_slice %arg10[%dma_wait3A_1364, %dma_wait3A_1366, %dma_wait3A_1367] : memref<8x8x129xf32, #tpu.memory_space<vmem>> -> memref<1x8x128xf32, #tpu.memory_space<vmem>>
        %dma_wait3A_1369 = tpu.memref_squeeze %dma_wait3A_1368 : memref<1x8x128xf32, #tpu.memory_space<vmem>> -> memref<8x128xf32, #tpu.memory_space<vmem>>
        %dma_wait3A_1370 = arith.constant 0 : i32
        %dma_wait3A_1371 = arith.constant 0 : i32
        %dma_wait3A_1372 = tpu.memref_slice %arg5[%add3A_1193, %dma_wait3A_1365, %add3A, %dma_wait3A_1370, %dma_wait3A_1371] : memref<200x8x32x8x128xf32, #tpu.memory_space<hbm>> -> memref<1x1x1x8x128xf32, #tpu.memory_space<hbm>>
        %dma_wait3A_1373 = tpu.memref_squeeze %dma_wait3A_1372 : memref<1x1x1x8x128xf32, #tpu.memory_space<hbm>> -> memref<8x128xf32, #tpu.memory_space<hbm>>
        %dma_wait3A_1374 = arith.constant 0 : i32
        %dma_wait3A_1375 = arith.constant 0 : i32
        %dma_wait3A_1376 = tpu.memref_slice %arg5[%add3A_1193, %dma_wait3A_1365, %add3A, %dma_wait3A_1374, %dma_wait3A_1375] : memref<200x8x32x8x128xf32, #tpu.memory_space<hbm>> -> memref<1x1x1x8x128xf32, #tpu.memory_space<hbm>>
        %dma_wait3A_1377 = tpu.memref_squeeze %dma_wait3A_1376 : memref<1x1x1x8x128xf32, #tpu.memory_space<hbm>> -> memref<8x128xf32, #tpu.memory_space<hbm>>
        %dma_wait3A_1378 = arith.constant 0 : i32
        %dma_wait3A_1379 = arith.constant 0 : i32
        %dma_wait3A_1380 = tpu.memref_slice %arg10[%dma_wait3A_1364, %dma_wait3A_1378, %dma_wait3A_1379] : memref<8x8x129xf32, #tpu.memory_space<vmem>> -> memref<1x8x128xf32, #tpu.memory_space<vmem>>
        %dma_wait3A_1381 = tpu.memref_squeeze %dma_wait3A_1380 : memref<1x8x128xf32, #tpu.memory_space<vmem>> -> memref<8x128xf32, #tpu.memory_space<vmem>>
        tpu.wait_dma2 semaphore(%arg15 : memref<!tpu.dma_semaphore, #tpu.memory_space<semaphore_mem>>) src(%dma_wait3A_1381 : memref<8x128xf32, #tpu.memory_space<vmem>>) dst(%dma_wait3A_1377 : memref<8x128xf32, #tpu.memory_space<hbm>>)
        %dma_wait3A_1382 = arith.constant 1 : i32
        %dma_wait3A_1383 = arith.constant 1 : i32
        %dma_wait3A_1384 = arith.constant 0 : i32
        %dma_wait3A_1385 = arith.constant 0 : i32
        %dma_wait3A_1386 = tpu.memref_slice %arg10[%dma_wait3A_1382, %dma_wait3A_1384, %dma_wait3A_1385] : memref<8x8x129xf32, #tpu.memory_space<vmem>> -> memref<1x8x128xf32, #tpu.memory_space<vmem>>
        %dma_wait3A_1387 = tpu.memref_squeeze %dma_wait3A_1386 : memref<1x8x128xf32, #tpu.memory_space<vmem>> -> memref<8x128xf32, #tpu.memory_space<vmem>>
        %dma_wait3A_1388 = arith.constant 0 : i32
        %dma_wait3A_1389 = arith.constant 0 : i32
        %dma_wait3A_1390 = tpu.memref_slice %arg5[%add3A_1193, %dma_wait3A_1383, %add3A, %dma_wait3A_1388, %dma_wait3A_1389] : memref<200x8x32x8x128xf32, #tpu.memory_space<hbm>> -> memref<1x1x1x8x128xf32, #tpu.memory_space<hbm>>
        %dma_wait3A_1391 = tpu.memref_squeeze %dma_wait3A_1390 : memref<1x1x1x8x128xf32, #tpu.memory_space<hbm>> -> memref<8x128xf32, #tpu.memory_space<hbm>>
        %dma_wait3A_1392 = arith.constant 0 : i32
        %dma_wait3A_1393 = arith.constant 0 : i32
        %dma_wait3A_1394 = tpu.memref_slice %arg5[%add3A_1193, %dma_wait3A_1383, %add3A, %dma_wait3A_1392, %dma_wait3A_1393] : memref<200x8x32x8x128xf32, #tpu.memory_space<hbm>> -> memref<1x1x1x8x128xf32, #tpu.memory_space<hbm>>
        %dma_wait3A_1395 = tpu.memref_squeeze %dma_wait3A_1394 : memref<1x1x1x8x128xf32, #tpu.memory_space<hbm>> -> memref<8x128xf32, #tpu.memory_space<hbm>>
        %dma_wait3A_1396 = arith.constant 0 : i32
        %dma_wait3A_1397 = arith.constant 0 : i32
        %dma_wait3A_1398 = tpu.memref_slice %arg10[%dma_wait3A_1382, %dma_wait3A_1396, %dma_wait3A_1397] : memref<8x8x129xf32, #tpu.memory_space<vmem>> -> memref<1x8x128xf32, #tpu.memory_space<vmem>>
        %dma_wait3A_1399 = tpu.memref_squeeze %dma_wait3A_1398 : memref<1x8x128xf32, #tpu.memory_space<vmem>> -> memref<8x128xf32, #tpu.memory_space<vmem>>
        tpu.wait_dma2 semaphore(%arg15 : memref<!tpu.dma_semaphore, #tpu.memory_space<semaphore_mem>>) src(%dma_wait3A_1399 : memref<8x128xf32, #tpu.memory_space<vmem>>) dst(%dma_wait3A_1395 : memref<8x128xf32, #tpu.memory_space<hbm>>)
        %dma_wait3A_1400 = arith.constant 2 : i32
        %dma_wait3A_1401 = arith.constant 2 : i32
        %dma_wait3A_1402 = arith.constant 0 : i32
        %dma_wait3A_1403 = arith.constant 0 : i32
        %dma_wait3A_1404 = tpu.memref_slice %arg10[%dma_wait3A_1400, %dma_wait3A_1402, %dma_wait3A_1403] : memref<8x8x129xf32, #tpu.memory_space<vmem>> -> memref<1x8x128xf32, #tpu.memory_space<vmem>>
        %dma_wait3A_1405 = tpu.memref_squeeze %dma_wait3A_1404 : memref<1x8x128xf32, #tpu.memory_space<vmem>> -> memref<8x128xf32, #tpu.memory_space<vmem>>
        %dma_wait3A_1406 = arith.constant 0 : i32
        %dma_wait3A_1407 = arith.constant 0 : i32
        %dma_wait3A_1408 = tpu.memref_slice %arg5[%add3A_1193, %dma_wait3A_1401, %add3A, %dma_wait3A_1406, %dma_wait3A_1407] : memref<200x8x32x8x128xf32, #tpu.memory_space<hbm>> -> memref<1x1x1x8x128xf32, #tpu.memory_space<hbm>>
        %dma_wait3A_1409 = tpu.memref_squeeze %dma_wait3A_1408 : memref<1x1x1x8x128xf32, #tpu.memory_space<hbm>> -> memref<8x128xf32, #tpu.memory_space<hbm>>
        %dma_wait3A_1410 = arith.constant 0 : i32
        %dma_wait3A_1411 = arith.constant 0 : i32
        %dma_wait3A_1412 = tpu.memref_slice %arg5[%add3A_1193, %dma_wait3A_1401, %add3A, %dma_wait3A_1410, %dma_wait3A_1411] : memref<200x8x32x8x128xf32, #tpu.memory_space<hbm>> -> memref<1x1x1x8x128xf32, #tpu.memory_space<hbm>>
        %dma_wait3A_1413 = tpu.memref_squeeze %dma_wait3A_1412 : memref<1x1x1x8x128xf32, #tpu.memory_space<hbm>> -> memref<8x128xf32, #tpu.memory_space<hbm>>
        %dma_wait3A_1414 = arith.constant 0 : i32
        %dma_wait3A_1415 = arith.constant 0 : i32
        %dma_wait3A_1416 = tpu.memref_slice %arg10[%dma_wait3A_1400, %dma_wait3A_1414, %dma_wait3A_1415] : memref<8x8x129xf32, #tpu.memory_space<vmem>> -> memref<1x8x128xf32, #tpu.memory_space<vmem>>
        %dma_wait3A_1417 = tpu.memref_squeeze %dma_wait3A_1416 : memref<1x8x128xf32, #tpu.memory_space<vmem>> -> memref<8x128xf32, #tpu.memory_space<vmem>>
        tpu.wait_dma2 semaphore(%arg15 : memref<!tpu.dma_semaphore, #tpu.memory_space<semaphore_mem>>) src(%dma_wait3A_1417 : memref<8x128xf32, #tpu.memory_space<vmem>>) dst(%dma_wait3A_1413 : memref<8x128xf32, #tpu.memory_space<hbm>>)
        %dma_wait3A_1418 = arith.constant 3 : i32
        %dma_wait3A_1419 = arith.constant 3 : i32
        %dma_wait3A_1420 = arith.constant 0 : i32
        %dma_wait3A_1421 = arith.constant 0 : i32
        %dma_wait3A_1422 = tpu.memref_slice %arg10[%dma_wait3A_1418, %dma_wait3A_1420, %dma_wait3A_1421] : memref<8x8x129xf32, #tpu.memory_space<vmem>> -> memref<1x8x128xf32, #tpu.memory_space<vmem>>
        %dma_wait3A_1423 = tpu.memref_squeeze %dma_wait3A_1422 : memref<1x8x128xf32, #tpu.memory_space<vmem>> -> memref<8x128xf32, #tpu.memory_space<vmem>>
        %dma_wait3A_1424 = arith.constant 0 : i32
        %dma_wait3A_1425 = arith.constant 0 : i32
        %dma_wait3A_1426 = tpu.memref_slice %arg5[%add3A_1193, %dma_wait3A_1419, %add3A, %dma_wait3A_1424, %dma_wait3A_1425] : memref<200x8x32x8x128xf32, #tpu.memory_space<hbm>> -> memref<1x1x1x8x128xf32, #tpu.memory_space<hbm>>
        %dma_wait3A_1427 = tpu.memref_squeeze %dma_wait3A_1426 : memref<1x1x1x8x128xf32, #tpu.memory_space<hbm>> -> memref<8x128xf32, #tpu.memory_space<hbm>>
        %dma_wait3A_1428 = arith.constant 0 : i32
        %dma_wait3A_1429 = arith.constant 0 : i32
        %dma_wait3A_1430 = tpu.memref_slice %arg5[%add3A_1193, %dma_wait3A_1419, %add3A, %dma_wait3A_1428, %dma_wait3A_1429] : memref<200x8x32x8x128xf32, #tpu.memory_space<hbm>> -> memref<1x1x1x8x128xf32, #tpu.memory_space<hbm>>
        %dma_wait3A_1431 = tpu.memref_squeeze %dma_wait3A_1430 : memref<1x1x1x8x128xf32, #tpu.memory_space<hbm>> -> memref<8x128xf32, #tpu.memory_space<hbm>>
        %dma_wait3A_1432 = arith.constant 0 : i32
        %dma_wait3A_1433 = arith.constant 0 : i32
        %dma_wait3A_1434 = tpu.memref_slice %arg10[%dma_wait3A_1418, %dma_wait3A_1432, %dma_wait3A_1433] : memref<8x8x129xf32, #tpu.memory_space<vmem>> -> memref<1x8x128xf32, #tpu.memory_space<vmem>>
        %dma_wait3A_1435 = tpu.memref_squeeze %dma_wait3A_1434 : memref<1x8x128xf32, #tpu.memory_space<vmem>> -> memref<8x128xf32, #tpu.memory_space<vmem>>
        tpu.wait_dma2 semaphore(%arg15 : memref<!tpu.dma_semaphore, #tpu.memory_space<semaphore_mem>>) src(%dma_wait3A_1435 : memref<8x128xf32, #tpu.memory_space<vmem>>) dst(%dma_wait3A_1431 : memref<8x128xf32, #tpu.memory_space<hbm>>)
        %dma_wait3A_1436 = arith.constant 4 : i32
        %dma_wait3A_1437 = arith.constant 4 : i32
        %dma_wait3A_1438 = arith.constant 0 : i32
        %dma_wait3A_1439 = arith.constant 0 : i32
        %dma_wait3A_1440 = tpu.memref_slice %arg10[%dma_wait3A_1436, %dma_wait3A_1438, %dma_wait3A_1439] : memref<8x8x129xf32, #tpu.memory_space<vmem>> -> memref<1x8x128xf32, #tpu.memory_space<vmem>>
        %dma_wait3A_1441 = tpu.memref_squeeze %dma_wait3A_1440 : memref<1x8x128xf32, #tpu.memory_space<vmem>> -> memref<8x128xf32, #tpu.memory_space<vmem>>
        %dma_wait3A_1442 = arith.constant 0 : i32
        %dma_wait3A_1443 = arith.constant 0 : i32
        %dma_wait3A_1444 = tpu.memref_slice %arg5[%add3A_1193, %dma_wait3A_1437, %add3A, %dma_wait3A_1442, %dma_wait3A_1443] : memref<200x8x32x8x128xf32, #tpu.memory_space<hbm>> -> memref<1x1x1x8x128xf32, #tpu.memory_space<hbm>>
        %dma_wait3A_1445 = tpu.memref_squeeze %dma_wait3A_1444 : memref<1x1x1x8x128xf32, #tpu.memory_space<hbm>> -> memref<8x128xf32, #tpu.memory_space<hbm>>
        %dma_wait3A_1446 = arith.constant 0 : i32
        %dma_wait3A_1447 = arith.constant 0 : i32
        %dma_wait3A_1448 = tpu.memref_slice %arg5[%add3A_1193, %dma_wait3A_1437, %add3A, %dma_wait3A_1446, %dma_wait3A_1447] : memref<200x8x32x8x128xf32, #tpu.memory_space<hbm>> -> memref<1x1x1x8x128xf32, #tpu.memory_space<hbm>>
        %dma_wait3A_1449 = tpu.memref_squeeze %dma_wait3A_1448 : memref<1x1x1x8x128xf32, #tpu.memory_space<hbm>> -> memref<8x128xf32, #tpu.memory_space<hbm>>
        %dma_wait3A_1450 = arith.constant 0 : i32
        %dma_wait3A_1451 = arith.constant 0 : i32
        %dma_wait3A_1452 = tpu.memref_slice %arg10[%dma_wait3A_1436, %dma_wait3A_1450, %dma_wait3A_1451] : memref<8x8x129xf32, #tpu.memory_space<vmem>> -> memref<1x8x128xf32, #tpu.memory_space<vmem>>
        %dma_wait3A_1453 = tpu.memref_squeeze %dma_wait3A_1452 : memref<1x8x128xf32, #tpu.memory_space<vmem>> -> memref<8x128xf32, #tpu.memory_space<vmem>>
        tpu.wait_dma2 semaphore(%arg15 : memref<!tpu.dma_semaphore, #tpu.memory_space<semaphore_mem>>) src(%dma_wait3A_1453 : memref<8x128xf32, #tpu.memory_space<vmem>>) dst(%dma_wait3A_1449 : memref<8x128xf32, #tpu.memory_space<hbm>>)
        %dma_wait3A_1454 = arith.constant 5 : i32
        %dma_wait3A_1455 = arith.constant 5 : i32
        %dma_wait3A_1456 = arith.constant 0 : i32
        %dma_wait3A_1457 = arith.constant 0 : i32
        %dma_wait3A_1458 = tpu.memref_slice %arg10[%dma_wait3A_1454, %dma_wait3A_1456, %dma_wait3A_1457] : memref<8x8x129xf32, #tpu.memory_space<vmem>> -> memref<1x8x128xf32, #tpu.memory_space<vmem>>
        %dma_wait3A_1459 = tpu.memref_squeeze %dma_wait3A_1458 : memref<1x8x128xf32, #tpu.memory_space<vmem>> -> memref<8x128xf32, #tpu.memory_space<vmem>>
        %dma_wait3A_1460 = arith.constant 0 : i32
        %dma_wait3A_1461 = arith.constant 0 : i32
        %dma_wait3A_1462 = tpu.memref_slice %arg5[%add3A_1193, %dma_wait3A_1455, %add3A, %dma_wait3A_1460, %dma_wait3A_1461] : memref<200x8x32x8x128xf32, #tpu.memory_space<hbm>> -> memref<1x1x1x8x128xf32, #tpu.memory_space<hbm>>
        %dma_wait3A_1463 = tpu.memref_squeeze %dma_wait3A_1462 : memref<1x1x1x8x128xf32, #tpu.memory_space<hbm>> -> memref<8x128xf32, #tpu.memory_space<hbm>>
        %dma_wait3A_1464 = arith.constant 0 : i32
        %dma_wait3A_1465 = arith.constant 0 : i32
        %dma_wait3A_1466 = tpu.memref_slice %arg5[%add3A_1193, %dma_wait3A_1455, %add3A, %dma_wait3A_1464, %dma_wait3A_1465] : memref<200x8x32x8x128xf32, #tpu.memory_space<hbm>> -> memref<1x1x1x8x128xf32, #tpu.memory_space<hbm>>
        %dma_wait3A_1467 = tpu.memref_squeeze %dma_wait3A_1466 : memref<1x1x1x8x128xf32, #tpu.memory_space<hbm>> -> memref<8x128xf32, #tpu.memory_space<hbm>>
        %dma_wait3A_1468 = arith.constant 0 : i32
        %dma_wait3A_1469 = arith.constant 0 : i32
        %dma_wait3A_1470 = tpu.memref_slice %arg10[%dma_wait3A_1454, %dma_wait3A_1468, %dma_wait3A_1469] : memref<8x8x129xf32, #tpu.memory_space<vmem>> -> memref<1x8x128xf32, #tpu.memory_space<vmem>>
        %dma_wait3A_1471 = tpu.memref_squeeze %dma_wait3A_1470 : memref<1x8x128xf32, #tpu.memory_space<vmem>> -> memref<8x128xf32, #tpu.memory_space<vmem>>
        tpu.wait_dma2 semaphore(%arg15 : memref<!tpu.dma_semaphore, #tpu.memory_space<semaphore_mem>>) src(%dma_wait3A_1471 : memref<8x128xf32, #tpu.memory_space<vmem>>) dst(%dma_wait3A_1467 : memref<8x128xf32, #tpu.memory_space<hbm>>)
        %dma_wait3A_1472 = arith.constant 6 : i32
        %dma_wait3A_1473 = arith.constant 6 : i32
        %dma_wait3A_1474 = arith.constant 0 : i32
        %dma_wait3A_1475 = arith.constant 0 : i32
        %dma_wait3A_1476 = tpu.memref_slice %arg10[%dma_wait3A_1472, %dma_wait3A_1474, %dma_wait3A_1475] : memref<8x8x129xf32, #tpu.memory_space<vmem>> -> memref<1x8x128xf32, #tpu.memory_space<vmem>>
        %dma_wait3A_1477 = tpu.memref_squeeze %dma_wait3A_1476 : memref<1x8x128xf32, #tpu.memory_space<vmem>> -> memref<8x128xf32, #tpu.memory_space<vmem>>
        %dma_wait3A_1478 = arith.constant 0 : i32
        %dma_wait3A_1479 = arith.constant 0 : i32
        %dma_wait3A_1480 = tpu.memref_slice %arg5[%add3A_1193, %dma_wait3A_1473, %add3A, %dma_wait3A_1478, %dma_wait3A_1479] : memref<200x8x32x8x128xf32, #tpu.memory_space<hbm>> -> memref<1x1x1x8x128xf32, #tpu.memory_space<hbm>>
        %dma_wait3A_1481 = tpu.memref_squeeze %dma_wait3A_1480 : memref<1x1x1x8x128xf32, #tpu.memory_space<hbm>> -> memref<8x128xf32, #tpu.memory_space<hbm>>
        %dma_wait3A_1482 = arith.constant 0 : i32
        %dma_wait3A_1483 = arith.constant 0 : i32
        %dma_wait3A_1484 = tpu.memref_slice %arg5[%add3A_1193, %dma_wait3A_1473, %add3A, %dma_wait3A_1482, %dma_wait3A_1483] : memref<200x8x32x8x128xf32, #tpu.memory_space<hbm>> -> memref<1x1x1x8x128xf32, #tpu.memory_space<hbm>>
        %dma_wait3A_1485 = tpu.memref_squeeze %dma_wait3A_1484 : memref<1x1x1x8x128xf32, #tpu.memory_space<hbm>> -> memref<8x128xf32, #tpu.memory_space<hbm>>
        %dma_wait3A_1486 = arith.constant 0 : i32
        %dma_wait3A_1487 = arith.constant 0 : i32
        %dma_wait3A_1488 = tpu.memref_slice %arg10[%dma_wait3A_1472, %dma_wait3A_1486, %dma_wait3A_1487] : memref<8x8x129xf32, #tpu.memory_space<vmem>> -> memref<1x8x128xf32, #tpu.memory_space<vmem>>
        %dma_wait3A_1489 = tpu.memref_squeeze %dma_wait3A_1488 : memref<1x8x128xf32, #tpu.memory_space<vmem>> -> memref<8x128xf32, #tpu.memory_space<vmem>>
        tpu.wait_dma2 semaphore(%arg15 : memref<!tpu.dma_semaphore, #tpu.memory_space<semaphore_mem>>) src(%dma_wait3A_1489 : memref<8x128xf32, #tpu.memory_space<vmem>>) dst(%dma_wait3A_1485 : memref<8x128xf32, #tpu.memory_space<hbm>>)
        %dma_wait3A_1490 = arith.constant 7 : i32
        %dma_wait3A_1491 = arith.constant 7 : i32
        %dma_wait3A_1492 = arith.constant 0 : i32
        %dma_wait3A_1493 = arith.constant 0 : i32
        %dma_wait3A_1494 = tpu.memref_slice %arg10[%dma_wait3A_1490, %dma_wait3A_1492, %dma_wait3A_1493] : memref<8x8x129xf32, #tpu.memory_space<vmem>> -> memref<1x8x128xf32, #tpu.memory_space<vmem>>
        %dma_wait3A_1495 = tpu.memref_squeeze %dma_wait3A_1494 : memref<1x8x128xf32, #tpu.memory_space<vmem>> -> memref<8x128xf32, #tpu.memory_space<vmem>>
        %dma_wait3A_1496 = arith.constant 0 : i32
        %dma_wait3A_1497 = arith.constant 0 : i32
        %dma_wait3A_1498 = tpu.memref_slice %arg5[%add3A_1193, %dma_wait3A_1491, %add3A, %dma_wait3A_1496, %dma_wait3A_1497] : memref<200x8x32x8x128xf32, #tpu.memory_space<hbm>> -> memref<1x1x1x8x128xf32, #tpu.memory_space<hbm>>
        %dma_wait3A_1499 = tpu.memref_squeeze %dma_wait3A_1498 : memref<1x1x1x8x128xf32, #tpu.memory_space<hbm>> -> memref<8x128xf32, #tpu.memory_space<hbm>>
        %dma_wait3A_1500 = arith.constant 0 : i32
        %dma_wait3A_1501 = arith.constant 0 : i32
        %dma_wait3A_1502 = tpu.memref_slice %arg5[%add3A_1193, %dma_wait3A_1491, %add3A, %dma_wait3A_1500, %dma_wait3A_1501] : memref<200x8x32x8x128xf32, #tpu.memory_space<hbm>> -> memref<1x1x1x8x128xf32, #tpu.memory_space<hbm>>
        %dma_wait3A_1503 = tpu.memref_squeeze %dma_wait3A_1502 : memref<1x1x1x8x128xf32, #tpu.memory_space<hbm>> -> memref<8x128xf32, #tpu.memory_space<hbm>>
        %dma_wait3A_1504 = arith.constant 0 : i32
        %dma_wait3A_1505 = arith.constant 0 : i32
        %dma_wait3A_1506 = tpu.memref_slice %arg10[%dma_wait3A_1490, %dma_wait3A_1504, %dma_wait3A_1505] : memref<8x8x129xf32, #tpu.memory_space<vmem>> -> memref<1x8x128xf32, #tpu.memory_space<vmem>>
        %dma_wait3A_1507 = tpu.memref_squeeze %dma_wait3A_1506 : memref<1x8x128xf32, #tpu.memory_space<vmem>> -> memref<8x128xf32, #tpu.memory_space<vmem>>
        tpu.wait_dma2 semaphore(%arg15 : memref<!tpu.dma_semaphore, #tpu.memory_space<semaphore_mem>>) src(%dma_wait3A_1507 : memref<8x128xf32, #tpu.memory_space<vmem>>) dst(%dma_wait3A_1503 : memref<8x128xf32, #tpu.memory_space<hbm>>)
      } else {
      }
      %get3A_1205 = arith.index_cast %add3A_1193 : i32 to index
      %get3A_1206 = arith.constant 0 : index
      %get3A_1207 = tpu.vector_load %arg11[%get3A_1205, %get3A_1206] {strides = array<i32>} : memref<200x64xf32, #tpu.memory_space<vmem>>, vector<16xf32>,
      %get3A_1208 = arith.index_cast %add3A_1193 : i32 to index
      %get3A_1209 = arith.constant 16 : index
      %get3A_1210 = tpu.vector_load %arg11[%get3A_1208, %get3A_1209] {strides = array<i32>} : memref<200x64xf32, #tpu.memory_space<vmem>>, vector<16xf32>,
      %get3A_1211 = arith.index_cast %add3A_1193 : i32 to index
      %get3A_1212 = arith.constant 32 : index
      %get3A_1213 = tpu.vector_load %arg11[%get3A_1211, %get3A_1212] {strides = array<i32>} : memref<200x64xf32, #tpu.memory_space<vmem>>, vector<16xf32>,
      %get3A_1214 = arith.index_cast %add3A_1193 : i32 to index
      %get3A_1215 = arith.constant 48 : index
      %get3A_1216 = tpu.vector_load %arg11[%get3A_1214, %get3A_1215] {strides = array<i32>} : memref<200x64xf32, #tpu.memory_space<vmem>>, vector<16xf32>,
      %parallel_loop3A_1217 = arith.constant 0 : i32
      %parallel_loop3A_1218 = arith.constant 128 : i32
      %parallel_loop3A_1219 = arith.constant 1 : i32
      scf.for %parallel_loop3A_1364 = %parallel_loop3A_1217 to %parallel_loop3A_1218 step %parallel_loop3A_1219  : i32 {
        %parallel_loop3A_1365 = arith.constant 0 : i32
        %parallel_loop3A_1366 = vector.broadcast %parallel_loop3A_1365 : i32 to vector<16xi32>
        %parallel_loop3A_1367 = arith.muli %iota3A, %parallel_loop3A_1366 : vector<16xi32>
        %parallel_loop3A_1368 = vector.broadcast %parallel_loop3A_1364 : i32 to vector<16xi32>
        %parallel_loop3A_1369 = arith.addi %parallel_loop3A_1367, %parallel_loop3A_1368 : vector<16xi32>
        %parallel_loop3A_1370 = arith.index_cast %parallel_loop3A_1364 : i32 to index
        %parallel_loop3A_1371 = arith.constant 0 : index
        %parallel_loop3A_1372 = tpu.vector_load %arg8[%parallel_loop3A_1370, %parallel_loop3A_1371] {strides = array<i32>} : memref<128x64xf32, #tpu.memory_space<vmem>>, vector<16xf32>,
        %parallel_loop3A_1373 = arith.addf %parallel_loop3A_1372, %get3A_1207 : vector<16xf32>
        tpu.vector_store_idx %arg10[%add3A_9, %and3A_4, %parallel_loop3A_1369], %parallel_loop3A_1373 : memref<8x8x129xf32, #tpu.memory_space<vmem>>[vector<16xi32>, vector<16xi32>, vector<16xi32>], vector<16xf32>,
        %parallel_loop3A_1374 = arith.index_cast %parallel_loop3A_1364 : i32 to index
        %parallel_loop3A_1375 = arith.constant 16 : index
        %parallel_loop3A_1376 = tpu.vector_load %arg8[%parallel_loop3A_1374, %parallel_loop3A_1375] {strides = array<i32>} : memref<128x64xf32, #tpu.memory_space<vmem>>, vector<16xf32>,
        %parallel_loop3A_1377 = arith.addf %parallel_loop3A_1376, %get3A_1210 : vector<16xf32>
        tpu.vector_store_idx %arg10[%add3A_15, %and3A_4, %parallel_loop3A_1369], %parallel_loop3A_1377 : memref<8x8x129xf32, #tpu.memory_space<vmem>>[vector<16xi32>, vector<16xi32>, vector<16xi32>], vector<16xf32>,
        %parallel_loop3A_1378 = arith.index_cast %parallel_loop3A_1364 : i32 to index
        %parallel_loop3A_1379 = arith.constant 32 : index
        %parallel_loop3A_1380 = tpu.vector_load %arg8[%parallel_loop3A_1378, %parallel_loop3A_1379] {strides = array<i32>} : memref<128x64xf32, #tpu.memory_space<vmem>>, vector<16xf32>,
        %parallel_loop3A_1381 = arith.addf %parallel_loop3A_1380, %get3A_1213 : vector<16xf32>
        tpu.vector_store_idx %arg10[%add3A_21, %and3A_4, %parallel_loop3A_1369], %parallel_loop3A_1381 : memref<8x8x129xf32, #tpu.memory_space<vmem>>[vector<16xi32>, vector<16xi32>, vector<16xi32>], vector<16xf32>,
        %parallel_loop3A_1382 = arith.index_cast %parallel_loop3A_1364 : i32 to index
        %parallel_loop3A_1383 = arith.constant 48 : index
        %parallel_loop3A_1384 = tpu.vector_load %arg8[%parallel_loop3A_1382, %parallel_loop3A_1383] {strides = array<i32>} : memref<128x64xf32, #tpu.memory_space<vmem>>, vector<16xf32>,
        %parallel_loop3A_1385 = arith.addf %parallel_loop3A_1384, %get3A_1216 : vector<16xf32>
        tpu.vector_store_idx %arg10[%add3A_27, %and3A_4, %parallel_loop3A_1369], %parallel_loop3A_1385 : memref<8x8x129xf32, #tpu.memory_space<vmem>>[vector<16xi32>, vector<16xi32>, vector<16xi32>], vector<16xf32>,
      } {sc.loop_unroll_factor = 4 : i64, sc.parallel_access}
      %dma_start3A_1220 = arith.constant 0 : i32
      %dma_start3A_1221 = arith.constant 0 : i32
      %dma_start3A_1222 = arith.constant 0 : i32
      %dma_start3A_1223 = arith.constant 0 : i32
      %dma_start3A_1224 = tpu.memref_slice %arg10[%dma_start3A_1220, %dma_start3A_1222, %dma_start3A_1223] : memref<8x8x129xf32, #tpu.memory_space<vmem>> -> memref<1x8x128xf32, #tpu.memory_space<vmem>>
      %dma_start3A_1225 = tpu.memref_squeeze %dma_start3A_1224 : memref<1x8x128xf32, #tpu.memory_space<vmem>> -> memref<8x128xf32, #tpu.memory_space<vmem>>
      %dma_start3A_1226 = arith.constant 0 : i32
      %dma_start3A_1227 = arith.constant 0 : i32
      %dma_start3A_1228 = tpu.memref_slice %arg5[%add3A_1193, %dma_start3A_1221, %add3A, %dma_start3A_1226, %dma_start3A_1227] : memref<200x8x32x8x128xf32, #tpu.memory_space<hbm>> -> memref<1x1x1x8x128xf32, #tpu.memory_space<hbm>>
      %dma_start3A_1229 = tpu.memref_squeeze %dma_start3A_1228 : memref<1x1x1x8x128xf32, #tpu.memory_space<hbm>> -> memref<8x128xf32, #tpu.memory_space<hbm>>
      %dma_start3A_1230 = arith.constant 0 : i32
      %dma_start3A_1231 = arith.constant 0 : i32
      %dma_start3A_1232 = tpu.memref_slice %arg5[%add3A_1193, %dma_start3A_1221, %add3A, %dma_start3A_1230, %dma_start3A_1231] : memref<200x8x32x8x128xf32, #tpu.memory_space<hbm>> -> memref<1x1x1x8x128xf32, #tpu.memory_space<hbm>>
      %dma_start3A_1233 = tpu.memref_squeeze %dma_start3A_1232 : memref<1x1x1x8x128xf32, #tpu.memory_space<hbm>> -> memref<8x128xf32, #tpu.memory_space<hbm>>
      %dma_start3A_1234 = arith.constant 0 : i32
      %dma_start3A_1235 = arith.constant 0 : i32
      %dma_start3A_1236 = tpu.memref_slice %arg10[%dma_start3A_1220, %dma_start3A_1234, %dma_start3A_1235] : memref<8x8x129xf32, #tpu.memory_space<vmem>> -> memref<1x8x128xf32, #tpu.memory_space<vmem>>
      %dma_start3A_1237 = tpu.memref_squeeze %dma_start3A_1236 : memref<1x8x128xf32, #tpu.memory_space<vmem>> -> memref<8x128xf32, #tpu.memory_space<vmem>>
      tpu.enqueue_dma source(%dma_start3A_1237 : memref<8x128xf32, #tpu.memory_space<vmem>>) target(%dma_start3A_1233 : memref<8x128xf32, #tpu.memory_space<hbm>>) target_semaphore(%arg15 : memref<!tpu.dma_semaphore, #tpu.memory_space<semaphore_mem>>)
      %dma_start3A_1238 = arith.constant 1 : i32
      %dma_start3A_1239 = arith.constant 1 : i32
      %dma_start3A_1240 = arith.constant 0 : i32
      %dma_start3A_1241 = arith.constant 0 : i32
      %dma_start3A_1242 = tpu.memref_slice %arg10[%dma_start3A_1238, %dma_start3A_1240, %dma_start3A_1241] : memref<8x8x129xf32, #tpu.memory_space<vmem>> -> memref<1x8x128xf32, #tpu.memory_space<vmem>>
      %dma_start3A_1243 = tpu.memref_squeeze %dma_start3A_1242 : memref<1x8x128xf32, #tpu.memory_space<vmem>> -> memref<8x128xf32, #tpu.memory_space<vmem>>
      %dma_start3A_1244 = arith.constant 0 : i32
      %dma_start3A_1245 = arith.constant 0 : i32
      %dma_start3A_1246 = tpu.memref_slice %arg5[%add3A_1193, %dma_start3A_1239, %add3A, %dma_start3A_1244, %dma_start3A_1245] : memref<200x8x32x8x128xf32, #tpu.memory_space<hbm>> -> memref<1x1x1x8x128xf32, #tpu.memory_space<hbm>>
      %dma_start3A_1247 = tpu.memref_squeeze %dma_start3A_1246 : memref<1x1x1x8x128xf32, #tpu.memory_space<hbm>> -> memref<8x128xf32, #tpu.memory_space<hbm>>
      %dma_start3A_1248 = arith.constant 0 : i32
      %dma_start3A_1249 = arith.constant 0 : i32
      %dma_start3A_1250 = tpu.memref_slice %arg5[%add3A_1193, %dma_start3A_1239, %add3A, %dma_start3A_1248, %dma_start3A_1249] : memref<200x8x32x8x128xf32, #tpu.memory_space<hbm>> -> memref<1x1x1x8x128xf32, #tpu.memory_space<hbm>>
      %dma_start3A_1251 = tpu.memref_squeeze %dma_start3A_1250 : memref<1x1x1x8x128xf32, #tpu.memory_space<hbm>> -> memref<8x128xf32, #tpu.memory_space<hbm>>
      %dma_start3A_1252 = arith.constant 0 : i32
      %dma_start3A_1253 = arith.constant 0 : i32
      %dma_start3A_1254 = tpu.memref_slice %arg10[%dma_start3A_1238, %dma_start3A_1252, %dma_start3A_1253] : memref<8x8x129xf32, #tpu.memory_space<vmem>> -> memref<1x8x128xf32, #tpu.memory_space<vmem>>
      %dma_start3A_1255 = tpu.memref_squeeze %dma_start3A_1254 : memref<1x8x128xf32, #tpu.memory_space<vmem>> -> memref<8x128xf32, #tpu.memory_space<vmem>>
      tpu.enqueue_dma source(%dma_start3A_1255 : memref<8x128xf32, #tpu.memory_space<vmem>>) target(%dma_start3A_1251 : memref<8x128xf32, #tpu.memory_space<hbm>>) target_semaphore(%arg15 : memref<!tpu.dma_semaphore, #tpu.memory_space<semaphore_mem>>)
      %dma_start3A_1256 = arith.constant 2 : i32
      %dma_start3A_1257 = arith.constant 2 : i32
      %dma_start3A_1258 = arith.constant 0 : i32
      %dma_start3A_1259 = arith.constant 0 : i32
      %dma_start3A_1260 = tpu.memref_slice %arg10[%dma_start3A_1256, %dma_start3A_1258, %dma_start3A_1259] : memref<8x8x129xf32, #tpu.memory_space<vmem>> -> memref<1x8x128xf32, #tpu.memory_space<vmem>>
      %dma_start3A_1261 = tpu.memref_squeeze %dma_start3A_1260 : memref<1x8x128xf32, #tpu.memory_space<vmem>> -> memref<8x128xf32, #tpu.memory_space<vmem>>
      %dma_start3A_1262 = arith.constant 0 : i32
      %dma_start3A_1263 = arith.constant 0 : i32
      %dma_start3A_1264 = tpu.memref_slice %arg5[%add3A_1193, %dma_start3A_1257, %add3A, %dma_start3A_1262, %dma_start3A_1263] : memref<200x8x32x8x128xf32, #tpu.memory_space<hbm>> -> memref<1x1x1x8x128xf32, #tpu.memory_space<hbm>>
      %dma_start3A_1265 = tpu.memref_squeeze %dma_start3A_1264 : memref<1x1x1x8x128xf32, #tpu.memory_space<hbm>> -> memref<8x128xf32, #tpu.memory_space<hbm>>
      %dma_start3A_1266 = arith.constant 0 : i32
      %dma_start3A_1267 = arith.constant 0 : i32
      %dma_start3A_1268 = tpu.memref_slice %arg5[%add3A_1193, %dma_start3A_1257, %add3A, %dma_start3A_1266, %dma_start3A_1267] : memref<200x8x32x8x128xf32, #tpu.memory_space<hbm>> -> memref<1x1x1x8x128xf32, #tpu.memory_space<hbm>>
      %dma_start3A_1269 = tpu.memref_squeeze %dma_start3A_1268 : memref<1x1x1x8x128xf32, #tpu.memory_space<hbm>> -> memref<8x128xf32, #tpu.memory_space<hbm>>
      %dma_start3A_1270 = arith.constant 0 : i32
      %dma_start3A_1271 = arith.constant 0 : i32
      %dma_start3A_1272 = tpu.memref_slice %arg10[%dma_start3A_1256, %dma_start3A_1270, %dma_start3A_1271] : memref<8x8x129xf32, #tpu.memory_space<vmem>> -> memref<1x8x128xf32, #tpu.memory_space<vmem>>
      %dma_start3A_1273 = tpu.memref_squeeze %dma_start3A_1272 : memref<1x8x128xf32, #tpu.memory_space<vmem>> -> memref<8x128xf32, #tpu.memory_space<vmem>>
      tpu.enqueue_dma source(%dma_start3A_1273 : memref<8x128xf32, #tpu.memory_space<vmem>>) target(%dma_start3A_1269 : memref<8x128xf32, #tpu.memory_space<hbm>>) target_semaphore(%arg15 : memref<!tpu.dma_semaphore, #tpu.memory_space<semaphore_mem>>)
      %dma_start3A_1274 = arith.constant 3 : i32
      %dma_start3A_1275 = arith.constant 3 : i32
      %dma_start3A_1276 = arith.constant 0 : i32
      %dma_start3A_1277 = arith.constant 0 : i32
      %dma_start3A_1278 = tpu.memref_slice %arg10[%dma_start3A_1274, %dma_start3A_1276, %dma_start3A_1277] : memref<8x8x129xf32, #tpu.memory_space<vmem>> -> memref<1x8x128xf32, #tpu.memory_space<vmem>>
      %dma_start3A_1279 = tpu.memref_squeeze %dma_start3A_1278 : memref<1x8x128xf32, #tpu.memory_space<vmem>> -> memref<8x128xf32, #tpu.memory_space<vmem>>
      %dma_start3A_1280 = arith.constant 0 : i32
      %dma_start3A_1281 = arith.constant 0 : i32
      %dma_start3A_1282 = tpu.memref_slice %arg5[%add3A_1193, %dma_start3A_1275, %add3A, %dma_start3A_1280, %dma_start3A_1281] : memref<200x8x32x8x128xf32, #tpu.memory_space<hbm>> -> memref<1x1x1x8x128xf32, #tpu.memory_space<hbm>>
      %dma_start3A_1283 = tpu.memref_squeeze %dma_start3A_1282 : memref<1x1x1x8x128xf32, #tpu.memory_space<hbm>> -> memref<8x128xf32, #tpu.memory_space<hbm>>
      %dma_start3A_1284 = arith.constant 0 : i32
      %dma_start3A_1285 = arith.constant 0 : i32
      %dma_start3A_1286 = tpu.memref_slice %arg5[%add3A_1193, %dma_start3A_1275, %add3A, %dma_start3A_1284, %dma_start3A_1285] : memref<200x8x32x8x128xf32, #tpu.memory_space<hbm>> -> memref<1x1x1x8x128xf32, #tpu.memory_space<hbm>>
      %dma_start3A_1287 = tpu.memref_squeeze %dma_start3A_1286 : memref<1x1x1x8x128xf32, #tpu.memory_space<hbm>> -> memref<8x128xf32, #tpu.memory_space<hbm>>
      %dma_start3A_1288 = arith.constant 0 : i32
      %dma_start3A_1289 = arith.constant 0 : i32
      %dma_start3A_1290 = tpu.memref_slice %arg10[%dma_start3A_1274, %dma_start3A_1288, %dma_start3A_1289] : memref<8x8x129xf32, #tpu.memory_space<vmem>> -> memref<1x8x128xf32, #tpu.memory_space<vmem>>
      %dma_start3A_1291 = tpu.memref_squeeze %dma_start3A_1290 : memref<1x8x128xf32, #tpu.memory_space<vmem>> -> memref<8x128xf32, #tpu.memory_space<vmem>>
      tpu.enqueue_dma source(%dma_start3A_1291 : memref<8x128xf32, #tpu.memory_space<vmem>>) target(%dma_start3A_1287 : memref<8x128xf32, #tpu.memory_space<hbm>>) target_semaphore(%arg15 : memref<!tpu.dma_semaphore, #tpu.memory_space<semaphore_mem>>)
      %dma_start3A_1292 = arith.constant 4 : i32
      %dma_start3A_1293 = arith.constant 4 : i32
      %dma_start3A_1294 = arith.constant 0 : i32
      %dma_start3A_1295 = arith.constant 0 : i32
      %dma_start3A_1296 = tpu.memref_slice %arg10[%dma_start3A_1292, %dma_start3A_1294, %dma_start3A_1295] : memref<8x8x129xf32, #tpu.memory_space<vmem>> -> memref<1x8x128xf32, #tpu.memory_space<vmem>>
      %dma_start3A_1297 = tpu.memref_squeeze %dma_start3A_1296 : memref<1x8x128xf32, #tpu.memory_space<vmem>> -> memref<8x128xf32, #tpu.memory_space<vmem>>
      %dma_start3A_1298 = arith.constant 0 : i32
      %dma_start3A_1299 = arith.constant 0 : i32
      %dma_start3A_1300 = tpu.memref_slice %arg5[%add3A_1193, %dma_start3A_1293, %add3A, %dma_start3A_1298, %dma_start3A_1299] : memref<200x8x32x8x128xf32, #tpu.memory_space<hbm>> -> memref<1x1x1x8x128xf32, #tpu.memory_space<hbm>>
      %dma_start3A_1301 = tpu.memref_squeeze %dma_start3A_1300 : memref<1x1x1x8x128xf32, #tpu.memory_space<hbm>> -> memref<8x128xf32, #tpu.memory_space<hbm>>
      %dma_start3A_1302 = arith.constant 0 : i32
      %dma_start3A_1303 = arith.constant 0 : i32
      %dma_start3A_1304 = tpu.memref_slice %arg5[%add3A_1193, %dma_start3A_1293, %add3A, %dma_start3A_1302, %dma_start3A_1303] : memref<200x8x32x8x128xf32, #tpu.memory_space<hbm>> -> memref<1x1x1x8x128xf32, #tpu.memory_space<hbm>>
      %dma_start3A_1305 = tpu.memref_squeeze %dma_start3A_1304 : memref<1x1x1x8x128xf32, #tpu.memory_space<hbm>> -> memref<8x128xf32, #tpu.memory_space<hbm>>
      %dma_start3A_1306 = arith.constant 0 : i32
      %dma_start3A_1307 = arith.constant 0 : i32
      %dma_start3A_1308 = tpu.memref_slice %arg10[%dma_start3A_1292, %dma_start3A_1306, %dma_start3A_1307] : memref<8x8x129xf32, #tpu.memory_space<vmem>> -> memref<1x8x128xf32, #tpu.memory_space<vmem>>
      %dma_start3A_1309 = tpu.memref_squeeze %dma_start3A_1308 : memref<1x8x128xf32, #tpu.memory_space<vmem>> -> memref<8x128xf32, #tpu.memory_space<vmem>>
      tpu.enqueue_dma source(%dma_start3A_1309 : memref<8x128xf32, #tpu.memory_space<vmem>>) target(%dma_start3A_1305 : memref<8x128xf32, #tpu.memory_space<hbm>>) target_semaphore(%arg15 : memref<!tpu.dma_semaphore, #tpu.memory_space<semaphore_mem>>)
      %dma_start3A_1310 = arith.constant 5 : i32
      %dma_start3A_1311 = arith.constant 5 : i32
      %dma_start3A_1312 = arith.constant 0 : i32
      %dma_start3A_1313 = arith.constant 0 : i32
      %dma_start3A_1314 = tpu.memref_slice %arg10[%dma_start3A_1310, %dma_start3A_1312, %dma_start3A_1313] : memref<8x8x129xf32, #tpu.memory_space<vmem>> -> memref<1x8x128xf32, #tpu.memory_space<vmem>>
      %dma_start3A_1315 = tpu.memref_squeeze %dma_start3A_1314 : memref<1x8x128xf32, #tpu.memory_space<vmem>> -> memref<8x128xf32, #tpu.memory_space<vmem>>
      %dma_start3A_1316 = arith.constant 0 : i32
      %dma_start3A_1317 = arith.constant 0 : i32
      %dma_start3A_1318 = tpu.memref_slice %arg5[%add3A_1193, %dma_start3A_1311, %add3A, %dma_start3A_1316, %dma_start3A_1317] : memref<200x8x32x8x128xf32, #tpu.memory_space<hbm>> -> memref<1x1x1x8x128xf32, #tpu.memory_space<hbm>>
      %dma_start3A_1319 = tpu.memref_squeeze %dma_start3A_1318 : memref<1x1x1x8x128xf32, #tpu.memory_space<hbm>> -> memref<8x128xf32, #tpu.memory_space<hbm>>
      %dma_start3A_1320 = arith.constant 0 : i32
      %dma_start3A_1321 = arith.constant 0 : i32
      %dma_start3A_1322 = tpu.memref_slice %arg5[%add3A_1193, %dma_start3A_1311, %add3A, %dma_start3A_1320, %dma_start3A_1321] : memref<200x8x32x8x128xf32, #tpu.memory_space<hbm>> -> memref<1x1x1x8x128xf32, #tpu.memory_space<hbm>>
      %dma_start3A_1323 = tpu.memref_squeeze %dma_start3A_1322 : memref<1x1x1x8x128xf32, #tpu.memory_space<hbm>> -> memref<8x128xf32, #tpu.memory_space<hbm>>
      %dma_start3A_1324 = arith.constant 0 : i32
      %dma_start3A_1325 = arith.constant 0 : i32
      %dma_start3A_1326 = tpu.memref_slice %arg10[%dma_start3A_1310, %dma_start3A_1324, %dma_start3A_1325] : memref<8x8x129xf32, #tpu.memory_space<vmem>> -> memref<1x8x128xf32, #tpu.memory_space<vmem>>
      %dma_start3A_1327 = tpu.memref_squeeze %dma_start3A_1326 : memref<1x8x128xf32, #tpu.memory_space<vmem>> -> memref<8x128xf32, #tpu.memory_space<vmem>>
      tpu.enqueue_dma source(%dma_start3A_1327 : memref<8x128xf32, #tpu.memory_space<vmem>>) target(%dma_start3A_1323 : memref<8x128xf32, #tpu.memory_space<hbm>>) target_semaphore(%arg15 : memref<!tpu.dma_semaphore, #tpu.memory_space<semaphore_mem>>)
      %dma_start3A_1328 = arith.constant 6 : i32
      %dma_start3A_1329 = arith.constant 6 : i32
      %dma_start3A_1330 = arith.constant 0 : i32
      %dma_start3A_1331 = arith.constant 0 : i32
      %dma_start3A_1332 = tpu.memref_slice %arg10[%dma_start3A_1328, %dma_start3A_1330, %dma_start3A_1331] : memref<8x8x129xf32, #tpu.memory_space<vmem>> -> memref<1x8x128xf32, #tpu.memory_space<vmem>>
      %dma_start3A_1333 = tpu.memref_squeeze %dma_start3A_1332 : memref<1x8x128xf32, #tpu.memory_space<vmem>> -> memref<8x128xf32, #tpu.memory_space<vmem>>
      %dma_start3A_1334 = arith.constant 0 : i32
      %dma_start3A_1335 = arith.constant 0 : i32
      %dma_start3A_1336 = tpu.memref_slice %arg5[%add3A_1193, %dma_start3A_1329, %add3A, %dma_start3A_1334, %dma_start3A_1335] : memref<200x8x32x8x128xf32, #tpu.memory_space<hbm>> -> memref<1x1x1x8x128xf32, #tpu.memory_space<hbm>>
      %dma_start3A_1337 = tpu.memref_squeeze %dma_start3A_1336 : memref<1x1x1x8x128xf32, #tpu.memory_space<hbm>> -> memref<8x128xf32, #tpu.memory_space<hbm>>
      %dma_start3A_1338 = arith.constant 0 : i32
      %dma_start3A_1339 = arith.constant 0 : i32
      %dma_start3A_1340 = tpu.memref_slice %arg5[%add3A_1193, %dma_start3A_1329, %add3A, %dma_start3A_1338, %dma_start3A_1339] : memref<200x8x32x8x128xf32, #tpu.memory_space<hbm>> -> memref<1x1x1x8x128xf32, #tpu.memory_space<hbm>>
      %dma_start3A_1341 = tpu.memref_squeeze %dma_start3A_1340 : memref<1x1x1x8x128xf32, #tpu.memory_space<hbm>> -> memref<8x128xf32, #tpu.memory_space<hbm>>
      %dma_start3A_1342 = arith.constant 0 : i32
      %dma_start3A_1343 = arith.constant 0 : i32
      %dma_start3A_1344 = tpu.memref_slice %arg10[%dma_start3A_1328, %dma_start3A_1342, %dma_start3A_1343] : memref<8x8x129xf32, #tpu.memory_space<vmem>> -> memref<1x8x128xf32, #tpu.memory_space<vmem>>
      %dma_start3A_1345 = tpu.memref_squeeze %dma_start3A_1344 : memref<1x8x128xf32, #tpu.memory_space<vmem>> -> memref<8x128xf32, #tpu.memory_space<vmem>>
      tpu.enqueue_dma source(%dma_start3A_1345 : memref<8x128xf32, #tpu.memory_space<vmem>>) target(%dma_start3A_1341 : memref<8x128xf32, #tpu.memory_space<hbm>>) target_semaphore(%arg15 : memref<!tpu.dma_semaphore, #tpu.memory_space<semaphore_mem>>)
      %dma_start3A_1346 = arith.constant 7 : i32
      %dma_start3A_1347 = arith.constant 7 : i32
      %dma_start3A_1348 = arith.constant 0 : i32
      %dma_start3A_1349 = arith.constant 0 : i32
      %dma_start3A_1350 = tpu.memref_slice %arg10[%dma_start3A_1346, %dma_start3A_1348, %dma_start3A_1349] : memref<8x8x129xf32, #tpu.memory_space<vmem>> -> memref<1x8x128xf32, #tpu.memory_space<vmem>>
      %dma_start3A_1351 = tpu.memref_squeeze %dma_start3A_1350 : memref<1x8x128xf32, #tpu.memory_space<vmem>> -> memref<8x128xf32, #tpu.memory_space<vmem>>
      %dma_start3A_1352 = arith.constant 0 : i32
      %dma_start3A_1353 = arith.constant 0 : i32
      %dma_start3A_1354 = tpu.memref_slice %arg5[%add3A_1193, %dma_start3A_1347, %add3A, %dma_start3A_1352, %dma_start3A_1353] : memref<200x8x32x8x128xf32, #tpu.memory_space<hbm>> -> memref<1x1x1x8x128xf32, #tpu.memory_space<hbm>>
      %dma_start3A_1355 = tpu.memref_squeeze %dma_start3A_1354 : memref<1x1x1x8x128xf32, #tpu.memory_space<hbm>> -> memref<8x128xf32, #tpu.memory_space<hbm>>
      %dma_start3A_1356 = arith.constant 0 : i32
      %dma_start3A_1357 = arith.constant 0 : i32
      %dma_start3A_1358 = tpu.memref_slice %arg5[%add3A_1193, %dma_start3A_1347, %add3A, %dma_start3A_1356, %dma_start3A_1357] : memref<200x8x32x8x128xf32, #tpu.memory_space<hbm>> -> memref<1x1x1x8x128xf32, #tpu.memory_space<hbm>>
      %dma_start3A_1359 = tpu.memref_squeeze %dma_start3A_1358 : memref<1x1x1x8x128xf32, #tpu.memory_space<hbm>> -> memref<8x128xf32, #tpu.memory_space<hbm>>
      %dma_start3A_1360 = arith.constant 0 : i32
      %dma_start3A_1361 = arith.constant 0 : i32
      %dma_start3A_1362 = tpu.memref_slice %arg10[%dma_start3A_1346, %dma_start3A_1360, %dma_start3A_1361] : memref<8x8x129xf32, #tpu.memory_space<vmem>> -> memref<1x8x128xf32, #tpu.memory_space<vmem>>
      %dma_start3A_1363 = tpu.memref_squeeze %dma_start3A_1362 : memref<1x8x128xf32, #tpu.memory_space<vmem>> -> memref<8x128xf32, #tpu.memory_space<vmem>>
      tpu.enqueue_dma source(%dma_start3A_1363 : memref<8x128xf32, #tpu.memory_space<vmem>>) target(%dma_start3A_1359 : memref<8x128xf32, #tpu.memory_space<hbm>>) target_semaphore(%arg15 : memref<!tpu.dma_semaphore, #tpu.memory_space<semaphore_mem>>)
    }
    %scan3A_38 = arith.constant 99 : i32
    %dma_start3A_39 = arith.constant 199 : i32
    %dma_start3A_40 = arith.constant 0 : i32
    %dma_start3A_41 = tpu.memref_slice %arg6[%dma_start3A_39, %dma_start3A_40] : memref<200x128xi32, #tpu.memory_space<vmem>> -> memref<1x128xi32, #tpu.memory_space<vmem>>
    %dma_start3A_42 = tpu.memref_squeeze %dma_start3A_41 : memref<1x128xi32, #tpu.memory_space<vmem>> -> memref<128xi32, #tpu.memory_space<vmem>>
    %dma_start3A_43 = arith.constant 0 : i32
    %dma_start3A_44 = arith.constant 0 : i32
    %dma_start3A_45 = tpu.memref_slice %arg3[%dma_start3A_43, %dma_start3A_44] : memref<1000000x64xf32, #tpu.memory_space<hbm>> -> memref<1000000x64xf32, #tpu.memory_space<hbm>>
    tpu.enqueue_indirect_dma source(%dma_start3A_45 : memref<1000000x64xf32, #tpu.memory_space<hbm>>) target(%arg8 : memref<128x64xf32, #tpu.memory_space<vmem>>) offsets(%dma_start3A_42 : memref<128xi32, #tpu.memory_space<vmem>>) semaphore(%arg13 : memref<!tpu.dma_semaphore, #tpu.memory_space<semaphore_mem>>)
    %dma_wait3A = arith.constant 0 : i32
    %dma_wait3A_46 = arith.constant 0 : i32
    %dma_wait3A_47 = tpu.memref_slice %arg3[%dma_wait3A, %dma_wait3A_46] : memref<1000000x64xf32, #tpu.memory_space<hbm>> -> memref<128x64xf32, #tpu.memory_space<hbm>>
    %dma_wait3A_48 = arith.constant 0 : i32
    %dma_wait3A_49 = arith.constant 0 : i32
    %dma_wait3A_50 = tpu.memref_slice %arg3[%dma_wait3A_48, %dma_wait3A_49] : memref<1000000x64xf32, #tpu.memory_space<hbm>> -> memref<128x64xf32, #tpu.memory_space<hbm>>
    tpu.wait_dma2 semaphore(%arg12 : memref<!tpu.dma_semaphore, #tpu.memory_space<semaphore_mem>>) src(%dma_wait3A_50 : memref<128x64xf32, #tpu.memory_space<hbm>>) dst(%arg7 : memref<128x64xf32, #tpu.memory_space<vmem>>)
    %dma_wait3A_51 = arith.constant 0 : i32
    %dma_wait3A_52 = arith.constant 198 : i32
    %dma_wait3A_53 = arith.constant 0 : i32
    %dma_wait3A_54 = arith.constant 0 : i32
    %dma_wait3A_55 = arith.constant 0 : i32
    %dma_wait3A_56 = tpu.memref_slice %arg9[%dma_wait3A_51, %dma_wait3A_54, %dma_wait3A_55] : memref<8x8x129xf32, #tpu.memory_space<vmem>> -> memref<1x8x128xf32, #tpu.memory_space<vmem>>
    %dma_wait3A_57 = tpu.memref_squeeze %dma_wait3A_56 : memref<1x8x128xf32, #tpu.memory_space<vmem>> -> memref<8x128xf32, #tpu.memory_space<vmem>>
    %dma_wait3A_58 = arith.constant 0 : i32
    %dma_wait3A_59 = arith.constant 0 : i32
    %dma_wait3A_60 = tpu.memref_slice %arg5[%dma_wait3A_52, %dma_wait3A_53, %add3A, %dma_wait3A_58, %dma_wait3A_59] : memref<200x8x32x8x128xf32, #tpu.memory_space<hbm>> -> memref<1x1x1x8x128xf32, #tpu.memory_space<hbm>>
    %dma_wait3A_61 = tpu.memref_squeeze %dma_wait3A_60 : memref<1x1x1x8x128xf32, #tpu.memory_space<hbm>> -> memref<8x128xf32, #tpu.memory_space<hbm>>
    %dma_wait3A_62 = arith.constant 0 : i32
    %dma_wait3A_63 = arith.constant 0 : i32
    %dma_wait3A_64 = tpu.memref_slice %arg5[%dma_wait3A_52, %dma_wait3A_53, %add3A, %dma_wait3A_62, %dma_wait3A_63] : memref<200x8x32x8x128xf32, #tpu.memory_space<hbm>> -> memref<1x1x1x8x128xf32, #tpu.memory_space<hbm>>
    %dma_wait3A_65 = tpu.memref_squeeze %dma_wait3A_64 : memref<1x1x1x8x128xf32, #tpu.memory_space<hbm>> -> memref<8x128xf32, #tpu.memory_space<hbm>>
    %dma_wait3A_66 = arith.constant 0 : i32
    %dma_wait3A_67 = arith.constant 0 : i32
    %dma_wait3A_68 = tpu.memref_slice %arg9[%dma_wait3A_51, %dma_wait3A_66, %dma_wait3A_67] : memref<8x8x129xf32, #tpu.memory_space<vmem>> -> memref<1x8x128xf32, #tpu.memory_space<vmem>>
    %dma_wait3A_69 = tpu.memref_squeeze %dma_wait3A_68 : memref<1x8x128xf32, #tpu.memory_space<vmem>> -> memref<8x128xf32, #tpu.memory_space<vmem>>
    tpu.wait_dma2 semaphore(%arg14 : memref<!tpu.dma_semaphore, #tpu.memory_space<semaphore_mem>>) src(%dma_wait3A_69 : memref<8x128xf32, #tpu.memory_space<vmem>>) dst(%dma_wait3A_65 : memref<8x128xf32, #tpu.memory_space<hbm>>)
    %dma_wait3A_70 = arith.constant 1 : i32
    %dma_wait3A_71 = arith.constant 198 : i32
    %dma_wait3A_72 = arith.constant 1 : i32
    %dma_wait3A_73 = arith.constant 0 : i32
    %dma_wait3A_74 = arith.constant 0 : i32
    %dma_wait3A_75 = tpu.memref_slice %arg9[%dma_wait3A_70, %dma_wait3A_73, %dma_wait3A_74] : memref<8x8x129xf32, #tpu.memory_space<vmem>> -> memref<1x8x128xf32, #tpu.memory_space<vmem>>
    %dma_wait3A_76 = tpu.memref_squeeze %dma_wait3A_75 : memref<1x8x128xf32, #tpu.memory_space<vmem>> -> memref<8x128xf32, #tpu.memory_space<vmem>>
    %dma_wait3A_77 = arith.constant 0 : i32
    %dma_wait3A_78 = arith.constant 0 : i32
    %dma_wait3A_79 = tpu.memref_slice %arg5[%dma_wait3A_71, %dma_wait3A_72, %add3A, %dma_wait3A_77, %dma_wait3A_78] : memref<200x8x32x8x128xf32, #tpu.memory_space<hbm>> -> memref<1x1x1x8x128xf32, #tpu.memory_space<hbm>>
    %dma_wait3A_80 = tpu.memref_squeeze %dma_wait3A_79 : memref<1x1x1x8x128xf32, #tpu.memory_space<hbm>> -> memref<8x128xf32, #tpu.memory_space<hbm>>
    %dma_wait3A_81 = arith.constant 0 : i32
    %dma_wait3A_82 = arith.constant 0 : i32
    %dma_wait3A_83 = tpu.memref_slice %arg5[%dma_wait3A_71, %dma_wait3A_72, %add3A, %dma_wait3A_81, %dma_wait3A_82] : memref<200x8x32x8x128xf32, #tpu.memory_space<hbm>> -> memref<1x1x1x8x128xf32, #tpu.memory_space<hbm>>
    %dma_wait3A_84 = tpu.memref_squeeze %dma_wait3A_83 : memref<1x1x1x8x128xf32, #tpu.memory_space<hbm>> -> memref<8x128xf32, #tpu.memory_space<hbm>>
    %dma_wait3A_85 = arith.constant 0 : i32
    %dma_wait3A_86 = arith.constant 0 : i32
    %dma_wait3A_87 = tpu.memref_slice %arg9[%dma_wait3A_70, %dma_wait3A_85, %dma_wait3A_86] : memref<8x8x129xf32, #tpu.memory_space<vmem>> -> memref<1x8x128xf32, #tpu.memory_space<vmem>>
    %dma_wait3A_88 = tpu.memref_squeeze %dma_wait3A_87 : memref<1x8x128xf32, #tpu.memory_space<vmem>> -> memref<8x128xf32, #tpu.memory_space<vmem>>
    tpu.wait_dma2 semaphore(%arg14 : memref<!tpu.dma_semaphore, #tpu.memory_space<semaphore_mem>>) src(%dma_wait3A_88 : memref<8x128xf32, #tpu.memory_space<vmem>>) dst(%dma_wait3A_84 : memref<8x128xf32, #tpu.memory_space<hbm>>)
    %dma_wait3A_89 = arith.constant 2 : i32
    %dma_wait3A_90 = arith.constant 198 : i32
    %dma_wait3A_91 = arith.constant 2 : i32
    %dma_wait3A_92 = arith.constant 0 : i32
    %dma_wait3A_93 = arith.constant 0 : i32
    %dma_wait3A_94 = tpu.memref_slice %arg9[%dma_wait3A_89, %dma_wait3A_92, %dma_wait3A_93] : memref<8x8x129xf32, #tpu.memory_space<vmem>> -> memref<1x8x128xf32, #tpu.memory_space<vmem>>
    %dma_wait3A_95 = tpu.memref_squeeze %dma_wait3A_94 : memref<1x8x128xf32, #tpu.memory_space<vmem>> -> memref<8x128xf32, #tpu.memory_space<vmem>>
    %dma_wait3A_96 = arith.constant 0 : i32
    %dma_wait3A_97 = arith.constant 0 : i32
    %dma_wait3A_98 = tpu.memref_slice %arg5[%dma_wait3A_90, %dma_wait3A_91, %add3A, %dma_wait3A_96, %dma_wait3A_97] : memref<200x8x32x8x128xf32, #tpu.memory_space<hbm>> -> memref<1x1x1x8x128xf32, #tpu.memory_space<hbm>>
    %dma_wait3A_99 = tpu.memref_squeeze %dma_wait3A_98 : memref<1x1x1x8x128xf32, #tpu.memory_space<hbm>> -> memref<8x128xf32, #tpu.memory_space<hbm>>
    %dma_wait3A_100 = arith.constant 0 : i32
    %dma_wait3A_101 = arith.constant 0 : i32
    %dma_wait3A_102 = tpu.memref_slice %arg5[%dma_wait3A_90, %dma_wait3A_91, %add3A, %dma_wait3A_100, %dma_wait3A_101] : memref<200x8x32x8x128xf32, #tpu.memory_space<hbm>> -> memref<1x1x1x8x128xf32, #tpu.memory_space<hbm>>
    %dma_wait3A_103 = tpu.memref_squeeze %dma_wait3A_102 : memref<1x1x1x8x128xf32, #tpu.memory_space<hbm>> -> memref<8x128xf32, #tpu.memory_space<hbm>>
    %dma_wait3A_104 = arith.constant 0 : i32
    %dma_wait3A_105 = arith.constant 0 : i32
    %dma_wait3A_106 = tpu.memref_slice %arg9[%dma_wait3A_89, %dma_wait3A_104, %dma_wait3A_105] : memref<8x8x129xf32, #tpu.memory_space<vmem>> -> memref<1x8x128xf32, #tpu.memory_space<vmem>>
    %dma_wait3A_107 = tpu.memref_squeeze %dma_wait3A_106 : memref<1x8x128xf32, #tpu.memory_space<vmem>> -> memref<8x128xf32, #tpu.memory_space<vmem>>
    tpu.wait_dma2 semaphore(%arg14 : memref<!tpu.dma_semaphore, #tpu.memory_space<semaphore_mem>>) src(%dma_wait3A_107 : memref<8x128xf32, #tpu.memory_space<vmem>>) dst(%dma_wait3A_103 : memref<8x128xf32, #tpu.memory_space<hbm>>)
    %dma_wait3A_108 = arith.constant 3 : i32
    %dma_wait3A_109 = arith.constant 198 : i32
    %dma_wait3A_110 = arith.constant 3 : i32
    %dma_wait3A_111 = arith.constant 0 : i32
    %dma_wait3A_112 = arith.constant 0 : i32
    %dma_wait3A_113 = tpu.memref_slice %arg9[%dma_wait3A_108, %dma_wait3A_111, %dma_wait3A_112] : memref<8x8x129xf32, #tpu.memory_space<vmem>> -> memref<1x8x128xf32, #tpu.memory_space<vmem>>
    %dma_wait3A_114 = tpu.memref_squeeze %dma_wait3A_113 : memref<1x8x128xf32, #tpu.memory_space<vmem>> -> memref<8x128xf32, #tpu.memory_space<vmem>>
    %dma_wait3A_115 = arith.constant 0 : i32
    %dma_wait3A_116 = arith.constant 0 : i32
    %dma_wait3A_117 = tpu.memref_slice %arg5[%dma_wait3A_109, %dma_wait3A_110, %add3A, %dma_wait3A_115, %dma_wait3A_116] : memref<200x8x32x8x128xf32, #tpu.memory_space<hbm>> -> memref<1x1x1x8x128xf32, #tpu.memory_space<hbm>>
    %dma_wait3A_118 = tpu.memref_squeeze %dma_wait3A_117 : memref<1x1x1x8x128xf32, #tpu.memory_space<hbm>> -> memref<8x128xf32, #tpu.memory_space<hbm>>
    %dma_wait3A_119 = arith.constant 0 : i32
    %dma_wait3A_120 = arith.constant 0 : i32
    %dma_wait3A_121 = tpu.memref_slice %arg5[%dma_wait3A_109, %dma_wait3A_110, %add3A, %dma_wait3A_119, %dma_wait3A_120] : memref<200x8x32x8x128xf32, #tpu.memory_space<hbm>> -> memref<1x1x1x8x128xf32, #tpu.memory_space<hbm>>
    %dma_wait3A_122 = tpu.memref_squeeze %dma_wait3A_121 : memref<1x1x1x8x128xf32, #tpu.memory_space<hbm>> -> memref<8x128xf32, #tpu.memory_space<hbm>>
    %dma_wait3A_123 = arith.constant 0 : i32
    %dma_wait3A_124 = arith.constant 0 : i32
    %dma_wait3A_125 = tpu.memref_slice %arg9[%dma_wait3A_108, %dma_wait3A_123, %dma_wait3A_124] : memref<8x8x129xf32, #tpu.memory_space<vmem>> -> memref<1x8x128xf32, #tpu.memory_space<vmem>>
    %dma_wait3A_126 = tpu.memref_squeeze %dma_wait3A_125 : memref<1x8x128xf32, #tpu.memory_space<vmem>> -> memref<8x128xf32, #tpu.memory_space<vmem>>
    tpu.wait_dma2 semaphore(%arg14 : memref<!tpu.dma_semaphore, #tpu.memory_space<semaphore_mem>>) src(%dma_wait3A_126 : memref<8x128xf32, #tpu.memory_space<vmem>>) dst(%dma_wait3A_122 : memref<8x128xf32, #tpu.memory_space<hbm>>)
    %dma_wait3A_127 = arith.constant 4 : i32
    %dma_wait3A_128 = arith.constant 198 : i32
    %dma_wait3A_129 = arith.constant 4 : i32
    %dma_wait3A_130 = arith.constant 0 : i32
    %dma_wait3A_131 = arith.constant 0 : i32
    %dma_wait3A_132 = tpu.memref_slice %arg9[%dma_wait3A_127, %dma_wait3A_130, %dma_wait3A_131] : memref<8x8x129xf32, #tpu.memory_space<vmem>> -> memref<1x8x128xf32, #tpu.memory_space<vmem>>
    %dma_wait3A_133 = tpu.memref_squeeze %dma_wait3A_132 : memref<1x8x128xf32, #tpu.memory_space<vmem>> -> memref<8x128xf32, #tpu.memory_space<vmem>>
    %dma_wait3A_134 = arith.constant 0 : i32
    %dma_wait3A_135 = arith.constant 0 : i32
    %dma_wait3A_136 = tpu.memref_slice %arg5[%dma_wait3A_128, %dma_wait3A_129, %add3A, %dma_wait3A_134, %dma_wait3A_135] : memref<200x8x32x8x128xf32, #tpu.memory_space<hbm>> -> memref<1x1x1x8x128xf32, #tpu.memory_space<hbm>>
    %dma_wait3A_137 = tpu.memref_squeeze %dma_wait3A_136 : memref<1x1x1x8x128xf32, #tpu.memory_space<hbm>> -> memref<8x128xf32, #tpu.memory_space<hbm>>
    %dma_wait3A_138 = arith.constant 0 : i32
    %dma_wait3A_139 = arith.constant 0 : i32
    %dma_wait3A_140 = tpu.memref_slice %arg5[%dma_wait3A_128, %dma_wait3A_129, %add3A, %dma_wait3A_138, %dma_wait3A_139] : memref<200x8x32x8x128xf32, #tpu.memory_space<hbm>> -> memref<1x1x1x8x128xf32, #tpu.memory_space<hbm>>
    %dma_wait3A_141 = tpu.memref_squeeze %dma_wait3A_140 : memref<1x1x1x8x128xf32, #tpu.memory_space<hbm>> -> memref<8x128xf32, #tpu.memory_space<hbm>>
    %dma_wait3A_142 = arith.constant 0 : i32
    %dma_wait3A_143 = arith.constant 0 : i32
    %dma_wait3A_144 = tpu.memref_slice %arg9[%dma_wait3A_127, %dma_wait3A_142, %dma_wait3A_143] : memref<8x8x129xf32, #tpu.memory_space<vmem>> -> memref<1x8x128xf32, #tpu.memory_space<vmem>>
    %dma_wait3A_145 = tpu.memref_squeeze %dma_wait3A_144 : memref<1x8x128xf32, #tpu.memory_space<vmem>> -> memref<8x128xf32, #tpu.memory_space<vmem>>
    tpu.wait_dma2 semaphore(%arg14 : memref<!tpu.dma_semaphore, #tpu.memory_space<semaphore_mem>>) src(%dma_wait3A_145 : memref<8x128xf32, #tpu.memory_space<vmem>>) dst(%dma_wait3A_141 : memref<8x128xf32, #tpu.memory_space<hbm>>)
    %dma_wait3A_146 = arith.constant 5 : i32
    %dma_wait3A_147 = arith.constant 198 : i32
    %dma_wait3A_148 = arith.constant 5 : i32
    %dma_wait3A_149 = arith.constant 0 : i32
    %dma_wait3A_150 = arith.constant 0 : i32
    %dma_wait3A_151 = tpu.memref_slice %arg9[%dma_wait3A_146, %dma_wait3A_149, %dma_wait3A_150] : memref<8x8x129xf32, #tpu.memory_space<vmem>> -> memref<1x8x128xf32, #tpu.memory_space<vmem>>
    %dma_wait3A_152 = tpu.memref_squeeze %dma_wait3A_151 : memref<1x8x128xf32, #tpu.memory_space<vmem>> -> memref<8x128xf32, #tpu.memory_space<vmem>>
    %dma_wait3A_153 = arith.constant 0 : i32
    %dma_wait3A_154 = arith.constant 0 : i32
    %dma_wait3A_155 = tpu.memref_slice %arg5[%dma_wait3A_147, %dma_wait3A_148, %add3A, %dma_wait3A_153, %dma_wait3A_154] : memref<200x8x32x8x128xf32, #tpu.memory_space<hbm>> -> memref<1x1x1x8x128xf32, #tpu.memory_space<hbm>>
    %dma_wait3A_156 = tpu.memref_squeeze %dma_wait3A_155 : memref<1x1x1x8x128xf32, #tpu.memory_space<hbm>> -> memref<8x128xf32, #tpu.memory_space<hbm>>
    %dma_wait3A_157 = arith.constant 0 : i32
    %dma_wait3A_158 = arith.constant 0 : i32
    %dma_wait3A_159 = tpu.memref_slice %arg5[%dma_wait3A_147, %dma_wait3A_148, %add3A, %dma_wait3A_157, %dma_wait3A_158] : memref<200x8x32x8x128xf32, #tpu.memory_space<hbm>> -> memref<1x1x1x8x128xf32, #tpu.memory_space<hbm>>
    %dma_wait3A_160 = tpu.memref_squeeze %dma_wait3A_159 : memref<1x1x1x8x128xf32, #tpu.memory_space<hbm>> -> memref<8x128xf32, #tpu.memory_space<hbm>>
    %dma_wait3A_161 = arith.constant 0 : i32
    %dma_wait3A_162 = arith.constant 0 : i32
    %dma_wait3A_163 = tpu.memref_slice %arg9[%dma_wait3A_146, %dma_wait3A_161, %dma_wait3A_162] : memref<8x8x129xf32, #tpu.memory_space<vmem>> -> memref<1x8x128xf32, #tpu.memory_space<vmem>>
    %dma_wait3A_164 = tpu.memref_squeeze %dma_wait3A_163 : memref<1x8x128xf32, #tpu.memory_space<vmem>> -> memref<8x128xf32, #tpu.memory_space<vmem>>
    tpu.wait_dma2 semaphore(%arg14 : memref<!tpu.dma_semaphore, #tpu.memory_space<semaphore_mem>>) src(%dma_wait3A_164 : memref<8x128xf32, #tpu.memory_space<vmem>>) dst(%dma_wait3A_160 : memref<8x128xf32, #tpu.memory_space<hbm>>)
    %dma_wait3A_165 = arith.constant 6 : i32
    %dma_wait3A_166 = arith.constant 198 : i32
    %dma_wait3A_167 = arith.constant 6 : i32
    %dma_wait3A_168 = arith.constant 0 : i32
    %dma_wait3A_169 = arith.constant 0 : i32
    %dma_wait3A_170 = tpu.memref_slice %arg9[%dma_wait3A_165, %dma_wait3A_168, %dma_wait3A_169] : memref<8x8x129xf32, #tpu.memory_space<vmem>> -> memref<1x8x128xf32, #tpu.memory_space<vmem>>
    %dma_wait3A_171 = tpu.memref_squeeze %dma_wait3A_170 : memref<1x8x128xf32, #tpu.memory_space<vmem>> -> memref<8x128xf32, #tpu.memory_space<vmem>>
    %dma_wait3A_172 = arith.constant 0 : i32
    %dma_wait3A_173 = arith.constant 0 : i32
    %dma_wait3A_174 = tpu.memref_slice %arg5[%dma_wait3A_166, %dma_wait3A_167, %add3A, %dma_wait3A_172, %dma_wait3A_173] : memref<200x8x32x8x128xf32, #tpu.memory_space<hbm>> -> memref<1x1x1x8x128xf32, #tpu.memory_space<hbm>>
    %dma_wait3A_175 = tpu.memref_squeeze %dma_wait3A_174 : memref<1x1x1x8x128xf32, #tpu.memory_space<hbm>> -> memref<8x128xf32, #tpu.memory_space<hbm>>
    %dma_wait3A_176 = arith.constant 0 : i32
    %dma_wait3A_177 = arith.constant 0 : i32
    %dma_wait3A_178 = tpu.memref_slice %arg5[%dma_wait3A_166, %dma_wait3A_167, %add3A, %dma_wait3A_176, %dma_wait3A_177] : memref<200x8x32x8x128xf32, #tpu.memory_space<hbm>> -> memref<1x1x1x8x128xf32, #tpu.memory_space<hbm>>
    %dma_wait3A_179 = tpu.memref_squeeze %dma_wait3A_178 : memref<1x1x1x8x128xf32, #tpu.memory_space<hbm>> -> memref<8x128xf32, #tpu.memory_space<hbm>>
    %dma_wait3A_180 = arith.constant 0 : i32
    %dma_wait3A_181 = arith.constant 0 : i32
    %dma_wait3A_182 = tpu.memref_slice %arg9[%dma_wait3A_165, %dma_wait3A_180, %dma_wait3A_181] : memref<8x8x129xf32, #tpu.memory_space<vmem>> -> memref<1x8x128xf32, #tpu.memory_space<vmem>>
    %dma_wait3A_183 = tpu.memref_squeeze %dma_wait3A_182 : memref<1x8x128xf32, #tpu.memory_space<vmem>> -> memref<8x128xf32, #tpu.memory_space<vmem>>
    tpu.wait_dma2 semaphore(%arg14 : memref<!tpu.dma_semaphore, #tpu.memory_space<semaphore_mem>>) src(%dma_wait3A_183 : memref<8x128xf32, #tpu.memory_space<vmem>>) dst(%dma_wait3A_179 : memref<8x128xf32, #tpu.memory_space<hbm>>)
    %dma_wait3A_184 = arith.constant 7 : i32
    %dma_wait3A_185 = arith.constant 198 : i32
    %dma_wait3A_186 = arith.constant 7 : i32
    %dma_wait3A_187 = arith.constant 0 : i32
    %dma_wait3A_188 = arith.constant 0 : i32
    %dma_wait3A_189 = tpu.memref_slice %arg9[%dma_wait3A_184, %dma_wait3A_187, %dma_wait3A_188] : memref<8x8x129xf32, #tpu.memory_space<vmem>> -> memref<1x8x128xf32, #tpu.memory_space<vmem>>
    %dma_wait3A_190 = tpu.memref_squeeze %dma_wait3A_189 : memref<1x8x128xf32, #tpu.memory_space<vmem>> -> memref<8x128xf32, #tpu.memory_space<vmem>>
    %dma_wait3A_191 = arith.constant 0 : i32
    %dma_wait3A_192 = arith.constant 0 : i32
    %dma_wait3A_193 = tpu.memref_slice %arg5[%dma_wait3A_185, %dma_wait3A_186, %add3A, %dma_wait3A_191, %dma_wait3A_192] : memref<200x8x32x8x128xf32, #tpu.memory_space<hbm>> -> memref<1x1x1x8x128xf32, #tpu.memory_space<hbm>>
    %dma_wait3A_194 = tpu.memref_squeeze %dma_wait3A_193 : memref<1x1x1x8x128xf32, #tpu.memory_space<hbm>> -> memref<8x128xf32, #tpu.memory_space<hbm>>
    %dma_wait3A_195 = arith.constant 0 : i32
    %dma_wait3A_196 = arith.constant 0 : i32
    %dma_wait3A_197 = tpu.memref_slice %arg5[%dma_wait3A_185, %dma_wait3A_186, %add3A, %dma_wait3A_195, %dma_wait3A_196] : memref<200x8x32x8x128xf32, #tpu.memory_space<hbm>> -> memref<1x1x1x8x128xf32, #tpu.memory_space<hbm>>
    %dma_wait3A_198 = tpu.memref_squeeze %dma_wait3A_197 : memref<1x1x1x8x128xf32, #tpu.memory_space<hbm>> -> memref<8x128xf32, #tpu.memory_space<hbm>>
    %dma_wait3A_199 = arith.constant 0 : i32
    %dma_wait3A_200 = arith.constant 0 : i32
    %dma_wait3A_201 = tpu.memref_slice %arg9[%dma_wait3A_184, %dma_wait3A_199, %dma_wait3A_200] : memref<8x8x129xf32, #tpu.memory_space<vmem>> -> memref<1x8x128xf32, #tpu.memory_space<vmem>>
    %dma_wait3A_202 = tpu.memref_squeeze %dma_wait3A_201 : memref<1x8x128xf32, #tpu.memory_space<vmem>> -> memref<8x128xf32, #tpu.memory_space<vmem>>
    tpu.wait_dma2 semaphore(%arg14 : memref<!tpu.dma_semaphore, #tpu.memory_space<semaphore_mem>>) src(%dma_wait3A_202 : memref<8x128xf32, #tpu.memory_space<vmem>>) dst(%dma_wait3A_198 : memref<8x128xf32, #tpu.memory_space<hbm>>)
    %get3A = arith.constant 198 : i32
    %get3A_203 = arith.index_cast %get3A : i32 to index
    %get3A_204 = arith.constant 0 : index
    %get3A_205 = tpu.vector_load %arg11[%get3A_203, %get3A_204] {strides = array<i32>} : memref<200x64xf32, #tpu.memory_space<vmem>>, vector<16xf32>,
    %get3A_206 = arith.constant 198 : i32
    %get3A_207 = arith.index_cast %get3A_206 : i32 to index
    %get3A_208 = arith.constant 16 : index
    %get3A_209 = tpu.vector_load %arg11[%get3A_207, %get3A_208] {strides = array<i32>} : memref<200x64xf32, #tpu.memory_space<vmem>>, vector<16xf32>,
    %get3A_210 = arith.constant 198 : i32
    %get3A_211 = arith.index_cast %get3A_210 : i32 to index
    %get3A_212 = arith.constant 32 : index
    %get3A_213 = tpu.vector_load %arg11[%get3A_211, %get3A_212] {strides = array<i32>} : memref<200x64xf32, #tpu.memory_space<vmem>>, vector<16xf32>,
    %get3A_214 = arith.constant 198 : i32
    %get3A_215 = arith.index_cast %get3A_214 : i32 to index
    %get3A_216 = arith.constant 48 : index
    %get3A_217 = tpu.vector_load %arg11[%get3A_215, %get3A_216] {strides = array<i32>} : memref<200x64xf32, #tpu.memory_space<vmem>>, vector<16xf32>,
    %parallel_loop3A_218 = arith.constant 0 : i32
    %parallel_loop3A_219 = arith.constant 128 : i32
    %parallel_loop3A_220 = arith.constant 1 : i32
    scf.for %parallel_loop3A_1006 = %parallel_loop3A_218 to %parallel_loop3A_219 step %parallel_loop3A_220  : i32 {
      %parallel_loop3A_1007 = arith.constant 0 : i32
      %parallel_loop3A_1008 = vector.broadcast %parallel_loop3A_1007 : i32 to vector<16xi32>
      %parallel_loop3A_1009 = arith.muli %iota3A, %parallel_loop3A_1008 : vector<16xi32>
      %parallel_loop3A_1010 = vector.broadcast %parallel_loop3A_1006 : i32 to vector<16xi32>
      %parallel_loop3A_1011 = arith.addi %parallel_loop3A_1009, %parallel_loop3A_1010 : vector<16xi32>
      %parallel_loop3A_1012 = arith.index_cast %parallel_loop3A_1006 : i32 to index
      %parallel_loop3A_1013 = arith.constant 0 : index
      %parallel_loop3A_1014 = tpu.vector_load %arg7[%parallel_loop3A_1012, %parallel_loop3A_1013] {strides = array<i32>} : memref<128x64xf32, #tpu.memory_space<vmem>>, vector<16xf32>,
      %parallel_loop3A_1015 = arith.addf %parallel_loop3A_1014, %get3A_205 : vector<16xf32>
      tpu.vector_store_idx %arg9[%add3A_9, %and3A_4, %parallel_loop3A_1011], %parallel_loop3A_1015 : memref<8x8x129xf32, #tpu.memory_space<vmem>>[vector<16xi32>, vector<16xi32>, vector<16xi32>], vector<16xf32>,
      %parallel_loop3A_1016 = arith.index_cast %parallel_loop3A_1006 : i32 to index
      %parallel_loop3A_1017 = arith.constant 16 : index
      %parallel_loop3A_1018 = tpu.vector_load %arg7[%parallel_loop3A_1016, %parallel_loop3A_1017] {strides = array<i32>} : memref<128x64xf32, #tpu.memory_space<vmem>>, vector<16xf32>,
      %parallel_loop3A_1019 = arith.addf %parallel_loop3A_1018, %get3A_209 : vector<16xf32>
      tpu.vector_store_idx %arg9[%add3A_15, %and3A_4, %parallel_loop3A_1011], %parallel_loop3A_1019 : memref<8x8x129xf32, #tpu.memory_space<vmem>>[vector<16xi32>, vector<16xi32>, vector<16xi32>], vector<16xf32>,
      %parallel_loop3A_1020 = arith.index_cast %parallel_loop3A_1006 : i32 to index
      %parallel_loop3A_1021 = arith.constant 32 : index
      %parallel_loop3A_1022 = tpu.vector_load %arg7[%parallel_loop3A_1020, %parallel_loop3A_1021] {strides = array<i32>} : memref<128x64xf32, #tpu.memory_space<vmem>>, vector<16xf32>,
      %parallel_loop3A_1023 = arith.addf %parallel_loop3A_1022, %get3A_213 : vector<16xf32>
      tpu.vector_store_idx %arg9[%add3A_21, %and3A_4, %parallel_loop3A_1011], %parallel_loop3A_1023 : memref<8x8x129xf32, #tpu.memory_space<vmem>>[vector<16xi32>, vector<16xi32>, vector<16xi32>], vector<16xf32>,
      %parallel_loop3A_1024 = arith.index_cast %parallel_loop3A_1006 : i32 to index
      %parallel_loop3A_1025 = arith.constant 48 : index
      %parallel_loop3A_1026 = tpu.vector_load %arg7[%parallel_loop3A_1024, %parallel_loop3A_1025] {strides = array<i32>} : memref<128x64xf32, #tpu.memory_space<vmem>>, vector<16xf32>,
      %parallel_loop3A_1027 = arith.addf %parallel_loop3A_1026, %get3A_217 : vector<16xf32>
      tpu.vector_store_idx %arg9[%add3A_27, %and3A_4, %parallel_loop3A_1011], %parallel_loop3A_1027 : memref<8x8x129xf32, #tpu.memory_space<vmem>>[vector<16xi32>, vector<16xi32>, vector<16xi32>], vector<16xf32>,
    } {sc.loop_unroll_factor = 4 : i64, sc.parallel_access}
    %dma_start3A_221 = arith.constant 0 : i32
    %dma_start3A_222 = arith.constant 198 : i32
    %dma_start3A_223 = arith.constant 0 : i32
    %dma_start3A_224 = arith.constant 0 : i32
    %dma_start3A_225 = arith.constant 0 : i32
    %dma_start3A_226 = tpu.memref_slice %arg9[%dma_start3A_221, %dma_start3A_224, %dma_start3A_225] : memref<8x8x129xf32, #tpu.memory_space<vmem>> -> memref<1x8x128xf32, #tpu.memory_space<vmem>>
    %dma_start3A_227 = tpu.memref_squeeze %dma_start3A_226 : memref<1x8x128xf32, #tpu.memory_space<vmem>> -> memref<8x128xf32, #tpu.memory_space<vmem>>
    %dma_start3A_228 = arith.constant 0 : i32
    %dma_start3A_229 = arith.constant 0 : i32
    %dma_start3A_230 = tpu.memref_slice %arg5[%dma_start3A_222, %dma_start3A_223, %add3A, %dma_start3A_228, %dma_start3A_229] : memref<200x8x32x8x128xf32, #tpu.memory_space<hbm>> -> memref<1x1x1x8x128xf32, #tpu.memory_space<hbm>>
    %dma_start3A_231 = tpu.memref_squeeze %dma_start3A_230 : memref<1x1x1x8x128xf32, #tpu.memory_space<hbm>> -> memref<8x128xf32, #tpu.memory_space<hbm>>
    %dma_start3A_232 = arith.constant 0 : i32
    %dma_start3A_233 = arith.constant 0 : i32
    %dma_start3A_234 = tpu.memref_slice %arg5[%dma_start3A_222, %dma_start3A_223, %add3A, %dma_start3A_232, %dma_start3A_233] : memref<200x8x32x8x128xf32, #tpu.memory_space<hbm>> -> memref<1x1x1x8x128xf32, #tpu.memory_space<hbm>>
    %dma_start3A_235 = tpu.memref_squeeze %dma_start3A_234 : memref<1x1x1x8x128xf32, #tpu.memory_space<hbm>> -> memref<8x128xf32, #tpu.memory_space<hbm>>
    %dma_start3A_236 = arith.constant 0 : i32
    %dma_start3A_237 = arith.constant 0 : i32
    %dma_start3A_238 = tpu.memref_slice %arg9[%dma_start3A_221, %dma_start3A_236, %dma_start3A_237] : memref<8x8x129xf32, #tpu.memory_space<vmem>> -> memref<1x8x128xf32, #tpu.memory_space<vmem>>
    %dma_start3A_239 = tpu.memref_squeeze %dma_start3A_238 : memref<1x8x128xf32, #tpu.memory_space<vmem>> -> memref<8x128xf32, #tpu.memory_space<vmem>>
    tpu.enqueue_dma source(%dma_start3A_239 : memref<8x128xf32, #tpu.memory_space<vmem>>) target(%dma_start3A_235 : memref<8x128xf32, #tpu.memory_space<hbm>>) target_semaphore(%arg14 : memref<!tpu.dma_semaphore, #tpu.memory_space<semaphore_mem>>)
    %dma_start3A_240 = arith.constant 1 : i32
    %dma_start3A_241 = arith.constant 198 : i32
    %dma_start3A_242 = arith.constant 1 : i32
    %dma_start3A_243 = arith.constant 0 : i32
    %dma_start3A_244 = arith.constant 0 : i32
    %dma_start3A_245 = tpu.memref_slice %arg9[%dma_start3A_240, %dma_start3A_243, %dma_start3A_244] : memref<8x8x129xf32, #tpu.memory_space<vmem>> -> memref<1x8x128xf32, #tpu.memory_space<vmem>>
    %dma_start3A_246 = tpu.memref_squeeze %dma_start3A_245 : memref<1x8x128xf32, #tpu.memory_space<vmem>> -> memref<8x128xf32, #tpu.memory_space<vmem>>
    %dma_start3A_247 = arith.constant 0 : i32
    %dma_start3A_248 = arith.constant 0 : i32
    %dma_start3A_249 = tpu.memref_slice %arg5[%dma_start3A_241, %dma_start3A_242, %add3A, %dma_start3A_247, %dma_start3A_248] : memref<200x8x32x8x128xf32, #tpu.memory_space<hbm>> -> memref<1x1x1x8x128xf32, #tpu.memory_space<hbm>>
    %dma_start3A_250 = tpu.memref_squeeze %dma_start3A_249 : memref<1x1x1x8x128xf32, #tpu.memory_space<hbm>> -> memref<8x128xf32, #tpu.memory_space<hbm>>
    %dma_start3A_251 = arith.constant 0 : i32
    %dma_start3A_252 = arith.constant 0 : i32
    %dma_start3A_253 = tpu.memref_slice %arg5[%dma_start3A_241, %dma_start3A_242, %add3A, %dma_start3A_251, %dma_start3A_252] : memref<200x8x32x8x128xf32, #tpu.memory_space<hbm>> -> memref<1x1x1x8x128xf32, #tpu.memory_space<hbm>>
    %dma_start3A_254 = tpu.memref_squeeze %dma_start3A_253 : memref<1x1x1x8x128xf32, #tpu.memory_space<hbm>> -> memref<8x128xf32, #tpu.memory_space<hbm>>
    %dma_start3A_255 = arith.constant 0 : i32
    %dma_start3A_256 = arith.constant 0 : i32
    %dma_start3A_257 = tpu.memref_slice %arg9[%dma_start3A_240, %dma_start3A_255, %dma_start3A_256] : memref<8x8x129xf32, #tpu.memory_space<vmem>> -> memref<1x8x128xf32, #tpu.memory_space<vmem>>
    %dma_start3A_258 = tpu.memref_squeeze %dma_start3A_257 : memref<1x8x128xf32, #tpu.memory_space<vmem>> -> memref<8x128xf32, #tpu.memory_space<vmem>>
    tpu.enqueue_dma source(%dma_start3A_258 : memref<8x128xf32, #tpu.memory_space<vmem>>) target(%dma_start3A_254 : memref<8x128xf32, #tpu.memory_space<hbm>>) target_semaphore(%arg14 : memref<!tpu.dma_semaphore, #tpu.memory_space<semaphore_mem>>)
    %dma_start3A_259 = arith.constant 2 : i32
    %dma_start3A_260 = arith.constant 198 : i32
    %dma_start3A_261 = arith.constant 2 : i32
    %dma_start3A_262 = arith.constant 0 : i32
    %dma_start3A_263 = arith.constant 0 : i32
    %dma_start3A_264 = tpu.memref_slice %arg9[%dma_start3A_259, %dma_start3A_262, %dma_start3A_263] : memref<8x8x129xf32, #tpu.memory_space<vmem>> -> memref<1x8x128xf32, #tpu.memory_space<vmem>>
    %dma_start3A_265 = tpu.memref_squeeze %dma_start3A_264 : memref<1x8x128xf32, #tpu.memory_space<vmem>> -> memref<8x128xf32, #tpu.memory_space<vmem>>
    %dma_start3A_266 = arith.constant 0 : i32
    %dma_start3A_267 = arith.constant 0 : i32
    %dma_start3A_268 = tpu.memref_slice %arg5[%dma_start3A_260, %dma_start3A_261, %add3A, %dma_start3A_266, %dma_start3A_267] : memref<200x8x32x8x128xf32, #tpu.memory_space<hbm>> -> memref<1x1x1x8x128xf32, #tpu.memory_space<hbm>>
    %dma_start3A_269 = tpu.memref_squeeze %dma_start3A_268 : memref<1x1x1x8x128xf32, #tpu.memory_space<hbm>> -> memref<8x128xf32, #tpu.memory_space<hbm>>
    %dma_start3A_270 = arith.constant 0 : i32
    %dma_start3A_271 = arith.constant 0 : i32
    %dma_start3A_272 = tpu.memref_slice %arg5[%dma_start3A_260, %dma_start3A_261, %add3A, %dma_start3A_270, %dma_start3A_271] : memref<200x8x32x8x128xf32, #tpu.memory_space<hbm>> -> memref<1x1x1x8x128xf32, #tpu.memory_space<hbm>>
    %dma_start3A_273 = tpu.memref_squeeze %dma_start3A_272 : memref<1x1x1x8x128xf32, #tpu.memory_space<hbm>> -> memref<8x128xf32, #tpu.memory_space<hbm>>
    %dma_start3A_274 = arith.constant 0 : i32
    %dma_start3A_275 = arith.constant 0 : i32
    %dma_start3A_276 = tpu.memref_slice %arg9[%dma_start3A_259, %dma_start3A_274, %dma_start3A_275] : memref<8x8x129xf32, #tpu.memory_space<vmem>> -> memref<1x8x128xf32, #tpu.memory_space<vmem>>
    %dma_start3A_277 = tpu.memref_squeeze %dma_start3A_276 : memref<1x8x128xf32, #tpu.memory_space<vmem>> -> memref<8x128xf32, #tpu.memory_space<vmem>>
    tpu.enqueue_dma source(%dma_start3A_277 : memref<8x128xf32, #tpu.memory_space<vmem>>) target(%dma_start3A_273 : memref<8x128xf32, #tpu.memory_space<hbm>>) target_semaphore(%arg14 : memref<!tpu.dma_semaphore, #tpu.memory_space<semaphore_mem>>)
    %dma_start3A_278 = arith.constant 3 : i32
    %dma_start3A_279 = arith.constant 198 : i32
    %dma_start3A_280 = arith.constant 3 : i32
    %dma_start3A_281 = arith.constant 0 : i32
    %dma_start3A_282 = arith.constant 0 : i32
    %dma_start3A_283 = tpu.memref_slice %arg9[%dma_start3A_278, %dma_start3A_281, %dma_start3A_282] : memref<8x8x129xf32, #tpu.memory_space<vmem>> -> memref<1x8x128xf32, #tpu.memory_space<vmem>>
    %dma_start3A_284 = tpu.memref_squeeze %dma_start3A_283 : memref<1x8x128xf32, #tpu.memory_space<vmem>> -> memref<8x128xf32, #tpu.memory_space<vmem>>
    %dma_start3A_285 = arith.constant 0 : i32
    %dma_start3A_286 = arith.constant 0 : i32
    %dma_start3A_287 = tpu.memref_slice %arg5[%dma_start3A_279, %dma_start3A_280, %add3A, %dma_start3A_285, %dma_start3A_286] : memref<200x8x32x8x128xf32, #tpu.memory_space<hbm>> -> memref<1x1x1x8x128xf32, #tpu.memory_space<hbm>>
    %dma_start3A_288 = tpu.memref_squeeze %dma_start3A_287 : memref<1x1x1x8x128xf32, #tpu.memory_space<hbm>> -> memref<8x128xf32, #tpu.memory_space<hbm>>
    %dma_start3A_289 = arith.constant 0 : i32
    %dma_start3A_290 = arith.constant 0 : i32
    %dma_start3A_291 = tpu.memref_slice %arg5[%dma_start3A_279, %dma_start3A_280, %add3A, %dma_start3A_289, %dma_start3A_290] : memref<200x8x32x8x128xf32, #tpu.memory_space<hbm>> -> memref<1x1x1x8x128xf32, #tpu.memory_space<hbm>>
    %dma_start3A_292 = tpu.memref_squeeze %dma_start3A_291 : memref<1x1x1x8x128xf32, #tpu.memory_space<hbm>> -> memref<8x128xf32, #tpu.memory_space<hbm>>
    %dma_start3A_293 = arith.constant 0 : i32
    %dma_start3A_294 = arith.constant 0 : i32
    %dma_start3A_295 = tpu.memref_slice %arg9[%dma_start3A_278, %dma_start3A_293, %dma_start3A_294] : memref<8x8x129xf32, #tpu.memory_space<vmem>> -> memref<1x8x128xf32, #tpu.memory_space<vmem>>
    %dma_start3A_296 = tpu.memref_squeeze %dma_start3A_295 : memref<1x8x128xf32, #tpu.memory_space<vmem>> -> memref<8x128xf32, #tpu.memory_space<vmem>>
    tpu.enqueue_dma source(%dma_start3A_296 : memref<8x128xf32, #tpu.memory_space<vmem>>) target(%dma_start3A_292 : memref<8x128xf32, #tpu.memory_space<hbm>>) target_semaphore(%arg14 : memref<!tpu.dma_semaphore, #tpu.memory_space<semaphore_mem>>)
    %dma_start3A_297 = arith.constant 4 : i32
    %dma_start3A_298 = arith.constant 198 : i32
    %dma_start3A_299 = arith.constant 4 : i32
    %dma_start3A_300 = arith.constant 0 : i32
    %dma_start3A_301 = arith.constant 0 : i32
    %dma_start3A_302 = tpu.memref_slice %arg9[%dma_start3A_297, %dma_start3A_300, %dma_start3A_301] : memref<8x8x129xf32, #tpu.memory_space<vmem>> -> memref<1x8x128xf32, #tpu.memory_space<vmem>>
    %dma_start3A_303 = tpu.memref_squeeze %dma_start3A_302 : memref<1x8x128xf32, #tpu.memory_space<vmem>> -> memref<8x128xf32, #tpu.memory_space<vmem>>
    %dma_start3A_304 = arith.constant 0 : i32
    %dma_start3A_305 = arith.constant 0 : i32
    %dma_start3A_306 = tpu.memref_slice %arg5[%dma_start3A_298, %dma_start3A_299, %add3A, %dma_start3A_304, %dma_start3A_305] : memref<200x8x32x8x128xf32, #tpu.memory_space<hbm>> -> memref<1x1x1x8x128xf32, #tpu.memory_space<hbm>>
    %dma_start3A_307 = tpu.memref_squeeze %dma_start3A_306 : memref<1x1x1x8x128xf32, #tpu.memory_space<hbm>> -> memref<8x128xf32, #tpu.memory_space<hbm>>
    %dma_start3A_308 = arith.constant 0 : i32
    %dma_start3A_309 = arith.constant 0 : i32
    %dma_start3A_310 = tpu.memref_slice %arg5[%dma_start3A_298, %dma_start3A_299, %add3A, %dma_start3A_308, %dma_start3A_309] : memref<200x8x32x8x128xf32, #tpu.memory_space<hbm>> -> memref<1x1x1x8x128xf32, #tpu.memory_space<hbm>>
    %dma_start3A_311 = tpu.memref_squeeze %dma_start3A_310 : memref<1x1x1x8x128xf32, #tpu.memory_space<hbm>> -> memref<8x128xf32, #tpu.memory_space<hbm>>
    %dma_start3A_312 = arith.constant 0 : i32
    %dma_start3A_313 = arith.constant 0 : i32
    %dma_start3A_314 = tpu.memref_slice %arg9[%dma_start3A_297, %dma_start3A_312, %dma_start3A_313] : memref<8x8x129xf32, #tpu.memory_space<vmem>> -> memref<1x8x128xf32, #tpu.memory_space<vmem>>
    %dma_start3A_315 = tpu.memref_squeeze %dma_start3A_314 : memref<1x8x128xf32, #tpu.memory_space<vmem>> -> memref<8x128xf32, #tpu.memory_space<vmem>>
    tpu.enqueue_dma source(%dma_start3A_315 : memref<8x128xf32, #tpu.memory_space<vmem>>) target(%dma_start3A_311 : memref<8x128xf32, #tpu.memory_space<hbm>>) target_semaphore(%arg14 : memref<!tpu.dma_semaphore, #tpu.memory_space<semaphore_mem>>)
    %dma_start3A_316 = arith.constant 5 : i32
    %dma_start3A_317 = arith.constant 198 : i32
    %dma_start3A_318 = arith.constant 5 : i32
    %dma_start3A_319 = arith.constant 0 : i32
    %dma_start3A_320 = arith.constant 0 : i32
    %dma_start3A_321 = tpu.memref_slice %arg9[%dma_start3A_316, %dma_start3A_319, %dma_start3A_320] : memref<8x8x129xf32, #tpu.memory_space<vmem>> -> memref<1x8x128xf32, #tpu.memory_space<vmem>>
    %dma_start3A_322 = tpu.memref_squeeze %dma_start3A_321 : memref<1x8x128xf32, #tpu.memory_space<vmem>> -> memref<8x128xf32, #tpu.memory_space<vmem>>
    %dma_start3A_323 = arith.constant 0 : i32
    %dma_start3A_324 = arith.constant 0 : i32
    %dma_start3A_325 = tpu.memref_slice %arg5[%dma_start3A_317, %dma_start3A_318, %add3A, %dma_start3A_323, %dma_start3A_324] : memref<200x8x32x8x128xf32, #tpu.memory_space<hbm>> -> memref<1x1x1x8x128xf32, #tpu.memory_space<hbm>>
    %dma_start3A_326 = tpu.memref_squeeze %dma_start3A_325 : memref<1x1x1x8x128xf32, #tpu.memory_space<hbm>> -> memref<8x128xf32, #tpu.memory_space<hbm>>
    %dma_start3A_327 = arith.constant 0 : i32
    %dma_start3A_328 = arith.constant 0 : i32
    %dma_start3A_329 = tpu.memref_slice %arg5[%dma_start3A_317, %dma_start3A_318, %add3A, %dma_start3A_327, %dma_start3A_328] : memref<200x8x32x8x128xf32, #tpu.memory_space<hbm>> -> memref<1x1x1x8x128xf32, #tpu.memory_space<hbm>>
    %dma_start3A_330 = tpu.memref_squeeze %dma_start3A_329 : memref<1x1x1x8x128xf32, #tpu.memory_space<hbm>> -> memref<8x128xf32, #tpu.memory_space<hbm>>
    %dma_start3A_331 = arith.constant 0 : i32
    %dma_start3A_332 = arith.constant 0 : i32
    %dma_start3A_333 = tpu.memref_slice %arg9[%dma_start3A_316, %dma_start3A_331, %dma_start3A_332] : memref<8x8x129xf32, #tpu.memory_space<vmem>> -> memref<1x8x128xf32, #tpu.memory_space<vmem>>
    %dma_start3A_334 = tpu.memref_squeeze %dma_start3A_333 : memref<1x8x128xf32, #tpu.memory_space<vmem>> -> memref<8x128xf32, #tpu.memory_space<vmem>>
    tpu.enqueue_dma source(%dma_start3A_334 : memref<8x128xf32, #tpu.memory_space<vmem>>) target(%dma_start3A_330 : memref<8x128xf32, #tpu.memory_space<hbm>>) target_semaphore(%arg14 : memref<!tpu.dma_semaphore, #tpu.memory_space<semaphore_mem>>)
    %dma_start3A_335 = arith.constant 6 : i32
    %dma_start3A_336 = arith.constant 198 : i32
    %dma_start3A_337 = arith.constant 6 : i32
    %dma_start3A_338 = arith.constant 0 : i32
    %dma_start3A_339 = arith.constant 0 : i32
    %dma_start3A_340 = tpu.memref_slice %arg9[%dma_start3A_335, %dma_start3A_338, %dma_start3A_339] : memref<8x8x129xf32, #tpu.memory_space<vmem>> -> memref<1x8x128xf32, #tpu.memory_space<vmem>>
    %dma_start3A_341 = tpu.memref_squeeze %dma_start3A_340 : memref<1x8x128xf32, #tpu.memory_space<vmem>> -> memref<8x128xf32, #tpu.memory_space<vmem>>
    %dma_start3A_342 = arith.constant 0 : i32
    %dma_start3A_343 = arith.constant 0 : i32
    %dma_start3A_344 = tpu.memref_slice %arg5[%dma_start3A_336, %dma_start3A_337, %add3A, %dma_start3A_342, %dma_start3A_343] : memref<200x8x32x8x128xf32, #tpu.memory_space<hbm>> -> memref<1x1x1x8x128xf32, #tpu.memory_space<hbm>>
    %dma_start3A_345 = tpu.memref_squeeze %dma_start3A_344 : memref<1x1x1x8x128xf32, #tpu.memory_space<hbm>> -> memref<8x128xf32, #tpu.memory_space<hbm>>
    %dma_start3A_346 = arith.constant 0 : i32
    %dma_start3A_347 = arith.constant 0 : i32
    %dma_start3A_348 = tpu.memref_slice %arg5[%dma_start3A_336, %dma_start3A_337, %add3A, %dma_start3A_346, %dma_start3A_347] : memref<200x8x32x8x128xf32, #tpu.memory_space<hbm>> -> memref<1x1x1x8x128xf32, #tpu.memory_space<hbm>>
    %dma_start3A_349 = tpu.memref_squeeze %dma_start3A_348 : memref<1x1x1x8x128xf32, #tpu.memory_space<hbm>> -> memref<8x128xf32, #tpu.memory_space<hbm>>
    %dma_start3A_350 = arith.constant 0 : i32
    %dma_start3A_351 = arith.constant 0 : i32
    %dma_start3A_352 = tpu.memref_slice %arg9[%dma_start3A_335, %dma_start3A_350, %dma_start3A_351] : memref<8x8x129xf32, #tpu.memory_space<vmem>> -> memref<1x8x128xf32, #tpu.memory_space<vmem>>
    %dma_start3A_353 = tpu.memref_squeeze %dma_start3A_352 : memref<1x8x128xf32, #tpu.memory_space<vmem>> -> memref<8x128xf32, #tpu.memory_space<vmem>>
    tpu.enqueue_dma source(%dma_start3A_353 : memref<8x128xf32, #tpu.memory_space<vmem>>) target(%dma_start3A_349 : memref<8x128xf32, #tpu.memory_space<hbm>>) target_semaphore(%arg14 : memref<!tpu.dma_semaphore, #tpu.memory_space<semaphore_mem>>)
    %dma_start3A_354 = arith.constant 7 : i32
    %dma_start3A_355 = arith.constant 198 : i32
    %dma_start3A_356 = arith.constant 7 : i32
    %dma_start3A_357 = arith.constant 0 : i32
    %dma_start3A_358 = arith.constant 0 : i32
    %dma_start3A_359 = tpu.memref_slice %arg9[%dma_start3A_354, %dma_start3A_357, %dma_start3A_358] : memref<8x8x129xf32, #tpu.memory_space<vmem>> -> memref<1x8x128xf32, #tpu.memory_space<vmem>>
    %dma_start3A_360 = tpu.memref_squeeze %dma_start3A_359 : memref<1x8x128xf32, #tpu.memory_space<vmem>> -> memref<8x128xf32, #tpu.memory_space<vmem>>
    %dma_start3A_361 = arith.constant 0 : i32
    %dma_start3A_362 = arith.constant 0 : i32
    %dma_start3A_363 = tpu.memref_slice %arg5[%dma_start3A_355, %dma_start3A_356, %add3A, %dma_start3A_361, %dma_start3A_362] : memref<200x8x32x8x128xf32, #tpu.memory_space<hbm>> -> memref<1x1x1x8x128xf32, #tpu.memory_space<hbm>>
    %dma_start3A_364 = tpu.memref_squeeze %dma_start3A_363 : memref<1x1x1x8x128xf32, #tpu.memory_space<hbm>> -> memref<8x128xf32, #tpu.memory_space<hbm>>
    %dma_start3A_365 = arith.constant 0 : i32
    %dma_start3A_366 = arith.constant 0 : i32
    %dma_start3A_367 = tpu.memref_slice %arg5[%dma_start3A_355, %dma_start3A_356, %add3A, %dma_start3A_365, %dma_start3A_366] : memref<200x8x32x8x128xf32, #tpu.memory_space<hbm>> -> memref<1x1x1x8x128xf32, #tpu.memory_space<hbm>>
    %dma_start3A_368 = tpu.memref_squeeze %dma_start3A_367 : memref<1x1x1x8x128xf32, #tpu.memory_space<hbm>> -> memref<8x128xf32, #tpu.memory_space<hbm>>
    %dma_start3A_369 = arith.constant 0 : i32
    %dma_start3A_370 = arith.constant 0 : i32
    %dma_start3A_371 = tpu.memref_slice %arg9[%dma_start3A_354, %dma_start3A_369, %dma_start3A_370] : memref<8x8x129xf32, #tpu.memory_space<vmem>> -> memref<1x8x128xf32, #tpu.memory_space<vmem>>
    %dma_start3A_372 = tpu.memref_squeeze %dma_start3A_371 : memref<1x8x128xf32, #tpu.memory_space<vmem>> -> memref<8x128xf32, #tpu.memory_space<vmem>>
    tpu.enqueue_dma source(%dma_start3A_372 : memref<8x128xf32, #tpu.memory_space<vmem>>) target(%dma_start3A_368 : memref<8x128xf32, #tpu.memory_space<hbm>>) target_semaphore(%arg14 : memref<!tpu.dma_semaphore, #tpu.memory_space<semaphore_mem>>)
    %dma_wait3A_373 = arith.constant 0 : i32
    %dma_wait3A_374 = arith.constant 0 : i32
    %dma_wait3A_375 = tpu.memref_slice %arg3[%dma_wait3A_373, %dma_wait3A_374] : memref<1000000x64xf32, #tpu.memory_space<hbm>> -> memref<128x64xf32, #tpu.memory_space<hbm>>
    %dma_wait3A_376 = arith.constant 0 : i32
    %dma_wait3A_377 = arith.constant 0 : i32
    %dma_wait3A_378 = tpu.memref_slice %arg3[%dma_wait3A_376, %dma_wait3A_377] : memref<1000000x64xf32, #tpu.memory_space<hbm>> -> memref<128x64xf32, #tpu.memory_space<hbm>>
    tpu.wait_dma2 semaphore(%arg13 : memref<!tpu.dma_semaphore, #tpu.memory_space<semaphore_mem>>) src(%dma_wait3A_378 : memref<128x64xf32, #tpu.memory_space<hbm>>) dst(%arg8 : memref<128x64xf32, #tpu.memory_space<vmem>>)
    %dma_wait3A_379 = arith.constant 0 : i32
    %dma_wait3A_380 = arith.constant 199 : i32
    %dma_wait3A_381 = arith.constant 0 : i32
    %dma_wait3A_382 = arith.constant 0 : i32
    %dma_wait3A_383 = arith.constant 0 : i32
    %dma_wait3A_384 = tpu.memref_slice %arg10[%dma_wait3A_379, %dma_wait3A_382, %dma_wait3A_383] : memref<8x8x129xf32, #tpu.memory_space<vmem>> -> memref<1x8x128xf32, #tpu.memory_space<vmem>>
    %dma_wait3A_385 = tpu.memref_squeeze %dma_wait3A_384 : memref<1x8x128xf32, #tpu.memory_space<vmem>> -> memref<8x128xf32, #tpu.memory_space<vmem>>
    %dma_wait3A_386 = arith.constant 0 : i32
    %dma_wait3A_387 = arith.constant 0 : i32
    %dma_wait3A_388 = tpu.memref_slice %arg5[%dma_wait3A_380, %dma_wait3A_381, %add3A, %dma_wait3A_386, %dma_wait3A_387] : memref<200x8x32x8x128xf32, #tpu.memory_space<hbm>> -> memref<1x1x1x8x128xf32, #tpu.memory_space<hbm>>
    %dma_wait3A_389 = tpu.memref_squeeze %dma_wait3A_388 : memref<1x1x1x8x128xf32, #tpu.memory_space<hbm>> -> memref<8x128xf32, #tpu.memory_space<hbm>>
    %dma_wait3A_390 = arith.constant 0 : i32
    %dma_wait3A_391 = arith.constant 0 : i32
    %dma_wait3A_392 = tpu.memref_slice %arg5[%dma_wait3A_380, %dma_wait3A_381, %add3A, %dma_wait3A_390, %dma_wait3A_391] : memref<200x8x32x8x128xf32, #tpu.memory_space<hbm>> -> memref<1x1x1x8x128xf32, #tpu.memory_space<hbm>>
    %dma_wait3A_393 = tpu.memref_squeeze %dma_wait3A_392 : memref<1x1x1x8x128xf32, #tpu.memory_space<hbm>> -> memref<8x128xf32, #tpu.memory_space<hbm>>
    %dma_wait3A_394 = arith.constant 0 : i32
    %dma_wait3A_395 = arith.constant 0 : i32
    %dma_wait3A_396 = tpu.memref_slice %arg10[%dma_wait3A_379, %dma_wait3A_394, %dma_wait3A_395] : memref<8x8x129xf32, #tpu.memory_space<vmem>> -> memref<1x8x128xf32, #tpu.memory_space<vmem>>
    %dma_wait3A_397 = tpu.memref_squeeze %dma_wait3A_396 : memref<1x8x128xf32, #tpu.memory_space<vmem>> -> memref<8x128xf32, #tpu.memory_space<vmem>>
    tpu.wait_dma2 semaphore(%arg15 : memref<!tpu.dma_semaphore, #tpu.memory_space<semaphore_mem>>) src(%dma_wait3A_397 : memref<8x128xf32, #tpu.memory_space<vmem>>) dst(%dma_wait3A_393 : memref<8x128xf32, #tpu.memory_space<hbm>>)
    %dma_wait3A_398 = arith.constant 1 : i32
    %dma_wait3A_399 = arith.constant 199 : i32
    %dma_wait3A_400 = arith.constant 1 : i32
    %dma_wait3A_401 = arith.constant 0 : i32
    %dma_wait3A_402 = arith.constant 0 : i32
    %dma_wait3A_403 = tpu.memref_slice %arg10[%dma_wait3A_398, %dma_wait3A_401, %dma_wait3A_402] : memref<8x8x129xf32, #tpu.memory_space<vmem>> -> memref<1x8x128xf32, #tpu.memory_space<vmem>>
    %dma_wait3A_404 = tpu.memref_squeeze %dma_wait3A_403 : memref<1x8x128xf32, #tpu.memory_space<vmem>> -> memref<8x128xf32, #tpu.memory_space<vmem>>
    %dma_wait3A_405 = arith.constant 0 : i32
    %dma_wait3A_406 = arith.constant 0 : i32
    %dma_wait3A_407 = tpu.memref_slice %arg5[%dma_wait3A_399, %dma_wait3A_400, %add3A, %dma_wait3A_405, %dma_wait3A_406] : memref<200x8x32x8x128xf32, #tpu.memory_space<hbm>> -> memref<1x1x1x8x128xf32, #tpu.memory_space<hbm>>
    %dma_wait3A_408 = tpu.memref_squeeze %dma_wait3A_407 : memref<1x1x1x8x128xf32, #tpu.memory_space<hbm>> -> memref<8x128xf32, #tpu.memory_space<hbm>>
    %dma_wait3A_409 = arith.constant 0 : i32
    %dma_wait3A_410 = arith.constant 0 : i32
    %dma_wait3A_411 = tpu.memref_slice %arg5[%dma_wait3A_399, %dma_wait3A_400, %add3A, %dma_wait3A_409, %dma_wait3A_410] : memref<200x8x32x8x128xf32, #tpu.memory_space<hbm>> -> memref<1x1x1x8x128xf32, #tpu.memory_space<hbm>>
    %dma_wait3A_412 = tpu.memref_squeeze %dma_wait3A_411 : memref<1x1x1x8x128xf32, #tpu.memory_space<hbm>> -> memref<8x128xf32, #tpu.memory_space<hbm>>
    %dma_wait3A_413 = arith.constant 0 : i32
    %dma_wait3A_414 = arith.constant 0 : i32
    %dma_wait3A_415 = tpu.memref_slice %arg10[%dma_wait3A_398, %dma_wait3A_413, %dma_wait3A_414] : memref<8x8x129xf32, #tpu.memory_space<vmem>> -> memref<1x8x128xf32, #tpu.memory_space<vmem>>
    %dma_wait3A_416 = tpu.memref_squeeze %dma_wait3A_415 : memref<1x8x128xf32, #tpu.memory_space<vmem>> -> memref<8x128xf32, #tpu.memory_space<vmem>>
    tpu.wait_dma2 semaphore(%arg15 : memref<!tpu.dma_semaphore, #tpu.memory_space<semaphore_mem>>) src(%dma_wait3A_416 : memref<8x128xf32, #tpu.memory_space<vmem>>) dst(%dma_wait3A_412 : memref<8x128xf32, #tpu.memory_space<hbm>>)
    %dma_wait3A_417 = arith.constant 2 : i32
    %dma_wait3A_418 = arith.constant 199 : i32
    %dma_wait3A_419 = arith.constant 2 : i32
    %dma_wait3A_420 = arith.constant 0 : i32
    %dma_wait3A_421 = arith.constant 0 : i32
    %dma_wait3A_422 = tpu.memref_slice %arg10[%dma_wait3A_417, %dma_wait3A_420, %dma_wait3A_421] : memref<8x8x129xf32, #tpu.memory_space<vmem>> -> memref<1x8x128xf32, #tpu.memory_space<vmem>>
    %dma_wait3A_423 = tpu.memref_squeeze %dma_wait3A_422 : memref<1x8x128xf32, #tpu.memory_space<vmem>> -> memref<8x128xf32, #tpu.memory_space<vmem>>
    %dma_wait3A_424 = arith.constant 0 : i32
    %dma_wait3A_425 = arith.constant 0 : i32
    %dma_wait3A_426 = tpu.memref_slice %arg5[%dma_wait3A_418, %dma_wait3A_419, %add3A, %dma_wait3A_424, %dma_wait3A_425] : memref<200x8x32x8x128xf32, #tpu.memory_space<hbm>> -> memref<1x1x1x8x128xf32, #tpu.memory_space<hbm>>
    %dma_wait3A_427 = tpu.memref_squeeze %dma_wait3A_426 : memref<1x1x1x8x128xf32, #tpu.memory_space<hbm>> -> memref<8x128xf32, #tpu.memory_space<hbm>>
    %dma_wait3A_428 = arith.constant 0 : i32
    %dma_wait3A_429 = arith.constant 0 : i32
    %dma_wait3A_430 = tpu.memref_slice %arg5[%dma_wait3A_418, %dma_wait3A_419, %add3A, %dma_wait3A_428, %dma_wait3A_429] : memref<200x8x32x8x128xf32, #tpu.memory_space<hbm>> -> memref<1x1x1x8x128xf32, #tpu.memory_space<hbm>>
    %dma_wait3A_431 = tpu.memref_squeeze %dma_wait3A_430 : memref<1x1x1x8x128xf32, #tpu.memory_space<hbm>> -> memref<8x128xf32, #tpu.memory_space<hbm>>
    %dma_wait3A_432 = arith.constant 0 : i32
    %dma_wait3A_433 = arith.constant 0 : i32
    %dma_wait3A_434 = tpu.memref_slice %arg10[%dma_wait3A_417, %dma_wait3A_432, %dma_wait3A_433] : memref<8x8x129xf32, #tpu.memory_space<vmem>> -> memref<1x8x128xf32, #tpu.memory_space<vmem>>
    %dma_wait3A_435 = tpu.memref_squeeze %dma_wait3A_434 : memref<1x8x128xf32, #tpu.memory_space<vmem>> -> memref<8x128xf32, #tpu.memory_space<vmem>>
    tpu.wait_dma2 semaphore(%arg15 : memref<!tpu.dma_semaphore, #tpu.memory_space<semaphore_mem>>) src(%dma_wait3A_435 : memref<8x128xf32, #tpu.memory_space<vmem>>) dst(%dma_wait3A_431 : memref<8x128xf32, #tpu.memory_space<hbm>>)
    %dma_wait3A_436 = arith.constant 3 : i32
    %dma_wait3A_437 = arith.constant 199 : i32
    %dma_wait3A_438 = arith.constant 3 : i32
    %dma_wait3A_439 = arith.constant 0 : i32
    %dma_wait3A_440 = arith.constant 0 : i32
    %dma_wait3A_441 = tpu.memref_slice %arg10[%dma_wait3A_436, %dma_wait3A_439, %dma_wait3A_440] : memref<8x8x129xf32, #tpu.memory_space<vmem>> -> memref<1x8x128xf32, #tpu.memory_space<vmem>>
    %dma_wait3A_442 = tpu.memref_squeeze %dma_wait3A_441 : memref<1x8x128xf32, #tpu.memory_space<vmem>> -> memref<8x128xf32, #tpu.memory_space<vmem>>
    %dma_wait3A_443 = arith.constant 0 : i32
    %dma_wait3A_444 = arith.constant 0 : i32
    %dma_wait3A_445 = tpu.memref_slice %arg5[%dma_wait3A_437, %dma_wait3A_438, %add3A, %dma_wait3A_443, %dma_wait3A_444] : memref<200x8x32x8x128xf32, #tpu.memory_space<hbm>> -> memref<1x1x1x8x128xf32, #tpu.memory_space<hbm>>
    %dma_wait3A_446 = tpu.memref_squeeze %dma_wait3A_445 : memref<1x1x1x8x128xf32, #tpu.memory_space<hbm>> -> memref<8x128xf32, #tpu.memory_space<hbm>>
    %dma_wait3A_447 = arith.constant 0 : i32
    %dma_wait3A_448 = arith.constant 0 : i32
    %dma_wait3A_449 = tpu.memref_slice %arg5[%dma_wait3A_437, %dma_wait3A_438, %add3A, %dma_wait3A_447, %dma_wait3A_448] : memref<200x8x32x8x128xf32, #tpu.memory_space<hbm>> -> memref<1x1x1x8x128xf32, #tpu.memory_space<hbm>>
    %dma_wait3A_450 = tpu.memref_squeeze %dma_wait3A_449 : memref<1x1x1x8x128xf32, #tpu.memory_space<hbm>> -> memref<8x128xf32, #tpu.memory_space<hbm>>
    %dma_wait3A_451 = arith.constant 0 : i32
    %dma_wait3A_452 = arith.constant 0 : i32
    %dma_wait3A_453 = tpu.memref_slice %arg10[%dma_wait3A_436, %dma_wait3A_451, %dma_wait3A_452] : memref<8x8x129xf32, #tpu.memory_space<vmem>> -> memref<1x8x128xf32, #tpu.memory_space<vmem>>
    %dma_wait3A_454 = tpu.memref_squeeze %dma_wait3A_453 : memref<1x8x128xf32, #tpu.memory_space<vmem>> -> memref<8x128xf32, #tpu.memory_space<vmem>>
    tpu.wait_dma2 semaphore(%arg15 : memref<!tpu.dma_semaphore, #tpu.memory_space<semaphore_mem>>) src(%dma_wait3A_454 : memref<8x128xf32, #tpu.memory_space<vmem>>) dst(%dma_wait3A_450 : memref<8x128xf32, #tpu.memory_space<hbm>>)
    %dma_wait3A_455 = arith.constant 4 : i32
    %dma_wait3A_456 = arith.constant 199 : i32
    %dma_wait3A_457 = arith.constant 4 : i32
    %dma_wait3A_458 = arith.constant 0 : i32
    %dma_wait3A_459 = arith.constant 0 : i32
    %dma_wait3A_460 = tpu.memref_slice %arg10[%dma_wait3A_455, %dma_wait3A_458, %dma_wait3A_459] : memref<8x8x129xf32, #tpu.memory_space<vmem>> -> memref<1x8x128xf32, #tpu.memory_space<vmem>>
    %dma_wait3A_461 = tpu.memref_squeeze %dma_wait3A_460 : memref<1x8x128xf32, #tpu.memory_space<vmem>> -> memref<8x128xf32, #tpu.memory_space<vmem>>
    %dma_wait3A_462 = arith.constant 0 : i32
    %dma_wait3A_463 = arith.constant 0 : i32
    %dma_wait3A_464 = tpu.memref_slice %arg5[%dma_wait3A_456, %dma_wait3A_457, %add3A, %dma_wait3A_462, %dma_wait3A_463] : memref<200x8x32x8x128xf32, #tpu.memory_space<hbm>> -> memref<1x1x1x8x128xf32, #tpu.memory_space<hbm>>
    %dma_wait3A_465 = tpu.memref_squeeze %dma_wait3A_464 : memref<1x1x1x8x128xf32, #tpu.memory_space<hbm>> -> memref<8x128xf32, #tpu.memory_space<hbm>>
    %dma_wait3A_466 = arith.constant 0 : i32
    %dma_wait3A_467 = arith.constant 0 : i32
    %dma_wait3A_468 = tpu.memref_slice %arg5[%dma_wait3A_456, %dma_wait3A_457, %add3A, %dma_wait3A_466, %dma_wait3A_467] : memref<200x8x32x8x128xf32, #tpu.memory_space<hbm>> -> memref<1x1x1x8x128xf32, #tpu.memory_space<hbm>>
    %dma_wait3A_469 = tpu.memref_squeeze %dma_wait3A_468 : memref<1x1x1x8x128xf32, #tpu.memory_space<hbm>> -> memref<8x128xf32, #tpu.memory_space<hbm>>
    %dma_wait3A_470 = arith.constant 0 : i32
    %dma_wait3A_471 = arith.constant 0 : i32
    %dma_wait3A_472 = tpu.memref_slice %arg10[%dma_wait3A_455, %dma_wait3A_470, %dma_wait3A_471] : memref<8x8x129xf32, #tpu.memory_space<vmem>> -> memref<1x8x128xf32, #tpu.memory_space<vmem>>
    %dma_wait3A_473 = tpu.memref_squeeze %dma_wait3A_472 : memref<1x8x128xf32, #tpu.memory_space<vmem>> -> memref<8x128xf32, #tpu.memory_space<vmem>>
    tpu.wait_dma2 semaphore(%arg15 : memref<!tpu.dma_semaphore, #tpu.memory_space<semaphore_mem>>) src(%dma_wait3A_473 : memref<8x128xf32, #tpu.memory_space<vmem>>) dst(%dma_wait3A_469 : memref<8x128xf32, #tpu.memory_space<hbm>>)
    %dma_wait3A_474 = arith.constant 5 : i32
    %dma_wait3A_475 = arith.constant 199 : i32
    %dma_wait3A_476 = arith.constant 5 : i32
    %dma_wait3A_477 = arith.constant 0 : i32
    %dma_wait3A_478 = arith.constant 0 : i32
    %dma_wait3A_479 = tpu.memref_slice %arg10[%dma_wait3A_474, %dma_wait3A_477, %dma_wait3A_478] : memref<8x8x129xf32, #tpu.memory_space<vmem>> -> memref<1x8x128xf32, #tpu.memory_space<vmem>>
    %dma_wait3A_480 = tpu.memref_squeeze %dma_wait3A_479 : memref<1x8x128xf32, #tpu.memory_space<vmem>> -> memref<8x128xf32, #tpu.memory_space<vmem>>
    %dma_wait3A_481 = arith.constant 0 : i32
    %dma_wait3A_482 = arith.constant 0 : i32
    %dma_wait3A_483 = tpu.memref_slice %arg5[%dma_wait3A_475, %dma_wait3A_476, %add3A, %dma_wait3A_481, %dma_wait3A_482] : memref<200x8x32x8x128xf32, #tpu.memory_space<hbm>> -> memref<1x1x1x8x128xf32, #tpu.memory_space<hbm>>
    %dma_wait3A_484 = tpu.memref_squeeze %dma_wait3A_483 : memref<1x1x1x8x128xf32, #tpu.memory_space<hbm>> -> memref<8x128xf32, #tpu.memory_space<hbm>>
    %dma_wait3A_485 = arith.constant 0 : i32
    %dma_wait3A_486 = arith.constant 0 : i32
    %dma_wait3A_487 = tpu.memref_slice %arg5[%dma_wait3A_475, %dma_wait3A_476, %add3A, %dma_wait3A_485, %dma_wait3A_486] : memref<200x8x32x8x128xf32, #tpu.memory_space<hbm>> -> memref<1x1x1x8x128xf32, #tpu.memory_space<hbm>>
    %dma_wait3A_488 = tpu.memref_squeeze %dma_wait3A_487 : memref<1x1x1x8x128xf32, #tpu.memory_space<hbm>> -> memref<8x128xf32, #tpu.memory_space<hbm>>
    %dma_wait3A_489 = arith.constant 0 : i32
    %dma_wait3A_490 = arith.constant 0 : i32
    %dma_wait3A_491 = tpu.memref_slice %arg10[%dma_wait3A_474, %dma_wait3A_489, %dma_wait3A_490] : memref<8x8x129xf32, #tpu.memory_space<vmem>> -> memref<1x8x128xf32, #tpu.memory_space<vmem>>
    %dma_wait3A_492 = tpu.memref_squeeze %dma_wait3A_491 : memref<1x8x128xf32, #tpu.memory_space<vmem>> -> memref<8x128xf32, #tpu.memory_space<vmem>>
    tpu.wait_dma2 semaphore(%arg15 : memref<!tpu.dma_semaphore, #tpu.memory_space<semaphore_mem>>) src(%dma_wait3A_492 : memref<8x128xf32, #tpu.memory_space<vmem>>) dst(%dma_wait3A_488 : memref<8x128xf32, #tpu.memory_space<hbm>>)
    %dma_wait3A_493 = arith.constant 6 : i32
    %dma_wait3A_494 = arith.constant 199 : i32
    %dma_wait3A_495 = arith.constant 6 : i32
    %dma_wait3A_496 = arith.constant 0 : i32
    %dma_wait3A_497 = arith.constant 0 : i32
    %dma_wait3A_498 = tpu.memref_slice %arg10[%dma_wait3A_493, %dma_wait3A_496, %dma_wait3A_497] : memref<8x8x129xf32, #tpu.memory_space<vmem>> -> memref<1x8x128xf32, #tpu.memory_space<vmem>>
    %dma_wait3A_499 = tpu.memref_squeeze %dma_wait3A_498 : memref<1x8x128xf32, #tpu.memory_space<vmem>> -> memref<8x128xf32, #tpu.memory_space<vmem>>
    %dma_wait3A_500 = arith.constant 0 : i32
    %dma_wait3A_501 = arith.constant 0 : i32
    %dma_wait3A_502 = tpu.memref_slice %arg5[%dma_wait3A_494, %dma_wait3A_495, %add3A, %dma_wait3A_500, %dma_wait3A_501] : memref<200x8x32x8x128xf32, #tpu.memory_space<hbm>> -> memref<1x1x1x8x128xf32, #tpu.memory_space<hbm>>
    %dma_wait3A_503 = tpu.memref_squeeze %dma_wait3A_502 : memref<1x1x1x8x128xf32, #tpu.memory_space<hbm>> -> memref<8x128xf32, #tpu.memory_space<hbm>>
    %dma_wait3A_504 = arith.constant 0 : i32
    %dma_wait3A_505 = arith.constant 0 : i32
    %dma_wait3A_506 = tpu.memref_slice %arg5[%dma_wait3A_494, %dma_wait3A_495, %add3A, %dma_wait3A_504, %dma_wait3A_505] : memref<200x8x32x8x128xf32, #tpu.memory_space<hbm>> -> memref<1x1x1x8x128xf32, #tpu.memory_space<hbm>>
    %dma_wait3A_507 = tpu.memref_squeeze %dma_wait3A_506 : memref<1x1x1x8x128xf32, #tpu.memory_space<hbm>> -> memref<8x128xf32, #tpu.memory_space<hbm>>
    %dma_wait3A_508 = arith.constant 0 : i32
    %dma_wait3A_509 = arith.constant 0 : i32
    %dma_wait3A_510 = tpu.memref_slice %arg10[%dma_wait3A_493, %dma_wait3A_508, %dma_wait3A_509] : memref<8x8x129xf32, #tpu.memory_space<vmem>> -> memref<1x8x128xf32, #tpu.memory_space<vmem>>
    %dma_wait3A_511 = tpu.memref_squeeze %dma_wait3A_510 : memref<1x8x128xf32, #tpu.memory_space<vmem>> -> memref<8x128xf32, #tpu.memory_space<vmem>>
    tpu.wait_dma2 semaphore(%arg15 : memref<!tpu.dma_semaphore, #tpu.memory_space<semaphore_mem>>) src(%dma_wait3A_511 : memref<8x128xf32, #tpu.memory_space<vmem>>) dst(%dma_wait3A_507 : memref<8x128xf32, #tpu.memory_space<hbm>>)
    %dma_wait3A_512 = arith.constant 7 : i32
    %dma_wait3A_513 = arith.constant 199 : i32
    %dma_wait3A_514 = arith.constant 7 : i32
    %dma_wait3A_515 = arith.constant 0 : i32
    %dma_wait3A_516 = arith.constant 0 : i32
    %dma_wait3A_517 = tpu.memref_slice %arg10[%dma_wait3A_512, %dma_wait3A_515, %dma_wait3A_516] : memref<8x8x129xf32, #tpu.memory_space<vmem>> -> memref<1x8x128xf32, #tpu.memory_space<vmem>>
    %dma_wait3A_518 = tpu.memref_squeeze %dma_wait3A_517 : memref<1x8x128xf32, #tpu.memory_space<vmem>> -> memref<8x128xf32, #tpu.memory_space<vmem>>
    %dma_wait3A_519 = arith.constant 0 : i32
    %dma_wait3A_520 = arith.constant 0 : i32
    %dma_wait3A_521 = tpu.memref_slice %arg5[%dma_wait3A_513, %dma_wait3A_514, %add3A, %dma_wait3A_519, %dma_wait3A_520] : memref<200x8x32x8x128xf32, #tpu.memory_space<hbm>> -> memref<1x1x1x8x128xf32, #tpu.memory_space<hbm>>
    %dma_wait3A_522 = tpu.memref_squeeze %dma_wait3A_521 : memref<1x1x1x8x128xf32, #tpu.memory_space<hbm>> -> memref<8x128xf32, #tpu.memory_space<hbm>>
    %dma_wait3A_523 = arith.constant 0 : i32
    %dma_wait3A_524 = arith.constant 0 : i32
    %dma_wait3A_525 = tpu.memref_slice %arg5[%dma_wait3A_513, %dma_wait3A_514, %add3A, %dma_wait3A_523, %dma_wait3A_524] : memref<200x8x32x8x128xf32, #tpu.memory_space<hbm>> -> memref<1x1x1x8x128xf32, #tpu.memory_space<hbm>>
    %dma_wait3A_526 = tpu.memref_squeeze %dma_wait3A_525 : memref<1x1x1x8x128xf32, #tpu.memory_space<hbm>> -> memref<8x128xf32, #tpu.memory_space<hbm>>
    %dma_wait3A_527 = arith.constant 0 : i32
    %dma_wait3A_528 = arith.constant 0 : i32
    %dma_wait3A_529 = tpu.memref_slice %arg10[%dma_wait3A_512, %dma_wait3A_527, %dma_wait3A_528] : memref<8x8x129xf32, #tpu.memory_space<vmem>> -> memref<1x8x128xf32, #tpu.memory_space<vmem>>
    %dma_wait3A_530 = tpu.memref_squeeze %dma_wait3A_529 : memref<1x8x128xf32, #tpu.memory_space<vmem>> -> memref<8x128xf32, #tpu.memory_space<vmem>>
    tpu.wait_dma2 semaphore(%arg15 : memref<!tpu.dma_semaphore, #tpu.memory_space<semaphore_mem>>) src(%dma_wait3A_530 : memref<8x128xf32, #tpu.memory_space<vmem>>) dst(%dma_wait3A_526 : memref<8x128xf32, #tpu.memory_space<hbm>>)
    %get3A_531 = arith.constant 199 : i32
    %get3A_532 = arith.index_cast %get3A_531 : i32 to index
    %get3A_533 = arith.constant 0 : index
    %get3A_534 = tpu.vector_load %arg11[%get3A_532, %get3A_533] {strides = array<i32>} : memref<200x64xf32, #tpu.memory_space<vmem>>, vector<16xf32>,
    %get3A_535 = arith.constant 199 : i32
    %get3A_536 = arith.index_cast %get3A_535 : i32 to index
    %get3A_537 = arith.constant 16 : index
    %get3A_538 = tpu.vector_load %arg11[%get3A_536, %get3A_537] {strides = array<i32>} : memref<200x64xf32, #tpu.memory_space<vmem>>, vector<16xf32>,
    %get3A_539 = arith.constant 199 : i32
    %get3A_540 = arith.index_cast %get3A_539 : i32 to index
    %get3A_541 = arith.constant 32 : index
    %get3A_542 = tpu.vector_load %arg11[%get3A_540, %get3A_541] {strides = array<i32>} : memref<200x64xf32, #tpu.memory_space<vmem>>, vector<16xf32>,
    %get3A_543 = arith.constant 199 : i32
    %get3A_544 = arith.index_cast %get3A_543 : i32 to index
    %get3A_545 = arith.constant 48 : index
    %get3A_546 = tpu.vector_load %arg11[%get3A_544, %get3A_545] {strides = array<i32>} : memref<200x64xf32, #tpu.memory_space<vmem>>, vector<16xf32>,
    %parallel_loop3A_547 = arith.constant 0 : i32
    %parallel_loop3A_548 = arith.constant 128 : i32
    %parallel_loop3A_549 = arith.constant 1 : i32
    scf.for %parallel_loop3A_1006 = %parallel_loop3A_547 to %parallel_loop3A_548 step %parallel_loop3A_549  : i32 {
      %parallel_loop3A_1007 = arith.constant 0 : i32
      %parallel_loop3A_1008 = vector.broadcast %parallel_loop3A_1007 : i32 to vector<16xi32>
      %parallel_loop3A_1009 = arith.muli %iota3A, %parallel_loop3A_1008 : vector<16xi32>
      %parallel_loop3A_1010 = vector.broadcast %parallel_loop3A_1006 : i32 to vector<16xi32>
      %parallel_loop3A_1011 = arith.addi %parallel_loop3A_1009, %parallel_loop3A_1010 : vector<16xi32>
      %parallel_loop3A_1012 = arith.index_cast %parallel_loop3A_1006 : i32 to index
      %parallel_loop3A_1013 = arith.constant 0 : index
      %parallel_loop3A_1014 = tpu.vector_load %arg8[%parallel_loop3A_1012, %parallel_loop3A_1013] {strides = array<i32>} : memref<128x64xf32, #tpu.memory_space<vmem>>, vector<16xf32>,
      %parallel_loop3A_1015 = arith.addf %parallel_loop3A_1014, %get3A_534 : vector<16xf32>
      tpu.vector_store_idx %arg10[%add3A_9, %and3A_4, %parallel_loop3A_1011], %parallel_loop3A_1015 : memref<8x8x129xf32, #tpu.memory_space<vmem>>[vector<16xi32>, vector<16xi32>, vector<16xi32>], vector<16xf32>,
      %parallel_loop3A_1016 = arith.index_cast %parallel_loop3A_1006 : i32 to index
      %parallel_loop3A_1017 = arith.constant 16 : index
      %parallel_loop3A_1018 = tpu.vector_load %arg8[%parallel_loop3A_1016, %parallel_loop3A_1017] {strides = array<i32>} : memref<128x64xf32, #tpu.memory_space<vmem>>, vector<16xf32>,
      %parallel_loop3A_1019 = arith.addf %parallel_loop3A_1018, %get3A_538 : vector<16xf32>
      tpu.vector_store_idx %arg10[%add3A_15, %and3A_4, %parallel_loop3A_1011], %parallel_loop3A_1019 : memref<8x8x129xf32, #tpu.memory_space<vmem>>[vector<16xi32>, vector<16xi32>, vector<16xi32>], vector<16xf32>,
      %parallel_loop3A_1020 = arith.index_cast %parallel_loop3A_1006 : i32 to index
      %parallel_loop3A_1021 = arith.constant 32 : index
      %parallel_loop3A_1022 = tpu.vector_load %arg8[%parallel_loop3A_1020, %parallel_loop3A_1021] {strides = array<i32>} : memref<128x64xf32, #tpu.memory_space<vmem>>, vector<16xf32>,
      %parallel_loop3A_1023 = arith.addf %parallel_loop3A_1022, %get3A_542 : vector<16xf32>
      tpu.vector_store_idx %arg10[%add3A_21, %and3A_4, %parallel_loop3A_1011], %parallel_loop3A_1023 : memref<8x8x129xf32, #tpu.memory_space<vmem>>[vector<16xi32>, vector<16xi32>, vector<16xi32>], vector<16xf32>,
      %parallel_loop3A_1024 = arith.index_cast %parallel_loop3A_1006 : i32 to index
      %parallel_loop3A_1025 = arith.constant 48 : index
      %parallel_loop3A_1026 = tpu.vector_load %arg8[%parallel_loop3A_1024, %parallel_loop3A_1025] {strides = array<i32>} : memref<128x64xf32, #tpu.memory_space<vmem>>, vector<16xf32>,
      %parallel_loop3A_1027 = arith.addf %parallel_loop3A_1026, %get3A_546 : vector<16xf32>
      tpu.vector_store_idx %arg10[%add3A_27, %and3A_4, %parallel_loop3A_1011], %parallel_loop3A_1027 : memref<8x8x129xf32, #tpu.memory_space<vmem>>[vector<16xi32>, vector<16xi32>, vector<16xi32>], vector<16xf32>,
    } {sc.loop_unroll_factor = 4 : i64, sc.parallel_access}
    %dma_start3A_550 = arith.constant 0 : i32
    %dma_start3A_551 = arith.constant 199 : i32
    %dma_start3A_552 = arith.constant 0 : i32
    %dma_start3A_553 = arith.constant 0 : i32
    %dma_start3A_554 = arith.constant 0 : i32
    %dma_start3A_555 = tpu.memref_slice %arg10[%dma_start3A_550, %dma_start3A_553, %dma_start3A_554] : memref<8x8x129xf32, #tpu.memory_space<vmem>> -> memref<1x8x128xf32, #tpu.memory_space<vmem>>
    %dma_start3A_556 = tpu.memref_squeeze %dma_start3A_555 : memref<1x8x128xf32, #tpu.memory_space<vmem>> -> memref<8x128xf32, #tpu.memory_space<vmem>>
    %dma_start3A_557 = arith.constant 0 : i32
    %dma_start3A_558 = arith.constant 0 : i32
    %dma_start3A_559 = tpu.memref_slice %arg5[%dma_start3A_551, %dma_start3A_552, %add3A, %dma_start3A_557, %dma_start3A_558] : memref<200x8x32x8x128xf32, #tpu.memory_space<hbm>> -> memref<1x1x1x8x128xf32, #tpu.memory_space<hbm>>
    %dma_start3A_560 = tpu.memref_squeeze %dma_start3A_559 : memref<1x1x1x8x128xf32, #tpu.memory_space<hbm>> -> memref<8x128xf32, #tpu.memory_space<hbm>>
    %dma_start3A_561 = arith.constant 0 : i32
    %dma_start3A_562 = arith.constant 0 : i32
    %dma_start3A_563 = tpu.memref_slice %arg5[%dma_start3A_551, %dma_start3A_552, %add3A, %dma_start3A_561, %dma_start3A_562] : memref<200x8x32x8x128xf32, #tpu.memory_space<hbm>> -> memref<1x1x1x8x128xf32, #tpu.memory_space<hbm>>
    %dma_start3A_564 = tpu.memref_squeeze %dma_start3A_563 : memref<1x1x1x8x128xf32, #tpu.memory_space<hbm>> -> memref<8x128xf32, #tpu.memory_space<hbm>>
    %dma_start3A_565 = arith.constant 0 : i32
    %dma_start3A_566 = arith.constant 0 : i32
    %dma_start3A_567 = tpu.memref_slice %arg10[%dma_start3A_550, %dma_start3A_565, %dma_start3A_566] : memref<8x8x129xf32, #tpu.memory_space<vmem>> -> memref<1x8x128xf32, #tpu.memory_space<vmem>>
    %dma_start3A_568 = tpu.memref_squeeze %dma_start3A_567 : memref<1x8x128xf32, #tpu.memory_space<vmem>> -> memref<8x128xf32, #tpu.memory_space<vmem>>
    tpu.enqueue_dma source(%dma_start3A_568 : memref<8x128xf32, #tpu.memory_space<vmem>>) target(%dma_start3A_564 : memref<8x128xf32, #tpu.memory_space<hbm>>) target_semaphore(%arg15 : memref<!tpu.dma_semaphore, #tpu.memory_space<semaphore_mem>>)
    %dma_start3A_569 = arith.constant 1 : i32
    %dma_start3A_570 = arith.constant 199 : i32
    %dma_start3A_571 = arith.constant 1 : i32
    %dma_start3A_572 = arith.constant 0 : i32
    %dma_start3A_573 = arith.constant 0 : i32
    %dma_start3A_574 = tpu.memref_slice %arg10[%dma_start3A_569, %dma_start3A_572, %dma_start3A_573] : memref<8x8x129xf32, #tpu.memory_space<vmem>> -> memref<1x8x128xf32, #tpu.memory_space<vmem>>
    %dma_start3A_575 = tpu.memref_squeeze %dma_start3A_574 : memref<1x8x128xf32, #tpu.memory_space<vmem>> -> memref<8x128xf32, #tpu.memory_space<vmem>>
    %dma_start3A_576 = arith.constant 0 : i32
    %dma_start3A_577 = arith.constant 0 : i32
    %dma_start3A_578 = tpu.memref_slice %arg5[%dma_start3A_570, %dma_start3A_571, %add3A, %dma_start3A_576, %dma_start3A_577] : memref<200x8x32x8x128xf32, #tpu.memory_space<hbm>> -> memref<1x1x1x8x128xf32, #tpu.memory_space<hbm>>
    %dma_start3A_579 = tpu.memref_squeeze %dma_start3A_578 : memref<1x1x1x8x128xf32, #tpu.memory_space<hbm>> -> memref<8x128xf32, #tpu.memory_space<hbm>>
    %dma_start3A_580 = arith.constant 0 : i32
    %dma_start3A_581 = arith.constant 0 : i32
    %dma_start3A_582 = tpu.memref_slice %arg5[%dma_start3A_570, %dma_start3A_571, %add3A, %dma_start3A_580, %dma_start3A_581] : memref<200x8x32x8x128xf32, #tpu.memory_space<hbm>> -> memref<1x1x1x8x128xf32, #tpu.memory_space<hbm>>
    %dma_start3A_583 = tpu.memref_squeeze %dma_start3A_582 : memref<1x1x1x8x128xf32, #tpu.memory_space<hbm>> -> memref<8x128xf32, #tpu.memory_space<hbm>>
    %dma_start3A_584 = arith.constant 0 : i32
    %dma_start3A_585 = arith.constant 0 : i32
    %dma_start3A_586 = tpu.memref_slice %arg10[%dma_start3A_569, %dma_start3A_584, %dma_start3A_585] : memref<8x8x129xf32, #tpu.memory_space<vmem>> -> memref<1x8x128xf32, #tpu.memory_space<vmem>>
    %dma_start3A_587 = tpu.memref_squeeze %dma_start3A_586 : memref<1x8x128xf32, #tpu.memory_space<vmem>> -> memref<8x128xf32, #tpu.memory_space<vmem>>
    tpu.enqueue_dma source(%dma_start3A_587 : memref<8x128xf32, #tpu.memory_space<vmem>>) target(%dma_start3A_583 : memref<8x128xf32, #tpu.memory_space<hbm>>) target_semaphore(%arg15 : memref<!tpu.dma_semaphore, #tpu.memory_space<semaphore_mem>>)
    %dma_start3A_588 = arith.constant 2 : i32
    %dma_start3A_589 = arith.constant 199 : i32
    %dma_start3A_590 = arith.constant 2 : i32
    %dma_start3A_591 = arith.constant 0 : i32
    %dma_start3A_592 = arith.constant 0 : i32
    %dma_start3A_593 = tpu.memref_slice %arg10[%dma_start3A_588, %dma_start3A_591, %dma_start3A_592] : memref<8x8x129xf32, #tpu.memory_space<vmem>> -> memref<1x8x128xf32, #tpu.memory_space<vmem>>
    %dma_start3A_594 = tpu.memref_squeeze %dma_start3A_593 : memref<1x8x128xf32, #tpu.memory_space<vmem>> -> memref<8x128xf32, #tpu.memory_space<vmem>>
    %dma_start3A_595 = arith.constant 0 : i32
    %dma_start3A_596 = arith.constant 0 : i32
    %dma_start3A_597 = tpu.memref_slice %arg5[%dma_start3A_589, %dma_start3A_590, %add3A, %dma_start3A_595, %dma_start3A_596] : memref<200x8x32x8x128xf32, #tpu.memory_space<hbm>> -> memref<1x1x1x8x128xf32, #tpu.memory_space<hbm>>
    %dma_start3A_598 = tpu.memref_squeeze %dma_start3A_597 : memref<1x1x1x8x128xf32, #tpu.memory_space<hbm>> -> memref<8x128xf32, #tpu.memory_space<hbm>>
    %dma_start3A_599 = arith.constant 0 : i32
    %dma_start3A_600 = arith.constant 0 : i32
    %dma_start3A_601 = tpu.memref_slice %arg5[%dma_start3A_589, %dma_start3A_590, %add3A, %dma_start3A_599, %dma_start3A_600] : memref<200x8x32x8x128xf32, #tpu.memory_space<hbm>> -> memref<1x1x1x8x128xf32, #tpu.memory_space<hbm>>
    %dma_start3A_602 = tpu.memref_squeeze %dma_start3A_601 : memref<1x1x1x8x128xf32, #tpu.memory_space<hbm>> -> memref<8x128xf32, #tpu.memory_space<hbm>>
    %dma_start3A_603 = arith.constant 0 : i32
    %dma_start3A_604 = arith.constant 0 : i32
    %dma_start3A_605 = tpu.memref_slice %arg10[%dma_start3A_588, %dma_start3A_603, %dma_start3A_604] : memref<8x8x129xf32, #tpu.memory_space<vmem>> -> memref<1x8x128xf32, #tpu.memory_space<vmem>>
    %dma_start3A_606 = tpu.memref_squeeze %dma_start3A_605 : memref<1x8x128xf32, #tpu.memory_space<vmem>> -> memref<8x128xf32, #tpu.memory_space<vmem>>
    tpu.enqueue_dma source(%dma_start3A_606 : memref<8x128xf32, #tpu.memory_space<vmem>>) target(%dma_start3A_602 : memref<8x128xf32, #tpu.memory_space<hbm>>) target_semaphore(%arg15 : memref<!tpu.dma_semaphore, #tpu.memory_space<semaphore_mem>>)
    %dma_start3A_607 = arith.constant 3 : i32
    %dma_start3A_608 = arith.constant 199 : i32
    %dma_start3A_609 = arith.constant 3 : i32
    %dma_start3A_610 = arith.constant 0 : i32
    %dma_start3A_611 = arith.constant 0 : i32
    %dma_start3A_612 = tpu.memref_slice %arg10[%dma_start3A_607, %dma_start3A_610, %dma_start3A_611] : memref<8x8x129xf32, #tpu.memory_space<vmem>> -> memref<1x8x128xf32, #tpu.memory_space<vmem>>
    %dma_start3A_613 = tpu.memref_squeeze %dma_start3A_612 : memref<1x8x128xf32, #tpu.memory_space<vmem>> -> memref<8x128xf32, #tpu.memory_space<vmem>>
    %dma_start3A_614 = arith.constant 0 : i32
    %dma_start3A_615 = arith.constant 0 : i32
    %dma_start3A_616 = tpu.memref_slice %arg5[%dma_start3A_608, %dma_start3A_609, %add3A, %dma_start3A_614, %dma_start3A_615] : memref<200x8x32x8x128xf32, #tpu.memory_space<hbm>> -> memref<1x1x1x8x128xf32, #tpu.memory_space<hbm>>
    %dma_start3A_617 = tpu.memref_squeeze %dma_start3A_616 : memref<1x1x1x8x128xf32, #tpu.memory_space<hbm>> -> memref<8x128xf32, #tpu.memory_space<hbm>>
    %dma_start3A_618 = arith.constant 0 : i32
    %dma_start3A_619 = arith.constant 0 : i32
    %dma_start3A_620 = tpu.memref_slice %arg5[%dma_start3A_608, %dma_start3A_609, %add3A, %dma_start3A_618, %dma_start3A_619] : memref<200x8x32x8x128xf32, #tpu.memory_space<hbm>> -> memref<1x1x1x8x128xf32, #tpu.memory_space<hbm>>
    %dma_start3A_621 = tpu.memref_squeeze %dma_start3A_620 : memref<1x1x1x8x128xf32, #tpu.memory_space<hbm>> -> memref<8x128xf32, #tpu.memory_space<hbm>>
    %dma_start3A_622 = arith.constant 0 : i32
    %dma_start3A_623 = arith.constant 0 : i32
    %dma_start3A_624 = tpu.memref_slice %arg10[%dma_start3A_607, %dma_start3A_622, %dma_start3A_623] : memref<8x8x129xf32, #tpu.memory_space<vmem>> -> memref<1x8x128xf32, #tpu.memory_space<vmem>>
    %dma_start3A_625 = tpu.memref_squeeze %dma_start3A_624 : memref<1x8x128xf32, #tpu.memory_space<vmem>> -> memref<8x128xf32, #tpu.memory_space<vmem>>
    tpu.enqueue_dma source(%dma_start3A_625 : memref<8x128xf32, #tpu.memory_space<vmem>>) target(%dma_start3A_621 : memref<8x128xf32, #tpu.memory_space<hbm>>) target_semaphore(%arg15 : memref<!tpu.dma_semaphore, #tpu.memory_space<semaphore_mem>>)
    %dma_start3A_626 = arith.constant 4 : i32
    %dma_start3A_627 = arith.constant 199 : i32
    %dma_start3A_628 = arith.constant 4 : i32
    %dma_start3A_629 = arith.constant 0 : i32
    %dma_start3A_630 = arith.constant 0 : i32
    %dma_start3A_631 = tpu.memref_slice %arg10[%dma_start3A_626, %dma_start3A_629, %dma_start3A_630] : memref<8x8x129xf32, #tpu.memory_space<vmem>> -> memref<1x8x128xf32, #tpu.memory_space<vmem>>
    %dma_start3A_632 = tpu.memref_squeeze %dma_start3A_631 : memref<1x8x128xf32, #tpu.memory_space<vmem>> -> memref<8x128xf32, #tpu.memory_space<vmem>>
    %dma_start3A_633 = arith.constant 0 : i32
    %dma_start3A_634 = arith.constant 0 : i32
    %dma_start3A_635 = tpu.memref_slice %arg5[%dma_start3A_627, %dma_start3A_628, %add3A, %dma_start3A_633, %dma_start3A_634] : memref<200x8x32x8x128xf32, #tpu.memory_space<hbm>> -> memref<1x1x1x8x128xf32, #tpu.memory_space<hbm>>
    %dma_start3A_636 = tpu.memref_squeeze %dma_start3A_635 : memref<1x1x1x8x128xf32, #tpu.memory_space<hbm>> -> memref<8x128xf32, #tpu.memory_space<hbm>>
    %dma_start3A_637 = arith.constant 0 : i32
    %dma_start3A_638 = arith.constant 0 : i32
    %dma_start3A_639 = tpu.memref_slice %arg5[%dma_start3A_627, %dma_start3A_628, %add3A, %dma_start3A_637, %dma_start3A_638] : memref<200x8x32x8x128xf32, #tpu.memory_space<hbm>> -> memref<1x1x1x8x128xf32, #tpu.memory_space<hbm>>
    %dma_start3A_640 = tpu.memref_squeeze %dma_start3A_639 : memref<1x1x1x8x128xf32, #tpu.memory_space<hbm>> -> memref<8x128xf32, #tpu.memory_space<hbm>>
    %dma_start3A_641 = arith.constant 0 : i32
    %dma_start3A_642 = arith.constant 0 : i32
    %dma_start3A_643 = tpu.memref_slice %arg10[%dma_start3A_626, %dma_start3A_641, %dma_start3A_642] : memref<8x8x129xf32, #tpu.memory_space<vmem>> -> memref<1x8x128xf32, #tpu.memory_space<vmem>>
    %dma_start3A_644 = tpu.memref_squeeze %dma_start3A_643 : memref<1x8x128xf32, #tpu.memory_space<vmem>> -> memref<8x128xf32, #tpu.memory_space<vmem>>
    tpu.enqueue_dma source(%dma_start3A_644 : memref<8x128xf32, #tpu.memory_space<vmem>>) target(%dma_start3A_640 : memref<8x128xf32, #tpu.memory_space<hbm>>) target_semaphore(%arg15 : memref<!tpu.dma_semaphore, #tpu.memory_space<semaphore_mem>>)
    %dma_start3A_645 = arith.constant 5 : i32
    %dma_start3A_646 = arith.constant 199 : i32
    %dma_start3A_647 = arith.constant 5 : i32
    %dma_start3A_648 = arith.constant 0 : i32
    %dma_start3A_649 = arith.constant 0 : i32
    %dma_start3A_650 = tpu.memref_slice %arg10[%dma_start3A_645, %dma_start3A_648, %dma_start3A_649] : memref<8x8x129xf32, #tpu.memory_space<vmem>> -> memref<1x8x128xf32, #tpu.memory_space<vmem>>
    %dma_start3A_651 = tpu.memref_squeeze %dma_start3A_650 : memref<1x8x128xf32, #tpu.memory_space<vmem>> -> memref<8x128xf32, #tpu.memory_space<vmem>>
    %dma_start3A_652 = arith.constant 0 : i32
    %dma_start3A_653 = arith.constant 0 : i32
    %dma_start3A_654 = tpu.memref_slice %arg5[%dma_start3A_646, %dma_start3A_647, %add3A, %dma_start3A_652, %dma_start3A_653] : memref<200x8x32x8x128xf32, #tpu.memory_space<hbm>> -> memref<1x1x1x8x128xf32, #tpu.memory_space<hbm>>
    %dma_start3A_655 = tpu.memref_squeeze %dma_start3A_654 : memref<1x1x1x8x128xf32, #tpu.memory_space<hbm>> -> memref<8x128xf32, #tpu.memory_space<hbm>>
    %dma_start3A_656 = arith.constant 0 : i32
    %dma_start3A_657 = arith.constant 0 : i32
    %dma_start3A_658 = tpu.memref_slice %arg5[%dma_start3A_646, %dma_start3A_647, %add3A, %dma_start3A_656, %dma_start3A_657] : memref<200x8x32x8x128xf32, #tpu.memory_space<hbm>> -> memref<1x1x1x8x128xf32, #tpu.memory_space<hbm>>
    %dma_start3A_659 = tpu.memref_squeeze %dma_start3A_658 : memref<1x1x1x8x128xf32, #tpu.memory_space<hbm>> -> memref<8x128xf32, #tpu.memory_space<hbm>>
    %dma_start3A_660 = arith.constant 0 : i32
    %dma_start3A_661 = arith.constant 0 : i32
    %dma_start3A_662 = tpu.memref_slice %arg10[%dma_start3A_645, %dma_start3A_660, %dma_start3A_661] : memref<8x8x129xf32, #tpu.memory_space<vmem>> -> memref<1x8x128xf32, #tpu.memory_space<vmem>>
    %dma_start3A_663 = tpu.memref_squeeze %dma_start3A_662 : memref<1x8x128xf32, #tpu.memory_space<vmem>> -> memref<8x128xf32, #tpu.memory_space<vmem>>
    tpu.enqueue_dma source(%dma_start3A_663 : memref<8x128xf32, #tpu.memory_space<vmem>>) target(%dma_start3A_659 : memref<8x128xf32, #tpu.memory_space<hbm>>) target_semaphore(%arg15 : memref<!tpu.dma_semaphore, #tpu.memory_space<semaphore_mem>>)
    %dma_start3A_664 = arith.constant 6 : i32
    %dma_start3A_665 = arith.constant 199 : i32
    %dma_start3A_666 = arith.constant 6 : i32
    %dma_start3A_667 = arith.constant 0 : i32
    %dma_start3A_668 = arith.constant 0 : i32
    %dma_start3A_669 = tpu.memref_slice %arg10[%dma_start3A_664, %dma_start3A_667, %dma_start3A_668] : memref<8x8x129xf32, #tpu.memory_space<vmem>> -> memref<1x8x128xf32, #tpu.memory_space<vmem>>
    %dma_start3A_670 = tpu.memref_squeeze %dma_start3A_669 : memref<1x8x128xf32, #tpu.memory_space<vmem>> -> memref<8x128xf32, #tpu.memory_space<vmem>>
    %dma_start3A_671 = arith.constant 0 : i32
    %dma_start3A_672 = arith.constant 0 : i32
    %dma_start3A_673 = tpu.memref_slice %arg5[%dma_start3A_665, %dma_start3A_666, %add3A, %dma_start3A_671, %dma_start3A_672] : memref<200x8x32x8x128xf32, #tpu.memory_space<hbm>> -> memref<1x1x1x8x128xf32, #tpu.memory_space<hbm>>
    %dma_start3A_674 = tpu.memref_squeeze %dma_start3A_673 : memref<1x1x1x8x128xf32, #tpu.memory_space<hbm>> -> memref<8x128xf32, #tpu.memory_space<hbm>>
    %dma_start3A_675 = arith.constant 0 : i32
    %dma_start3A_676 = arith.constant 0 : i32
    %dma_start3A_677 = tpu.memref_slice %arg5[%dma_start3A_665, %dma_start3A_666, %add3A, %dma_start3A_675, %dma_start3A_676] : memref<200x8x32x8x128xf32, #tpu.memory_space<hbm>> -> memref<1x1x1x8x128xf32, #tpu.memory_space<hbm>>
    %dma_start3A_678 = tpu.memref_squeeze %dma_start3A_677 : memref<1x1x1x8x128xf32, #tpu.memory_space<hbm>> -> memref<8x128xf32, #tpu.memory_space<hbm>>
    %dma_start3A_679 = arith.constant 0 : i32
    %dma_start3A_680 = arith.constant 0 : i32
    %dma_start3A_681 = tpu.memref_slice %arg10[%dma_start3A_664, %dma_start3A_679, %dma_start3A_680] : memref<8x8x129xf32, #tpu.memory_space<vmem>> -> memref<1x8x128xf32, #tpu.memory_space<vmem>>
    %dma_start3A_682 = tpu.memref_squeeze %dma_start3A_681 : memref<1x8x128xf32, #tpu.memory_space<vmem>> -> memref<8x128xf32, #tpu.memory_space<vmem>>
    tpu.enqueue_dma source(%dma_start3A_682 : memref<8x128xf32, #tpu.memory_space<vmem>>) target(%dma_start3A_678 : memref<8x128xf32, #tpu.memory_space<hbm>>) target_semaphore(%arg15 : memref<!tpu.dma_semaphore, #tpu.memory_space<semaphore_mem>>)
    %dma_start3A_683 = arith.constant 7 : i32
    %dma_start3A_684 = arith.constant 199 : i32
    %dma_start3A_685 = arith.constant 7 : i32
    %dma_start3A_686 = arith.constant 0 : i32
    %dma_start3A_687 = arith.constant 0 : i32
    %dma_start3A_688 = tpu.memref_slice %arg10[%dma_start3A_683, %dma_start3A_686, %dma_start3A_687] : memref<8x8x129xf32, #tpu.memory_space<vmem>> -> memref<1x8x128xf32, #tpu.memory_space<vmem>>
    %dma_start3A_689 = tpu.memref_squeeze %dma_start3A_688 : memref<1x8x128xf32, #tpu.memory_space<vmem>> -> memref<8x128xf32, #tpu.memory_space<vmem>>
    %dma_start3A_690 = arith.constant 0 : i32
    %dma_start3A_691 = arith.constant 0 : i32
    %dma_start3A_692 = tpu.memref_slice %arg5[%dma_start3A_684, %dma_start3A_685, %add3A, %dma_start3A_690, %dma_start3A_691] : memref<200x8x32x8x128xf32, #tpu.memory_space<hbm>> -> memref<1x1x1x8x128xf32, #tpu.memory_space<hbm>>
    %dma_start3A_693 = tpu.memref_squeeze %dma_start3A_692 : memref<1x1x1x8x128xf32, #tpu.memory_space<hbm>> -> memref<8x128xf32, #tpu.memory_space<hbm>>
    %dma_start3A_694 = arith.constant 0 : i32
    %dma_start3A_695 = arith.constant 0 : i32
    %dma_start3A_696 = tpu.memref_slice %arg5[%dma_start3A_684, %dma_start3A_685, %add3A, %dma_start3A_694, %dma_start3A_695] : memref<200x8x32x8x128xf32, #tpu.memory_space<hbm>> -> memref<1x1x1x8x128xf32, #tpu.memory_space<hbm>>
    %dma_start3A_697 = tpu.memref_squeeze %dma_start3A_696 : memref<1x1x1x8x128xf32, #tpu.memory_space<hbm>> -> memref<8x128xf32, #tpu.memory_space<hbm>>
    %dma_start3A_698 = arith.constant 0 : i32
    %dma_start3A_699 = arith.constant 0 : i32
    %dma_start3A_700 = tpu.memref_slice %arg10[%dma_start3A_683, %dma_start3A_698, %dma_start3A_699] : memref<8x8x129xf32, #tpu.memory_space<vmem>> -> memref<1x8x128xf32, #tpu.memory_space<vmem>>
    %dma_start3A_701 = tpu.memref_squeeze %dma_start3A_700 : memref<1x8x128xf32, #tpu.memory_space<vmem>> -> memref<8x128xf32, #tpu.memory_space<vmem>>
    tpu.enqueue_dma source(%dma_start3A_701 : memref<8x128xf32, #tpu.memory_space<vmem>>) target(%dma_start3A_697 : memref<8x128xf32, #tpu.memory_space<hbm>>) target_semaphore(%arg15 : memref<!tpu.dma_semaphore, #tpu.memory_space<semaphore_mem>>)
    %dma_wait3A_702 = arith.constant 0 : i32
    %dma_wait3A_703 = arith.constant 198 : i32
    %dma_wait3A_704 = arith.constant 0 : i32
    %dma_wait3A_705 = arith.constant 0 : i32
    %dma_wait3A_706 = arith.constant 0 : i32
    %dma_wait3A_707 = tpu.memref_slice %arg9[%dma_wait3A_702, %dma_wait3A_705, %dma_wait3A_706] : memref<8x8x129xf32, #tpu.memory_space<vmem>> -> memref<1x8x128xf32, #tpu.memory_space<vmem>>
    %dma_wait3A_708 = tpu.memref_squeeze %dma_wait3A_707 : memref<1x8x128xf32, #tpu.memory_space<vmem>> -> memref<8x128xf32, #tpu.memory_space<vmem>>
    %dma_wait3A_709 = arith.constant 0 : i32
    %dma_wait3A_710 = arith.constant 0 : i32
    %dma_wait3A_711 = tpu.memref_slice %arg5[%dma_wait3A_703, %dma_wait3A_704, %add3A, %dma_wait3A_709, %dma_wait3A_710] : memref<200x8x32x8x128xf32, #tpu.memory_space<hbm>> -> memref<1x1x1x8x128xf32, #tpu.memory_space<hbm>>
    %dma_wait3A_712 = tpu.memref_squeeze %dma_wait3A_711 : memref<1x1x1x8x128xf32, #tpu.memory_space<hbm>> -> memref<8x128xf32, #tpu.memory_space<hbm>>
    %dma_wait3A_713 = arith.constant 0 : i32
    %dma_wait3A_714 = arith.constant 0 : i32
    %dma_wait3A_715 = tpu.memref_slice %arg5[%dma_wait3A_703, %dma_wait3A_704, %add3A, %dma_wait3A_713, %dma_wait3A_714] : memref<200x8x32x8x128xf32, #tpu.memory_space<hbm>> -> memref<1x1x1x8x128xf32, #tpu.memory_space<hbm>>
    %dma_wait3A_716 = tpu.memref_squeeze %dma_wait3A_715 : memref<1x1x1x8x128xf32, #tpu.memory_space<hbm>> -> memref<8x128xf32, #tpu.memory_space<hbm>>
    %dma_wait3A_717 = arith.constant 0 : i32
    %dma_wait3A_718 = arith.constant 0 : i32
    %dma_wait3A_719 = tpu.memref_slice %arg9[%dma_wait3A_702, %dma_wait3A_717, %dma_wait3A_718] : memref<8x8x129xf32, #tpu.memory_space<vmem>> -> memref<1x8x128xf32, #tpu.memory_space<vmem>>
    %dma_wait3A_720 = tpu.memref_squeeze %dma_wait3A_719 : memref<1x8x128xf32, #tpu.memory_space<vmem>> -> memref<8x128xf32, #tpu.memory_space<vmem>>
    tpu.wait_dma2 semaphore(%arg14 : memref<!tpu.dma_semaphore, #tpu.memory_space<semaphore_mem>>) src(%dma_wait3A_720 : memref<8x128xf32, #tpu.memory_space<vmem>>) dst(%dma_wait3A_716 : memref<8x128xf32, #tpu.memory_space<hbm>>)
    %dma_wait3A_721 = arith.constant 1 : i32
    %dma_wait3A_722 = arith.constant 198 : i32
    %dma_wait3A_723 = arith.constant 1 : i32
    %dma_wait3A_724 = arith.constant 0 : i32
    %dma_wait3A_725 = arith.constant 0 : i32
    %dma_wait3A_726 = tpu.memref_slice %arg9[%dma_wait3A_721, %dma_wait3A_724, %dma_wait3A_725] : memref<8x8x129xf32, #tpu.memory_space<vmem>> -> memref<1x8x128xf32, #tpu.memory_space<vmem>>
    %dma_wait3A_727 = tpu.memref_squeeze %dma_wait3A_726 : memref<1x8x128xf32, #tpu.memory_space<vmem>> -> memref<8x128xf32, #tpu.memory_space<vmem>>
    %dma_wait3A_728 = arith.constant 0 : i32
    %dma_wait3A_729 = arith.constant 0 : i32
    %dma_wait3A_730 = tpu.memref_slice %arg5[%dma_wait3A_722, %dma_wait3A_723, %add3A, %dma_wait3A_728, %dma_wait3A_729] : memref<200x8x32x8x128xf32, #tpu.memory_space<hbm>> -> memref<1x1x1x8x128xf32, #tpu.memory_space<hbm>>
    %dma_wait3A_731 = tpu.memref_squeeze %dma_wait3A_730 : memref<1x1x1x8x128xf32, #tpu.memory_space<hbm>> -> memref<8x128xf32, #tpu.memory_space<hbm>>
    %dma_wait3A_732 = arith.constant 0 : i32
    %dma_wait3A_733 = arith.constant 0 : i32
    %dma_wait3A_734 = tpu.memref_slice %arg5[%dma_wait3A_722, %dma_wait3A_723, %add3A, %dma_wait3A_732, %dma_wait3A_733] : memref<200x8x32x8x128xf32, #tpu.memory_space<hbm>> -> memref<1x1x1x8x128xf32, #tpu.memory_space<hbm>>
    %dma_wait3A_735 = tpu.memref_squeeze %dma_wait3A_734 : memref<1x1x1x8x128xf32, #tpu.memory_space<hbm>> -> memref<8x128xf32, #tpu.memory_space<hbm>>
    %dma_wait3A_736 = arith.constant 0 : i32
    %dma_wait3A_737 = arith.constant 0 : i32
    %dma_wait3A_738 = tpu.memref_slice %arg9[%dma_wait3A_721, %dma_wait3A_736, %dma_wait3A_737] : memref<8x8x129xf32, #tpu.memory_space<vmem>> -> memref<1x8x128xf32, #tpu.memory_space<vmem>>
    %dma_wait3A_739 = tpu.memref_squeeze %dma_wait3A_738 : memref<1x8x128xf32, #tpu.memory_space<vmem>> -> memref<8x128xf32, #tpu.memory_space<vmem>>
    tpu.wait_dma2 semaphore(%arg14 : memref<!tpu.dma_semaphore, #tpu.memory_space<semaphore_mem>>) src(%dma_wait3A_739 : memref<8x128xf32, #tpu.memory_space<vmem>>) dst(%dma_wait3A_735 : memref<8x128xf32, #tpu.memory_space<hbm>>)
    %dma_wait3A_740 = arith.constant 2 : i32
    %dma_wait3A_741 = arith.constant 198 : i32
    %dma_wait3A_742 = arith.constant 2 : i32
    %dma_wait3A_743 = arith.constant 0 : i32
    %dma_wait3A_744 = arith.constant 0 : i32
    %dma_wait3A_745 = tpu.memref_slice %arg9[%dma_wait3A_740, %dma_wait3A_743, %dma_wait3A_744] : memref<8x8x129xf32, #tpu.memory_space<vmem>> -> memref<1x8x128xf32, #tpu.memory_space<vmem>>
    %dma_wait3A_746 = tpu.memref_squeeze %dma_wait3A_745 : memref<1x8x128xf32, #tpu.memory_space<vmem>> -> memref<8x128xf32, #tpu.memory_space<vmem>>
    %dma_wait3A_747 = arith.constant 0 : i32
    %dma_wait3A_748 = arith.constant 0 : i32
    %dma_wait3A_749 = tpu.memref_slice %arg5[%dma_wait3A_741, %dma_wait3A_742, %add3A, %dma_wait3A_747, %dma_wait3A_748] : memref<200x8x32x8x128xf32, #tpu.memory_space<hbm>> -> memref<1x1x1x8x128xf32, #tpu.memory_space<hbm>>
    %dma_wait3A_750 = tpu.memref_squeeze %dma_wait3A_749 : memref<1x1x1x8x128xf32, #tpu.memory_space<hbm>> -> memref<8x128xf32, #tpu.memory_space<hbm>>
    %dma_wait3A_751 = arith.constant 0 : i32
    %dma_wait3A_752 = arith.constant 0 : i32
    %dma_wait3A_753 = tpu.memref_slice %arg5[%dma_wait3A_741, %dma_wait3A_742, %add3A, %dma_wait3A_751, %dma_wait3A_752] : memref<200x8x32x8x128xf32, #tpu.memory_space<hbm>> -> memref<1x1x1x8x128xf32, #tpu.memory_space<hbm>>
    %dma_wait3A_754 = tpu.memref_squeeze %dma_wait3A_753 : memref<1x1x1x8x128xf32, #tpu.memory_space<hbm>> -> memref<8x128xf32, #tpu.memory_space<hbm>>
    %dma_wait3A_755 = arith.constant 0 : i32
    %dma_wait3A_756 = arith.constant 0 : i32
    %dma_wait3A_757 = tpu.memref_slice %arg9[%dma_wait3A_740, %dma_wait3A_755, %dma_wait3A_756] : memref<8x8x129xf32, #tpu.memory_space<vmem>> -> memref<1x8x128xf32, #tpu.memory_space<vmem>>
    %dma_wait3A_758 = tpu.memref_squeeze %dma_wait3A_757 : memref<1x8x128xf32, #tpu.memory_space<vmem>> -> memref<8x128xf32, #tpu.memory_space<vmem>>
    tpu.wait_dma2 semaphore(%arg14 : memref<!tpu.dma_semaphore, #tpu.memory_space<semaphore_mem>>) src(%dma_wait3A_758 : memref<8x128xf32, #tpu.memory_space<vmem>>) dst(%dma_wait3A_754 : memref<8x128xf32, #tpu.memory_space<hbm>>)
    %dma_wait3A_759 = arith.constant 3 : i32
    %dma_wait3A_760 = arith.constant 198 : i32
    %dma_wait3A_761 = arith.constant 3 : i32
    %dma_wait3A_762 = arith.constant 0 : i32
    %dma_wait3A_763 = arith.constant 0 : i32
    %dma_wait3A_764 = tpu.memref_slice %arg9[%dma_wait3A_759, %dma_wait3A_762, %dma_wait3A_763] : memref<8x8x129xf32, #tpu.memory_space<vmem>> -> memref<1x8x128xf32, #tpu.memory_space<vmem>>
    %dma_wait3A_765 = tpu.memref_squeeze %dma_wait3A_764 : memref<1x8x128xf32, #tpu.memory_space<vmem>> -> memref<8x128xf32, #tpu.memory_space<vmem>>
    %dma_wait3A_766 = arith.constant 0 : i32
    %dma_wait3A_767 = arith.constant 0 : i32
    %dma_wait3A_768 = tpu.memref_slice %arg5[%dma_wait3A_760, %dma_wait3A_761, %add3A, %dma_wait3A_766, %dma_wait3A_767] : memref<200x8x32x8x128xf32, #tpu.memory_space<hbm>> -> memref<1x1x1x8x128xf32, #tpu.memory_space<hbm>>
    %dma_wait3A_769 = tpu.memref_squeeze %dma_wait3A_768 : memref<1x1x1x8x128xf32, #tpu.memory_space<hbm>> -> memref<8x128xf32, #tpu.memory_space<hbm>>
    %dma_wait3A_770 = arith.constant 0 : i32
    %dma_wait3A_771 = arith.constant 0 : i32
    %dma_wait3A_772 = tpu.memref_slice %arg5[%dma_wait3A_760, %dma_wait3A_761, %add3A, %dma_wait3A_770, %dma_wait3A_771] : memref<200x8x32x8x128xf32, #tpu.memory_space<hbm>> -> memref<1x1x1x8x128xf32, #tpu.memory_space<hbm>>
    %dma_wait3A_773 = tpu.memref_squeeze %dma_wait3A_772 : memref<1x1x1x8x128xf32, #tpu.memory_space<hbm>> -> memref<8x128xf32, #tpu.memory_space<hbm>>
    %dma_wait3A_774 = arith.constant 0 : i32
    %dma_wait3A_775 = arith.constant 0 : i32
    %dma_wait3A_776 = tpu.memref_slice %arg9[%dma_wait3A_759, %dma_wait3A_774, %dma_wait3A_775] : memref<8x8x129xf32, #tpu.memory_space<vmem>> -> memref<1x8x128xf32, #tpu.memory_space<vmem>>
    %dma_wait3A_777 = tpu.memref_squeeze %dma_wait3A_776 : memref<1x8x128xf32, #tpu.memory_space<vmem>> -> memref<8x128xf32, #tpu.memory_space<vmem>>
    tpu.wait_dma2 semaphore(%arg14 : memref<!tpu.dma_semaphore, #tpu.memory_space<semaphore_mem>>) src(%dma_wait3A_777 : memref<8x128xf32, #tpu.memory_space<vmem>>) dst(%dma_wait3A_773 : memref<8x128xf32, #tpu.memory_space<hbm>>)
    %dma_wait3A_778 = arith.constant 4 : i32
    %dma_wait3A_779 = arith.constant 198 : i32
    %dma_wait3A_780 = arith.constant 4 : i32
    %dma_wait3A_781 = arith.constant 0 : i32
    %dma_wait3A_782 = arith.constant 0 : i32
    %dma_wait3A_783 = tpu.memref_slice %arg9[%dma_wait3A_778, %dma_wait3A_781, %dma_wait3A_782] : memref<8x8x129xf32, #tpu.memory_space<vmem>> -> memref<1x8x128xf32, #tpu.memory_space<vmem>>
    %dma_wait3A_784 = tpu.memref_squeeze %dma_wait3A_783 : memref<1x8x128xf32, #tpu.memory_space<vmem>> -> memref<8x128xf32, #tpu.memory_space<vmem>>
    %dma_wait3A_785 = arith.constant 0 : i32
    %dma_wait3A_786 = arith.constant 0 : i32
    %dma_wait3A_787 = tpu.memref_slice %arg5[%dma_wait3A_779, %dma_wait3A_780, %add3A, %dma_wait3A_785, %dma_wait3A_786] : memref<200x8x32x8x128xf32, #tpu.memory_space<hbm>> -> memref<1x1x1x8x128xf32, #tpu.memory_space<hbm>>
    %dma_wait3A_788 = tpu.memref_squeeze %dma_wait3A_787 : memref<1x1x1x8x128xf32, #tpu.memory_space<hbm>> -> memref<8x128xf32, #tpu.memory_space<hbm>>
    %dma_wait3A_789 = arith.constant 0 : i32
    %dma_wait3A_790 = arith.constant 0 : i32
    %dma_wait3A_791 = tpu.memref_slice %arg5[%dma_wait3A_779, %dma_wait3A_780, %add3A, %dma_wait3A_789, %dma_wait3A_790] : memref<200x8x32x8x128xf32, #tpu.memory_space<hbm>> -> memref<1x1x1x8x128xf32, #tpu.memory_space<hbm>>
    %dma_wait3A_792 = tpu.memref_squeeze %dma_wait3A_791 : memref<1x1x1x8x128xf32, #tpu.memory_space<hbm>> -> memref<8x128xf32, #tpu.memory_space<hbm>>
    %dma_wait3A_793 = arith.constant 0 : i32
    %dma_wait3A_794 = arith.constant 0 : i32
    %dma_wait3A_795 = tpu.memref_slice %arg9[%dma_wait3A_778, %dma_wait3A_793, %dma_wait3A_794] : memref<8x8x129xf32, #tpu.memory_space<vmem>> -> memref<1x8x128xf32, #tpu.memory_space<vmem>>
    %dma_wait3A_796 = tpu.memref_squeeze %dma_wait3A_795 : memref<1x8x128xf32, #tpu.memory_space<vmem>> -> memref<8x128xf32, #tpu.memory_space<vmem>>
    tpu.wait_dma2 semaphore(%arg14 : memref<!tpu.dma_semaphore, #tpu.memory_space<semaphore_mem>>) src(%dma_wait3A_796 : memref<8x128xf32, #tpu.memory_space<vmem>>) dst(%dma_wait3A_792 : memref<8x128xf32, #tpu.memory_space<hbm>>)
    %dma_wait3A_797 = arith.constant 5 : i32
    %dma_wait3A_798 = arith.constant 198 : i32
    %dma_wait3A_799 = arith.constant 5 : i32
    %dma_wait3A_800 = arith.constant 0 : i32
    %dma_wait3A_801 = arith.constant 0 : i32
    %dma_wait3A_802 = tpu.memref_slice %arg9[%dma_wait3A_797, %dma_wait3A_800, %dma_wait3A_801] : memref<8x8x129xf32, #tpu.memory_space<vmem>> -> memref<1x8x128xf32, #tpu.memory_space<vmem>>
    %dma_wait3A_803 = tpu.memref_squeeze %dma_wait3A_802 : memref<1x8x128xf32, #tpu.memory_space<vmem>> -> memref<8x128xf32, #tpu.memory_space<vmem>>
    %dma_wait3A_804 = arith.constant 0 : i32
    %dma_wait3A_805 = arith.constant 0 : i32
    %dma_wait3A_806 = tpu.memref_slice %arg5[%dma_wait3A_798, %dma_wait3A_799, %add3A, %dma_wait3A_804, %dma_wait3A_805] : memref<200x8x32x8x128xf32, #tpu.memory_space<hbm>> -> memref<1x1x1x8x128xf32, #tpu.memory_space<hbm>>
    %dma_wait3A_807 = tpu.memref_squeeze %dma_wait3A_806 : memref<1x1x1x8x128xf32, #tpu.memory_space<hbm>> -> memref<8x128xf32, #tpu.memory_space<hbm>>
    %dma_wait3A_808 = arith.constant 0 : i32
    %dma_wait3A_809 = arith.constant 0 : i32
    %dma_wait3A_810 = tpu.memref_slice %arg5[%dma_wait3A_798, %dma_wait3A_799, %add3A, %dma_wait3A_808, %dma_wait3A_809] : memref<200x8x32x8x128xf32, #tpu.memory_space<hbm>> -> memref<1x1x1x8x128xf32, #tpu.memory_space<hbm>>
    %dma_wait3A_811 = tpu.memref_squeeze %dma_wait3A_810 : memref<1x1x1x8x128xf32, #tpu.memory_space<hbm>> -> memref<8x128xf32, #tpu.memory_space<hbm>>
    %dma_wait3A_812 = arith.constant 0 : i32
    %dma_wait3A_813 = arith.constant 0 : i32
    %dma_wait3A_814 = tpu.memref_slice %arg9[%dma_wait3A_797, %dma_wait3A_812, %dma_wait3A_813] : memref<8x8x129xf32, #tpu.memory_space<vmem>> -> memref<1x8x128xf32, #tpu.memory_space<vmem>>
    %dma_wait3A_815 = tpu.memref_squeeze %dma_wait3A_814 : memref<1x8x128xf32, #tpu.memory_space<vmem>> -> memref<8x128xf32, #tpu.memory_space<vmem>>
    tpu.wait_dma2 semaphore(%arg14 : memref<!tpu.dma_semaphore, #tpu.memory_space<semaphore_mem>>) src(%dma_wait3A_815 : memref<8x128xf32, #tpu.memory_space<vmem>>) dst(%dma_wait3A_811 : memref<8x128xf32, #tpu.memory_space<hbm>>)
    %dma_wait3A_816 = arith.constant 6 : i32
    %dma_wait3A_817 = arith.constant 198 : i32
    %dma_wait3A_818 = arith.constant 6 : i32
    %dma_wait3A_819 = arith.constant 0 : i32
    %dma_wait3A_820 = arith.constant 0 : i32
    %dma_wait3A_821 = tpu.memref_slice %arg9[%dma_wait3A_816, %dma_wait3A_819, %dma_wait3A_820] : memref<8x8x129xf32, #tpu.memory_space<vmem>> -> memref<1x8x128xf32, #tpu.memory_space<vmem>>
    %dma_wait3A_822 = tpu.memref_squeeze %dma_wait3A_821 : memref<1x8x128xf32, #tpu.memory_space<vmem>> -> memref<8x128xf32, #tpu.memory_space<vmem>>
    %dma_wait3A_823 = arith.constant 0 : i32
    %dma_wait3A_824 = arith.constant 0 : i32
    %dma_wait3A_825 = tpu.memref_slice %arg5[%dma_wait3A_817, %dma_wait3A_818, %add3A, %dma_wait3A_823, %dma_wait3A_824] : memref<200x8x32x8x128xf32, #tpu.memory_space<hbm>> -> memref<1x1x1x8x128xf32, #tpu.memory_space<hbm>>
    %dma_wait3A_826 = tpu.memref_squeeze %dma_wait3A_825 : memref<1x1x1x8x128xf32, #tpu.memory_space<hbm>> -> memref<8x128xf32, #tpu.memory_space<hbm>>
    %dma_wait3A_827 = arith.constant 0 : i32
    %dma_wait3A_828 = arith.constant 0 : i32
    %dma_wait3A_829 = tpu.memref_slice %arg5[%dma_wait3A_817, %dma_wait3A_818, %add3A, %dma_wait3A_827, %dma_wait3A_828] : memref<200x8x32x8x128xf32, #tpu.memory_space<hbm>> -> memref<1x1x1x8x128xf32, #tpu.memory_space<hbm>>
    %dma_wait3A_830 = tpu.memref_squeeze %dma_wait3A_829 : memref<1x1x1x8x128xf32, #tpu.memory_space<hbm>> -> memref<8x128xf32, #tpu.memory_space<hbm>>
    %dma_wait3A_831 = arith.constant 0 : i32
    %dma_wait3A_832 = arith.constant 0 : i32
    %dma_wait3A_833 = tpu.memref_slice %arg9[%dma_wait3A_816, %dma_wait3A_831, %dma_wait3A_832] : memref<8x8x129xf32, #tpu.memory_space<vmem>> -> memref<1x8x128xf32, #tpu.memory_space<vmem>>
    %dma_wait3A_834 = tpu.memref_squeeze %dma_wait3A_833 : memref<1x8x128xf32, #tpu.memory_space<vmem>> -> memref<8x128xf32, #tpu.memory_space<vmem>>
    tpu.wait_dma2 semaphore(%arg14 : memref<!tpu.dma_semaphore, #tpu.memory_space<semaphore_mem>>) src(%dma_wait3A_834 : memref<8x128xf32, #tpu.memory_space<vmem>>) dst(%dma_wait3A_830 : memref<8x128xf32, #tpu.memory_space<hbm>>)
    %dma_wait3A_835 = arith.constant 7 : i32
    %dma_wait3A_836 = arith.constant 198 : i32
    %dma_wait3A_837 = arith.constant 7 : i32
    %dma_wait3A_838 = arith.constant 0 : i32
    %dma_wait3A_839 = arith.constant 0 : i32
    %dma_wait3A_840 = tpu.memref_slice %arg9[%dma_wait3A_835, %dma_wait3A_838, %dma_wait3A_839] : memref<8x8x129xf32, #tpu.memory_space<vmem>> -> memref<1x8x128xf32, #tpu.memory_space<vmem>>
    %dma_wait3A_841 = tpu.memref_squeeze %dma_wait3A_840 : memref<1x8x128xf32, #tpu.memory_space<vmem>> -> memref<8x128xf32, #tpu.memory_space<vmem>>
    %dma_wait3A_842 = arith.constant 0 : i32
    %dma_wait3A_843 = arith.constant 0 : i32
    %dma_wait3A_844 = tpu.memref_slice %arg5[%dma_wait3A_836, %dma_wait3A_837, %add3A, %dma_wait3A_842, %dma_wait3A_843] : memref<200x8x32x8x128xf32, #tpu.memory_space<hbm>> -> memref<1x1x1x8x128xf32, #tpu.memory_space<hbm>>
    %dma_wait3A_845 = tpu.memref_squeeze %dma_wait3A_844 : memref<1x1x1x8x128xf32, #tpu.memory_space<hbm>> -> memref<8x128xf32, #tpu.memory_space<hbm>>
    %dma_wait3A_846 = arith.constant 0 : i32
    %dma_wait3A_847 = arith.constant 0 : i32
    %dma_wait3A_848 = tpu.memref_slice %arg5[%dma_wait3A_836, %dma_wait3A_837, %add3A, %dma_wait3A_846, %dma_wait3A_847] : memref<200x8x32x8x128xf32, #tpu.memory_space<hbm>> -> memref<1x1x1x8x128xf32, #tpu.memory_space<hbm>>
    %dma_wait3A_849 = tpu.memref_squeeze %dma_wait3A_848 : memref<1x1x1x8x128xf32, #tpu.memory_space<hbm>> -> memref<8x128xf32, #tpu.memory_space<hbm>>
    %dma_wait3A_850 = arith.constant 0 : i32
    %dma_wait3A_851 = arith.constant 0 : i32
    %dma_wait3A_852 = tpu.memref_slice %arg9[%dma_wait3A_835, %dma_wait3A_850, %dma_wait3A_851] : memref<8x8x129xf32, #tpu.memory_space<vmem>> -> memref<1x8x128xf32, #tpu.memory_space<vmem>>
    %dma_wait3A_853 = tpu.memref_squeeze %dma_wait3A_852 : memref<1x8x128xf32, #tpu.memory_space<vmem>> -> memref<8x128xf32, #tpu.memory_space<vmem>>
    tpu.wait_dma2 semaphore(%arg14 : memref<!tpu.dma_semaphore, #tpu.memory_space<semaphore_mem>>) src(%dma_wait3A_853 : memref<8x128xf32, #tpu.memory_space<vmem>>) dst(%dma_wait3A_849 : memref<8x128xf32, #tpu.memory_space<hbm>>)
    %dma_wait3A_854 = arith.constant 0 : i32
    %dma_wait3A_855 = arith.constant 199 : i32
    %dma_wait3A_856 = arith.constant 0 : i32
    %dma_wait3A_857 = arith.constant 0 : i32
    %dma_wait3A_858 = arith.constant 0 : i32
    %dma_wait3A_859 = tpu.memref_slice %arg10[%dma_wait3A_854, %dma_wait3A_857, %dma_wait3A_858] : memref<8x8x129xf32, #tpu.memory_space<vmem>> -> memref<1x8x128xf32, #tpu.memory_space<vmem>>
    %dma_wait3A_860 = tpu.memref_squeeze %dma_wait3A_859 : memref<1x8x128xf32, #tpu.memory_space<vmem>> -> memref<8x128xf32, #tpu.memory_space<vmem>>
    %dma_wait3A_861 = arith.constant 0 : i32
    %dma_wait3A_862 = arith.constant 0 : i32
    %dma_wait3A_863 = tpu.memref_slice %arg5[%dma_wait3A_855, %dma_wait3A_856, %add3A, %dma_wait3A_861, %dma_wait3A_862] : memref<200x8x32x8x128xf32, #tpu.memory_space<hbm>> -> memref<1x1x1x8x128xf32, #tpu.memory_space<hbm>>
    %dma_wait3A_864 = tpu.memref_squeeze %dma_wait3A_863 : memref<1x1x1x8x128xf32, #tpu.memory_space<hbm>> -> memref<8x128xf32, #tpu.memory_space<hbm>>
    %dma_wait3A_865 = arith.constant 0 : i32
    %dma_wait3A_866 = arith.constant 0 : i32
    %dma_wait3A_867 = tpu.memref_slice %arg5[%dma_wait3A_855, %dma_wait3A_856, %add3A, %dma_wait3A_865, %dma_wait3A_866] : memref<200x8x32x8x128xf32, #tpu.memory_space<hbm>> -> memref<1x1x1x8x128xf32, #tpu.memory_space<hbm>>
    %dma_wait3A_868 = tpu.memref_squeeze %dma_wait3A_867 : memref<1x1x1x8x128xf32, #tpu.memory_space<hbm>> -> memref<8x128xf32, #tpu.memory_space<hbm>>
    %dma_wait3A_869 = arith.constant 0 : i32
    %dma_wait3A_870 = arith.constant 0 : i32
    %dma_wait3A_871 = tpu.memref_slice %arg10[%dma_wait3A_854, %dma_wait3A_869, %dma_wait3A_870] : memref<8x8x129xf32, #tpu.memory_space<vmem>> -> memref<1x8x128xf32, #tpu.memory_space<vmem>>
    %dma_wait3A_872 = tpu.memref_squeeze %dma_wait3A_871 : memref<1x8x128xf32, #tpu.memory_space<vmem>> -> memref<8x128xf32, #tpu.memory_space<vmem>>
    tpu.wait_dma2 semaphore(%arg15 : memref<!tpu.dma_semaphore, #tpu.memory_space<semaphore_mem>>) src(%dma_wait3A_872 : memref<8x128xf32, #tpu.memory_space<vmem>>) dst(%dma_wait3A_868 : memref<8x128xf32, #tpu.memory_space<hbm>>)
    %dma_wait3A_873 = arith.constant 1 : i32
    %dma_wait3A_874 = arith.constant 199 : i32
    %dma_wait3A_875 = arith.constant 1 : i32
    %dma_wait3A_876 = arith.constant 0 : i32
    %dma_wait3A_877 = arith.constant 0 : i32
    %dma_wait3A_878 = tpu.memref_slice %arg10[%dma_wait3A_873, %dma_wait3A_876, %dma_wait3A_877] : memref<8x8x129xf32, #tpu.memory_space<vmem>> -> memref<1x8x128xf32, #tpu.memory_space<vmem>>
    %dma_wait3A_879 = tpu.memref_squeeze %dma_wait3A_878 : memref<1x8x128xf32, #tpu.memory_space<vmem>> -> memref<8x128xf32, #tpu.memory_space<vmem>>
    %dma_wait3A_880 = arith.constant 0 : i32
    %dma_wait3A_881 = arith.constant 0 : i32
    %dma_wait3A_882 = tpu.memref_slice %arg5[%dma_wait3A_874, %dma_wait3A_875, %add3A, %dma_wait3A_880, %dma_wait3A_881] : memref<200x8x32x8x128xf32, #tpu.memory_space<hbm>> -> memref<1x1x1x8x128xf32, #tpu.memory_space<hbm>>
    %dma_wait3A_883 = tpu.memref_squeeze %dma_wait3A_882 : memref<1x1x1x8x128xf32, #tpu.memory_space<hbm>> -> memref<8x128xf32, #tpu.memory_space<hbm>>
    %dma_wait3A_884 = arith.constant 0 : i32
    %dma_wait3A_885 = arith.constant 0 : i32
    %dma_wait3A_886 = tpu.memref_slice %arg5[%dma_wait3A_874, %dma_wait3A_875, %add3A, %dma_wait3A_884, %dma_wait3A_885] : memref<200x8x32x8x128xf32, #tpu.memory_space<hbm>> -> memref<1x1x1x8x128xf32, #tpu.memory_space<hbm>>
    %dma_wait3A_887 = tpu.memref_squeeze %dma_wait3A_886 : memref<1x1x1x8x128xf32, #tpu.memory_space<hbm>> -> memref<8x128xf32, #tpu.memory_space<hbm>>
    %dma_wait3A_888 = arith.constant 0 : i32
    %dma_wait3A_889 = arith.constant 0 : i32
    %dma_wait3A_890 = tpu.memref_slice %arg10[%dma_wait3A_873, %dma_wait3A_888, %dma_wait3A_889] : memref<8x8x129xf32, #tpu.memory_space<vmem>> -> memref<1x8x128xf32, #tpu.memory_space<vmem>>
    %dma_wait3A_891 = tpu.memref_squeeze %dma_wait3A_890 : memref<1x8x128xf32, #tpu.memory_space<vmem>> -> memref<8x128xf32, #tpu.memory_space<vmem>>
    tpu.wait_dma2 semaphore(%arg15 : memref<!tpu.dma_semaphore, #tpu.memory_space<semaphore_mem>>) src(%dma_wait3A_891 : memref<8x128xf32, #tpu.memory_space<vmem>>) dst(%dma_wait3A_887 : memref<8x128xf32, #tpu.memory_space<hbm>>)
    %dma_wait3A_892 = arith.constant 2 : i32
    %dma_wait3A_893 = arith.constant 199 : i32
    %dma_wait3A_894 = arith.constant 2 : i32
    %dma_wait3A_895 = arith.constant 0 : i32
    %dma_wait3A_896 = arith.constant 0 : i32
    %dma_wait3A_897 = tpu.memref_slice %arg10[%dma_wait3A_892, %dma_wait3A_895, %dma_wait3A_896] : memref<8x8x129xf32, #tpu.memory_space<vmem>> -> memref<1x8x128xf32, #tpu.memory_space<vmem>>
    %dma_wait3A_898 = tpu.memref_squeeze %dma_wait3A_897 : memref<1x8x128xf32, #tpu.memory_space<vmem>> -> memref<8x128xf32, #tpu.memory_space<vmem>>
    %dma_wait3A_899 = arith.constant 0 : i32
    %dma_wait3A_900 = arith.constant 0 : i32
    %dma_wait3A_901 = tpu.memref_slice %arg5[%dma_wait3A_893, %dma_wait3A_894, %add3A, %dma_wait3A_899, %dma_wait3A_900] : memref<200x8x32x8x128xf32, #tpu.memory_space<hbm>> -> memref<1x1x1x8x128xf32, #tpu.memory_space<hbm>>
    %dma_wait3A_902 = tpu.memref_squeeze %dma_wait3A_901 : memref<1x1x1x8x128xf32, #tpu.memory_space<hbm>> -> memref<8x128xf32, #tpu.memory_space<hbm>>
    %dma_wait3A_903 = arith.constant 0 : i32
    %dma_wait3A_904 = arith.constant 0 : i32
    %dma_wait3A_905 = tpu.memref_slice %arg5[%dma_wait3A_893, %dma_wait3A_894, %add3A, %dma_wait3A_903, %dma_wait3A_904] : memref<200x8x32x8x128xf32, #tpu.memory_space<hbm>> -> memref<1x1x1x8x128xf32, #tpu.memory_space<hbm>>
    %dma_wait3A_906 = tpu.memref_squeeze %dma_wait3A_905 : memref<1x1x1x8x128xf32, #tpu.memory_space<hbm>> -> memref<8x128xf32, #tpu.memory_space<hbm>>
    %dma_wait3A_907 = arith.constant 0 : i32
    %dma_wait3A_908 = arith.constant 0 : i32
    %dma_wait3A_909 = tpu.memref_slice %arg10[%dma_wait3A_892, %dma_wait3A_907, %dma_wait3A_908] : memref<8x8x129xf32, #tpu.memory_space<vmem>> -> memref<1x8x128xf32, #tpu.memory_space<vmem>>
    %dma_wait3A_910 = tpu.memref_squeeze %dma_wait3A_909 : memref<1x8x128xf32, #tpu.memory_space<vmem>> -> memref<8x128xf32, #tpu.memory_space<vmem>>
    tpu.wait_dma2 semaphore(%arg15 : memref<!tpu.dma_semaphore, #tpu.memory_space<semaphore_mem>>) src(%dma_wait3A_910 : memref<8x128xf32, #tpu.memory_space<vmem>>) dst(%dma_wait3A_906 : memref<8x128xf32, #tpu.memory_space<hbm>>)
    %dma_wait3A_911 = arith.constant 3 : i32
    %dma_wait3A_912 = arith.constant 199 : i32
    %dma_wait3A_913 = arith.constant 3 : i32
    %dma_wait3A_914 = arith.constant 0 : i32
    %dma_wait3A_915 = arith.constant 0 : i32
    %dma_wait3A_916 = tpu.memref_slice %arg10[%dma_wait3A_911, %dma_wait3A_914, %dma_wait3A_915] : memref<8x8x129xf32, #tpu.memory_space<vmem>> -> memref<1x8x128xf32, #tpu.memory_space<vmem>>
    %dma_wait3A_917 = tpu.memref_squeeze %dma_wait3A_916 : memref<1x8x128xf32, #tpu.memory_space<vmem>> -> memref<8x128xf32, #tpu.memory_space<vmem>>
    %dma_wait3A_918 = arith.constant 0 : i32
    %dma_wait3A_919 = arith.constant 0 : i32
    %dma_wait3A_920 = tpu.memref_slice %arg5[%dma_wait3A_912, %dma_wait3A_913, %add3A, %dma_wait3A_918, %dma_wait3A_919] : memref<200x8x32x8x128xf32, #tpu.memory_space<hbm>> -> memref<1x1x1x8x128xf32, #tpu.memory_space<hbm>>
    %dma_wait3A_921 = tpu.memref_squeeze %dma_wait3A_920 : memref<1x1x1x8x128xf32, #tpu.memory_space<hbm>> -> memref<8x128xf32, #tpu.memory_space<hbm>>
    %dma_wait3A_922 = arith.constant 0 : i32
    %dma_wait3A_923 = arith.constant 0 : i32
    %dma_wait3A_924 = tpu.memref_slice %arg5[%dma_wait3A_912, %dma_wait3A_913, %add3A, %dma_wait3A_922, %dma_wait3A_923] : memref<200x8x32x8x128xf32, #tpu.memory_space<hbm>> -> memref<1x1x1x8x128xf32, #tpu.memory_space<hbm>>
    %dma_wait3A_925 = tpu.memref_squeeze %dma_wait3A_924 : memref<1x1x1x8x128xf32, #tpu.memory_space<hbm>> -> memref<8x128xf32, #tpu.memory_space<hbm>>
    %dma_wait3A_926 = arith.constant 0 : i32
    %dma_wait3A_927 = arith.constant 0 : i32
    %dma_wait3A_928 = tpu.memref_slice %arg10[%dma_wait3A_911, %dma_wait3A_926, %dma_wait3A_927] : memref<8x8x129xf32, #tpu.memory_space<vmem>> -> memref<1x8x128xf32, #tpu.memory_space<vmem>>
    %dma_wait3A_929 = tpu.memref_squeeze %dma_wait3A_928 : memref<1x8x128xf32, #tpu.memory_space<vmem>> -> memref<8x128xf32, #tpu.memory_space<vmem>>
    tpu.wait_dma2 semaphore(%arg15 : memref<!tpu.dma_semaphore, #tpu.memory_space<semaphore_mem>>) src(%dma_wait3A_929 : memref<8x128xf32, #tpu.memory_space<vmem>>) dst(%dma_wait3A_925 : memref<8x128xf32, #tpu.memory_space<hbm>>)
    %dma_wait3A_930 = arith.constant 4 : i32
    %dma_wait3A_931 = arith.constant 199 : i32
    %dma_wait3A_932 = arith.constant 4 : i32
    %dma_wait3A_933 = arith.constant 0 : i32
    %dma_wait3A_934 = arith.constant 0 : i32
    %dma_wait3A_935 = tpu.memref_slice %arg10[%dma_wait3A_930, %dma_wait3A_933, %dma_wait3A_934] : memref<8x8x129xf32, #tpu.memory_space<vmem>> -> memref<1x8x128xf32, #tpu.memory_space<vmem>>
    %dma_wait3A_936 = tpu.memref_squeeze %dma_wait3A_935 : memref<1x8x128xf32, #tpu.memory_space<vmem>> -> memref<8x128xf32, #tpu.memory_space<vmem>>
    %dma_wait3A_937 = arith.constant 0 : i32
    %dma_wait3A_938 = arith.constant 0 : i32
    %dma_wait3A_939 = tpu.memref_slice %arg5[%dma_wait3A_931, %dma_wait3A_932, %add3A, %dma_wait3A_937, %dma_wait3A_938] : memref<200x8x32x8x128xf32, #tpu.memory_space<hbm>> -> memref<1x1x1x8x128xf32, #tpu.memory_space<hbm>>
    %dma_wait3A_940 = tpu.memref_squeeze %dma_wait3A_939 : memref<1x1x1x8x128xf32, #tpu.memory_space<hbm>> -> memref<8x128xf32, #tpu.memory_space<hbm>>
    %dma_wait3A_941 = arith.constant 0 : i32
    %dma_wait3A_942 = arith.constant 0 : i32
    %dma_wait3A_943 = tpu.memref_slice %arg5[%dma_wait3A_931, %dma_wait3A_932, %add3A, %dma_wait3A_941, %dma_wait3A_942] : memref<200x8x32x8x128xf32, #tpu.memory_space<hbm>> -> memref<1x1x1x8x128xf32, #tpu.memory_space<hbm>>
    %dma_wait3A_944 = tpu.memref_squeeze %dma_wait3A_943 : memref<1x1x1x8x128xf32, #tpu.memory_space<hbm>> -> memref<8x128xf32, #tpu.memory_space<hbm>>
    %dma_wait3A_945 = arith.constant 0 : i32
    %dma_wait3A_946 = arith.constant 0 : i32
    %dma_wait3A_947 = tpu.memref_slice %arg10[%dma_wait3A_930, %dma_wait3A_945, %dma_wait3A_946] : memref<8x8x129xf32, #tpu.memory_space<vmem>> -> memref<1x8x128xf32, #tpu.memory_space<vmem>>
    %dma_wait3A_948 = tpu.memref_squeeze %dma_wait3A_947 : memref<1x8x128xf32, #tpu.memory_space<vmem>> -> memref<8x128xf32, #tpu.memory_space<vmem>>
    tpu.wait_dma2 semaphore(%arg15 : memref<!tpu.dma_semaphore, #tpu.memory_space<semaphore_mem>>) src(%dma_wait3A_948 : memref<8x128xf32, #tpu.memory_space<vmem>>) dst(%dma_wait3A_944 : memref<8x128xf32, #tpu.memory_space<hbm>>)
    %dma_wait3A_949 = arith.constant 5 : i32
    %dma_wait3A_950 = arith.constant 199 : i32
    %dma_wait3A_951 = arith.constant 5 : i32
    %dma_wait3A_952 = arith.constant 0 : i32
    %dma_wait3A_953 = arith.constant 0 : i32
    %dma_wait3A_954 = tpu.memref_slice %arg10[%dma_wait3A_949, %dma_wait3A_952, %dma_wait3A_953] : memref<8x8x129xf32, #tpu.memory_space<vmem>> -> memref<1x8x128xf32, #tpu.memory_space<vmem>>
    %dma_wait3A_955 = tpu.memref_squeeze %dma_wait3A_954 : memref<1x8x128xf32, #tpu.memory_space<vmem>> -> memref<8x128xf32, #tpu.memory_space<vmem>>
    %dma_wait3A_956 = arith.constant 0 : i32
    %dma_wait3A_957 = arith.constant 0 : i32
    %dma_wait3A_958 = tpu.memref_slice %arg5[%dma_wait3A_950, %dma_wait3A_951, %add3A, %dma_wait3A_956, %dma_wait3A_957] : memref<200x8x32x8x128xf32, #tpu.memory_space<hbm>> -> memref<1x1x1x8x128xf32, #tpu.memory_space<hbm>>
    %dma_wait3A_959 = tpu.memref_squeeze %dma_wait3A_958 : memref<1x1x1x8x128xf32, #tpu.memory_space<hbm>> -> memref<8x128xf32, #tpu.memory_space<hbm>>
    %dma_wait3A_960 = arith.constant 0 : i32
    %dma_wait3A_961 = arith.constant 0 : i32
    %dma_wait3A_962 = tpu.memref_slice %arg5[%dma_wait3A_950, %dma_wait3A_951, %add3A, %dma_wait3A_960, %dma_wait3A_961] : memref<200x8x32x8x128xf32, #tpu.memory_space<hbm>> -> memref<1x1x1x8x128xf32, #tpu.memory_space<hbm>>
    %dma_wait3A_963 = tpu.memref_squeeze %dma_wait3A_962 : memref<1x1x1x8x128xf32, #tpu.memory_space<hbm>> -> memref<8x128xf32, #tpu.memory_space<hbm>>
    %dma_wait3A_964 = arith.constant 0 : i32
    %dma_wait3A_965 = arith.constant 0 : i32
    %dma_wait3A_966 = tpu.memref_slice %arg10[%dma_wait3A_949, %dma_wait3A_964, %dma_wait3A_965] : memref<8x8x129xf32, #tpu.memory_space<vmem>> -> memref<1x8x128xf32, #tpu.memory_space<vmem>>
    %dma_wait3A_967 = tpu.memref_squeeze %dma_wait3A_966 : memref<1x8x128xf32, #tpu.memory_space<vmem>> -> memref<8x128xf32, #tpu.memory_space<vmem>>
    tpu.wait_dma2 semaphore(%arg15 : memref<!tpu.dma_semaphore, #tpu.memory_space<semaphore_mem>>) src(%dma_wait3A_967 : memref<8x128xf32, #tpu.memory_space<vmem>>) dst(%dma_wait3A_963 : memref<8x128xf32, #tpu.memory_space<hbm>>)
    %dma_wait3A_968 = arith.constant 6 : i32
    %dma_wait3A_969 = arith.constant 199 : i32
    %dma_wait3A_970 = arith.constant 6 : i32
    %dma_wait3A_971 = arith.constant 0 : i32
    %dma_wait3A_972 = arith.constant 0 : i32
    %dma_wait3A_973 = tpu.memref_slice %arg10[%dma_wait3A_968, %dma_wait3A_971, %dma_wait3A_972] : memref<8x8x129xf32, #tpu.memory_space<vmem>> -> memref<1x8x128xf32, #tpu.memory_space<vmem>>
    %dma_wait3A_974 = tpu.memref_squeeze %dma_wait3A_973 : memref<1x8x128xf32, #tpu.memory_space<vmem>> -> memref<8x128xf32, #tpu.memory_space<vmem>>
    %dma_wait3A_975 = arith.constant 0 : i32
    %dma_wait3A_976 = arith.constant 0 : i32
    %dma_wait3A_977 = tpu.memref_slice %arg5[%dma_wait3A_969, %dma_wait3A_970, %add3A, %dma_wait3A_975, %dma_wait3A_976] : memref<200x8x32x8x128xf32, #tpu.memory_space<hbm>> -> memref<1x1x1x8x128xf32, #tpu.memory_space<hbm>>
    %dma_wait3A_978 = tpu.memref_squeeze %dma_wait3A_977 : memref<1x1x1x8x128xf32, #tpu.memory_space<hbm>> -> memref<8x128xf32, #tpu.memory_space<hbm>>
    %dma_wait3A_979 = arith.constant 0 : i32
    %dma_wait3A_980 = arith.constant 0 : i32
    %dma_wait3A_981 = tpu.memref_slice %arg5[%dma_wait3A_969, %dma_wait3A_970, %add3A, %dma_wait3A_979, %dma_wait3A_980] : memref<200x8x32x8x128xf32, #tpu.memory_space<hbm>> -> memref<1x1x1x8x128xf32, #tpu.memory_space<hbm>>
    %dma_wait3A_982 = tpu.memref_squeeze %dma_wait3A_981 : memref<1x1x1x8x128xf32, #tpu.memory_space<hbm>> -> memref<8x128xf32, #tpu.memory_space<hbm>>
    %dma_wait3A_983 = arith.constant 0 : i32
    %dma_wait3A_984 = arith.constant 0 : i32
    %dma_wait3A_985 = tpu.memref_slice %arg10[%dma_wait3A_968, %dma_wait3A_983, %dma_wait3A_984] : memref<8x8x129xf32, #tpu.memory_space<vmem>> -> memref<1x8x128xf32, #tpu.memory_space<vmem>>
    %dma_wait3A_986 = tpu.memref_squeeze %dma_wait3A_985 : memref<1x8x128xf32, #tpu.memory_space<vmem>> -> memref<8x128xf32, #tpu.memory_space<vmem>>
    tpu.wait_dma2 semaphore(%arg15 : memref<!tpu.dma_semaphore, #tpu.memory_space<semaphore_mem>>) src(%dma_wait3A_986 : memref<8x128xf32, #tpu.memory_space<vmem>>) dst(%dma_wait3A_982 : memref<8x128xf32, #tpu.memory_space<hbm>>)
    %dma_wait3A_987 = arith.constant 7 : i32
    %dma_wait3A_988 = arith.constant 199 : i32
    %dma_wait3A_989 = arith.constant 7 : i32
    %dma_wait3A_990 = arith.constant 0 : i32
    %dma_wait3A_991 = arith.constant 0 : i32
    %dma_wait3A_992 = tpu.memref_slice %arg10[%dma_wait3A_987, %dma_wait3A_990, %dma_wait3A_991] : memref<8x8x129xf32, #tpu.memory_space<vmem>> -> memref<1x8x128xf32, #tpu.memory_space<vmem>>
    %dma_wait3A_993 = tpu.memref_squeeze %dma_wait3A_992 : memref<1x8x128xf32, #tpu.memory_space<vmem>> -> memref<8x128xf32, #tpu.memory_space<vmem>>
    %dma_wait3A_994 = arith.constant 0 : i32
    %dma_wait3A_995 = arith.constant 0 : i32
    %dma_wait3A_996 = tpu.memref_slice %arg5[%dma_wait3A_988, %dma_wait3A_989, %add3A, %dma_wait3A_994, %dma_wait3A_995] : memref<200x8x32x8x128xf32, #tpu.memory_space<hbm>> -> memref<1x1x1x8x128xf32, #tpu.memory_space<hbm>>
    %dma_wait3A_997 = tpu.memref_squeeze %dma_wait3A_996 : memref<1x1x1x8x128xf32, #tpu.memory_space<hbm>> -> memref<8x128xf32, #tpu.memory_space<hbm>>
    %dma_wait3A_998 = arith.constant 0 : i32
    %dma_wait3A_999 = arith.constant 0 : i32
    %dma_wait3A_1000 = tpu.memref_slice %arg5[%dma_wait3A_988, %dma_wait3A_989, %add3A, %dma_wait3A_998, %dma_wait3A_999] : memref<200x8x32x8x128xf32, #tpu.memory_space<hbm>> -> memref<1x1x1x8x128xf32, #tpu.memory_space<hbm>>
    %dma_wait3A_1001 = tpu.memref_squeeze %dma_wait3A_1000 : memref<1x1x1x8x128xf32, #tpu.memory_space<hbm>> -> memref<8x128xf32, #tpu.memory_space<hbm>>
    %dma_wait3A_1002 = arith.constant 0 : i32
    %dma_wait3A_1003 = arith.constant 0 : i32
    %dma_wait3A_1004 = tpu.memref_slice %arg10[%dma_wait3A_987, %dma_wait3A_1002, %dma_wait3A_1003] : memref<8x8x129xf32, #tpu.memory_space<vmem>> -> memref<1x8x128xf32, #tpu.memory_space<vmem>>
    %dma_wait3A_1005 = tpu.memref_squeeze %dma_wait3A_1004 : memref<1x8x128xf32, #tpu.memory_space<vmem>> -> memref<8x128xf32, #tpu.memory_space<vmem>>
    tpu.wait_dma2 semaphore(%arg15 : memref<!tpu.dma_semaphore, #tpu.memory_space<semaphore_mem>>) src(%dma_wait3A_1005 : memref<8x128xf32, #tpu.memory_space<vmem>>) dst(%dma_wait3A_1001 : memref<8x128xf32, #tpu.memory_space<hbm>>)
    return
  }
}

</mosaic_0001>

<sc_bundles>
// kernel: _run.3.cloned.1.call-start
scs
__scs_entry_jumppad:
0x0: {  	(pc) =	sbr.rel $0x88, $3  }
0x1: {  	(tag) =	ssettag $0x0;
	lr =	simm.s32 $0x1  }
0x2: {  	[smem:$0x3F9E] =	sst lr;
	_ =	strace $0xD0000000  }
0x3: {  	_ = 	snop  }
0x4: {  	_ = 	snop  }
0x5: {  	_ = 	snop  }
0x6: {  	_ = 	snop  }
0x7: {  	_ = 	snop  }
__scs_overlays_trampoline_lowered:
0x8: {  	[smem:$0x3FAD] =	sst s0  }
0x9: {  	[smem:$0x3FAE] =	sst s1  }
0xa: {  	[smem:$0x3FAF] =	sst s2  }
0xb: {  	[smem:$0x3FB0] =	sst s3  }
0xc: {  	[smem:$0x3FB1] =	sst s4  }
0xd: {  	[smem:$0x3FB2] =	sst s5  }
0xe: {  	[smem:$0x3FB3] =	sst s6  }
0xf: {  	[smem:$0x3FB4] =	sst s7  }
0x10: {  	[smem:$0x3FB5] =	sst s8  }
0x11: {  	[smem:$0x3FB6] =	sst s9;
	s0 =	simm.s32 @!p0 $0x0  }
0x12: {  	s1 =	sld [smem:$0x3F9C];
	s0 =	simm.s32 @p0 $0x1  }
0x13: {  	[smem:$0x3FB7] =	sst s0;
	s0 =	simm.s32 @!p1 $0x0  }
0x14: {  	s2 =	sld [smem:$0x3F9B];
	s0 =	simm.s32 @p1 $0x1  }
0x15: {  	[smem:$0x3FB8] =	sst s0;
	s0 =	simm.s32 @!p2 $0x0  }
0x16: {  	s3 =	sld [smem:$0x3FDB];
	s0 =	simm.s32 @p2 $0x1  }
0x17: {  	s4 =	simm.s32 $0x1BF5;
	[smem:$0x3FBA] =	sst s0  }
0x18: {  	s0 =	sld [smem:$0x3F9D];
	_ =	swait.ge [sflag:s4], $0x0  }
0x19: {  	s7 =	sld [smem:$0x3F9E]  }
0x1a: {  	s8 =	sadd.s32 $0xFFFFE003, lr  }
0x1b: {  	s9 =	sadd.s32 $0xFFFFFEF7, lr;
	s5 =	simm.s32 $0xFFFFFFFF;
	p2 =	slt.u32 s8, $0xFFFFF086  }
0x1c: {  	p1 =	slt.u32 s9, $0xF7A;
	s5 =	simm.s32 @!p2 $0x0  }
0x1d: {  	s5 =	simm.s32 @p1 $0x1;
	p0 =	seq.s32 s7, s2  }
0x1e: {  	s7 =	smul.u32 @!p0 $0xF7A, s2;
	p2 =	seq.s32 @!p0 s5, $0x0  }
0x1f: {  	s9 =	smul.u32 $0xF7A, s1;
	s8 =	simm.s32 @!p0 $0x1BF5;
	p2 =	por !p2, p0  }
0x20: {  	[sflag:s8] =	ssyncset.s32 @!p0 $0xFFFFF086;
	s6 =	sadd.s32 @!p0 s3, s7;
	s7 =	simm.s32 @!p0 $0x108  }
0x21: {  	s3 =	sadd.s32 s3, s9;
	s6 =	sadd.s32 @!p0 $0x88, s6;
	s7 =	simm.s32 @p2 $0x1082  }
0x22: {  	[simem:s7], [sflag:s8] =	dma.local @!p0 [hbm:s6], $0xF7A  }
0x23: {  	s9 =	sor.u32 $0xD0000000, s2;
	s6 =	simm.s32 $0x108;
	_ =	swait.ge @!p0 [sflag:s8], $0x0  }
0x24: {  	s3 =	sadd.s32 $0x88, s3;
	s6 =	simm.s32 @!p1 $0x1082;
	[sflag:s4] =	ssyncset.s32 $0xFFFFF086  }
0x25: {  	[simem:s6], [sflag:s4] =	dma.local [hbm:s3], $0xF7A  }
0x26: {  	[smem:$0x3F9E] =	sst s1;
	(tag) =	ssettag s2;
	_ =	strace s9  }
0x27: {  	s1 =	sld [smem:$0x3FAE]  }
0x28: {  	s2 =	sld [smem:$0x3FAF]  }
0x29: {  	s4 =	sld [smem:$0x3FB1]  }
0x2a: {  	p0 =	seq.s32 s5, $0x0;
	s5 =	sld [smem:$0x3FB2]  }
0x2b: {  	s6 =	sld [smem:$0x3FB3]  }
0x2c: {  	s7 =	sld [smem:$0x3FB4]  }
0x2d: {  	s3 =	simm.s32 $0x108;
	s8 =	sld [smem:$0x3FB5]  }
0x2e: {  	s3 =	simm.s32 @!p0 $0x1082;
	s9 =	sld [smem:$0x3FB6]  }
0x2f: {  	lr =	sadd.s32 s0, s3;
	s0 =	sld [smem:$0x3FAD]  }
0x30: {  	s3 =	sld [smem:$0x3FB0]  }
0x31: {  	[smem:$0x3FB9] =	sst s10  }
0x32: {  	s10 =	sld [smem:$0x3FB7];
	_ =	sdelay $0x3  }
0x33: {  	p0 =	seq.s32 s10, $0x1;
	s10 =	sld [smem:$0x3FB9];
	_ =	sdelay $0x3  }
0x34: {  	[smem:$0x3FB9] =	sst s10  }
0x35: {  	s10 =	sld [smem:$0x3FB8];
	_ =	sdelay $0x3  }
0x36: {  	p1 =	seq.s32 s10, $0x1;
	s10 =	sld [smem:$0x3FB9];
	_ =	sdelay $0x3  }
0x37: {  	[smem:$0x3FB9] =	sst s10  }
0x38: {  	s10 =	sld [smem:$0x3FBA]  }
0x39: {  	_ = 	snop;
	(pc) =	sbr.ind lr, $3  }
0x3a: {  	_ = 	snop  }
0x3b: {  	_ = 	snop  }
0x3c: {  	p2 =	seq.s32 s10, $0x1;
	s10 =	sld [smem:$0x3FB9]  }
0x3d: {  	_ =	shalt  }
0x3e: {  	_ =	shalt  }
0x3f: {  	_ =	shalt  }
0x40: {  	_ =	shalt  }
0x41: {  	_ =	shalt  }
0x42: {  	_ =	shalt  }
0x43: {  	_ =	shalt  }
0x44: {  	_ =	shalt  }
0x45: {  	_ =	shalt  }
0x46: {  	_ =	shalt  }
0x47: {  	_ =	shalt  }
0x48: {  	_ =	shalt  }
0x49: {  	_ =	shalt  }
0x4a: {  	_ =	shalt  }
0x4b: {  	_ =	shalt  }
0x4c: {  	_ =	shalt  }
0x4d: {  	_ =	shalt  }
0x4e: {  	_ =	shalt  }
0x4f: {  	_ =	shalt  }
0x50: {  	_ =	shalt  }
0x51: {  	_ =	shalt  }
0x52: {  	_ =	shalt  }
0x53: {  	_ =	shalt  }
0x54: {  	_ =	shalt  }
0x55: {  	_ =	shalt  }
0x56: {  	_ =	shalt  }
0x57: {  	_ =	shalt  }
0x58: {  	_ =	shalt  }
0x59: {  	_ =	shalt  }
0x5a: {  	_ =	shalt  }
0x5b: {  	_ =	shalt  }
0x5c: {  	_ =	shalt  }
0x5d: {  	_ =	shalt  }
0x5e: {  	_ =	shalt  }
0x5f: {  	_ =	shalt  }
0x60: {  	_ =	shalt  }
0x61: {  	_ =	shalt  }
0x62: {  	_ =	shalt  }
0x63: {  	_ =	shalt  }
0x64: {  	_ =	shalt  }
0x65: {  	_ =	shalt  }
0x66: {  	_ =	shalt  }
0x67: {  	_ =	shalt  }
0x68: {  	_ =	shalt  }
0x69: {  	_ =	shalt  }
0x6a: {  	_ =	shalt  }
0x6b: {  	_ =	shalt  }
0x6c: {  	_ =	shalt  }
0x6d: {  	_ =	shalt  }
0x6e: {  	_ =	shalt  }
0x6f: {  	_ =	shalt  }
0x70: {  	_ =	shalt  }
0x71: {  	_ =	shalt  }
0x72: {  	_ =	shalt  }
0x73: {  	_ =	shalt  }
0x74: {  	_ =	shalt  }
0x75: {  	_ =	shalt  }
0x76: {  	_ =	shalt  }
0x77: {  	_ =	shalt  }
0x78: {  	_ =	shalt  }
0x79: {  	_ =	shalt  }
0x7a: {  	_ =	shalt  }
0x7b: {  	_ =	shalt  }
0x7c: {  	_ =	shalt  }
0x7d: {  	_ =	shalt  }
0x7e: {  	_ =	shalt  }
0x7f: {  	_ =	shalt  }
0x80: {  	_ =	shalt  }
0x81: {  	_ =	shalt  }
0x82: {  	_ =	shalt  }
0x83: {  	_ =	shalt  }
0x84: {  	_ =	shalt  }
0x85: {  	_ =	shalt  }
0x86: {  	_ =	shalt  }
0x87: {  	_ =	shalt  }
.Lfunc_end0:
.L_simem_size_0:
called_computation_lowered:
.L_overlay_start_0:
0x88: {  	s2 =	sld [smem:$0x3FD9]  }
0x89: {  	s3 =	sld [smem:$0x3FFE];
	_ =	sdelay $0x1  }
0x8a: {  	s1 =	srdreg.scid  }
0x8b: {  	s0 =	sand.u32 $0x1, s1  }
0x8c: {  	s17 =	sshll.u32 s0, $0xA;
	s2 =	sadd.s32 s3, s2  }
0x8d: {  	s2 =	sadd.s32 s2, s17  }
0x8e: {  	[smem:$0x3FC5] =	sst s2  }
0x8f: {  	_ = 	snop  }
0x90: {  	s2 =	sld [smem:$0x3FC9]  }
0x91: {  	s18 =	sld [smem:$0x3FD0];
	(tm) =	ssettm $0x1  }
0x92: {  	s4 =	sld [smem:$0x3FFB];
	_ =	sdelay $0x3  }
0x93: {  	_ =	strace s4  }
0x94: {  	s4 =	sld [smem:$0x3FFC];
	_ =	sdelay $0x3  }
0x95: {  	_ =	strace s4  }
0x96: {  	s4 =	sld [smem:$0x3FFD];
	_ =	sdelay $0x3  }
0x97: {  	_ =	strace s4  }
0x98: {  	_ =	strace $0x8FFFFFFF  }
0x99: {  	s19 =	sld [smem:$0x3FDB];
	_ =	sdelay $0x1  }
0x9a: {  	s5 =	simm.s32 $_scs_section_size  }
0x9b: {  	s6 =	simm.s32 $_size__tile_overlayer_lowered;
	s7 =	simm.s32 $_tile_overlayer_lowered  }
0x9c: {  	s22 =	simm.s32 $0x1BFF;
	s21 =	sshll.u32 s7, $0x1;
	s4 =	sadd.s32 s5, s19  }
0x9d: {  	s8 =	simm.s32 $0x0;
	s20 =	sshll.u32 s6, $0x1;
	s6 =	sadd.s32 s21, s4  }
0x9e: {  	[timem:s8], [sflag:s22] =	dma.local [hbm:s6], s20  }
0x9f: {  	_ =	swait.ge [sflag:s22], s20  }
0xa0: {  	s5 =	ssub.s32 $0x0, s20;
	[sflag:s22] =	ssyncset.done $0x0  }
0xa1: {  	[sflag:s22] =	ssyncadd.s32 s5;
	_ =	sdelay $0x1  }
0xa2: {  	s23 =	simm.s32 $0x1B8B  }
0xa3: {  	_ =	swait.ge [sflag:s23], $0x1  }
0xa4: {  	[sflag:s23] =	ssyncset.done $0x0  }
0xa5: {  	s25 =	simm.s32 $0x1B8E;
	s24 =	sld [smem:$0x3FFE];
	[sflag:s23] =	ssyncadd.s32 $0xFFFFFFFF  }
0xa6: {  	s26 =	simm.s32 $execute0_lowered;
	[smem:$0x3FD2] =	sst s25  }
0xa7: {  	s6 =	sshll.u32 s26, $0x1;
	_ =	strace $0x80000046;
	[dreg:$0x1] =	wrdreg $0xFFFFFFFF  }
0xa8: {  	s28 =	simm.s32 $_size_execute0_lowered;
	s4 =	sadd.s32 s4, s6;
	[dreg:$0x0] =	wrdreg $0x0  }
0xa9: {  	s6 =	sshll.u32 s28, $0x1;
	[dreg:$0x2] =	wrdreg s4  }
0xaa: {  	[dreg:$0x3] =	wrdreg s6  }
0xab: {  	[dreg:$0x4] =	wrdreg $0xC0  }
0xac: {  	_ =	task [dreg:s8], $0x5FFFF  }
0xad: {  	[dreg:$0x1] =	wrdreg $0xFFFFFFFF  }
0xae: {  	[dreg:$0x0] =	wrdreg $0x60  }
0xaf: {  	[dreg:$0x2] =	wrdreg s2  }
0xb0: {  	[dreg:$0x3] =	wrdreg s24  }
0xb1: {  	[dreg:$0x4] =	wrdreg s18  }
0xb2: {  	[dreg:$0x5] =	wrdreg $0x9  }
0xb3: {  	_ =	task.clear_ibuf [dreg:s8], $0x6FFFF;
	_ =	strace $0x90000046  }
0xb4: {  	s29 =	simm.s32 $0x9;
	_ =	strace $0x80000048  }
0xb5: {  	_ =	swait.ge [sflag:s29], $0x1  }
0xb6: {  	[sflag:s29] =	ssyncadd.s32 $0xFFFFFFFF  }
0xb7: {  	_ =	strace $0x90000048  }
0xb8: {  	_ =	sfence  }
0xb9: {  	s30 =	sld [smem:$0x0];
	_ =	sdelay $0x2  }
0xba: {  	s31 =	sshll.u32 s1, $0xD;
	s1 =	sshrl.u32 s1, $0x2  }
0xbb: {  	s3 =	sand.u32 $0x4000, s31;
	s1 =	sadd.s32 s1, s30  }
0xbc: {  	s0 =	sor.u32 s3, s0;
	s1 =	sshll.u32 s1, $0x11  }
0xbd: {  	s0 =	sor.u32 s1, s0  }
0xbe: {  	s0 =	sadd.s32 $0x8F2B, s0  }
0xbf: {  	[sflag:s0] =	ssyncadd.remote.s32 $0x1  }
0xc0: {  	_ =	sfence.sel $0xFFFF  }
0xc1: {  	[dreg:$0x0] =	wrdreg $0xFFFFFFFF;
	(pc) =	sbr.abs _section_cstart, $3  }
0xc2: {  	[dreg:$0x1] =	wrdreg $0xFFFFFFFF  }
0xc3: {  	_ =	task.clear_ibuf [dreg:s8], $0x2FFFF;
	_ =	strace $0x9FFFFFFF  }
0xc4: {  	(tm) =	ssettm $0x7FFFFFFF  }
0xc5: {  	_ =	shalt  }
tec
execute0_lowered:
.L_overlay_start_1:
0x0: {  	(tag) =	ssettag $0x1  }
0x1: {  	s0 =	rddreg [dreg:$0x0]  }
0x2: {  	s2 =	rddreg [dreg:$0x1]  }
0x3: {  	s1 =	rddreg [dreg:$0x2];
	s3 =	simm.s32 $0x0;
	s5 =	srdreg.scid  }
0x4: {  	s6 =	stileid.u32;
	[smem:$0x7FF] =	sst s3  }
0x5: {  	s4 =	sadd.s32 $0xF42A00, s2;
	s5 =	sand.u32 $0x1, s5;
	s6 =	sshll.u32 s6, $0x1  }
0x6: {  	s2 =	sadd.s32 $0x600, s2;
	s26 =	ssub.s32 $0x2, s5;
	s5 =	sor.u32 s5, s6  }
0x7: {  	_ =	strace $0x80000047;
	s7 =	sshll.u32 s5, $0x4;
	s8 =	sshll.u32 s5, $0x7  }
0x8: {  	[dreg:$0x4] =	wrdreg s2;
	s0 =	sadd.s32 s0, s7;
	s10 =	sadd.s32 s8, s1  }
0x9: {  	[dreg:$0x5] =	wrdreg s0;
	s11 =	sadd.s32 $0x630000, s10  }
0xa: {  	s12 =	sadd.s32 $0x631000, s10;
	[dreg:$0x6] =	wrdreg s11  }
0xb: {  	s13 =	sadd.s32 $0x632000, s10;
	[dreg:$0x7] =	wrdreg s12  }
0xc: {  	s14 =	sadd.s32 $0x633000, s10;
	[dreg:$0x8] =	wrdreg s13  }
0xd: {  	s15 =	sadd.s32 $0x634000, s10;
	[dreg:$0x9] =	wrdreg s14  }
0xe: {  	s28 =	sadd.s32 $0x3000, s1;
	s16 =	sadd.s32 $0x635000, s10;
	[dreg:$0xa] =	wrdreg s15  }
0xf: {  	s29 =	sadd.s32 $0x4000, s1;
	s17 =	sadd.s32 $0x636000, s10;
	[dreg:$0xb] =	wrdreg s16  }
0x10: {  	s30 =	sadd.s32 $0x5000, s1;
	s18 =	sadd.s32 $0x637000, s10;
	[dreg:$0xc] =	wrdreg s17  }
0x11: {  	s31 =	sadd.s32 $0x6000, s1;
	s19 =	sadd.s32 $0x638000, s10;
	[dreg:$0xd] =	wrdreg s18  }
0x12: {  	s6 =	simm.s32 $0xE6F0;
	s20 =	sadd.s32 $0x639000, s10;
	[dreg:$0xe] =	wrdreg s19  }
0x13: {  	s9 =	sshrl.u32 s26, $0x1;
	s21 =	sadd.s32 $0x63A000, s10;
	[dreg:$0xf] =	wrdreg s20  }
0x14: {  	s2 =	ssub.s32 s26, s9;
	s22 =	sadd.s32 $0x63B000, s10;
	[dreg:$0x10] =	wrdreg s21  }
0x15: {  	s7 =	sshll.u32 s5, $0xA;
	s23 =	sadd.s32 $0x63C000, s10;
	[dreg:$0x11] =	wrdreg s22  }
0x16: {  	s8 =	sadd.s32 $0x1000, s1;
	s24 =	sadd.s32 $0x63D000, s10;
	[dreg:$0x12] =	wrdreg s23  }
0x17: {  	s5 =	simm.s32 $0x80;
	s25 =	sadd.s32 $0x63E000, s10;
	[dreg:$0x13] =	wrdreg s24  }
0x18: {  	s9 =	simm.s32 $0xA400;
	s0 =	sadd.s32 $0x63F000, s10;
	[dreg:$0x14] =	wrdreg s25  }
0x19: {  	s26 =	smax.u32 s2, $0x1;
	s2 =	simm.s32 $0x1;
	[dreg:$0x15] =	wrdreg s0  }
0x1a: {  	v0 =	vlaneseq.u32;
	s10 =	simm.s32 $0x3;
	[dreg:$0x16] =	wrdreg s26;
	s26 =	sadd.s32 $0x2000, s1  }
0x1b: {  	v0 =	vmul.u32 $0x88, v0;
	s0 =	sadd.s32 $0x7000, s1;
	s22 =	simm.s32 $0x2;
	s23 =	simm.s32 $0xC600  }
0x1c: {  	v1 =	vimm.s32 $0x0;
	s20 =	simm.s32 $0xE558;
	s21 =	simm.s32 $0xE5E0;
	s24 =	simm.s32 $0xE668  }
0x1d: {  	v2 =	vadd.s32 $0x880, v0;
	v3 =	vadd.s32 $0x1100, v0;
	v4 =	vadd.s32 $0x1980, v0;
	s25 =	simm.s32 $0xE778;
	s11 =	simm.s32 $0x4;
	s15 =	simm.s32 $0x0  }
.LBB2_1:
0x1e: {  	[dreg:$0x17] =	wrdreg s15  }
0x1f: {  	s12 =	rddreg [dreg:$0x5];
	s13 =	simm.s32 $0x1000;
	s18 =	simm.s32 $0x5  }
0x20: {  	[tilespmem:s3], [sflag:$0x5] =	stream.strided.gather [hbm4b:s12+s5], $0x6400, s13, s5, $0x38;
	[tilespmem:$0x11A00] =	vst v63  }
0x21: {  	_ =	swait.ge [sflag:s18], $0x6400  }
0x22: {  	[sflag:s18] =	ssyncset.done $0x0  }
0x23: {  	s14 =	simm.s32 $0xE800;
	s19 =	rddreg [dreg:$0x4];
	[sflag:s18] =	ssyncadd.s32 $0xFFFF9C00  }
0x24: {  	[tilespmem:s14], [sflag:$0x5] =	stream.linear.gather [hbm4b:s19+s3], $0x3200, $0x38;
	[tilespmem:$0x11A00] =	vst v63  }
0x25: {  	_ =	swait.ge [sflag:s18], $0x3200  }
0x26: {  	[sflag:s18] =	ssyncset.done $0x0  }
0x27: {  	[sflag:s18] =	ssyncadd.s32 $0xFFFFCE00  }
0x28: {  	v5 =	vld [tilespmem:s5+$0x70]  }
0x29: {  	v6 =	vld [tilespmem:s5+$0xFFFFFF90]  }
0x2a: {  	v8 =	vld [tilespmem:s5+$0xFFFFFFA0]  }
0x2b: {  	v10 =	vld [tilespmem:s5+$0xFFFFFFB0]  }
0x2c: {  	v12 =	vld [tilespmem:s5+$0xFFFFFFC0]  }
0x2d: {  	v14 =	vld [tilespmem:s5+$0xFFFFFFD0]  }
0x2e: {  	v16 =	vld [tilespmem:s5+$0xFFFFFFE0]  }
0x2f: {  	v18 =	vld [tilespmem:s5+$0xFFFFFFF0]  }
0x30: {  	v20 =	vld [tilespmem:s5+$0x0]  }
0x31: {  	v22 =	vld [tilespmem:s5+$0x10]  }
0x32: {  	v24 =	vld [tilespmem:s5+$0x20];
	vm0 =	vgt.s32 v5, $0x7A11F  }
0x33: {  	v26 =	vld [tilespmem:s5+$0x30];
	vm1 =	vgt.s32 v6, $0x7A11F;
	v7 =	vshll.u32 v5, $0x1;
	vm14 =	vgt.s32 v8, $0x7A11F  }
0x34: {  	v28 =	vld [tilespmem:s5+$0x40];
	vm15 =	vgt.s32 v10, $0x7A11F;
	vm4 =	vgt.s32 v12, $0x7A11F;
	v11 =	vshll.u32 v10, $0x1  }
0x35: {  	v32 =	vld [tilespmem:s5+$0x50];
	vm5 =	vgt.s32 v14, $0x7A11F;
	v13 =	vshll.u32 v12, $0x1;
	vm6 =	vgt.s32 v16, $0x7A11F  }
0x36: {  	v30 =	vld [tilespmem:s5+$0xFFFFFF80];
	v15 =	vshll.u32 v14, $0x1;
	vm7 =	vgt.s32 v18, $0x7A11F;
	v17 =	vshll.u32 v16, $0x1  }
0x37: {  	vm8 =	vgt.s32 v20, $0x7A11F;
	v19 =	vshll.u32 v18, $0x1;
	vm9 =	vgt.s32 v22, $0x7A11F  }
0x38: {  	v21 =	vshll.u32 v20, $0x1;
	vm10 =	vgt.s32 v24, $0x7A11F;
	v23 =	vshll.u32 v22, $0x1  }
0x39: {  	vm11 =	vgt.s32 v26, $0x7A11F;
	v25 =	vshll.u32 v24, $0x1;
	vm12 =	vgt.s32 v28, $0x7A11F  }
0x3a: {  	v27 =	vshll.u32 v26, $0x1;
	vm13 =	vgt.s32 v32, $0x7A11F;
	v29 =	vshll.u32 v28, $0x1  }
0x3b: {  	v33 =	vshll.u32 v30, $0x1;
	v32 =	vshll.u32 v32, $0x1;
	v9 =	vsel vm0, $0xFFF0BDC1, v1  }
0x3c: {  	v35 =	vld [tilespmem:s5+$0x60];
	v5 =	vsel vm1, $0xFFF0BDC1, v1;
	v10 =	vsel vm4, $0xFFF0BDC1, v1;
	v12 =	vsel vm5, $0xFFF0BDC1, v1  }
0x3d: {  	v14 =	vsel vm6, $0xFFF0BDC1, v1;
	v16 =	vsel vm7, $0xFFF0BDC1, v1;
	v18 =	vsel vm8, $0xFFF0BDC1, v1  }
0x3e: {  	v20 =	vsel vm9, $0xFFF0BDC1, v1;
	v22 =	vsel vm10, $0xFFF0BDC1, v1;
	v24 =	vsel vm11, $0xFFF0BDC1, v1  }
0x3f: {  	v26 =	vsel vm12, $0xFFF0BDC1, v1;
	v28 =	vsel vm13, $0xFFF0BDC1, v1;
	v31 =	vadd.s32 v7, v9  }
0x40: {  	v7 =	vshll.u32 v6, $0x1;
	v6 =	vsel vm14, $0xFFF0BDC1, v1;
	v9 =	vshll.u32 v8, $0x1  }
0x41: {  	v8 =	vsel vm15, $0xFFF0BDC1, v1;
	vm14 =	vgt.s32 v35, $0x7A11F;
	vm15 =	vgt.s32 v30, $0x7A11F  }
0x42: {  	s13 =	simm.s32 $0x0;
	s12 =	simm.s32 $0x80;
	s14 =	simm.s32 $0x180;
	v30 =	vsel vm14, $0xFFF0BDC1, v1;
	[tilespmem:s5+$0x70] =	vst v31;
	v34 =	vsel vm15, $0xFFF0BDC1, v1;
	v31 =	vshll.u32 v35, $0x1  }
.LBB2_2:
0x43: {  	v35 =	vld [tilespmem:s14+$0x70];
	s13 =	sadd.s32 $0x2, s13;
	v33 =	vadd.s32 v33, v34;
	v5 =	vadd.s32 v7, v5;
	v6 =	vadd.s32 v9, v6  }
0x44: {  	v8 =	vadd.s32 v11, v8;
	v9 =	vadd.s32 v13, v10;
	v10 =	vadd.s32 v15, v12;
	v7 =	vld [tilespmem:s14+$0xFFFFFF90];
	p0 =	slt.u32 s13, $0xC6;
	[tilespmem:s12+$0xFFFFFF80] =	vst v33  }
0x45: {  	v12 =	vadd.s32 v17, v14;
	v13 =	vadd.s32 v19, v16;
	v14 =	vadd.s32 v21, v18;
	v11 =	vld [tilespmem:s14+$0xFFFFFFA0];
	[tilespmem:s12+$0xFFFFFF90] =	vst v5  }
0x46: {  	v16 =	vadd.s32 v23, v20;
	v17 =	vadd.s32 v25, v22;
	v18 =	vadd.s32 v27, v24;
	v15 =	vld [tilespmem:s14+$0xFFFFFFB0];
	[tilespmem:s12+$0xFFFFFFA0] =	vst v6  }
0x47: {  	v20 =	vadd.s32 v29, v26;
	v22 =	vadd.s32 v32, v28;
	v24 =	vadd.s32 v31, v30;
	v19 =	vld [tilespmem:s14+$0xFFFFFFC0];
	[tilespmem:s12+$0xFFFFFFB0] =	vst v8  }
0x48: {  	v21 =	vld [tilespmem:s14+$0xFFFFFFD0];
	vm0 =	vgt.s32 v35, $0x7A11F;
	[tilespmem:s12+$0xFFFFFFC0] =	vst v9  }
0x49: {  	v6 =	vshll.u32 v35, $0x1;
	vm1 =	vgt.s32 v7, $0x7A11F;
	v23 =	vld [tilespmem:s14+$0xFFFFFFE0];
	v8 =	vsel vm0, $0xFFF0BDC1, v1;
	[tilespmem:s12+$0xFFFFFFD0] =	vst v10  }
0x4a: {  	v5 =	vsel vm1, $0xFFF0BDC1, v1;
	vm0 =	vgt.s32 v11, $0x7A11F;
	v25 =	vld [tilespmem:s14+$0xFFFFFFF0];
	v8 =	vadd.s32 v6, v8;
	[tilespmem:s12+$0xFFFFFFE0] =	vst v12  }
0x4b: {  	v7 =	vshll.u32 v7, $0x1;
	v6 =	vsel vm0, $0xFFF0BDC1, v1;
	vm0 =	vgt.s32 v15, $0x7A11F;
	v26 =	vld [tilespmem:s14+$0x0];
	[tilespmem:s14+$0x70] =	vst v8  }
0x4c: {  	v9 =	vshll.u32 v11, $0x1;
	v8 =	vsel vm0, $0xFFF0BDC1, v1;
	vm0 =	vgt.s32 v19, $0x7A11F;
	v27 =	vld [tilespmem:s14+$0x10];
	[tilespmem:s12+$0xFFFFFFF0] =	vst v13  }
0x4d: {  	v11 =	vshll.u32 v15, $0x1;
	v10 =	vsel vm0, $0xFFF0BDC1, v1;
	vm0 =	vgt.s32 v21, $0x7A11F;
	v28 =	vld [tilespmem:s14+$0x20];
	[tilespmem:s12+$0x0] =	vst v14  }
0x4e: {  	v13 =	vshll.u32 v19, $0x1;
	v12 =	vsel vm0, $0xFFF0BDC1, v1;
	vm0 =	vgt.s32 v23, $0x7A11F;
	v29 =	vld [tilespmem:s14+$0x30];
	[tilespmem:s12+$0x10] =	vst v16  }
0x4f: {  	v15 =	vshll.u32 v21, $0x1;
	v14 =	vsel vm0, $0xFFF0BDC1, v1;
	vm0 =	vgt.s32 v25, $0x7A11F;
	v30 =	vld [tilespmem:s14+$0x40];
	[tilespmem:s12+$0x20] =	vst v17  }
0x50: {  	v17 =	vshll.u32 v23, $0x1;
	v16 =	vsel vm0, $0xFFF0BDC1, v1;
	vm0 =	vgt.s32 v26, $0x7A11F;
	v31 =	vld [tilespmem:s14+$0x50];
	[tilespmem:s12+$0x30] =	vst v18  }
0x51: {  	v19 =	vshll.u32 v25, $0x1;
	v18 =	vsel vm0, $0xFFF0BDC1, v1;
	vm0 =	vgt.s32 v27, $0x7A11F;
	v35 =	vld [tilespmem:s14+$0x60];
	[tilespmem:s12+$0x40] =	vst v20  }
0x52: {  	v21 =	vshll.u32 v26, $0x1;
	v32 =	vld [tilespmem:s14+$0xFFFFFF80];
	v20 =	vsel vm0, $0xFFF0BDC1, v1;
	vm0 =	vgt.s32 v28, $0x7A11F;
	[tilespmem:s12+$0x50] =	vst v22  }
0x53: {  	v23 =	vshll.u32 v27, $0x1;
	v22 =	vsel vm0, $0xFFF0BDC1, v1;
	vm0 =	vgt.s32 v29, $0x7A11F;
	[tilespmem:s12+$0x60] =	vst v24;
	s12 =	smov.u32 s14  }
.Ltmp0:
0x54: {  	v25 =	vshll.u32 v28, $0x1;
	v24 =	vsel vm0, $0xFFF0BDC1, v1;
	vm0 =	vgt.s32 v30, $0x7A11F;
	(pc) =	sbr.rel @p0 .LBB2_2-.Ltmp0, $4  }
0x55: {  	v27 =	vshll.u32 v29, $0x1;
	v26 =	vsel vm0, $0xFFF0BDC1, v1;
	vm0 =	vgt.s32 v31, $0x7A11F  }
0x56: {  	v29 =	vshll.u32 v30, $0x1;
	v28 =	vsel vm0, $0xFFF0BDC1, v1;
	vm0 =	vgt.s32 v35, $0x7A11F  }
0x57: {  	v33 =	vshll.u32 v32, $0x1;
	vm1 =	vgt.s32 v32, $0x7A11F;
	v30 =	vsel vm0, $0xFFF0BDC1, v1  }
0x58: {  	s14 =	sadd.s32 $0x100, s14;
	v32 =	vshll.u32 v31, $0x1;
	v31 =	vshll.u32 v35, $0x1;
	v34 =	vsel vm1, $0xFFF0BDC1, v1  }
0x59: {  	v33 =	vadd.s32 v33, v34  }
0x5a: {  	v5 =	vadd.s32 v7, v5;
	[tilespmem:s12+$0xFFFFFF80] =	vst v33  }
0x5b: {  	v6 =	vadd.s32 v9, v6;
	[tilespmem:s12+$0xFFFFFF90] =	vst v5  }
0x5c: {  	v5 =	vadd.s32 v11, v8;
	[tilespmem:s12+$0xFFFFFFA0] =	vst v6  }
0x5d: {  	v6 =	vadd.s32 v13, v10;
	[tilespmem:s12+$0xFFFFFFB0] =	vst v5  }
0x5e: {  	v5 =	vadd.s32 v15, v12;
	[tilespmem:s12+$0xFFFFFFC0] =	vst v6  }
0x5f: {  	v6 =	vadd.s32 v17, v14;
	[tilespmem:s12+$0xFFFFFFD0] =	vst v5  }
0x60: {  	v5 =	vadd.s32 v19, v16;
	[tilespmem:s12+$0xFFFFFFE0] =	vst v6  }
0x61: {  	v6 =	vadd.s32 v21, v18;
	[tilespmem:s12+$0xFFFFFFF0] =	vst v5  }
0x62: {  	v5 =	vadd.s32 v23, v20;
	[tilespmem:s12+$0x0] =	vst v6  }
0x63: {  	v6 =	vadd.s32 v25, v22;
	[tilespmem:s12+$0x10] =	vst v5  }
0x64: {  	v5 =	vadd.s32 v27, v24;
	[tilespmem:s12+$0x20] =	vst v6  }
0x65: {  	v6 =	vadd.s32 v29, v26;
	[tilespmem:s12+$0x30] =	vst v5  }
0x66: {  	v5 =	vadd.s32 v32, v28;
	[tilespmem:s12+$0x40] =	vst v6  }
0x67: {  	v6 =	vadd.s32 v31, v30;
	[tilespmem:s12+$0x50] =	vst v5  }
0x68: {  	s13 =	simm.s32 $0x6400;
	[tilespmem:s12+$0x60] =	vst v6;
	s12 =	simm.s32 $0x0  }
0x69: {  	[tilespmem:s13], [sflag:$0x1] =	stream.indirect.gather [hbm4b:s4+s5], $0x40, s12, s5, $0xb8;
	[tilespmem:$0x11A00] =	vst v63  }
0x6a: {  	s13 =	simm.s32 $0x0  }
.LBB2_4:
0x6b: {  	s14 =	sshllo.u32 s13, $0x1  }
0x6c: {  	s15 =	sshll.u32 s14, $0x7  }
0x6d: {  	s16 =	simm.s32 $0x8400;
	s15 =	sand.u32 $0x3FFFFF80, s15  }
0x6e: {  	[tilespmem:s16], [sflag:$0x2] =	stream.indirect.gather [hbm4b:s4+s5], $0x40, s15, s5, $0xb8;
	[tilespmem:$0x11A00] =	vst v63  }
0x6f: {  	_ =	swait.ge [sflag:s2], $0x2000  }
0x70: {  	p0 =	seq.s32 s13, $0x0;
	[sflag:s2] =	ssyncset.done $0x0  }
0x71: {  	s15 =	simm.s32 @!p0 $0x3;
	[sflag:s2] =	ssyncadd.s32 $0xFFFFE000  }
0x72: {  	_ =	swait.ge @!p0 [sflag:s15], $0x400  }
0x73: {  	[sflag:s15] =	ssyncset.done @!p0 $0x0  }
0x74: {  	[sflag:s15] =	ssyncadd.s32 @!p0 $0xFFFFFC00  }
0x75: {  	_ =	swait.ge @!p0 [sflag:s15], $0x400  }
0x76: {  	[sflag:s15] =	ssyncset.done @!p0 $0x0  }
0x77: {  	[sflag:s15] =	ssyncadd.s32 @!p0 $0xFFFFFC00  }
0x78: {  	_ =	swait.ge @!p0 [sflag:s15], $0x400  }
0x79: {  	[sflag:s15] =	ssyncset.done @!p0 $0x0  }
0x7a: {  	[sflag:s15] =	ssyncadd.s32 @!p0 $0xFFFFFC00  }
0x7b: {  	_ =	swait.ge @!p0 [sflag:s15], $0x400  }
0x7c: {  	[sflag:s15] =	ssyncset.done @!p0 $0x0  }
0x7d: {  	[sflag:s15] =	ssyncadd.s32 @!p0 $0xFFFFFC00  }
0x7e: {  	_ =	swait.ge @!p0 [sflag:s15], $0x400  }
0x7f: {  	[sflag:s15] =	ssyncset.done @!p0 $0x0  }
0x80: {  	[sflag:s15] =	ssyncadd.s32 @!p0 $0xFFFFFC00  }
0x81: {  	_ =	swait.ge @!p0 [sflag:s15], $0x400  }
0x82: {  	[sflag:s15] =	ssyncset.done @!p0 $0x0  }
0x83: {  	[sflag:s15] =	ssyncadd.s32 @!p0 $0xFFFFFC00  }
0x84: {  	_ =	swait.ge @!p0 [sflag:s15], $0x400  }
0x85: {  	[sflag:s15] =	ssyncset.done @!p0 $0x0  }
0x86: {  	[sflag:s15] =	ssyncadd.s32 @!p0 $0xFFFFFC00  }
0x87: {  	_ =	swait.ge @!p0 [sflag:s15], $0x400  }
0x88: {  	s19 =	sshll.u32 s13, $0x7;
	[sflag:s15] =	ssyncset.done @!p0 $0x0  }
0x89: {  	[sflag:s15] =	ssyncadd.s32 @!p0 $0xFFFFFC00;
	s15 =	sand.u32 $0x3FFFFF80, s19  }
0x8a: {  	s18 =	simm.s32 $0x6480;
	s17 =	simm.s32 $0x3;
	v10 =	vld [tilespmem:s15+$0xE800]  }
0x8b: {  	v5 =	vmov s17;
	v8 =	vld [tilespmem:s18+$0x40]  }
0x8c: {  	v14 =	vand.u32 $0x7F, v5  }
0x8d: {  	v9 =	vadd.s32 v0, v14;
	v7 =	vld [tilespmem:s15+$0xE810]  }
0x8e: {  	s17 =	simm.s32 $0x2;
	v5 =	vmov s12;
	s19 =	simm.s32 $0x1;
	v11 =	vld [tilespmem:s18+$0xFFFFFF80]  }
0x8f: {  	v15 =	vmov s17;
	v13 =	vand.u32 $0x7C, v5;
	v5 =	vmov s19;
	v12 =	vld [tilespmem:s18+$0xFFFFFFC0]  }
0x90: {  	v16 =	vadd.s32 v0, v13;
	v17 =	vld [tilespmem:s18+$0x0];
	v20 =	vand.u32 $0x7D, v5;
	v8 =	vadd.f32 v8, v10  }
0x91: {  	v21 =	vand.u32 $0x7E, v15;
	v6 =	vld [tilespmem:s15+$0xE820];
	v18 =	vadd.s32 v0, v20  }
0x92: {  	v15 =	vadd.s32 v0, v21;
	v5 =	vld [tilespmem:s15+$0xE830];
	[tilespmem:v9+s9+$0x0] =	vst.idx.msk $0xffff, v8  }
0x93: {  	v8 =	vadd.f32 v11, v10;
	v9 =	vld [tilespmem:s18+$0x50]  }
0x94: {  	v11 =	vadd.f32 v12, v10  }
0x95: {  	v12 =	vadd.s32 v2, v14;
	[tilespmem:v16+s9+$0x0] =	vst.idx.msk $0xffff, v8;
	v8 =	vadd.f32 v17, v10  }
0x96: {  	[tilespmem:v18+s9+$0x0] =	vst.idx.msk $0xffff, v11;
	v16 =	vld [tilespmem:s18+$0xFFFFFF90]  }
0x97: {  	v11 =	vld [tilespmem:s18+$0xFFFFFFD0];
	[tilespmem:v15+s9+$0x0] =	vst.idx.msk $0xffff, v8  }
0x98: {  	v15 =	vld [tilespmem:s18+$0x10];
	v8 =	vadd.f32 v9, v7  }
0x99: {  	s19 =	simm.s32 $0x7;
	s15 =	simm.s32 $0x6580;
	v17 =	vadd.s32 v2, v20  }
0x9a: {  	s17 =	simm.s32 $0x4;
	v27 =	vadd.s32 v3, v14;
	v19 =	vld [tilespmem:s15+$0x40];
	v18 =	vadd.s32 v2, v21;
	[tilespmem:v12+s9+$0x0] =	vst.idx.msk $0xffff, v8;
	v8 =	vmov s19  }
0x9b: {  	v22 =	vadd.s32 v2, v13;
	v9 =	vmov s17;
	v8 =	vand.u32 $0x7F, v8;
	v23 =	vld [tilespmem:s18+$0x60]  }
0x9c: {  	v24 =	vld [tilespmem:s15+$0xFFFFFF80];
	s17 =	simm.s32 $0x5;
	v9 =	vand.u32 $0x7C, v9;
	v11 =	vadd.f32 v11, v7;
	v25 =	vadd.s32 v0, v8  }
0x9d: {  	v26 =	vld [tilespmem:s15+$0xFFFFFFC0];
	v16 =	vadd.f32 v16, v7;
	s19 =	simm.s32 $0x6;
	v12 =	vadd.f32 v15, v7;
	v15 =	vmov s17  }
0x9e: {  	v28 =	vadd.s32 v0, v9;
	[tilespmem:v17+s9+$0x0] =	vst.idx.msk $0xffff, v11;
	v17 =	vmov s19;
	v11 =	vand.u32 $0x7D, v15;
	v15 =	vld [tilespmem:s15+$0x0]  }
0x9f: {  	[tilespmem:v18+s9+$0x0] =	vst.idx.msk $0xffff, v12;
	v18 =	vadd.s32 v0, v11;
	v12 =	vand.u32 $0x7E, v17;
	v17 =	vadd.f32 v19, v10;
	v19 =	vld [tilespmem:s18+$0xFFFFFFE0]  }
0xa0: {  	[tilespmem:v22+s9+$0x0] =	vst.idx.msk $0xffff, v16;
	v16 =	vadd.s32 v0, v12;
	v22 =	vld [tilespmem:s18+$0x20];
	v23 =	vadd.f32 v23, v6  }
0xa1: {  	v24 =	vadd.f32 v24, v10;
	[tilespmem:v25+s9+$0x0] =	vst.idx.msk $0xffff, v17;
	v17 =	vld [tilespmem:s18+$0xFFFFFFA0];
	v25 =	vadd.s32 v3, v20  }
0xa2: {  	v30 =	vadd.s32 v3, v21;
	v26 =	vadd.f32 v26, v10;
	v29 =	vld [tilespmem:s15+$0x50];
	[tilespmem:v27+s9+$0x0] =	vst.idx.msk $0xffff, v23  }
0xa3: {  	[tilespmem:v28+s9+$0x0] =	vst.idx.msk $0xffff, v24;
	v24 =	vadd.s32 v3, v13;
	v15 =	vadd.f32 v15, v10;
	v27 =	vld [tilespmem:s18+$0x70]  }
0xa4: {  	v28 =	vld [tilespmem:s15+$0xFFFFFF90];
	[tilespmem:v18+s9+$0x0] =	vst.idx.msk $0xffff, v26;
	v26 =	vadd.s32 v2, v8;
	v19 =	vadd.f32 v19, v6  }
0xa5: {  	v32 =	vadd.s32 v4, v14;
	v31 =	vld [tilespmem:s15+$0xFFFFFFD0];
	[tilespmem:v16+s9+$0x0] =	vst.idx.msk $0xffff, v15;
	v15 =	vadd.f32 v22, v6  }
0xa6: {  	v23 =	vadd.s32 v2, v9;
	v18 =	vld [tilespmem:s15+$0x10];
	v14 =	vadd.f32 v17, v6;
	[tilespmem:v25+s9+$0x0] =	vst.idx.msk $0xffff, v19  }
0xa7: {  	s17 =	simm.s32 $0x8;
	v22 =	vadd.s32 v2, v11;
	[tilespmem:v30+s9+$0x0] =	vst.idx.msk $0xffff, v15;
	v19 =	vadd.f32 v29, v7;
	v17 =	vld [tilespmem:s18+$0xFFFFFFF0]  }
0xa8: {  	v25 =	vmov s17;
	v15 =	vadd.s32 v2, v12;
	v16 =	vld [tilespmem:s18+$0x30];
	[tilespmem:v24+s9+$0x0] =	vst.idx.msk $0xffff, v14;
	v29 =	vadd.f32 v27, v5  }
0xa9: {  	s16 =	simm.s32 $0x6680;
	s19 =	simm.s32 $0xB;
	v20 =	vadd.s32 v4, v20;
	v14 =	vand.u32 $0x7C, v25;
	v25 =	vadd.f32 v28, v7;
	[tilespmem:v26+s9+$0x0] =	vst.idx.msk $0xffff, v19;
	v19 =	vld [tilespmem:s18+$0xFFFFFFB0]  }
0xaa: {  	v21 =	vadd.s32 v4, v21;
	v27 =	vmov s19;
	v24 =	vld [tilespmem:s16+$0x40];
	s18 =	simm.s32 $0xC;
	v26 =	vadd.f32 v31, v7;
	[tilespmem:v32+s9+$0x0] =	vst.idx.msk $0xffff, v29  }
.LBB2_5:
0xab: {  	p1 =	slt.u32 s18, $0x7C;
	s19 =	sadd.s32 $0x1, s17;
	v27 =	vand.u32 $0x7F, v27;
	[tilespmem:v23+s9+$0x0] =	vst.idx.msk $0xffff, v25;
	v18 =	vadd.f32 v18, v7;
	v23 =	vld [tilespmem:s15+$0x60];
	v25 =	vadd.s32 v4, v13  }
0xac: {  	v31 =	vmovc v12;
	v28 =	vld [tilespmem:s16+$0xFFFFFF80];
	v29 =	vmov s19;
	s19 =	sadd.s32 $0x2, s17;
	v30 =	vadd.s32 v0, v27;
	[tilespmem:v22+s9+$0x0] =	vst.idx.msk $0xffff, v26;
	v17 =	vadd.f32 v17, v5;
	s17 =	smov.u32 s18  }
0xad: {  	v13 =	vmovc v9;
	v22 =	vld [tilespmem:s16+$0xFFFFFFC0];
	v12 =	vmov s19;
	[tilespmem:v15+s9+$0x0] =	vst.idx.msk $0xffff, v18;
	v15 =	vadd.s32 v3, v8;
	v16 =	vadd.f32 v16, v5  }
0xae: {  	v18 =	vadd.s32 v0, v14;
	v29 =	vand.u32 $0x7D, v29;
	v26 =	vld [tilespmem:s16+$0x0];
	v32 =	vadd.f32 v19, v5;
	[tilespmem:v20+s9+$0x0] =	vst.idx.msk $0xffff, v17  }
0xaf: {  	v17 =	vadd.s32 v0, v29;
	v12 =	vand.u32 $0x7E, v12;
	v19 =	vadd.f32 v24, v10;
	v20 =	vld [tilespmem:s15+$0xFFFFFFE0];
	[tilespmem:v21+s9+$0x0] =	vst.idx.msk $0xffff, v16  }
0xb0: {  	v9 =	vmov v14;
	v16 =	vadd.s32 v0, v12;
	v21 =	vld [tilespmem:s15+$0x20];
	v23 =	vadd.f32 v23, v6;
	[tilespmem:v25+s9+$0x0] =	vst.idx.msk $0xffff, v32  }
0xb1: {  	v24 =	vadd.s32 v3, v11;
	v14 =	vadd.f32 v28, v10;
	[tilespmem:v30+s9+$0x0] =	vst.idx.msk $0xffff, v19;
	v19 =	vld [tilespmem:s15+$0xFFFFFFA0]  }
0xb2: {  	v28 =	vadd.s32 v3, v31;
	v22 =	vadd.f32 v22, v10;
	v25 =	vld [tilespmem:s16+$0x50];
	[tilespmem:v15+s9+$0x0] =	vst.idx.msk $0xffff, v23  }
0xb3: {  	[tilespmem:v18+s9+$0x0] =	vst.idx.msk $0xffff, v14;
	v14 =	vadd.f32 v26, v10;
	v26 =	vadd.s32 v3, v13;
	v30 =	vld [tilespmem:s15+$0x70]  }
0xb4: {  	v33 =	vadd.s32 v2, v27;
	v32 =	vld [tilespmem:s16+$0xFFFFFF90];
	[tilespmem:v17+s9+$0x0] =	vst.idx.msk $0xffff, v22;
	v15 =	vadd.f32 v20, v6  }
0xb5: {  	v35 =	vadd.s32 v4, v8;
	v8 =	vmov v27;
	v34 =	vld [tilespmem:s16+$0xFFFFFFD0];
	[tilespmem:v16+s9+$0x0] =	vst.idx.msk $0xffff, v14;
	v14 =	vadd.f32 v21, v6  }
.Ltmp1:
0xb6: {  	v23 =	vadd.s32 v2, v9;
	v18 =	vld [tilespmem:s16+$0x10];
	v16 =	vadd.f32 v19, v6;
	[tilespmem:v24+s9+$0x0] =	vst.idx.msk $0xffff, v15;
	(pc) =	sbr.rel @p1 .LBB2_5-.Ltmp1, $4  }
0xb7: {  	v22 =	vadd.s32 v2, v29;
	v19 =	vadd.f32 v25, v7;
	v17 =	vld [tilespmem:s15+$0xFFFFFFF0];
	[tilespmem:v28+s9+$0x0] =	vst.idx.msk $0xffff, v14  }
0xb8: {  	v15 =	vadd.s32 v2, v12;
	v14 =	vmov s18;
	[tilespmem:v26+s9+$0x0] =	vst.idx.msk $0xffff, v16;
	v16 =	vld [tilespmem:s15+$0x30];
	v28 =	vadd.f32 v30, v5  }
0xb9: {  	s19 =	sadd.s32 $0x3, s18;
	v20 =	vadd.s32 v4, v11;
	v14 =	vand.u32 $0x7C, v14;
	v25 =	vadd.f32 v32, v7;
	[tilespmem:v33+s9+$0x0] =	vst.idx.msk $0xffff, v19;
	v19 =	vld [tilespmem:s15+$0xFFFFFFB0];
	s15 =	smov.u32 s16;
	s16 =	sadd.s32 $0x100, s16  }
0xba: {  	v27 =	vmov s19;
	v11 =	vmovc v29;
	v21 =	vadd.s32 v4, v31;
	s18 =	sadd.s32 $0x4, s18;
	v24 =	vld [tilespmem:s16+$0x40];
	v26 =	vadd.f32 v34, v7;
	[tilespmem:v35+s9+$0x0] =	vst.idx.msk $0xffff, v28  }
0xbb: {  	s18 =	sadd.s32 $0x1, s17  }
0xbc: {  	v27 =	vand.u32 $0x7F, v27;
	s19 =	sadd.s32 $0x2, s17;
	v29 =	vld [tilespmem:s16+$0xFFFFFFC0];
	v28 =	vmov s18  }
0xbd: {  	v32 =	vld [tilespmem:s16+$0x0];
	v30 =	vadd.s32 v0, v27;
	v31 =	vmov s19;
	v28 =	vand.u32 $0x7D, v28  }
0xbe: {  	v33 =	vld [tilespmem:s16+$0xFFFFFF80];
	v31 =	vand.u32 $0x7E, v31;
	v34 =	vadd.s32 v0, v28  }
0xbf: {  	v35 =	vadd.s32 v0, v31  }
0xc0: {  	[tilespmem:v23+s9+$0x0] =	vst.idx.msk $0xffff, v25;
	v23 =	vadd.s32 v0, v14;
	v24 =	vadd.f32 v24, v10  }
0xc1: {  	[tilespmem:v22+s9+$0x0] =	vst.idx.msk $0xffff, v26;
	v22 =	vadd.f32 v29, v10  }
0xc2: {  	[tilespmem:v30+s9+$0x0] =	vst.idx.msk $0xffff, v24;
	v24 =	vadd.f32 v32, v10  }
0xc3: {  	v10 =	vadd.f32 v33, v10;
	v25 =	vld [tilespmem:s16+$0x50];
	[tilespmem:v34+s9+$0x0] =	vst.idx.msk $0xffff, v22  }
0xc4: {  	v18 =	vadd.f32 v18, v7;
	v13 =	vadd.s32 v4, v13;
	[tilespmem:v35+s9+$0x0] =	vst.idx.msk $0xffff, v24;
	v22 =	vld [tilespmem:s16+$0xFFFFFFD0]  }
0xc5: {  	v17 =	vadd.f32 v17, v5;
	[tilespmem:v23+s9+$0x0] =	vst.idx.msk $0xffff, v10;
	v10 =	vadd.s32 v2, v27;
	v23 =	vld [tilespmem:s16+$0x10]  }
0xc6: {  	[tilespmem:v15+s9+$0x0] =	vst.idx.msk $0xffff, v18;
	v15 =	vadd.f32 v16, v5;
	v18 =	vadd.s32 v2, v28;
	v16 =	vld [tilespmem:s16+$0xFFFFFF90]  }
0xc7: {  	v19 =	vadd.f32 v19, v5;
	[tilespmem:v20+s9+$0x0] =	vst.idx.msk $0xffff, v17;
	v17 =	vadd.s32 v2, v31;
	v24 =	vld [tilespmem:s15+$0x60]  }
0xc8: {  	v20 =	vld [tilespmem:s15+$0xFFFFFFE0];
	[tilespmem:v21+s9+$0x0] =	vst.idx.msk $0xffff, v15;
	v15 =	vadd.s32 v2, v14;
	v21 =	vadd.f32 v25, v7  }
0xc9: {  	v26 =	vld [tilespmem:s15+$0x20];
	[tilespmem:v13+s9+$0x0] =	vst.idx.msk $0xffff, v19;
	v25 =	vadd.s32 v3, v8;
	v13 =	vadd.f32 v22, v7  }
0xca: {  	v19 =	vld [tilespmem:s15+$0xFFFFFFA0];
	v22 =	vadd.s32 v3, v11;
	[tilespmem:v10+s9+$0x0] =	vst.idx.msk $0xffff, v21;
	v10 =	vadd.f32 v23, v7  }
0xcb: {  	v21 =	vadd.s32 v3, v12;
	v7 =	vadd.f32 v16, v7;
	v16 =	vld [tilespmem:s16+$0x60];
	[tilespmem:v18+s9+$0x0] =	vst.idx.msk $0xffff, v13  }
0xcc: {  	v13 =	vadd.f32 v24, v6;
	v18 =	vadd.s32 v3, v9;
	[tilespmem:v17+s9+$0x0] =	vst.idx.msk $0xffff, v10;
	v10 =	vld [tilespmem:s16+$0xFFFFFFE0]  }
0xcd: {  	v17 =	vadd.f32 v20, v6;
	[tilespmem:v15+s9+$0x0] =	vst.idx.msk $0xffff, v7;
	v7 =	vadd.s32 v3, v27;
	v15 =	vld [tilespmem:s16+$0x20]  }
0xce: {  	v23 =	vadd.s32 v3, v28;
	v20 =	vld [tilespmem:s16+$0xFFFFFFA0];
	[tilespmem:v25+s9+$0x0] =	vst.idx.msk $0xffff, v13;
	v13 =	vadd.f32 v26, v6  }
0xcf: {  	v19 =	vadd.f32 v19, v6;
	v24 =	vld [tilespmem:s15+$0x70];
	[tilespmem:v22+s9+$0x0] =	vst.idx.msk $0xffff, v17;
	v17 =	vadd.s32 v3, v31  }
0xd0: {  	v22 =	vld [tilespmem:s15+$0xFFFFFFF0];
	[tilespmem:v21+s9+$0x0] =	vst.idx.msk $0xffff, v13;
	v13 =	vadd.f32 v16, v6;
	v16 =	vadd.s32 v3, v14  }
0xd1: {  	v8 =	vadd.s32 v4, v8;
	[tilespmem:v18+s9+$0x0] =	vst.idx.msk $0xffff, v19;
	v18 =	vld [tilespmem:s15+$0x30];
	v10 =	vadd.f32 v10, v6  }
0xd2: {  	v11 =	vadd.s32 v4, v11;
	v19 =	vld [tilespmem:s15+$0xFFFFFFB0];
	[tilespmem:v7+s9+$0x0] =	vst.idx.msk $0xffff, v13;
	v7 =	vadd.f32 v15, v6  }
0xd3: {  	v12 =	vadd.s32 v4, v12;
	v6 =	vadd.f32 v20, v6;
	v13 =	vld [tilespmem:s16+$0x70];
	[tilespmem:v23+s9+$0x0] =	vst.idx.msk $0xffff, v10  }
0xd4: {  	v9 =	vadd.s32 v4, v9;
	v10 =	vadd.f32 v24, v5;
	[tilespmem:v17+s9+$0x0] =	vst.idx.msk $0xffff, v7;
	v15 =	vld [tilespmem:s16+$0xFFFFFFF0]  }
0xd5: {  	v17 =	vadd.s32 v4, v27;
	v7 =	vadd.f32 v22, v5;
	[tilespmem:v16+s9+$0x0] =	vst.idx.msk $0xffff, v6;
	v6 =	vld [tilespmem:s16+$0x30]  }
0xd6: {  	v16 =	vadd.s32 v4, v28;
	[tilespmem:v8+s9+$0x0] =	vst.idx.msk $0xffff, v10;
	v8 =	vadd.f32 v18, v5;
	v10 =	vld [tilespmem:s16+$0xFFFFFFB0]  }
0xd7: {  	v18 =	vadd.f32 v19, v5;
	[tilespmem:v11+s9+$0x0] =	vst.idx.msk $0xffff, v7;
	v7 =	vadd.s32 v4, v31  }
0xd8: {  	v11 =	vadd.s32 v4, v14;
	[tilespmem:v12+s9+$0x0] =	vst.idx.msk $0xffff, v8;
	v8 =	vadd.f32 v13, v5  }
0xd9: {  	[tilespmem:v9+s9+$0x0] =	vst.idx.msk $0xffff, v18;
	v9 =	vadd.f32 v15, v5  }
0xda: {  	s17 =	sshll.u32 s13, $0x13;
	[tilespmem:v17+s9+$0x0] =	vst.idx.msk $0xffff, v8;
	v6 =	vadd.f32 v6, v5  }
0xdb: {  	s15 =	sor.u32 s7, s17;
	v5 =	vadd.f32 v10, v5;
	[tilespmem:v16+s9+$0x0] =	vst.idx.msk $0xffff, v9  }
0xdc: {  	s15 =	sshrl.u32 s15, $0x3;
	[tilespmem:v7+s9+$0x0] =	vst.idx.msk $0xffff, v6  }
0xdd: {  	s16 =	sadd.s32 s1, s15;
	[tilespmem:v11+s9+$0x0] =	vst.idx.msk $0xffff, v5  }
0xde: {  	[hbm4b:s16+s3] =	stream.linear.scatter [tilespmem:s9], [sflag:$0x3], $0x80, $0x38;
	[tilespmem:$0x11A00] =	vst v63  }
0xdf: {  	s19 =	simm.s32 $0xA488;
	s18 =	sadd.s32 $0x10, s16  }
0xe0: {  	[hbm4b:s18+s3] =	stream.linear.scatter [tilespmem:s19], [sflag:$0x3], $0x80, $0x38;
	[tilespmem:$0x11A00] =	vst v63  }
0xe1: {  	s18 =	sadd.s32 $0x20, s16;
	s19 =	simm.s32 $0xA510  }
0xe2: {  	[hbm4b:s18+s3] =	stream.linear.scatter [tilespmem:s19], [sflag:$0x3], $0x80, $0x38;
	[tilespmem:$0x11A00] =	vst v63  }
0xe3: {  	s18 =	sadd.s32 $0x30, s16;
	s19 =	simm.s32 $0xA598  }
0xe4: {  	[hbm4b:s18+s3] =	stream.linear.scatter [tilespmem:s19], [sflag:$0x3], $0x80, $0x38;
	[tilespmem:$0x11A00] =	vst v63  }
0xe5: {  	s18 =	sadd.s32 $0x40, s16;
	s19 =	simm.s32 $0xA620  }
0xe6: {  	[hbm4b:s18+s3] =	stream.linear.scatter [tilespmem:s19], [sflag:$0x3], $0x80, $0x38;
	[tilespmem:$0x11A00] =	vst v63  }
0xe7: {  	s18 =	sadd.s32 $0x50, s16;
	s19 =	simm.s32 $0xA6A8  }
0xe8: {  	[hbm4b:s18+s3] =	stream.linear.scatter [tilespmem:s19], [sflag:$0x3], $0x80, $0x38;
	[tilespmem:$0x11A00] =	vst v63  }
0xe9: {  	s18 =	sadd.s32 $0x60, s16;
	s19 =	simm.s32 $0xA730  }
0xea: {  	[hbm4b:s18+s3] =	stream.linear.scatter [tilespmem:s19], [sflag:$0x3], $0x80, $0x38;
	[tilespmem:$0x11A00] =	vst v63  }
0xeb: {  	s16 =	sadd.s32 $0x70, s16;
	s18 =	simm.s32 $0xA7B8  }
0xec: {  	[hbm4b:s16+s3] =	stream.linear.scatter [tilespmem:s18], [sflag:$0x3], $0x80, $0x38;
	[tilespmem:$0x11A00] =	vst v63  }
0xed: {  	s19 =	simm.s32 $0xA840;
	s16 =	sadd.s32 s15, s8  }
0xee: {  	[hbm4b:s16+s3] =	stream.linear.scatter [tilespmem:s19], [sflag:$0x3], $0x80, $0x38;
	[tilespmem:$0x11A00] =	vst v63  }
0xef: {  	s18 =	sadd.s32 $0x10, s16;
	s19 =	simm.s32 $0xA8C8  }
0xf0: {  	[hbm4b:s18+s3] =	stream.linear.scatter [tilespmem:s19], [sflag:$0x3], $0x80, $0x38;
	[tilespmem:$0x11A00] =	vst v63  }
0xf1: {  	s18 =	sadd.s32 $0x20, s16;
	s19 =	simm.s32 $0xA950  }
0xf2: {  	[hbm4b:s18+s3] =	stream.linear.scatter [tilespmem:s19], [sflag:$0x3], $0x80, $0x38;
	[tilespmem:$0x11A00] =	vst v63  }
0xf3: {  	s18 =	sadd.s32 $0x30, s16;
	s19 =	simm.s32 $0xA9D8  }
0xf4: {  	[hbm4b:s18+s3] =	stream.linear.scatter [tilespmem:s19], [sflag:$0x3], $0x80, $0x38;
	[tilespmem:$0x11A00] =	vst v63  }
0xf5: {  	s18 =	sadd.s32 $0x40, s16;
	s19 =	simm.s32 $0xAA60  }
0xf6: {  	[hbm4b:s18+s3] =	stream.linear.scatter [tilespmem:s19], [sflag:$0x3], $0x80, $0x38;
	[tilespmem:$0x11A00] =	vst v63  }
0xf7: {  	s18 =	sadd.s32 $0x50, s16;
	s19 =	simm.s32 $0xAAE8  }
0xf8: {  	[hbm4b:s18+s3] =	stream.linear.scatter [tilespmem:s19], [sflag:$0x3], $0x80, $0x38;
	[tilespmem:$0x11A00] =	vst v63  }
0xf9: {  	s18 =	sadd.s32 $0x60, s16;
	s19 =	simm.s32 $0xAB70  }
0xfa: {  	[hbm4b:s18+s3] =	stream.linear.scatter [tilespmem:s19], [sflag:$0x3], $0x80, $0x38;
	[tilespmem:$0x11A00] =	vst v63  }
0xfb: {  	s16 =	sadd.s32 $0x70, s16;
	s18 =	simm.s32 $0xABF8  }
0xfc: {  	[hbm4b:s16+s3] =	stream.linear.scatter [tilespmem:s18], [sflag:$0x3], $0x80, $0x38;
	[tilespmem:$0x11A00] =	vst v63  }
0xfd: {  	s19 =	simm.s32 $0xAC80;
	s16 =	sadd.s32 s15, s26  }
0xfe: {  	[hbm4b:s16+s3] =	stream.linear.scatter [tilespmem:s19], [sflag:$0x3], $0x80, $0x38;
	[tilespmem:$0x11A00] =	vst v63  }
0xff: {  	s18 =	sadd.s32 $0x10, s16;
	s19 =	simm.s32 $0xAD08  }
0x100: {  	[hbm4b:s18+s3] =	stream.linear.scatter [tilespmem:s19], [sflag:$0x3], $0x80, $0x38;
	[tilespmem:$0x11A00] =	vst v63  }
0x101: {  	s18 =	sadd.s32 $0x20, s16;
	s19 =	simm.s32 $0xAD90  }
0x102: {  	[hbm4b:s18+s3] =	stream.linear.scatter [tilespmem:s19], [sflag:$0x3], $0x80, $0x38;
	[tilespmem:$0x11A00] =	vst v63  }
0x103: {  	s18 =	sadd.s32 $0x30, s16;
	s19 =	simm.s32 $0xAE18  }
0x104: {  	[hbm4b:s18+s3] =	stream.linear.scatter [tilespmem:s19], [sflag:$0x3], $0x80, $0x38;
	[tilespmem:$0x11A00] =	vst v63  }
0x105: {  	s18 =	sadd.s32 $0x40, s16;
	s19 =	simm.s32 $0xAEA0  }
0x106: {  	[hbm4b:s18+s3] =	stream.linear.scatter [tilespmem:s19], [sflag:$0x3], $0x80, $0x38;
	[tilespmem:$0x11A00] =	vst v63  }
0x107: {  	s18 =	sadd.s32 $0x50, s16;
	s19 =	simm.s32 $0xAF28  }
0x108: {  	[hbm4b:s18+s3] =	stream.linear.scatter [tilespmem:s19], [sflag:$0x3], $0x80, $0x38;
	[tilespmem:$0x11A00] =	vst v63  }
0x109: {  	s18 =	sadd.s32 $0x60, s16;
	s19 =	simm.s32 $0xAFB0  }
0x10a: {  	[hbm4b:s18+s3] =	stream.linear.scatter [tilespmem:s19], [sflag:$0x3], $0x80, $0x38;
	[tilespmem:$0x11A00] =	vst v63  }
0x10b: {  	s16 =	sadd.s32 $0x70, s16;
	s18 =	simm.s32 $0xB038  }
0x10c: {  	[hbm4b:s16+s3] =	stream.linear.scatter [tilespmem:s18], [sflag:$0x3], $0x80, $0x38;
	[tilespmem:$0x11A00] =	vst v63  }
0x10d: {  	s19 =	simm.s32 $0xB0C0;
	s16 =	sadd.s32 s15, s28  }
0x10e: {  	[hbm4b:s16+s3] =	stream.linear.scatter [tilespmem:s19], [sflag:$0x3], $0x80, $0x38;
	[tilespmem:$0x11A00] =	vst v63  }
0x10f: {  	s18 =	sadd.s32 $0x10, s16;
	s19 =	simm.s32 $0xB148  }
0x110: {  	[hbm4b:s18+s3] =	stream.linear.scatter [tilespmem:s19], [sflag:$0x3], $0x80, $0x38;
	[tilespmem:$0x11A00] =	vst v63  }
0x111: {  	s18 =	sadd.s32 $0x20, s16;
	s19 =	simm.s32 $0xB1D0  }
0x112: {  	[hbm4b:s18+s3] =	stream.linear.scatter [tilespmem:s19], [sflag:$0x3], $0x80, $0x38;
	[tilespmem:$0x11A00] =	vst v63  }
0x113: {  	s18 =	sadd.s32 $0x30, s16;
	s19 =	simm.s32 $0xB258  }
0x114: {  	[hbm4b:s18+s3] =	stream.linear.scatter [tilespmem:s19], [sflag:$0x3], $0x80, $0x38;
	[tilespmem:$0x11A00] =	vst v63  }
0x115: {  	s18 =	sadd.s32 $0x40, s16;
	s19 =	simm.s32 $0xB2E0  }
0x116: {  	[hbm4b:s18+s3] =	stream.linear.scatter [tilespmem:s19], [sflag:$0x3], $0x80, $0x38;
	[tilespmem:$0x11A00] =	vst v63  }
0x117: {  	s18 =	sadd.s32 $0x50, s16;
	s19 =	simm.s32 $0xB368  }
0x118: {  	[hbm4b:s18+s3] =	stream.linear.scatter [tilespmem:s19], [sflag:$0x3], $0x80, $0x38;
	[tilespmem:$0x11A00] =	vst v63  }
0x119: {  	s18 =	sadd.s32 $0x60, s16;
	s19 =	simm.s32 $0xB3F0  }
0x11a: {  	[hbm4b:s18+s3] =	stream.linear.scatter [tilespmem:s19], [sflag:$0x3], $0x80, $0x38;
	[tilespmem:$0x11A00] =	vst v63  }
0x11b: {  	s16 =	sadd.s32 $0x70, s16;
	s18 =	simm.s32 $0xB478  }
0x11c: {  	[hbm4b:s16+s3] =	stream.linear.scatter [tilespmem:s18], [sflag:$0x3], $0x80, $0x38;
	[tilespmem:$0x11A00] =	vst v63  }
0x11d: {  	s19 =	simm.s32 $0xB500;
	s16 =	sadd.s32 s15, s29  }
0x11e: {  	[hbm4b:s16+s3] =	stream.linear.scatter [tilespmem:s19], [sflag:$0x3], $0x80, $0x38;
	[tilespmem:$0x11A00] =	vst v63  }
0x11f: {  	s18 =	sadd.s32 $0x10, s16;
	s19 =	simm.s32 $0xB588  }
0x120: {  	[hbm4b:s18+s3] =	stream.linear.scatter [tilespmem:s19], [sflag:$0x3], $0x80, $0x38;
	[tilespmem:$0x11A00] =	vst v63  }
0x121: {  	s18 =	sadd.s32 $0x20, s16;
	s19 =	simm.s32 $0xB610  }
0x122: {  	[hbm4b:s18+s3] =	stream.linear.scatter [tilespmem:s19], [sflag:$0x3], $0x80, $0x38;
	[tilespmem:$0x11A00] =	vst v63  }
0x123: {  	s18 =	sadd.s32 $0x30, s16;
	s19 =	simm.s32 $0xB698  }
0x124: {  	[hbm4b:s18+s3] =	stream.linear.scatter [tilespmem:s19], [sflag:$0x3], $0x80, $0x38;
	[tilespmem:$0x11A00] =	vst v63  }
0x125: {  	s18 =	sadd.s32 $0x40, s16;
	s19 =	simm.s32 $0xB720  }
0x126: {  	[hbm4b:s18+s3] =	stream.linear.scatter [tilespmem:s19], [sflag:$0x3], $0x80, $0x38;
	[tilespmem:$0x11A00] =	vst v63  }
0x127: {  	s18 =	sadd.s32 $0x50, s16;
	s19 =	simm.s32 $0xB7A8  }
0x128: {  	[hbm4b:s18+s3] =	stream.linear.scatter [tilespmem:s19], [sflag:$0x3], $0x80, $0x38;
	[tilespmem:$0x11A00] =	vst v63  }
0x129: {  	s18 =	sadd.s32 $0x60, s16;
	s19 =	simm.s32 $0xB830  }
0x12a: {  	[hbm4b:s18+s3] =	stream.linear.scatter [tilespmem:s19], [sflag:$0x3], $0x80, $0x38;
	[tilespmem:$0x11A00] =	vst v63  }
0x12b: {  	s16 =	sadd.s32 $0x70, s16;
	s18 =	simm.s32 $0xB8B8  }
0x12c: {  	[hbm4b:s16+s3] =	stream.linear.scatter [tilespmem:s18], [sflag:$0x3], $0x80, $0x38;
	[tilespmem:$0x11A00] =	vst v63  }
0x12d: {  	s19 =	simm.s32 $0xB940;
	s16 =	sadd.s32 s15, s30  }
0x12e: {  	[hbm4b:s16+s3] =	stream.linear.scatter [tilespmem:s19], [sflag:$0x3], $0x80, $0x38;
	[tilespmem:$0x11A00] =	vst v63  }
0x12f: {  	s18 =	sadd.s32 $0x10, s16;
	s19 =	simm.s32 $0xB9C8  }
0x130: {  	[hbm4b:s18+s3] =	stream.linear.scatter [tilespmem:s19], [sflag:$0x3], $0x80, $0x38;
	[tilespmem:$0x11A00] =	vst v63  }
0x131: {  	s18 =	sadd.s32 $0x20, s16;
	s19 =	simm.s32 $0xBA50  }
0x132: {  	[hbm4b:s18+s3] =	stream.linear.scatter [tilespmem:s19], [sflag:$0x3], $0x80, $0x38;
	[tilespmem:$0x11A00] =	vst v63  }
0x133: {  	s18 =	sadd.s32 $0x30, s16;
	s19 =	simm.s32 $0xBAD8  }
0x134: {  	[hbm4b:s18+s3] =	stream.linear.scatter [tilespmem:s19], [sflag:$0x3], $0x80, $0x38;
	[tilespmem:$0x11A00] =	vst v63  }
0x135: {  	s18 =	sadd.s32 $0x40, s16;
	s19 =	simm.s32 $0xBB60  }
0x136: {  	[hbm4b:s18+s3] =	stream.linear.scatter [tilespmem:s19], [sflag:$0x3], $0x80, $0x38;
	[tilespmem:$0x11A00] =	vst v63  }
0x137: {  	s18 =	sadd.s32 $0x50, s16;
	s19 =	simm.s32 $0xBBE8  }
0x138: {  	[hbm4b:s18+s3] =	stream.linear.scatter [tilespmem:s19], [sflag:$0x3], $0x80, $0x38;
	[tilespmem:$0x11A00] =	vst v63  }
0x139: {  	s18 =	sadd.s32 $0x60, s16;
	s19 =	simm.s32 $0xBC70  }
0x13a: {  	[hbm4b:s18+s3] =	stream.linear.scatter [tilespmem:s19], [sflag:$0x3], $0x80, $0x38;
	[tilespmem:$0x11A00] =	vst v63  }
0x13b: {  	s16 =	sadd.s32 $0x70, s16;
	s18 =	simm.s32 $0xBCF8  }
0x13c: {  	[hbm4b:s16+s3] =	stream.linear.scatter [tilespmem:s18], [sflag:$0x3], $0x80, $0x38;
	[tilespmem:$0x11A00] =	vst v63  }
0x13d: {  	s19 =	simm.s32 $0xBD80;
	s16 =	sadd.s32 s15, s31  }
0x13e: {  	[hbm4b:s16+s3] =	stream.linear.scatter [tilespmem:s19], [sflag:$0x3], $0x80, $0x38;
	[tilespmem:$0x11A00] =	vst v63  }
0x13f: {  	s18 =	sadd.s32 $0x10, s16;
	s19 =	simm.s32 $0xBE08  }
0x140: {  	[hbm4b:s18+s3] =	stream.linear.scatter [tilespmem:s19], [sflag:$0x3], $0x80, $0x38;
	[tilespmem:$0x11A00] =	vst v63  }
0x141: {  	s18 =	sadd.s32 $0x20, s16;
	s19 =	simm.s32 $0xBE90  }
0x142: {  	[hbm4b:s18+s3] =	stream.linear.scatter [tilespmem:s19], [sflag:$0x3], $0x80, $0x38;
	[tilespmem:$0x11A00] =	vst v63  }
0x143: {  	s18 =	sadd.s32 $0x30, s16;
	s19 =	simm.s32 $0xBF18  }
0x144: {  	[hbm4b:s18+s3] =	stream.linear.scatter [tilespmem:s19], [sflag:$0x3], $0x80, $0x38;
	[tilespmem:$0x11A00] =	vst v63  }
0x145: {  	s18 =	sadd.s32 $0x40, s16;
	s19 =	simm.s32 $0xBFA0  }
0x146: {  	[hbm4b:s18+s3] =	stream.linear.scatter [tilespmem:s19], [sflag:$0x3], $0x80, $0x38;
	[tilespmem:$0x11A00] =	vst v63  }
0x147: {  	s18 =	sadd.s32 $0x50, s16;
	s19 =	simm.s32 $0xC028  }
0x148: {  	[hbm4b:s18+s3] =	stream.linear.scatter [tilespmem:s19], [sflag:$0x3], $0x80, $0x38;
	[tilespmem:$0x11A00] =	vst v63  }
0x149: {  	s18 =	sadd.s32 $0x60, s16;
	s19 =	simm.s32 $0xC0B0  }
0x14a: {  	[hbm4b:s18+s3] =	stream.linear.scatter [tilespmem:s19], [sflag:$0x3], $0x80, $0x38;
	[tilespmem:$0x11A00] =	vst v63  }
0x14b: {  	s16 =	sadd.s32 $0x70, s16;
	s19 =	simm.s32 $0xC138  }
0x14c: {  	[hbm4b:s16+s3] =	stream.linear.scatter [tilespmem:s19], [sflag:$0x3], $0x80, $0x38;
	[tilespmem:$0x11A00] =	vst v63  }
0x14d: {  	s17 =	simm.s32 $0xC1C0;
	s15 =	sadd.s32 s15, s0  }
0x14e: {  	[hbm4b:s15+s3] =	stream.linear.scatter [tilespmem:s17], [sflag:$0x3], $0x80, $0x38;
	[tilespmem:$0x11A00] =	vst v63  }
0x14f: {  	s18 =	sadd.s32 $0x10, s15;
	s19 =	simm.s32 $0xC248  }
0x150: {  	[hbm4b:s18+s3] =	stream.linear.scatter [tilespmem:s19], [sflag:$0x3], $0x80, $0x38;
	[tilespmem:$0x11A00] =	vst v63  }
0x151: {  	s18 =	sadd.s32 $0x20, s15;
	s19 =	simm.s32 $0xC2D0  }
0x152: {  	[hbm4b:s18+s3] =	stream.linear.scatter [tilespmem:s19], [sflag:$0x3], $0x80, $0x38;
	[tilespmem:$0x11A00] =	vst v63  }
0x153: {  	s18 =	sadd.s32 $0x30, s15;
	s19 =	simm.s32 $0xC358  }
0x154: {  	[hbm4b:s18+s3] =	stream.linear.scatter [tilespmem:s19], [sflag:$0x3], $0x80, $0x38;
	[tilespmem:$0x11A00] =	vst v63  }
0x155: {  	s18 =	sadd.s32 $0x40, s15;
	s19 =	simm.s32 $0xC3E0  }
0x156: {  	[hbm4b:s18+s3] =	stream.linear.scatter [tilespmem:s19], [sflag:$0x3], $0x80, $0x38;
	[tilespmem:$0x11A00] =	vst v63  }
0x157: {  	s18 =	sadd.s32 $0x50, s15;
	s19 =	simm.s32 $0xC468  }
0x158: {  	[hbm4b:s18+s3] =	stream.linear.scatter [tilespmem:s19], [sflag:$0x3], $0x80, $0x38;
	[tilespmem:$0x11A00] =	vst v63  }
0x159: {  	s18 =	sadd.s32 $0x60, s15;
	s19 =	simm.s32 $0xC4F0  }
0x15a: {  	[hbm4b:s18+s3] =	stream.linear.scatter [tilespmem:s19], [sflag:$0x3], $0x80, $0x38;
	[tilespmem:$0x11A00] =	vst v63  }
0x15b: {  	s17 =	simm.s32 $0xC578;
	s15 =	sadd.s32 $0x70, s15;
	s18 =	sshll.u32 s13, $0x8  }
0x15c: {  	[hbm4b:s15+s3] =	stream.linear.scatter [tilespmem:s17], [sflag:$0x3], $0x80, $0x38;
	[tilespmem:$0x11A00] =	vst v63  }
0x15d: {  	s15 =	sand.u32 $0x3FFFFF00, s18  }
0x15e: {  	s19 =	simm.s32 $0x6400;
	s15 =	sadd.s32 $0x100, s15  }
0x15f: {  	[tilespmem:s19], [sflag:$0x1] =	stream.indirect.gather [hbm4b:s4+s5], $0x40, s15, s5, $0xb8;
	[tilespmem:$0x11A00] =	vst v63  }
0x160: {  	_ =	swait.ge [sflag:s22], $0x2000  }
0x161: {  	[sflag:s22] =	ssyncset.done $0x0  }
0x162: {  	s15 =	simm.s32 @!p0 $0x4;
	[sflag:s22] =	ssyncadd.s32 $0xFFFFE000  }
0x163: {  	_ =	swait.ge @!p0 [sflag:s15], $0x400  }
0x164: {  	[sflag:s15] =	ssyncset.done @!p0 $0x0  }
0x165: {  	[sflag:s15] =	ssyncadd.s32 @!p0 $0xFFFFFC00  }
0x166: {  	_ =	swait.ge @!p0 [sflag:s15], $0x400  }
0x167: {  	[sflag:s15] =	ssyncset.done @!p0 $0x0  }
0x168: {  	[sflag:s15] =	ssyncadd.s32 @!p0 $0xFFFFFC00  }
0x169: {  	_ =	swait.ge @!p0 [sflag:s15], $0x400  }
0x16a: {  	[sflag:s15] =	ssyncset.done @!p0 $0x0  }
0x16b: {  	[sflag:s15] =	ssyncadd.s32 @!p0 $0xFFFFFC00  }
0x16c: {  	_ =	swait.ge @!p0 [sflag:s15], $0x400  }
0x16d: {  	[sflag:s15] =	ssyncset.done @!p0 $0x0  }
0x16e: {  	[sflag:s15] =	ssyncadd.s32 @!p0 $0xFFFFFC00  }
0x16f: {  	_ =	swait.ge @!p0 [sflag:s15], $0x400  }
0x170: {  	[sflag:s15] =	ssyncset.done @!p0 $0x0  }
0x171: {  	[sflag:s15] =	ssyncadd.s32 @!p0 $0xFFFFFC00  }
0x172: {  	_ =	swait.ge @!p0 [sflag:s15], $0x400  }
0x173: {  	[sflag:s15] =	ssyncset.done @!p0 $0x0  }
0x174: {  	[sflag:s15] =	ssyncadd.s32 @!p0 $0xFFFFFC00  }
0x175: {  	_ =	swait.ge @!p0 [sflag:s15], $0x400  }
0x176: {  	[sflag:s15] =	ssyncset.done @!p0 $0x0  }
0x177: {  	[sflag:s15] =	ssyncadd.s32 @!p0 $0xFFFFFC00  }
0x178: {  	_ =	swait.ge @!p0 [sflag:s15], $0x400  }
0x179: {  	s17 =	sshll.u32 s14, $0x6;
	[sflag:s15] =	ssyncset.done @!p0 $0x0  }
0x17a: {  	[sflag:s15] =	ssyncadd.s32 @!p0 $0xFFFFFC00;
	s15 =	sand.u32 $0x3FFFFFC0, s17  }
0x17b: {  	s16 =	simm.s32 $0x8480;
	s18 =	simm.s32 $0x3;
	v10 =	vld [tilespmem:s15+$0xE800]  }
0x17c: {  	v5 =	vmov s18;
	v8 =	vld [tilespmem:s16+$0x40]  }
0x17d: {  	v14 =	vand.u32 $0x7F, v5  }
0x17e: {  	s19 =	simm.s32 $0x0;
	v9 =	vadd.s32 v0, v14;
	v7 =	vld [tilespmem:s15+$0xE810]  }
0x17f: {  	s18 =	simm.s32 $0x1;
	v5 =	vmov s19;
	s19 =	simm.s32 $0x2;
	v11 =	vld [tilespmem:s16+$0xFFFFFF80]  }
0x180: {  	v13 =	vand.u32 $0x7C, v5;
	v5 =	vmov s18;
	v15 =	vmov s19;
	v12 =	vld [tilespmem:s16+$0xFFFFFFC0]  }
0x181: {  	v16 =	vadd.s32 v0, v13;
	v20 =	vand.u32 $0x7D, v5;
	v17 =	vld [tilespmem:s16+$0x0];
	v8 =	vadd.f32 v8, v10  }
0x182: {  	v21 =	vand.u32 $0x7E, v15;
	v18 =	vadd.s32 v0, v20;
	v6 =	vld [tilespmem:s15+$0xE820]  }
0x183: {  	v15 =	vadd.s32 v0, v21;
	v5 =	vld [tilespmem:s15+$0xE830];
	[tilespmem:v9+s23+$0x0] =	vst.idx.msk $0xffff, v8  }
0x184: {  	v8 =	vadd.f32 v11, v10;
	v9 =	vld [tilespmem:s16+$0x50]  }
0x185: {  	v11 =	vadd.f32 v12, v10  }
0x186: {  	v12 =	vadd.s32 v2, v14;
	[tilespmem:v16+s23+$0x0] =	vst.idx.msk $0xffff, v8;
	v8 =	vadd.f32 v17, v10  }
0x187: {  	[tilespmem:v18+s23+$0x0] =	vst.idx.msk $0xffff, v11;
	v16 =	vld [tilespmem:s16+$0xFFFFFF90]  }
0x188: {  	v11 =	vld [tilespmem:s16+$0xFFFFFFD0];
	[tilespmem:v15+s23+$0x0] =	vst.idx.msk $0xffff, v8  }
0x189: {  	v15 =	vld [tilespmem:s16+$0x10];
	v8 =	vadd.f32 v9, v7  }
0x18a: {  	s19 =	simm.s32 $0x7;
	s15 =	simm.s32 $0x8580;
	v17 =	vadd.s32 v2, v20  }
0x18b: {  	v27 =	vadd.s32 v3, v14;
	s18 =	simm.s32 $0x4;
	v19 =	vld [tilespmem:s15+$0x40];
	v18 =	vadd.s32 v2, v21;
	[tilespmem:v12+s23+$0x0] =	vst.idx.msk $0xffff, v8;
	v8 =	vmov s19  }
0x18c: {  	v22 =	vadd.s32 v2, v13;
	v9 =	vmov s18;
	v8 =	vand.u32 $0x7F, v8;
	v23 =	vld [tilespmem:s16+$0x60]  }
0x18d: {  	v24 =	vld [tilespmem:s15+$0xFFFFFF80];
	v9 =	vand.u32 $0x7C, v9;
	v11 =	vadd.f32 v11, v7;
	s19 =	simm.s32 $0x5;
	v25 =	vadd.s32 v0, v8  }
0x18e: {  	v26 =	vld [tilespmem:s15+$0xFFFFFFC0];
	s18 =	simm.s32 $0x6;
	v16 =	vadd.f32 v16, v7;
	v12 =	vadd.f32 v15, v7;
	v15 =	vmov s19  }
0x18f: {  	v28 =	vadd.s32 v0, v9;
	[tilespmem:v17+s23+$0x0] =	vst.idx.msk $0xffff, v11;
	v17 =	vmov s18;
	v11 =	vand.u32 $0x7D, v15;
	v15 =	vld [tilespmem:s15+$0x0]  }
0x190: {  	[tilespmem:v18+s23+$0x0] =	vst.idx.msk $0xffff, v12;
	v18 =	vadd.s32 v0, v11;
	v12 =	vand.u32 $0x7E, v17;
	v17 =	vadd.f32 v19, v10;
	v19 =	vld [tilespmem:s16+$0xFFFFFFE0]  }
0x191: {  	[tilespmem:v22+s23+$0x0] =	vst.idx.msk $0xffff, v16;
	v16 =	vadd.s32 v0, v12;
	v22 =	vld [tilespmem:s16+$0x20];
	v23 =	vadd.f32 v23, v6  }
0x192: {  	v24 =	vadd.f32 v24, v10;
	[tilespmem:v25+s23+$0x0] =	vst.idx.msk $0xffff, v17;
	v17 =	vld [tilespmem:s16+$0xFFFFFFA0];
	v25 =	vadd.s32 v3, v20  }
0x193: {  	v61 =	vadd.s32 v3, v21;
	v26 =	vadd.f32 v26, v10;
	v29 =	vld [tilespmem:s15+$0x50];
	[tilespmem:v27+s23+$0x0] =	vst.idx.msk $0xffff, v23  }
0x194: {  	[tilespmem:v28+s23+$0x0] =	vst.idx.msk $0xffff, v24;
	v24 =	vadd.s32 v3, v13;
	v15 =	vadd.f32 v15, v10;
	v27 =	vld [tilespmem:s16+$0x70]  }
0x195: {  	v28 =	vld [tilespmem:s15+$0xFFFFFF90];
	[tilespmem:v18+s23+$0x0] =	vst.idx.msk $0xffff, v26;
	v26 =	vadd.s32 v2, v8;
	v19 =	vadd.f32 v19, v6  }
0x196: {  	v63 =	vadd.s32 v4, v14;
	v62 =	vld [tilespmem:s15+$0xFFFFFFD0];
	[tilespmem:v16+s23+$0x0] =	vst.idx.msk $0xffff, v15;
	v15 =	vadd.f32 v22, v6  }
0x197: {  	v23 =	vadd.s32 v2, v9;
	v18 =	vld [tilespmem:s15+$0x10];
	v14 =	vadd.f32 v17, v6;
	[tilespmem:v25+s23+$0x0] =	vst.idx.msk $0xffff, v19  }
0x198: {  	s17 =	simm.s32 $0x8;
	v22 =	vadd.s32 v2, v11;
	[tilespmem:v61+s23+$0x0] =	vst.idx.msk $0xffff, v15;
	v19 =	vadd.f32 v29, v7;
	v17 =	vld [tilespmem:s16+$0xFFFFFFF0]  }
0x199: {  	v25 =	vmov s17;
	v15 =	vadd.s32 v2, v12;
	v16 =	vld [tilespmem:s16+$0x30];
	[tilespmem:v24+s23+$0x0] =	vst.idx.msk $0xffff, v14;
	v29 =	vadd.f32 v27, v5  }
0x19a: {  	s19 =	simm.s32 $0xB;
	v20 =	vadd.s32 v4, v20;
	v14 =	vand.u32 $0x7C, v25;
	v25 =	vadd.f32 v28, v7;
	[tilespmem:v26+s23+$0x0] =	vst.idx.msk $0xffff, v19;
	v19 =	vld [tilespmem:s16+$0xFFFFFFB0];
	s16 =	simm.s32 $0x8680  }
0x19b: {  	v21 =	vadd.s32 v4, v21;
	s18 =	simm.s32 $0xC;
	v27 =	vmov s19;
	v26 =	vadd.f32 v62, v7;
	v24 =	vld [tilespmem:s16+$0x40];
	[tilespmem:v63+s23+$0x0] =	vst.idx.msk $0xffff, v29  }
.LBB2_7:
0x19c: {  	p0 =	slt.u32 s18, $0x7C;
	s19 =	sadd.s32 $0x1, s17;
	v27 =	vand.u32 $0x7F, v27;
	[tilespmem:v23+s23+$0x0] =	vst.idx.msk $0xffff, v25;
	v18 =	vadd.f32 v18, v7;
	v23 =	vld [tilespmem:s15+$0x60];
	v25 =	vadd.s32 v4, v13  }
0x19d: {  	v31 =	vmovc v12;
	v28 =	vld [tilespmem:s16+$0xFFFFFF80];
	v29 =	vmov s19;
	s19 =	sadd.s32 $0x2, s17;
	v30 =	vadd.s32 v0, v27;
	[tilespmem:v22+s23+$0x0] =	vst.idx.msk $0xffff, v26;
	v17 =	vadd.f32 v17, v5;
	s17 =	smov.u32 s18  }
0x19e: {  	v13 =	vmovc v9;
	v22 =	vld [tilespmem:s16+$0xFFFFFFC0];
	v12 =	vmov s19;
	[tilespmem:v15+s23+$0x0] =	vst.idx.msk $0xffff, v18;
	v15 =	vadd.s32 v3, v8;
	v16 =	vadd.f32 v16, v5  }
0x19f: {  	v18 =	vadd.s32 v0, v14;
	v29 =	vand.u32 $0x7D, v29;
	v26 =	vld [tilespmem:s16+$0x0];
	v32 =	vadd.f32 v19, v5;
	[tilespmem:v20+s23+$0x0] =	vst.idx.msk $0xffff, v17  }
0x1a0: {  	v17 =	vadd.s32 v0, v29;
	v12 =	vand.u32 $0x7E, v12;
	v19 =	vadd.f32 v24, v10;
	v20 =	vld [tilespmem:s15+$0xFFFFFFE0];
	[tilespmem:v21+s23+$0x0] =	vst.idx.msk $0xffff, v16  }
0x1a1: {  	v9 =	vmov v14;
	v16 =	vadd.s32 v0, v12;
	v21 =	vld [tilespmem:s15+$0x20];
	v23 =	vadd.f32 v23, v6;
	[tilespmem:v25+s23+$0x0] =	vst.idx.msk $0xffff, v32  }
0x1a2: {  	v24 =	vadd.s32 v3, v11;
	v14 =	vadd.f32 v28, v10;
	[tilespmem:v30+s23+$0x0] =	vst.idx.msk $0xffff, v19;
	v19 =	vld [tilespmem:s15+$0xFFFFFFA0]  }
0x1a3: {  	v28 =	vadd.s32 v3, v31;
	v22 =	vadd.f32 v22, v10;
	v25 =	vld [tilespmem:s16+$0x50];
	[tilespmem:v15+s23+$0x0] =	vst.idx.msk $0xffff, v23  }
0x1a4: {  	[tilespmem:v18+s23+$0x0] =	vst.idx.msk $0xffff, v14;
	v14 =	vadd.f32 v26, v10;
	v26 =	vadd.s32 v3, v13;
	v30 =	vld [tilespmem:s15+$0x70]  }
0x1a5: {  	v33 =	vadd.s32 v2, v27;
	v32 =	vld [tilespmem:s16+$0xFFFFFF90];
	[tilespmem:v17+s23+$0x0] =	vst.idx.msk $0xffff, v22;
	v15 =	vadd.f32 v20, v6  }
0x1a6: {  	v35 =	vadd.s32 v4, v8;
	v8 =	vmov v27;
	v34 =	vld [tilespmem:s16+$0xFFFFFFD0];
	[tilespmem:v16+s23+$0x0] =	vst.idx.msk $0xffff, v14;
	v14 =	vadd.f32 v21, v6  }
.Ltmp2:
0x1a7: {  	v23 =	vadd.s32 v2, v9;
	v18 =	vld [tilespmem:s16+$0x10];
	v16 =	vadd.f32 v19, v6;
	[tilespmem:v24+s23+$0x0] =	vst.idx.msk $0xffff, v15;
	(pc) =	sbr.rel @p0 .LBB2_7-.Ltmp2, $4  }
0x1a8: {  	v22 =	vadd.s32 v2, v29;
	v19 =	vadd.f32 v25, v7;
	v17 =	vld [tilespmem:s15+$0xFFFFFFF0];
	[tilespmem:v28+s23+$0x0] =	vst.idx.msk $0xffff, v14  }
0x1a9: {  	v15 =	vadd.s32 v2, v12;
	v14 =	vmov s18;
	[tilespmem:v26+s23+$0x0] =	vst.idx.msk $0xffff, v16;
	v16 =	vld [tilespmem:s15+$0x30];
	v28 =	vadd.f32 v30, v5  }
0x1aa: {  	s19 =	sadd.s32 $0x3, s18;
	v20 =	vadd.s32 v4, v11;
	v14 =	vand.u32 $0x7C, v14;
	v25 =	vadd.f32 v32, v7;
	[tilespmem:v33+s23+$0x0] =	vst.idx.msk $0xffff, v19;
	v19 =	vld [tilespmem:s15+$0xFFFFFFB0];
	s15 =	smov.u32 s16;
	s16 =	sadd.s32 $0x100, s16  }
0x1ab: {  	v27 =	vmov s19;
	v11 =	vmovc v29;
	v21 =	vadd.s32 v4, v31;
	s18 =	sadd.s32 $0x4, s18;
	v24 =	vld [tilespmem:s16+$0x40];
	v26 =	vadd.f32 v34, v7;
	[tilespmem:v35+s23+$0x0] =	vst.idx.msk $0xffff, v28  }
0x1ac: {  	s18 =	sadd.s32 $0x1, s17  }
0x1ad: {  	v27 =	vand.u32 $0x7F, v27;
	s19 =	sadd.s32 $0x2, s17;
	v29 =	vld [tilespmem:s16+$0xFFFFFFC0];
	v28 =	vmov s18  }
0x1ae: {  	v32 =	vld [tilespmem:s16+$0x0];
	v30 =	vmov s19;
	v31 =	vadd.s32 v0, v27;
	v28 =	vand.u32 $0x7D, v28  }
0x1af: {  	v33 =	vld [tilespmem:s16+$0xFFFFFF80];
	v30 =	vand.u32 $0x7E, v30;
	v34 =	vadd.s32 v0, v28  }
0x1b0: {  	v35 =	vadd.s32 v0, v30  }
0x1b1: {  	[tilespmem:v23+s23+$0x0] =	vst.idx.msk $0xffff, v25;
	v48 =	vadd.s32 v0, v14;
	v24 =	vadd.f32 v24, v10  }
0x1b2: {  	[tilespmem:v22+s23+$0x0] =	vst.idx.msk $0xffff, v26;
	v49 =	vadd.f32 v29, v10  }
0x1b3: {  	v50 =	vadd.f32 v32, v10;
	[tilespmem:v31+s23+$0x0] =	vst.idx.msk $0xffff, v24  }
0x1b4: {  	v51 =	vadd.f32 v33, v10;
	v52 =	vld [tilespmem:s16+$0x50];
	[tilespmem:v34+s23+$0x0] =	vst.idx.msk $0xffff, v49  }
0x1b5: {  	v18 =	vadd.f32 v18, v7;
	v13 =	vadd.s32 v4, v13;
	[tilespmem:v35+s23+$0x0] =	vst.idx.msk $0xffff, v50;
	v22 =	vld [tilespmem:s16+$0xFFFFFFD0]  }
0x1b6: {  	v17 =	vadd.f32 v17, v5;
	v53 =	vadd.s32 v2, v27;
	[tilespmem:v48+s23+$0x0] =	vst.idx.msk $0xffff, v51;
	v54 =	vld [tilespmem:s16+$0x10]  }
0x1b7: {  	[tilespmem:v15+s23+$0x0] =	vst.idx.msk $0xffff, v18;
	v55 =	vadd.f32 v16, v5;
	v57 =	vadd.s32 v2, v28;
	v56 =	vld [tilespmem:s16+$0xFFFFFF90]  }
0x1b8: {  	v58 =	vld [tilespmem:s15+$0x60];
	v19 =	vadd.f32 v19, v5;
	[tilespmem:v20+s23+$0x0] =	vst.idx.msk $0xffff, v17;
	v59 =	vadd.s32 v2, v30  }
0x1b9: {  	v61 =	vadd.s32 v2, v14;
	v60 =	vld [tilespmem:s15+$0xFFFFFFE0];
	[tilespmem:v21+s23+$0x0] =	vst.idx.msk $0xffff, v55;
	v62 =	vadd.f32 v52, v7  }
0x1ba: {  	v63 =	vadd.s32 v3, v8;
	[tilespmem:v13+s23+$0x0] =	vst.idx.msk $0xffff, v19;
	v32 =	vld [tilespmem:s15+$0xFFFFFFA0];
	v31 =	vadd.f32 v22, v7  }
0x1bb: {  	v29 =	vld [tilespmem:s15+$0x20];
	v33 =	vadd.s32 v3, v11;
	[tilespmem:v53+s23+$0x0] =	vst.idx.msk $0xffff, v62;
	v34 =	vadd.f32 v54, v7  }
0x1bc: {  	v38 =	vadd.s32 v3, v9;
	v7 =	vadd.f32 v56, v7;
	v36 =	vld [tilespmem:s16+$0x60];
	[tilespmem:v57+s23+$0x0] =	vst.idx.msk $0xffff, v31  }
0x1bd: {  	v37 =	vadd.f32 v58, v6;
	v35 =	vadd.s32 v3, v12;
	[tilespmem:v59+s23+$0x0] =	vst.idx.msk $0xffff, v34;
	v39 =	vld [tilespmem:s16+$0xFFFFFFE0]  }
0x1be: {  	v40 =	vadd.f32 v60, v6;
	[tilespmem:v61+s23+$0x0] =	vst.idx.msk $0xffff, v7;
	v7 =	vadd.s32 v3, v27;
	v41 =	vld [tilespmem:s16+$0x20]  }
0x1bf: {  	v44 =	vadd.s32 v3, v28;
	[tilespmem:v63+s23+$0x0] =	vst.idx.msk $0xffff, v37;
	v19 =	vadd.f32 v32, v6;
	v43 =	vld [tilespmem:s16+$0xFFFFFFA0]  }
0x1c0: {  	v46 =	vadd.s32 v3, v30;
	v45 =	vld [tilespmem:s15+$0x70];
	v42 =	vadd.f32 v29, v6;
	[tilespmem:v33+s23+$0x0] =	vst.idx.msk $0xffff, v40  }
0x1c1: {  	v48 =	vadd.s32 v3, v14;
	[tilespmem:v38+s23+$0x0] =	vst.idx.msk $0xffff, v19;
	v22 =	vld [tilespmem:s15+$0xFFFFFFF0];
	v47 =	vadd.f32 v36, v6  }
0x1c2: {  	v49 =	vadd.s32 v4, v8;
	[tilespmem:v35+s23+$0x0] =	vst.idx.msk $0xffff, v42;
	v19 =	vld [tilespmem:s15+$0xFFFFFFB0];
	v10 =	vadd.f32 v39, v6  }
0x1c3: {  	v51 =	vadd.s32 v4, v11;
	v50 =	vld [tilespmem:s15+$0x30];
	[tilespmem:v7+s23+$0x0] =	vst.idx.msk $0xffff, v47;
	v7 =	vadd.f32 v41, v6  }
0x1c4: {  	v54 =	vadd.s32 v4, v9;
	v6 =	vadd.f32 v43, v6;
	v13 =	vld [tilespmem:s16+$0x70];
	[tilespmem:v44+s23+$0x0] =	vst.idx.msk $0xffff, v10  }
0x1c5: {  	v52 =	vadd.s32 v4, v12;
	v53 =	vadd.f32 v45, v5;
	[tilespmem:v46+s23+$0x0] =	vst.idx.msk $0xffff, v7;
	v55 =	vld [tilespmem:s16+$0xFFFFFFF0]  }
0x1c6: {  	v56 =	vadd.s32 v4, v27;
	v7 =	vadd.f32 v22, v5;
	[tilespmem:v48+s23+$0x0] =	vst.idx.msk $0xffff, v6;
	v6 =	vld [tilespmem:s16+$0x30]  }
0x1c7: {  	[tilespmem:v49+s23+$0x0] =	vst.idx.msk $0xffff, v53;
	v59 =	vadd.s32 v4, v28;
	v60 =	vadd.f32 v19, v5;
	v58 =	vld [tilespmem:s16+$0xFFFFFFB0]  }
0x1c8: {  	v57 =	vadd.f32 v50, v5;
	[tilespmem:v51+s23+$0x0] =	vst.idx.msk $0xffff, v7;
	v7 =	vadd.s32 v4, v30  }
0x1c9: {  	v62 =	vadd.s32 v4, v14;
	[tilespmem:v54+s23+$0x0] =	vst.idx.msk $0xffff, v60;
	v61 =	vadd.f32 v13, v5  }
0x1ca: {  	[tilespmem:v52+s23+$0x0] =	vst.idx.msk $0xffff, v57;
	v63 =	vadd.f32 v55, v5  }
0x1cb: {  	s14 =	sshll.u32 s14, $0x12;
	[tilespmem:v56+s23+$0x0] =	vst.idx.msk $0xffff, v61;
	v6 =	vadd.f32 v6, v5  }
0x1cc: {  	s14 =	sor.u32 s7, s14;
	v5 =	vadd.f32 v58, v5;
	[tilespmem:v59+s23+$0x0] =	vst.idx.msk $0xffff, v63  }
0x1cd: {  	s14 =	sshrl.u32 s14, $0x3;
	[tilespmem:v7+s23+$0x0] =	vst.idx.msk $0xffff, v6  }
0x1ce: {  	s15 =	sadd.s32 s1, s14;
	[tilespmem:v62+s23+$0x0] =	vst.idx.msk $0xffff, v5  }
0x1cf: {  	[hbm4b:s15+s3] =	stream.linear.scatter [tilespmem:s23], [sflag:$0x4], $0x80, $0x38;
	[tilespmem:$0x11A00] =	vst v63  }
0x1d0: {  	s19 =	simm.s32 $0xC688;
	s18 =	sadd.s32 $0x10, s15  }
0x1d1: {  	[hbm4b:s18+s3] =	stream.linear.scatter [tilespmem:s19], [sflag:$0x4], $0x80, $0x38;
	[tilespmem:$0x11A00] =	vst v63  }
0x1d2: {  	s18 =	sadd.s32 $0x20, s15;
	s19 =	simm.s32 $0xC710  }
0x1d3: {  	[hbm4b:s18+s3] =	stream.linear.scatter [tilespmem:s19], [sflag:$0x4], $0x80, $0x38;
	[tilespmem:$0x11A00] =	vst v63  }
0x1d4: {  	s18 =	sadd.s32 $0x30, s15;
	s19 =	simm.s32 $0xC798  }
0x1d5: {  	[hbm4b:s18+s3] =	stream.linear.scatter [tilespmem:s19], [sflag:$0x4], $0x80, $0x38;
	[tilespmem:$0x11A00] =	vst v63  }
0x1d6: {  	s18 =	sadd.s32 $0x40, s15;
	s19 =	simm.s32 $0xC820  }
0x1d7: {  	[hbm4b:s18+s3] =	stream.linear.scatter [tilespmem:s19], [sflag:$0x4], $0x80, $0x38;
	[tilespmem:$0x11A00] =	vst v63  }
0x1d8: {  	s18 =	sadd.s32 $0x50, s15;
	s19 =	simm.s32 $0xC8A8  }
0x1d9: {  	[hbm4b:s18+s3] =	stream.linear.scatter [tilespmem:s19], [sflag:$0x4], $0x80, $0x38;
	[tilespmem:$0x11A00] =	vst v63  }
0x1da: {  	s17 =	sadd.s32 $0x60, s15;
	s18 =	simm.s32 $0xC930  }
0x1db: {  	[hbm4b:s17+s3] =	stream.linear.scatter [tilespmem:s18], [sflag:$0x4], $0x80, $0x38;
	[tilespmem:$0x11A00] =	vst v63  }
0x1dc: {  	s15 =	sadd.s32 $0x70, s15;
	s19 =	simm.s32 $0xC9B8  }
0x1dd: {  	[hbm4b:s15+s3] =	stream.linear.scatter [tilespmem:s19], [sflag:$0x4], $0x80, $0x38;
	[tilespmem:$0x11A00] =	vst v63  }
0x1de: {  	s17 =	simm.s32 $0xCA40;
	s15 =	sadd.s32 s14, s8  }
0x1df: {  	[hbm4b:s15+s3] =	stream.linear.scatter [tilespmem:s17], [sflag:$0x4], $0x80, $0x38;
	[tilespmem:$0x11A00] =	vst v63  }
0x1e0: {  	s19 =	simm.s32 $0xCAC8;
	s18 =	sadd.s32 $0x10, s15  }
0x1e1: {  	[hbm4b:s18+s3] =	stream.linear.scatter [tilespmem:s19], [sflag:$0x4], $0x80, $0x38;
	[tilespmem:$0x11A00] =	vst v63  }
0x1e2: {  	s18 =	sadd.s32 $0x20, s15;
	s19 =	simm.s32 $0xCB50  }
0x1e3: {  	[hbm4b:s18+s3] =	stream.linear.scatter [tilespmem:s19], [sflag:$0x4], $0x80, $0x38;
	[tilespmem:$0x11A00] =	vst v63  }
0x1e4: {  	s18 =	sadd.s32 $0x30, s15;
	s19 =	simm.s32 $0xCBD8  }
0x1e5: {  	[hbm4b:s18+s3] =	stream.linear.scatter [tilespmem:s19], [sflag:$0x4], $0x80, $0x38;
	[tilespmem:$0x11A00] =	vst v63  }
0x1e6: {  	s18 =	sadd.s32 $0x40, s15;
	s19 =	simm.s32 $0xCC60  }
0x1e7: {  	[hbm4b:s18+s3] =	stream.linear.scatter [tilespmem:s19], [sflag:$0x4], $0x80, $0x38;
	[tilespmem:$0x11A00] =	vst v63  }
0x1e8: {  	s18 =	sadd.s32 $0x50, s15;
	s19 =	simm.s32 $0xCCE8  }
0x1e9: {  	[hbm4b:s18+s3] =	stream.linear.scatter [tilespmem:s19], [sflag:$0x4], $0x80, $0x38;
	[tilespmem:$0x11A00] =	vst v63  }
0x1ea: {  	s17 =	sadd.s32 $0x60, s15;
	s18 =	simm.s32 $0xCD70  }
0x1eb: {  	[hbm4b:s17+s3] =	stream.linear.scatter [tilespmem:s18], [sflag:$0x4], $0x80, $0x38;
	[tilespmem:$0x11A00] =	vst v63  }
0x1ec: {  	s15 =	sadd.s32 $0x70, s15;
	s19 =	simm.s32 $0xCDF8  }
0x1ed: {  	[hbm4b:s15+s3] =	stream.linear.scatter [tilespmem:s19], [sflag:$0x4], $0x80, $0x38;
	[tilespmem:$0x11A00] =	vst v63  }
0x1ee: {  	s17 =	simm.s32 $0xCE80;
	s15 =	sadd.s32 s14, s26  }
0x1ef: {  	[hbm4b:s15+s3] =	stream.linear.scatter [tilespmem:s17], [sflag:$0x4], $0x80, $0x38;
	[tilespmem:$0x11A00] =	vst v63  }
0x1f0: {  	s19 =	simm.s32 $0xCF08;
	s18 =	sadd.s32 $0x10, s15  }
0x1f1: {  	[hbm4b:s18+s3] =	stream.linear.scatter [tilespmem:s19], [sflag:$0x4], $0x80, $0x38;
	[tilespmem:$0x11A00] =	vst v63  }
0x1f2: {  	s18 =	sadd.s32 $0x20, s15;
	s19 =	simm.s32 $0xCF90  }
0x1f3: {  	[hbm4b:s18+s3] =	stream.linear.scatter [tilespmem:s19], [sflag:$0x4], $0x80, $0x38;
	[tilespmem:$0x11A00] =	vst v63  }
0x1f4: {  	s18 =	sadd.s32 $0x30, s15;
	s19 =	simm.s32 $0xD018  }
0x1f5: {  	[hbm4b:s18+s3] =	stream.linear.scatter [tilespmem:s19], [sflag:$0x4], $0x80, $0x38;
	[tilespmem:$0x11A00] =	vst v63  }
0x1f6: {  	s18 =	sadd.s32 $0x40, s15;
	s19 =	simm.s32 $0xD0A0  }
0x1f7: {  	[hbm4b:s18+s3] =	stream.linear.scatter [tilespmem:s19], [sflag:$0x4], $0x80, $0x38;
	[tilespmem:$0x11A00] =	vst v63  }
0x1f8: {  	s18 =	sadd.s32 $0x50, s15;
	s19 =	simm.s32 $0xD128  }
0x1f9: {  	[hbm4b:s18+s3] =	stream.linear.scatter [tilespmem:s19], [sflag:$0x4], $0x80, $0x38;
	[tilespmem:$0x11A00] =	vst v63  }
0x1fa: {  	s17 =	sadd.s32 $0x60, s15;
	s18 =	simm.s32 $0xD1B0  }
0x1fb: {  	[hbm4b:s17+s3] =	stream.linear.scatter [tilespmem:s18], [sflag:$0x4], $0x80, $0x38;
	[tilespmem:$0x11A00] =	vst v63  }
0x1fc: {  	s15 =	sadd.s32 $0x70, s15;
	s19 =	simm.s32 $0xD238  }
0x1fd: {  	[hbm4b:s15+s3] =	stream.linear.scatter [tilespmem:s19], [sflag:$0x4], $0x80, $0x38;
	[tilespmem:$0x11A00] =	vst v63  }
0x1fe: {  	s17 =	simm.s32 $0xD2C0;
	s15 =	sadd.s32 s14, s28  }
0x1ff: {  	[hbm4b:s15+s3] =	stream.linear.scatter [tilespmem:s17], [sflag:$0x4], $0x80, $0x38;
	[tilespmem:$0x11A00] =	vst v63  }
0x200: {  	s19 =	simm.s32 $0xD348;
	s18 =	sadd.s32 $0x10, s15  }
0x201: {  	[hbm4b:s18+s3] =	stream.linear.scatter [tilespmem:s19], [sflag:$0x4], $0x80, $0x38;
	[tilespmem:$0x11A00] =	vst v63  }
0x202: {  	s18 =	sadd.s32 $0x20, s15;
	s19 =	simm.s32 $0xD3D0  }
0x203: {  	[hbm4b:s18+s3] =	stream.linear.scatter [tilespmem:s19], [sflag:$0x4], $0x80, $0x38;
	[tilespmem:$0x11A00] =	vst v63  }
0x204: {  	s18 =	sadd.s32 $0x30, s15;
	s19 =	simm.s32 $0xD458  }
0x205: {  	[hbm4b:s18+s3] =	stream.linear.scatter [tilespmem:s19], [sflag:$0x4], $0x80, $0x38;
	[tilespmem:$0x11A00] =	vst v63  }
0x206: {  	s18 =	sadd.s32 $0x40, s15;
	s19 =	simm.s32 $0xD4E0  }
0x207: {  	[hbm4b:s18+s3] =	stream.linear.scatter [tilespmem:s19], [sflag:$0x4], $0x80, $0x38;
	[tilespmem:$0x11A00] =	vst v63  }
0x208: {  	s18 =	sadd.s32 $0x50, s15;
	s19 =	simm.s32 $0xD568  }
0x209: {  	[hbm4b:s18+s3] =	stream.linear.scatter [tilespmem:s19], [sflag:$0x4], $0x80, $0x38;
	[tilespmem:$0x11A00] =	vst v63  }
0x20a: {  	s17 =	sadd.s32 $0x60, s15;
	s18 =	simm.s32 $0xD5F0  }
0x20b: {  	[hbm4b:s17+s3] =	stream.linear.scatter [tilespmem:s18], [sflag:$0x4], $0x80, $0x38;
	[tilespmem:$0x11A00] =	vst v63  }
0x20c: {  	s15 =	sadd.s32 $0x70, s15;
	s19 =	simm.s32 $0xD678  }
0x20d: {  	[hbm4b:s15+s3] =	stream.linear.scatter [tilespmem:s19], [sflag:$0x4], $0x80, $0x38;
	[tilespmem:$0x11A00] =	vst v63  }
0x20e: {  	s17 =	simm.s32 $0xD700;
	s15 =	sadd.s32 s14, s29  }
0x20f: {  	[hbm4b:s15+s3] =	stream.linear.scatter [tilespmem:s17], [sflag:$0x4], $0x80, $0x38;
	[tilespmem:$0x11A00] =	vst v63  }
0x210: {  	s19 =	simm.s32 $0xD788;
	s18 =	sadd.s32 $0x10, s15  }
0x211: {  	[hbm4b:s18+s3] =	stream.linear.scatter [tilespmem:s19], [sflag:$0x4], $0x80, $0x38;
	[tilespmem:$0x11A00] =	vst v63  }
0x212: {  	s18 =	sadd.s32 $0x20, s15;
	s19 =	simm.s32 $0xD810  }
0x213: {  	[hbm4b:s18+s3] =	stream.linear.scatter [tilespmem:s19], [sflag:$0x4], $0x80, $0x38;
	[tilespmem:$0x11A00] =	vst v63  }
0x214: {  	s18 =	sadd.s32 $0x30, s15;
	s19 =	simm.s32 $0xD898  }
0x215: {  	[hbm4b:s18+s3] =	stream.linear.scatter [tilespmem:s19], [sflag:$0x4], $0x80, $0x38;
	[tilespmem:$0x11A00] =	vst v63  }
0x216: {  	s18 =	sadd.s32 $0x40, s15;
	s19 =	simm.s32 $0xD920  }
0x217: {  	[hbm4b:s18+s3] =	stream.linear.scatter [tilespmem:s19], [sflag:$0x4], $0x80, $0x38;
	[tilespmem:$0x11A00] =	vst v63  }
0x218: {  	s18 =	sadd.s32 $0x50, s15;
	s19 =	simm.s32 $0xD9A8  }
0x219: {  	[hbm4b:s18+s3] =	stream.linear.scatter [tilespmem:s19], [sflag:$0x4], $0x80, $0x38;
	[tilespmem:$0x11A00] =	vst v63  }
0x21a: {  	s17 =	sadd.s32 $0x60, s15;
	s18 =	simm.s32 $0xDA30  }
0x21b: {  	[hbm4b:s17+s3] =	stream.linear.scatter [tilespmem:s18], [sflag:$0x4], $0x80, $0x38;
	[tilespmem:$0x11A00] =	vst v63  }
0x21c: {  	s15 =	sadd.s32 $0x70, s15;
	s19 =	simm.s32 $0xDAB8  }
0x21d: {  	[hbm4b:s15+s3] =	stream.linear.scatter [tilespmem:s19], [sflag:$0x4], $0x80, $0x38;
	[tilespmem:$0x11A00] =	vst v63  }
0x21e: {  	s17 =	simm.s32 $0xDB40;
	s15 =	sadd.s32 s14, s30  }
0x21f: {  	[hbm4b:s15+s3] =	stream.linear.scatter [tilespmem:s17], [sflag:$0x4], $0x80, $0x38;
	[tilespmem:$0x11A00] =	vst v63  }
0x220: {  	s19 =	simm.s32 $0xDBC8;
	s18 =	sadd.s32 $0x10, s15  }
0x221: {  	[hbm4b:s18+s3] =	stream.linear.scatter [tilespmem:s19], [sflag:$0x4], $0x80, $0x38;
	[tilespmem:$0x11A00] =	vst v63  }
0x222: {  	s18 =	sadd.s32 $0x20, s15;
	s19 =	simm.s32 $0xDC50  }
0x223: {  	[hbm4b:s18+s3] =	stream.linear.scatter [tilespmem:s19], [sflag:$0x4], $0x80, $0x38;
	[tilespmem:$0x11A00] =	vst v63  }
0x224: {  	s18 =	sadd.s32 $0x30, s15;
	s19 =	simm.s32 $0xDCD8  }
0x225: {  	[hbm4b:s18+s3] =	stream.linear.scatter [tilespmem:s19], [sflag:$0x4], $0x80, $0x38;
	[tilespmem:$0x11A00] =	vst v63  }
0x226: {  	s18 =	sadd.s32 $0x40, s15;
	s19 =	simm.s32 $0xDD60  }
0x227: {  	[hbm4b:s18+s3] =	stream.linear.scatter [tilespmem:s19], [sflag:$0x4], $0x80, $0x38;
	[tilespmem:$0x11A00] =	vst v63  }
0x228: {  	s18 =	sadd.s32 $0x50, s15;
	s19 =	simm.s32 $0xDDE8  }
0x229: {  	[hbm4b:s18+s3] =	stream.linear.scatter [tilespmem:s19], [sflag:$0x4], $0x80, $0x38;
	[tilespmem:$0x11A00] =	vst v63  }
0x22a: {  	s17 =	sadd.s32 $0x60, s15;
	s18 =	simm.s32 $0xDE70  }
0x22b: {  	[hbm4b:s17+s3] =	stream.linear.scatter [tilespmem:s18], [sflag:$0x4], $0x80, $0x38;
	[tilespmem:$0x11A00] =	vst v63  }
0x22c: {  	s15 =	sadd.s32 $0x70, s15;
	s19 =	simm.s32 $0xDEF8  }
0x22d: {  	[hbm4b:s15+s3] =	stream.linear.scatter [tilespmem:s19], [sflag:$0x4], $0x80, $0x38;
	[tilespmem:$0x11A00] =	vst v63  }
0x22e: {  	s17 =	simm.s32 $0xDF80;
	s15 =	sadd.s32 s14, s31  }
0x22f: {  	[hbm4b:s15+s3] =	stream.linear.scatter [tilespmem:s17], [sflag:$0x4], $0x80, $0x38;
	[tilespmem:$0x11A00] =	vst v63  }
0x230: {  	s19 =	simm.s32 $0xE008;
	s18 =	sadd.s32 $0x10, s15  }
0x231: {  	[hbm4b:s18+s3] =	stream.linear.scatter [tilespmem:s19], [sflag:$0x4], $0x80, $0x38;
	[tilespmem:$0x11A00] =	vst v63  }
0x232: {  	s18 =	sadd.s32 $0x20, s15;
	s19 =	simm.s32 $0xE090  }
0x233: {  	[hbm4b:s18+s3] =	stream.linear.scatter [tilespmem:s19], [sflag:$0x4], $0x80, $0x38;
	[tilespmem:$0x11A00] =	vst v63  }
0x234: {  	s18 =	sadd.s32 $0x30, s15;
	s19 =	simm.s32 $0xE118  }
0x235: {  	[hbm4b:s18+s3] =	stream.linear.scatter [tilespmem:s19], [sflag:$0x4], $0x80, $0x38;
	[tilespmem:$0x11A00] =	vst v63  }
0x236: {  	s18 =	sadd.s32 $0x40, s15;
	s19 =	simm.s32 $0xE1A0  }
0x237: {  	[hbm4b:s18+s3] =	stream.linear.scatter [tilespmem:s19], [sflag:$0x4], $0x80, $0x38;
	[tilespmem:$0x11A00] =	vst v63  }
0x238: {  	s18 =	sadd.s32 $0x50, s15;
	s19 =	simm.s32 $0xE228  }
0x239: {  	[hbm4b:s18+s3] =	stream.linear.scatter [tilespmem:s19], [sflag:$0x4], $0x80, $0x38;
	[tilespmem:$0x11A00] =	vst v63  }
0x23a: {  	s18 =	sadd.s32 $0x60, s15;
	s19 =	simm.s32 $0xE2B0  }
0x23b: {  	[hbm4b:s18+s3] =	stream.linear.scatter [tilespmem:s19], [sflag:$0x4], $0x80, $0x38;
	[tilespmem:$0x11A00] =	vst v63  }
0x23c: {  	s15 =	sadd.s32 $0x70, s15;
	s18 =	simm.s32 $0xE338  }
0x23d: {  	[hbm4b:s15+s3] =	stream.linear.scatter [tilespmem:s18], [sflag:$0x4], $0x80, $0x38;
	[tilespmem:$0x11A00] =	vst v63  }
0x23e: {  	s14 =	sadd.s32 s14, s0;
	s19 =	simm.s32 $0xE3C0  }
0x23f: {  	[hbm4b:s14+s3] =	stream.linear.scatter [tilespmem:s19], [sflag:$0x4], $0x80, $0x38;
	[tilespmem:$0x11A00] =	vst v63  }
0x240: {  	s16 =	sadd.s32 $0x10, s14;
	s17 =	simm.s32 $0xE448  }
0x241: {  	[hbm4b:s16+s3] =	stream.linear.scatter [tilespmem:s17], [sflag:$0x4], $0x80, $0x38;
	[tilespmem:$0x11A00] =	vst v63  }
0x242: {  	s18 =	sadd.s32 $0x20, s14;
	s19 =	simm.s32 $0xE4D0  }
0x243: {  	[hbm4b:s18+s3] =	stream.linear.scatter [tilespmem:s19], [sflag:$0x4], $0x80, $0x38;
	[tilespmem:$0x11A00] =	vst v63  }
0x244: {  	s16 =	sadd.s32 $0x30, s14  }
0x245: {  	[hbm4b:s16+s3] =	stream.linear.scatter [tilespmem:s20], [sflag:$0x4], $0x80, $0x38;
	[tilespmem:$0x11A00] =	vst v63  }
0x246: {  	s13 =	sadd.s32 $0x1, s13;
	s17 =	sadd.s32 $0x40, s14  }
0x247: {  	[hbm4b:s17+s3] =	stream.linear.scatter [tilespmem:s21], [sflag:$0x4], $0x80, $0x38;
	[tilespmem:$0x11A00] =	vst v63  }
0x248: {  	p0 =	sne.s32 s13, $0x63;
	s18 =	sadd.s32 $0x50, s14  }
0x249: {  	[hbm4b:s18+s3] =	stream.linear.scatter [tilespmem:s24], [sflag:$0x4], $0x80, $0x38;
	[tilespmem:$0x11A00] =	vst v63  }
.Ltmp3:
0x24a: {  	_ = 	snop;
	(pc) =	sbr.rel @p0 .LBB2_4-.Ltmp3, $4  }
0x24b: {  	s19 =	sadd.s32 $0x60, s14  }
0x24c: {  	[hbm4b:s19+s3] =	stream.linear.scatter [tilespmem:s6], [sflag:$0x4], $0x80, $0x38;
	[tilespmem:$0x11A00] =	vst v63  }
0x24d: {  	s14 =	sadd.s32 $0x70, s14  }
0x24e: {  	[hbm4b:s14+s3] =	stream.linear.scatter [tilespmem:s25], [sflag:$0x4], $0x80, $0x38;
	[tilespmem:$0x11A00] =	vst v63  }
0x24f: {  	s12 =	simm.s32 $0x8400;
	s13 =	simm.s32 $0x6380  }
0x250: {  	[tilespmem:s12], [sflag:$0x2] =	stream.indirect.gather [hbm4b:s4+s5], $0x40, s13, s5, $0xb8;
	[tilespmem:$0x11A00] =	vst v63  }
0x251: {  	_ =	swait.ge [sflag:s2], $0x2000  }
0x252: {  	[sflag:s2] =	ssyncset.done $0x0  }
0x253: {  	[sflag:s2] =	ssyncadd.s32 $0xFFFFE000  }
0x254: {  	_ =	swait.ge [sflag:s10], $0x400  }
0x255: {  	[sflag:s10] =	ssyncset.done $0x0  }
0x256: {  	[sflag:s10] =	ssyncadd.s32 $0xFFFFFC00  }
0x257: {  	_ =	swait.ge [sflag:s10], $0x400  }
0x258: {  	[sflag:s10] =	ssyncset.done $0x0  }
0x259: {  	[sflag:s10] =	ssyncadd.s32 $0xFFFFFC00  }
0x25a: {  	_ =	swait.ge [sflag:s10], $0x400  }
0x25b: {  	[sflag:s10] =	ssyncset.done $0x0  }
0x25c: {  	[sflag:s10] =	ssyncadd.s32 $0xFFFFFC00  }
0x25d: {  	_ =	swait.ge [sflag:s10], $0x400  }
0x25e: {  	[sflag:s10] =	ssyncset.done $0x0  }
0x25f: {  	[sflag:s10] =	ssyncadd.s32 $0xFFFFFC00  }
0x260: {  	_ =	swait.ge [sflag:s10], $0x400  }
0x261: {  	[sflag:s10] =	ssyncset.done $0x0  }
0x262: {  	[sflag:s10] =	ssyncadd.s32 $0xFFFFFC00  }
0x263: {  	_ =	swait.ge [sflag:s10], $0x400  }
0x264: {  	[sflag:s10] =	ssyncset.done $0x0  }
0x265: {  	[sflag:s10] =	ssyncadd.s32 $0xFFFFFC00  }
0x266: {  	_ =	swait.ge [sflag:s10], $0x400  }
0x267: {  	[sflag:s10] =	ssyncset.done $0x0  }
0x268: {  	[sflag:s10] =	ssyncadd.s32 $0xFFFFFC00  }
0x269: {  	_ =	swait.ge [sflag:s10], $0x400  }
0x26a: {  	[sflag:s10] =	ssyncset.done $0x0  }
0x26b: {  	[sflag:s10] =	ssyncadd.s32 $0xFFFFFC00  }
0x26c: {  	s15 =	simm.s32 $0x6480;
	s19 =	simm.s32 $0x3;
	v9 =	vld [tilespmem:$0x11980]  }
0x26d: {  	v8 =	vmov s19;
	v10 =	vld [tilespmem:s15+$0x40]  }
0x26e: {  	v14 =	vand.u32 $0x7F, v8  }
0x26f: {  	s18 =	simm.s32 $0x0;
	v8 =	vadd.s32 v0, v14;
	v7 =	vld [tilespmem:$0x11990]  }
0x270: {  	s14 =	simm.s32 $0x1;
	s16 =	simm.s32 $0x2;
	v11 =	vmov s18;
	v12 =	vld [tilespmem:s15+$0xFFFFFF80]  }
0x271: {  	v16 =	vmov s16;
	v13 =	vand.u32 $0x7C, v11;
	v11 =	vmov s14;
	v15 =	vld [tilespmem:s15+$0xFFFFFFC0]  }
0x272: {  	v17 =	vadd.s32 v0, v13;
	v20 =	vand.u32 $0x7D, v11;
	v11 =	vld [tilespmem:s15+$0x0];
	v10 =	vadd.f32 v10, v9  }
0x273: {  	v21 =	vand.u32 $0x7E, v16;
	v18 =	vadd.s32 v0, v20;
	v6 =	vld [tilespmem:$0x119A0]  }
0x274: {  	v16 =	vadd.s32 v0, v21;
	v5 =	vld [tilespmem:$0x119B0];
	[tilespmem:v8+s9+$0x0] =	vst.idx.msk $0xffff, v10  }
0x275: {  	v8 =	vadd.f32 v12, v9;
	v10 =	vld [tilespmem:s15+$0x50]  }
0x276: {  	v12 =	vadd.f32 v15, v9  }
0x277: {  	[tilespmem:v17+s9+$0x0] =	vst.idx.msk $0xffff, v8;
	v8 =	vadd.f32 v11, v9;
	v11 =	vadd.s32 v2, v14  }
0x278: {  	[tilespmem:v18+s9+$0x0] =	vst.idx.msk $0xffff, v12;
	v15 =	vld [tilespmem:s15+$0xFFFFFF90]  }
0x279: {  	v12 =	vld [tilespmem:s15+$0xFFFFFFD0];
	[tilespmem:v16+s9+$0x0] =	vst.idx.msk $0xffff, v8  }
0x27a: {  	v16 =	vld [tilespmem:s15+$0x10];
	v8 =	vadd.f32 v10, v7  }
0x27b: {  	s12 =	simm.s32 $0x6580;
	s14 =	simm.s32 $0x7;
	v17 =	vadd.s32 v2, v20  }
0x27c: {  	s17 =	simm.s32 $0x4;
	v22 =	vadd.s32 v2, v13;
	v19 =	vld [tilespmem:s12+$0x40];
	v18 =	vadd.s32 v2, v21;
	[tilespmem:v11+s9+$0x0] =	vst.idx.msk $0xffff, v8;
	v8 =	vmov s14  }
0x27d: {  	v27 =	vadd.s32 v3, v14;
	v10 =	vmov s17;
	v8 =	vand.u32 $0x7F, v8;
	v23 =	vld [tilespmem:s15+$0x60]  }
0x27e: {  	s18 =	simm.s32 $0x5;
	v24 =	vld [tilespmem:s12+$0xFFFFFF80];
	v10 =	vand.u32 $0x7C, v10;
	v11 =	vadd.f32 v12, v7;
	v25 =	vadd.s32 v0, v8  }
0x27f: {  	s19 =	simm.s32 $0x6;
	v26 =	vld [tilespmem:s12+$0xFFFFFFC0];
	v15 =	vadd.f32 v15, v7;
	v12 =	vadd.f32 v16, v7;
	v16 =	vmov s18  }
0x280: {  	v28 =	vadd.s32 v0, v10;
	[tilespmem:v17+s9+$0x0] =	vst.idx.msk $0xffff, v11;
	v17 =	vmov s19;
	v11 =	vand.u32 $0x7D, v16;
	v16 =	vld [tilespmem:s12+$0x0]  }
0x281: {  	[tilespmem:v18+s9+$0x0] =	vst.idx.msk $0xffff, v12;
	v18 =	vadd.s32 v0, v11;
	v12 =	vand.u32 $0x7E, v17;
	v17 =	vadd.f32 v19, v9;
	v19 =	vld [tilespmem:s15+$0xFFFFFFE0]  }
0x282: {  	[tilespmem:v22+s9+$0x0] =	vst.idx.msk $0xffff, v15;
	v15 =	vadd.s32 v0, v12;
	v22 =	vld [tilespmem:s15+$0x20];
	v23 =	vadd.f32 v23, v6  }
0x283: {  	v24 =	vadd.f32 v24, v9;
	[tilespmem:v25+s9+$0x0] =	vst.idx.msk $0xffff, v17;
	v17 =	vld [tilespmem:s15+$0xFFFFFFA0];
	v25 =	vadd.s32 v3, v20  }
0x284: {  	v30 =	vadd.s32 v3, v21;
	v26 =	vadd.f32 v26, v9;
	v29 =	vld [tilespmem:s12+$0x50];
	[tilespmem:v27+s9+$0x0] =	vst.idx.msk $0xffff, v23  }
0x285: {  	[tilespmem:v28+s9+$0x0] =	vst.idx.msk $0xffff, v24;
	v24 =	vadd.s32 v3, v13;
	v16 =	vadd.f32 v16, v9;
	v27 =	vld [tilespmem:s15+$0x70]  }
0x286: {  	v28 =	vld [tilespmem:s12+$0xFFFFFF90];
	[tilespmem:v18+s9+$0x0] =	vst.idx.msk $0xffff, v26;
	v26 =	vadd.s32 v2, v8;
	v19 =	vadd.f32 v19, v6  }
0x287: {  	v32 =	vadd.s32 v4, v14;
	v31 =	vld [tilespmem:s12+$0xFFFFFFD0];
	[tilespmem:v15+s9+$0x0] =	vst.idx.msk $0xffff, v16;
	v15 =	vadd.f32 v22, v6  }
0x288: {  	v23 =	vadd.s32 v2, v10;
	v18 =	vld [tilespmem:s12+$0x10];
	v14 =	vadd.f32 v17, v6;
	[tilespmem:v25+s9+$0x0] =	vst.idx.msk $0xffff, v19  }
0x289: {  	s14 =	simm.s32 $0x8;
	v22 =	vadd.s32 v2, v11;
	[tilespmem:v30+s9+$0x0] =	vst.idx.msk $0xffff, v15;
	v19 =	vadd.f32 v29, v7;
	v17 =	vld [tilespmem:s15+$0xFFFFFFF0]  }
0x28a: {  	v25 =	vmov s14;
	v15 =	vadd.s32 v2, v12;
	v16 =	vld [tilespmem:s15+$0x30];
	[tilespmem:v24+s9+$0x0] =	vst.idx.msk $0xffff, v14;
	v29 =	vadd.f32 v27, v5  }
0x28b: {  	s16 =	simm.s32 $0xB;
	s13 =	simm.s32 $0x6680;
	v20 =	vadd.s32 v4, v20;
	v14 =	vand.u32 $0x7C, v25;
	v25 =	vadd.f32 v28, v7;
	[tilespmem:v26+s9+$0x0] =	vst.idx.msk $0xffff, v19;
	v19 =	vld [tilespmem:s15+$0xFFFFFFB0]  }
0x28c: {  	v21 =	vadd.s32 v4, v21;
	v27 =	vmov s16;
	v24 =	vld [tilespmem:s13+$0x40];
	s15 =	simm.s32 $0xC;
	v26 =	vadd.f32 v31, v7;
	[tilespmem:v32+s9+$0x0] =	vst.idx.msk $0xffff, v29  }
.LBB2_10:
0x28d: {  	p0 =	slt.u32 s15, $0x7C;
	s16 =	sadd.s32 $0x1, s14;
	v27 =	vand.u32 $0x7F, v27;
	[tilespmem:v23+s9+$0x0] =	vst.idx.msk $0xffff, v25;
	v18 =	vadd.f32 v18, v7;
	v23 =	vld [tilespmem:s12+$0x60];
	v25 =	vadd.s32 v4, v13  }
0x28e: {  	v31 =	vmovc v12;
	v28 =	vld [tilespmem:s13+$0xFFFFFF80];
	v29 =	vmov s16;
	s16 =	sadd.s32 $0x2, s14;
	v30 =	vadd.s32 v0, v27;
	[tilespmem:v22+s9+$0x0] =	vst.idx.msk $0xffff, v26;
	v17 =	vadd.f32 v17, v5;
	s14 =	smov.u32 s15  }
0x28f: {  	v13 =	vmovc v10;
	v22 =	vld [tilespmem:s13+$0xFFFFFFC0];
	v12 =	vmov s16;
	[tilespmem:v15+s9+$0x0] =	vst.idx.msk $0xffff, v18;
	v15 =	vadd.s32 v3, v8;
	v16 =	vadd.f32 v16, v5  }
0x290: {  	v18 =	vadd.s32 v0, v14;
	v29 =	vand.u32 $0x7D, v29;
	v26 =	vld [tilespmem:s13+$0x0];
	v32 =	vadd.f32 v19, v5;
	[tilespmem:v20+s9+$0x0] =	vst.idx.msk $0xffff, v17  }
0x291: {  	v17 =	vadd.s32 v0, v29;
	v12 =	vand.u32 $0x7E, v12;
	v19 =	vadd.f32 v24, v9;
	v20 =	vld [tilespmem:s12+$0xFFFFFFE0];
	[tilespmem:v21+s9+$0x0] =	vst.idx.msk $0xffff, v16  }
0x292: {  	v10 =	vmov v14;
	v16 =	vadd.s32 v0, v12;
	v21 =	vld [tilespmem:s12+$0x20];
	v23 =	vadd.f32 v23, v6;
	[tilespmem:v25+s9+$0x0] =	vst.idx.msk $0xffff, v32  }
0x293: {  	v24 =	vadd.s32 v3, v11;
	v14 =	vadd.f32 v28, v9;
	[tilespmem:v30+s9+$0x0] =	vst.idx.msk $0xffff, v19;
	v19 =	vld [tilespmem:s12+$0xFFFFFFA0]  }
0x294: {  	v28 =	vadd.s32 v3, v31;
	v22 =	vadd.f32 v22, v9;
	v25 =	vld [tilespmem:s13+$0x50];
	[tilespmem:v15+s9+$0x0] =	vst.idx.msk $0xffff, v23  }
0x295: {  	[tilespmem:v18+s9+$0x0] =	vst.idx.msk $0xffff, v14;
	v14 =	vadd.f32 v26, v9;
	v26 =	vadd.s32 v3, v13;
	v30 =	vld [tilespmem:s12+$0x70]  }
0x296: {  	v33 =	vadd.s32 v2, v27;
	v32 =	vld [tilespmem:s13+$0xFFFFFF90];
	[tilespmem:v17+s9+$0x0] =	vst.idx.msk $0xffff, v22;
	v15 =	vadd.f32 v20, v6  }
0x297: {  	v35 =	vadd.s32 v4, v8;
	v8 =	vmov v27;
	v34 =	vld [tilespmem:s13+$0xFFFFFFD0];
	[tilespmem:v16+s9+$0x0] =	vst.idx.msk $0xffff, v14;
	v14 =	vadd.f32 v21, v6  }
.Ltmp4:
0x298: {  	v23 =	vadd.s32 v2, v10;
	v18 =	vld [tilespmem:s13+$0x10];
	v16 =	vadd.f32 v19, v6;
	[tilespmem:v24+s9+$0x0] =	vst.idx.msk $0xffff, v15;
	(pc) =	sbr.rel @p0 .LBB2_10-.Ltmp4, $4  }
0x299: {  	v22 =	vadd.s32 v2, v29;
	v19 =	vadd.f32 v25, v7;
	v17 =	vld [tilespmem:s12+$0xFFFFFFF0];
	[tilespmem:v28+s9+$0x0] =	vst.idx.msk $0xffff, v14  }
0x29a: {  	v15 =	vadd.s32 v2, v12;
	v14 =	vmov s15;
	[tilespmem:v26+s9+$0x0] =	vst.idx.msk $0xffff, v16;
	v16 =	vld [tilespmem:s12+$0x30];
	v28 =	vadd.f32 v30, v5  }
0x29b: {  	s16 =	sadd.s32 $0x3, s15;
	v20 =	vadd.s32 v4, v11;
	v14 =	vand.u32 $0x7C, v14;
	v25 =	vadd.f32 v32, v7;
	[tilespmem:v33+s9+$0x0] =	vst.idx.msk $0xffff, v19;
	v19 =	vld [tilespmem:s12+$0xFFFFFFB0];
	s12 =	smov.u32 s13;
	s13 =	sadd.s32 $0x100, s13  }
0x29c: {  	v27 =	vmov s16;
	v11 =	vmovc v29;
	v21 =	vadd.s32 v4, v31;
	s15 =	sadd.s32 $0x4, s15;
	v24 =	vld [tilespmem:s13+$0x40];
	v26 =	vadd.f32 v34, v7;
	[tilespmem:v35+s9+$0x0] =	vst.idx.msk $0xffff, v28  }
0x29d: {  	s15 =	sadd.s32 $0x1, s14  }
0x29e: {  	v27 =	vand.u32 $0x7F, v27;
	v29 =	vld [tilespmem:s13+$0xFFFFFFC0];
	v28 =	vmov s15;
	s15 =	sadd.s32 $0x2, s14  }
0x29f: {  	v32 =	vld [tilespmem:s13+$0x0];
	v30 =	vadd.s32 v0, v27;
	v31 =	vmov s15;
	v28 =	vand.u32 $0x7D, v28  }
0x2a0: {  	v33 =	vld [tilespmem:s13+$0xFFFFFF80];
	v34 =	vadd.s32 v0, v28;
	v31 =	vand.u32 $0x7E, v31  }
0x2a1: {  	v35 =	vadd.s32 v0, v31  }
0x2a2: {  	[tilespmem:v23+s9+$0x0] =	vst.idx.msk $0xffff, v25;
	v23 =	vadd.s32 v0, v14;
	v24 =	vadd.f32 v24, v9  }
0x2a3: {  	[tilespmem:v22+s9+$0x0] =	vst.idx.msk $0xffff, v26;
	v22 =	vadd.f32 v29, v9  }
0x2a4: {  	[tilespmem:v30+s9+$0x0] =	vst.idx.msk $0xffff, v24;
	v24 =	vadd.f32 v32, v9  }
0x2a5: {  	v9 =	vadd.f32 v33, v9;
	v25 =	vld [tilespmem:s13+$0x50];
	[tilespmem:v34+s9+$0x0] =	vst.idx.msk $0xffff, v22  }
0x2a6: {  	v18 =	vadd.f32 v18, v7;
	v13 =	vadd.s32 v4, v13;
	v22 =	vld [tilespmem:s13+$0xFFFFFFD0];
	[tilespmem:v35+s9+$0x0] =	vst.idx.msk $0xffff, v24  }
0x2a7: {  	v17 =	vadd.f32 v17, v5;
	[tilespmem:v23+s9+$0x0] =	vst.idx.msk $0xffff, v9;
	v9 =	vadd.s32 v2, v27;
	v23 =	vld [tilespmem:s13+$0x10]  }
0x2a8: {  	[tilespmem:v15+s9+$0x0] =	vst.idx.msk $0xffff, v18;
	v15 =	vadd.f32 v16, v5;
	v18 =	vadd.s32 v2, v28;
	v16 =	vld [tilespmem:s13+$0xFFFFFF90]  }
0x2a9: {  	v19 =	vadd.f32 v19, v5;
	[tilespmem:v20+s9+$0x0] =	vst.idx.msk $0xffff, v17;
	v17 =	vadd.s32 v2, v31;
	v24 =	vld [tilespmem:s12+$0x60]  }
0x2aa: {  	v20 =	vld [tilespmem:s12+$0xFFFFFFE0];
	[tilespmem:v21+s9+$0x0] =	vst.idx.msk $0xffff, v15;
	v15 =	vadd.s32 v2, v14;
	v21 =	vadd.f32 v25, v7  }
0x2ab: {  	v26 =	vld [tilespmem:s12+$0x20];
	[tilespmem:v13+s9+$0x0] =	vst.idx.msk $0xffff, v19;
	v25 =	vadd.s32 v3, v8;
	v13 =	vadd.f32 v22, v7  }
0x2ac: {  	v19 =	vld [tilespmem:s12+$0xFFFFFFA0];
	v22 =	vadd.s32 v3, v11;
	[tilespmem:v9+s9+$0x0] =	vst.idx.msk $0xffff, v21;
	v9 =	vadd.f32 v23, v7  }
0x2ad: {  	v21 =	vadd.s32 v3, v12;
	v7 =	vadd.f32 v16, v7;
	v16 =	vld [tilespmem:s13+$0x60];
	[tilespmem:v18+s9+$0x0] =	vst.idx.msk $0xffff, v13  }
0x2ae: {  	v13 =	vadd.f32 v24, v6;
	v18 =	vadd.s32 v3, v10;
	[tilespmem:v17+s9+$0x0] =	vst.idx.msk $0xffff, v9;
	v9 =	vld [tilespmem:s13+$0xFFFFFFE0]  }
0x2af: {  	v17 =	vadd.f32 v20, v6;
	[tilespmem:v15+s9+$0x0] =	vst.idx.msk $0xffff, v7;
	v7 =	vadd.s32 v3, v27;
	v15 =	vld [tilespmem:s13+$0x20]  }
0x2b0: {  	v23 =	vadd.s32 v3, v28;
	[tilespmem:v25+s9+$0x0] =	vst.idx.msk $0xffff, v13;
	v13 =	vadd.f32 v26, v6;
	v20 =	vld [tilespmem:s13+$0xFFFFFFA0]  }
0x2b1: {  	v19 =	vadd.f32 v19, v6;
	v24 =	vld [tilespmem:s12+$0x70];
	[tilespmem:v22+s9+$0x0] =	vst.idx.msk $0xffff, v17;
	v17 =	vadd.s32 v3, v31  }
0x2b2: {  	v22 =	vld [tilespmem:s12+$0xFFFFFFF0];
	[tilespmem:v21+s9+$0x0] =	vst.idx.msk $0xffff, v13;
	v13 =	vadd.f32 v16, v6;
	v16 =	vadd.s32 v3, v14  }
0x2b3: {  	v8 =	vadd.s32 v4, v8;
	[tilespmem:v18+s9+$0x0] =	vst.idx.msk $0xffff, v19;
	v18 =	vld [tilespmem:s12+$0x30];
	v9 =	vadd.f32 v9, v6  }
0x2b4: {  	v11 =	vadd.s32 v4, v11;
	v19 =	vld [tilespmem:s12+$0xFFFFFFB0];
	[tilespmem:v7+s9+$0x0] =	vst.idx.msk $0xffff, v13;
	v7 =	vadd.f32 v15, v6  }
0x2b5: {  	v12 =	vadd.s32 v4, v12;
	v13 =	vld [tilespmem:s13+$0x70];
	v6 =	vadd.f32 v20, v6;
	[tilespmem:v23+s9+$0x0] =	vst.idx.msk $0xffff, v9  }
0x2b6: {  	v10 =	vadd.s32 v4, v10;
	v9 =	vadd.f32 v24, v5;
	v15 =	vld [tilespmem:s13+$0xFFFFFFF0];
	[tilespmem:v17+s9+$0x0] =	vst.idx.msk $0xffff, v7  }
0x2b7: {  	v7 =	vadd.f32 v22, v5;
	v17 =	vadd.s32 v4, v27;
	[tilespmem:v16+s9+$0x0] =	vst.idx.msk $0xffff, v6;
	v6 =	vld [tilespmem:s13+$0x30]  }
0x2b8: {  	v16 =	vadd.s32 v4, v28;
	[tilespmem:v8+s9+$0x0] =	vst.idx.msk $0xffff, v9;
	v8 =	vadd.f32 v18, v5;
	v9 =	vld [tilespmem:s13+$0xFFFFFFB0]  }
0x2b9: {  	v18 =	vadd.f32 v19, v5;
	[tilespmem:v11+s9+$0x0] =	vst.idx.msk $0xffff, v7;
	v7 =	vadd.s32 v4, v31  }
0x2ba: {  	v11 =	vadd.s32 v4, v14;
	[tilespmem:v12+s9+$0x0] =	vst.idx.msk $0xffff, v8;
	v8 =	vadd.f32 v13, v5  }
0x2bb: {  	[tilespmem:v10+s9+$0x0] =	vst.idx.msk $0xffff, v18;
	v10 =	vadd.f32 v15, v5  }
0x2bc: {  	[tilespmem:v17+s9+$0x0] =	vst.idx.msk $0xffff, v8;
	v6 =	vadd.f32 v6, v5  }
0x2bd: {  	v5 =	vadd.f32 v9, v5;
	[tilespmem:v16+s9+$0x0] =	vst.idx.msk $0xffff, v10  }
0x2be: {  	[tilespmem:v7+s9+$0x0] =	vst.idx.msk $0xffff, v6  }
0x2bf: {  	[tilespmem:v11+s9+$0x0] =	vst.idx.msk $0xffff, v5  }
0x2c0: {  	s12 =	simm.s32 $0x0;
	s14 =	rddreg [dreg:$0x6]  }
0x2c1: {  	[hbm4b:s14+s12] =	stream.linear.scatter [tilespmem:s9], [sflag:$0x3], $0x80, $0x38;
	[tilespmem:$0x11A00] =	vst v63  }
0x2c2: {  	s17 =	simm.s32 $0xA488;
	s16 =	sadd.s32 $0x10, s14  }
0x2c3: {  	[hbm4b:s16+s12] =	stream.linear.scatter [tilespmem:s17], [sflag:$0x3], $0x80, $0x38;
	[tilespmem:$0x11A00] =	vst v63  }
0x2c4: {  	s19 =	simm.s32 $0xA510;
	s18 =	sadd.s32 $0x20, s14  }
0x2c5: {  	[hbm4b:s18+s12] =	stream.linear.scatter [tilespmem:s19], [sflag:$0x3], $0x80, $0x38;
	[tilespmem:$0x11A00] =	vst v63  }
0x2c6: {  	s16 =	sadd.s32 $0x30, s14;
	s17 =	simm.s32 $0xA598  }
0x2c7: {  	[hbm4b:s16+s12] =	stream.linear.scatter [tilespmem:s17], [sflag:$0x3], $0x80, $0x38;
	[tilespmem:$0x11A00] =	vst v63  }
0x2c8: {  	s18 =	sadd.s32 $0x40, s14;
	s19 =	simm.s32 $0xA620  }
0x2c9: {  	[hbm4b:s18+s12] =	stream.linear.scatter [tilespmem:s19], [sflag:$0x3], $0x80, $0x38;
	[tilespmem:$0x11A00] =	vst v63  }
0x2ca: {  	s16 =	sadd.s32 $0x50, s14;
	s17 =	simm.s32 $0xA6A8  }
0x2cb: {  	[hbm4b:s16+s12] =	stream.linear.scatter [tilespmem:s17], [sflag:$0x3], $0x80, $0x38;
	[tilespmem:$0x11A00] =	vst v63  }
0x2cc: {  	s18 =	sadd.s32 $0x60, s14;
	s19 =	simm.s32 $0xA730  }
0x2cd: {  	[hbm4b:s18+s12] =	stream.linear.scatter [tilespmem:s19], [sflag:$0x3], $0x80, $0x38;
	[tilespmem:$0x11A00] =	vst v63  }
0x2ce: {  	s15 =	sadd.s32 $0x70, s14;
	s16 =	simm.s32 $0xA7B8  }
0x2cf: {  	[hbm4b:s15+s12] =	stream.linear.scatter [tilespmem:s16], [sflag:$0x3], $0x80, $0x38;
	[tilespmem:$0x11A00] =	vst v63  }
0x2d0: {  	s14 =	rddreg [dreg:$0x7];
	s17 =	simm.s32 $0xA840  }
0x2d1: {  	[hbm4b:s14+s12] =	stream.linear.scatter [tilespmem:s17], [sflag:$0x3], $0x80, $0x38;
	[tilespmem:$0x11A00] =	vst v63  }
0x2d2: {  	s18 =	sadd.s32 $0x10, s14;
	s19 =	simm.s32 $0xA8C8  }
0x2d3: {  	[hbm4b:s18+s12] =	stream.linear.scatter [tilespmem:s19], [sflag:$0x3], $0x80, $0x38;
	[tilespmem:$0x11A00] =	vst v63  }
0x2d4: {  	s16 =	sadd.s32 $0x20, s14;
	s17 =	simm.s32 $0xA950  }
0x2d5: {  	[hbm4b:s16+s12] =	stream.linear.scatter [tilespmem:s17], [sflag:$0x3], $0x80, $0x38;
	[tilespmem:$0x11A00] =	vst v63  }
0x2d6: {  	s18 =	sadd.s32 $0x30, s14;
	s19 =	simm.s32 $0xA9D8  }
0x2d7: {  	[hbm4b:s18+s12] =	stream.linear.scatter [tilespmem:s19], [sflag:$0x3], $0x80, $0x38;
	[tilespmem:$0x11A00] =	vst v63  }
0x2d8: {  	s16 =	sadd.s32 $0x40, s14;
	s17 =	simm.s32 $0xAA60  }
0x2d9: {  	[hbm4b:s16+s12] =	stream.linear.scatter [tilespmem:s17], [sflag:$0x3], $0x80, $0x38;
	[tilespmem:$0x11A00] =	vst v63  }
0x2da: {  	s18 =	sadd.s32 $0x50, s14;
	s19 =	simm.s32 $0xAAE8  }
0x2db: {  	[hbm4b:s18+s12] =	stream.linear.scatter [tilespmem:s19], [sflag:$0x3], $0x80, $0x38;
	[tilespmem:$0x11A00] =	vst v63  }
0x2dc: {  	s16 =	sadd.s32 $0x60, s14;
	s17 =	simm.s32 $0xAB70  }
0x2dd: {  	[hbm4b:s16+s12] =	stream.linear.scatter [tilespmem:s17], [sflag:$0x3], $0x80, $0x38;
	[tilespmem:$0x11A00] =	vst v63  }
0x2de: {  	s18 =	sadd.s32 $0x70, s14;
	s19 =	simm.s32 $0xABF8  }
0x2df: {  	[hbm4b:s18+s12] =	stream.linear.scatter [tilespmem:s19], [sflag:$0x3], $0x80, $0x38;
	[tilespmem:$0x11A00] =	vst v63  }
0x2e0: {  	s15 =	simm.s32 $0xAC80;
	s14 =	rddreg [dreg:$0x8]  }
0x2e1: {  	[hbm4b:s14+s12] =	stream.linear.scatter [tilespmem:s15], [sflag:$0x3], $0x80, $0x38;
	[tilespmem:$0x11A00] =	vst v63  }
0x2e2: {  	s16 =	sadd.s32 $0x10, s14;
	s17 =	simm.s32 $0xAD08  }
0x2e3: {  	[hbm4b:s16+s12] =	stream.linear.scatter [tilespmem:s17], [sflag:$0x3], $0x80, $0x38;
	[tilespmem:$0x11A00] =	vst v63  }
0x2e4: {  	s18 =	sadd.s32 $0x20, s14;
	s19 =	simm.s32 $0xAD90  }
0x2e5: {  	[hbm4b:s18+s12] =	stream.linear.scatter [tilespmem:s19], [sflag:$0x3], $0x80, $0x38;
	[tilespmem:$0x11A00] =	vst v63  }
0x2e6: {  	s16 =	sadd.s32 $0x30, s14;
	s17 =	simm.s32 $0xAE18  }
0x2e7: {  	[hbm4b:s16+s12] =	stream.linear.scatter [tilespmem:s17], [sflag:$0x3], $0x80, $0x38;
	[tilespmem:$0x11A00] =	vst v63  }
0x2e8: {  	s18 =	sadd.s32 $0x40, s14;
	s19 =	simm.s32 $0xAEA0  }
0x2e9: {  	[hbm4b:s18+s12] =	stream.linear.scatter [tilespmem:s19], [sflag:$0x3], $0x80, $0x38;
	[tilespmem:$0x11A00] =	vst v63  }
0x2ea: {  	s16 =	sadd.s32 $0x50, s14;
	s17 =	simm.s32 $0xAF28  }
0x2eb: {  	[hbm4b:s16+s12] =	stream.linear.scatter [tilespmem:s17], [sflag:$0x3], $0x80, $0x38;
	[tilespmem:$0x11A00] =	vst v63  }
0x2ec: {  	s18 =	sadd.s32 $0x60, s14;
	s19 =	simm.s32 $0xAFB0  }
0x2ed: {  	[hbm4b:s18+s12] =	stream.linear.scatter [tilespmem:s19], [sflag:$0x3], $0x80, $0x38;
	[tilespmem:$0x11A00] =	vst v63  }
0x2ee: {  	s15 =	sadd.s32 $0x70, s14;
	s16 =	simm.s32 $0xB038  }
0x2ef: {  	[hbm4b:s15+s12] =	stream.linear.scatter [tilespmem:s16], [sflag:$0x3], $0x80, $0x38;
	[tilespmem:$0x11A00] =	vst v63  }
0x2f0: {  	s14 =	rddreg [dreg:$0x9];
	s17 =	simm.s32 $0xB0C0  }
0x2f1: {  	[hbm4b:s14+s12] =	stream.linear.scatter [tilespmem:s17], [sflag:$0x3], $0x80, $0x38;
	[tilespmem:$0x11A00] =	vst v63  }
0x2f2: {  	s18 =	sadd.s32 $0x10, s14;
	s19 =	simm.s32 $0xB148  }
0x2f3: {  	[hbm4b:s18+s12] =	stream.linear.scatter [tilespmem:s19], [sflag:$0x3], $0x80, $0x38;
	[tilespmem:$0x11A00] =	vst v63  }
0x2f4: {  	s16 =	sadd.s32 $0x20, s14;
	s17 =	simm.s32 $0xB1D0  }
0x2f5: {  	[hbm4b:s16+s12] =	stream.linear.scatter [tilespmem:s17], [sflag:$0x3], $0x80, $0x38;
	[tilespmem:$0x11A00] =	vst v63  }
0x2f6: {  	s18 =	sadd.s32 $0x30, s14;
	s19 =	simm.s32 $0xB258  }
0x2f7: {  	[hbm4b:s18+s12] =	stream.linear.scatter [tilespmem:s19], [sflag:$0x3], $0x80, $0x38;
	[tilespmem:$0x11A00] =	vst v63  }
0x2f8: {  	s16 =	sadd.s32 $0x40, s14;
	s17 =	simm.s32 $0xB2E0  }
0x2f9: {  	[hbm4b:s16+s12] =	stream.linear.scatter [tilespmem:s17], [sflag:$0x3], $0x80, $0x38;
	[tilespmem:$0x11A00] =	vst v63  }
0x2fa: {  	s18 =	sadd.s32 $0x50, s14;
	s19 =	simm.s32 $0xB368  }
0x2fb: {  	[hbm4b:s18+s12] =	stream.linear.scatter [tilespmem:s19], [sflag:$0x3], $0x80, $0x38;
	[tilespmem:$0x11A00] =	vst v63  }
0x2fc: {  	s16 =	sadd.s32 $0x60, s14;
	s17 =	simm.s32 $0xB3F0  }
0x2fd: {  	[hbm4b:s16+s12] =	stream.linear.scatter [tilespmem:s17], [sflag:$0x3], $0x80, $0x38;
	[tilespmem:$0x11A00] =	vst v63  }
0x2fe: {  	s18 =	sadd.s32 $0x70, s14;
	s19 =	simm.s32 $0xB478  }
0x2ff: {  	[hbm4b:s18+s12] =	stream.linear.scatter [tilespmem:s19], [sflag:$0x3], $0x80, $0x38;
	[tilespmem:$0x11A00] =	vst v63  }
0x300: {  	s15 =	simm.s32 $0xB500;
	s14 =	rddreg [dreg:$0xa]  }
0x301: {  	[hbm4b:s14+s12] =	stream.linear.scatter [tilespmem:s15], [sflag:$0x3], $0x80, $0x38;
	[tilespmem:$0x11A00] =	vst v63  }
0x302: {  	s16 =	sadd.s32 $0x10, s14;
	s17 =	simm.s32 $0xB588  }
0x303: {  	[hbm4b:s16+s12] =	stream.linear.scatter [tilespmem:s17], [sflag:$0x3], $0x80, $0x38;
	[tilespmem:$0x11A00] =	vst v63  }
0x304: {  	s18 =	sadd.s32 $0x20, s14;
	s19 =	simm.s32 $0xB610  }
0x305: {  	[hbm4b:s18+s12] =	stream.linear.scatter [tilespmem:s19], [sflag:$0x3], $0x80, $0x38;
	[tilespmem:$0x11A00] =	vst v63  }
0x306: {  	s16 =	sadd.s32 $0x30, s14;
	s17 =	simm.s32 $0xB698  }
0x307: {  	[hbm4b:s16+s12] =	stream.linear.scatter [tilespmem:s17], [sflag:$0x3], $0x80, $0x38;
	[tilespmem:$0x11A00] =	vst v63  }
0x308: {  	s18 =	sadd.s32 $0x40, s14;
	s19 =	simm.s32 $0xB720  }
0x309: {  	[hbm4b:s18+s12] =	stream.linear.scatter [tilespmem:s19], [sflag:$0x3], $0x80, $0x38;
	[tilespmem:$0x11A00] =	vst v63  }
0x30a: {  	s16 =	sadd.s32 $0x50, s14;
	s17 =	simm.s32 $0xB7A8  }
0x30b: {  	[hbm4b:s16+s12] =	stream.linear.scatter [tilespmem:s17], [sflag:$0x3], $0x80, $0x38;
	[tilespmem:$0x11A00] =	vst v63  }
0x30c: {  	s18 =	sadd.s32 $0x60, s14;
	s19 =	simm.s32 $0xB830  }
0x30d: {  	[hbm4b:s18+s12] =	stream.linear.scatter [tilespmem:s19], [sflag:$0x3], $0x80, $0x38;
	[tilespmem:$0x11A00] =	vst v63  }
0x30e: {  	s15 =	sadd.s32 $0x70, s14;
	s16 =	simm.s32 $0xB8B8  }
0x30f: {  	[hbm4b:s15+s12] =	stream.linear.scatter [tilespmem:s16], [sflag:$0x3], $0x80, $0x38;
	[tilespmem:$0x11A00] =	vst v63  }
0x310: {  	s14 =	rddreg [dreg:$0xb];
	s17 =	simm.s32 $0xB940  }
0x311: {  	[hbm4b:s14+s12] =	stream.linear.scatter [tilespmem:s17], [sflag:$0x3], $0x80, $0x38;
	[tilespmem:$0x11A00] =	vst v63  }
0x312: {  	s18 =	sadd.s32 $0x10, s14;
	s19 =	simm.s32 $0xB9C8  }
0x313: {  	[hbm4b:s18+s12] =	stream.linear.scatter [tilespmem:s19], [sflag:$0x3], $0x80, $0x38;
	[tilespmem:$0x11A00] =	vst v63  }
0x314: {  	s16 =	sadd.s32 $0x20, s14;
	s17 =	simm.s32 $0xBA50  }
0x315: {  	[hbm4b:s16+s12] =	stream.linear.scatter [tilespmem:s17], [sflag:$0x3], $0x80, $0x38;
	[tilespmem:$0x11A00] =	vst v63  }
0x316: {  	s18 =	sadd.s32 $0x30, s14;
	s19 =	simm.s32 $0xBAD8  }
0x317: {  	[hbm4b:s18+s12] =	stream.linear.scatter [tilespmem:s19], [sflag:$0x3], $0x80, $0x38;
	[tilespmem:$0x11A00] =	vst v63  }
0x318: {  	s16 =	sadd.s32 $0x40, s14;
	s17 =	simm.s32 $0xBB60  }
0x319: {  	[hbm4b:s16+s12] =	stream.linear.scatter [tilespmem:s17], [sflag:$0x3], $0x80, $0x38;
	[tilespmem:$0x11A00] =	vst v63  }
0x31a: {  	s18 =	sadd.s32 $0x50, s14;
	s19 =	simm.s32 $0xBBE8  }
0x31b: {  	[hbm4b:s18+s12] =	stream.linear.scatter [tilespmem:s19], [sflag:$0x3], $0x80, $0x38;
	[tilespmem:$0x11A00] =	vst v63  }
0x31c: {  	s16 =	sadd.s32 $0x60, s14;
	s17 =	simm.s32 $0xBC70  }
0x31d: {  	[hbm4b:s16+s12] =	stream.linear.scatter [tilespmem:s17], [sflag:$0x3], $0x80, $0x38;
	[tilespmem:$0x11A00] =	vst v63  }
0x31e: {  	s18 =	sadd.s32 $0x70, s14;
	s19 =	simm.s32 $0xBCF8  }
0x31f: {  	[hbm4b:s18+s12] =	stream.linear.scatter [tilespmem:s19], [sflag:$0x3], $0x80, $0x38;
	[tilespmem:$0x11A00] =	vst v63  }
0x320: {  	s15 =	simm.s32 $0xBD80;
	s14 =	rddreg [dreg:$0xc]  }
0x321: {  	[hbm4b:s14+s12] =	stream.linear.scatter [tilespmem:s15], [sflag:$0x3], $0x80, $0x38;
	[tilespmem:$0x11A00] =	vst v63  }
0x322: {  	s16 =	sadd.s32 $0x10, s14;
	s17 =	simm.s32 $0xBE08  }
0x323: {  	[hbm4b:s16+s12] =	stream.linear.scatter [tilespmem:s17], [sflag:$0x3], $0x80, $0x38;
	[tilespmem:$0x11A00] =	vst v63  }
0x324: {  	s18 =	sadd.s32 $0x20, s14;
	s19 =	simm.s32 $0xBE90  }
0x325: {  	[hbm4b:s18+s12] =	stream.linear.scatter [tilespmem:s19], [sflag:$0x3], $0x80, $0x38;
	[tilespmem:$0x11A00] =	vst v63  }
0x326: {  	s16 =	sadd.s32 $0x30, s14;
	s17 =	simm.s32 $0xBF18  }
0x327: {  	[hbm4b:s16+s12] =	stream.linear.scatter [tilespmem:s17], [sflag:$0x3], $0x80, $0x38;
	[tilespmem:$0x11A00] =	vst v63  }
0x328: {  	s18 =	sadd.s32 $0x40, s14;
	s19 =	simm.s32 $0xBFA0  }
0x329: {  	[hbm4b:s18+s12] =	stream.linear.scatter [tilespmem:s19], [sflag:$0x3], $0x80, $0x38;
	[tilespmem:$0x11A00] =	vst v63  }
0x32a: {  	s16 =	sadd.s32 $0x50, s14;
	s17 =	simm.s32 $0xC028  }
0x32b: {  	[hbm4b:s16+s12] =	stream.linear.scatter [tilespmem:s17], [sflag:$0x3], $0x80, $0x38;
	[tilespmem:$0x11A00] =	vst v63  }
0x32c: {  	s18 =	sadd.s32 $0x60, s14;
	s19 =	simm.s32 $0xC0B0  }
0x32d: {  	[hbm4b:s18+s12] =	stream.linear.scatter [tilespmem:s19], [sflag:$0x3], $0x80, $0x38;
	[tilespmem:$0x11A00] =	vst v63  }
0x32e: {  	s15 =	sadd.s32 $0x70, s14;
	s16 =	simm.s32 $0xC138  }
0x32f: {  	[hbm4b:s15+s12] =	stream.linear.scatter [tilespmem:s16], [sflag:$0x3], $0x80, $0x38;
	[tilespmem:$0x11A00] =	vst v63  }
0x330: {  	s14 =	rddreg [dreg:$0xd];
	s17 =	simm.s32 $0xC1C0  }
0x331: {  	[hbm4b:s14+s12] =	stream.linear.scatter [tilespmem:s17], [sflag:$0x3], $0x80, $0x38;
	[tilespmem:$0x11A00] =	vst v63  }
0x332: {  	s18 =	sadd.s32 $0x10, s14;
	s19 =	simm.s32 $0xC248  }
0x333: {  	[hbm4b:s18+s12] =	stream.linear.scatter [tilespmem:s19], [sflag:$0x3], $0x80, $0x38;
	[tilespmem:$0x11A00] =	vst v63  }
0x334: {  	s16 =	sadd.s32 $0x20, s14;
	s17 =	simm.s32 $0xC2D0  }
0x335: {  	[hbm4b:s16+s12] =	stream.linear.scatter [tilespmem:s17], [sflag:$0x3], $0x80, $0x38;
	[tilespmem:$0x11A00] =	vst v63  }
0x336: {  	s18 =	sadd.s32 $0x30, s14;
	s19 =	simm.s32 $0xC358  }
0x337: {  	[hbm4b:s18+s12] =	stream.linear.scatter [tilespmem:s19], [sflag:$0x3], $0x80, $0x38;
	[tilespmem:$0x11A00] =	vst v63  }
0x338: {  	s16 =	sadd.s32 $0x40, s14;
	s17 =	simm.s32 $0xC3E0  }
0x339: {  	[hbm4b:s16+s12] =	stream.linear.scatter [tilespmem:s17], [sflag:$0x3], $0x80, $0x38;
	[tilespmem:$0x11A00] =	vst v63  }
0x33a: {  	s18 =	sadd.s32 $0x50, s14;
	s19 =	simm.s32 $0xC468  }
0x33b: {  	[hbm4b:s18+s12] =	stream.linear.scatter [tilespmem:s19], [sflag:$0x3], $0x80, $0x38;
	[tilespmem:$0x11A00] =	vst v63  }
0x33c: {  	s15 =	sadd.s32 $0x60, s14;
	s16 =	simm.s32 $0xC4F0  }
0x33d: {  	[hbm4b:s15+s12] =	stream.linear.scatter [tilespmem:s16], [sflag:$0x3], $0x80, $0x38;
	[tilespmem:$0x11A00] =	vst v63  }
0x33e: {  	s17 =	sadd.s32 $0x70, s14;
	s18 =	simm.s32 $0xC578  }
0x33f: {  	[hbm4b:s17+s12] =	stream.linear.scatter [tilespmem:s18], [sflag:$0x3], $0x80, $0x38;
	[tilespmem:$0x11A00] =	vst v63  }
0x340: {  	_ =	swait.ge [sflag:s22], $0x2000  }
0x341: {  	[sflag:s22] =	ssyncset.done $0x0  }
0x342: {  	[sflag:s22] =	ssyncadd.s32 $0xFFFFE000  }
0x343: {  	_ =	swait.ge [sflag:s11], $0x400  }
0x344: {  	[sflag:s11] =	ssyncset.done $0x0  }
0x345: {  	[sflag:s11] =	ssyncadd.s32 $0xFFFFFC00  }
0x346: {  	_ =	swait.ge [sflag:s11], $0x400  }
0x347: {  	[sflag:s11] =	ssyncset.done $0x0  }
0x348: {  	[sflag:s11] =	ssyncadd.s32 $0xFFFFFC00  }
0x349: {  	_ =	swait.ge [sflag:s11], $0x400  }
0x34a: {  	[sflag:s11] =	ssyncset.done $0x0  }
0x34b: {  	[sflag:s11] =	ssyncadd.s32 $0xFFFFFC00  }
0x34c: {  	_ =	swait.ge [sflag:s11], $0x400  }
0x34d: {  	[sflag:s11] =	ssyncset.done $0x0  }
0x34e: {  	[sflag:s11] =	ssyncadd.s32 $0xFFFFFC00  }
0x34f: {  	_ =	swait.ge [sflag:s11], $0x400  }
0x350: {  	[sflag:s11] =	ssyncset.done $0x0  }
0x351: {  	[sflag:s11] =	ssyncadd.s32 $0xFFFFFC00  }
0x352: {  	_ =	swait.ge [sflag:s11], $0x400  }
0x353: {  	[sflag:s11] =	ssyncset.done $0x0  }
0x354: {  	[sflag:s11] =	ssyncadd.s32 $0xFFFFFC00  }
0x355: {  	_ =	swait.ge [sflag:s11], $0x400  }
0x356: {  	[sflag:s11] =	ssyncset.done $0x0  }
0x357: {  	[sflag:s11] =	ssyncadd.s32 $0xFFFFFC00  }
0x358: {  	_ =	swait.ge [sflag:s11], $0x400  }
0x359: {  	[sflag:s11] =	ssyncset.done $0x0  }
0x35a: {  	[sflag:s11] =	ssyncadd.s32 $0xFFFFFC00  }
0x35b: {  	s19 =	simm.s32 $0x3;
	s15 =	simm.s32 $0x8480;
	v10 =	vld [tilespmem:$0x119C0]  }
0x35c: {  	v8 =	vmov s19;
	v9 =	vld [tilespmem:s15+$0x40]  }
0x35d: {  	v14 =	vand.u32 $0x7F, v8  }
0x35e: {  	v11 =	vmov s12;
	v8 =	vadd.s32 v0, v14;
	v7 =	vld [tilespmem:$0x119D0]  }
0x35f: {  	s13 =	simm.s32 $0x1;
	v13 =	vand.u32 $0x7C, v11;
	v12 =	vld [tilespmem:s15+$0xFFFFFF80]  }
0x360: {  	v11 =	vmov s13;
	v17 =	vadd.s32 v0, v13;
	s14 =	simm.s32 $0x2;
	v15 =	vld [tilespmem:s15+$0xFFFFFFC0]  }
0x361: {  	v20 =	vand.u32 $0x7D, v11;
	v16 =	vmov s14;
	v11 =	vld [tilespmem:s15+$0x0];
	v9 =	vadd.f32 v9, v10  }
0x362: {  	v18 =	vadd.s32 v0, v20;
	v21 =	vand.u32 $0x7E, v16;
	v6 =	vld [tilespmem:$0x119E0]  }
0x363: {  	v16 =	vadd.s32 v0, v21;
	v5 =	vld [tilespmem:$0x119F0];
	[tilespmem:v8+s23+$0x0] =	vst.idx.msk $0xffff, v9  }
0x364: {  	v8 =	vadd.f32 v12, v10;
	v9 =	vld [tilespmem:s15+$0x50]  }
0x365: {  	v12 =	vadd.f32 v15, v10  }
0x366: {  	[tilespmem:v17+s23+$0x0] =	vst.idx.msk $0xffff, v8;
	v8 =	vadd.f32 v11, v10;
	v11 =	vadd.s32 v2, v14  }
0x367: {  	[tilespmem:v18+s23+$0x0] =	vst.idx.msk $0xffff, v12;
	v15 =	vld [tilespmem:s15+$0xFFFFFF90]  }
0x368: {  	v12 =	vld [tilespmem:s15+$0xFFFFFFD0];
	[tilespmem:v16+s23+$0x0] =	vst.idx.msk $0xffff, v8  }
0x369: {  	v16 =	vld [tilespmem:s15+$0x10];
	v8 =	vadd.f32 v9, v7  }
0x36a: {  	s17 =	simm.s32 $0x7;
	s12 =	simm.s32 $0x8580;
	v17 =	vadd.s32 v2, v20  }
0x36b: {  	v22 =	vadd.s32 v2, v13;
	s16 =	simm.s32 $0x4;
	v19 =	vld [tilespmem:s12+$0x40];
	v18 =	vadd.s32 v2, v21;
	[tilespmem:v11+s23+$0x0] =	vst.idx.msk $0xffff, v8;
	v8 =	vmov s17  }
0x36c: {  	v27 =	vadd.s32 v3, v14;
	v9 =	vmov s16;
	v8 =	vand.u32 $0x7F, v8;
	v23 =	vld [tilespmem:s15+$0x60]  }
0x36d: {  	s18 =	simm.s32 $0x5;
	v24 =	vld [tilespmem:s12+$0xFFFFFF80];
	v9 =	vand.u32 $0x7C, v9;
	v11 =	vadd.f32 v12, v7;
	v25 =	vadd.s32 v0, v8  }
0x36e: {  	s19 =	simm.s32 $0x6;
	v26 =	vld [tilespmem:s12+$0xFFFFFFC0];
	v15 =	vadd.f32 v15, v7;
	v12 =	vadd.f32 v16, v7;
	v16 =	vmov s18  }
0x36f: {  	v28 =	vadd.s32 v0, v9;
	[tilespmem:v17+s23+$0x0] =	vst.idx.msk $0xffff, v11;
	v17 =	vmov s19;
	v11 =	vand.u32 $0x7D, v16;
	v16 =	vld [tilespmem:s12+$0x0]  }
0x370: {  	[tilespmem:v18+s23+$0x0] =	vst.idx.msk $0xffff, v12;
	v18 =	vadd.s32 v0, v11;
	v12 =	vand.u32 $0x7E, v17;
	v17 =	vadd.f32 v19, v10;
	v19 =	vld [tilespmem:s15+$0xFFFFFFE0]  }
0x371: {  	[tilespmem:v22+s23+$0x0] =	vst.idx.msk $0xffff, v15;
	v15 =	vadd.s32 v0, v12;
	v22 =	vld [tilespmem:s15+$0x20];
	v23 =	vadd.f32 v23, v6  }
0x372: {  	v24 =	vadd.f32 v24, v10;
	[tilespmem:v25+s23+$0x0] =	vst.idx.msk $0xffff, v17;
	v17 =	vld [tilespmem:s15+$0xFFFFFFA0];
	v25 =	vadd.s32 v3, v20  }
0x373: {  	v61 =	vadd.s32 v3, v21;
	v26 =	vadd.f32 v26, v10;
	v29 =	vld [tilespmem:s12+$0x50];
	[tilespmem:v27+s23+$0x0] =	vst.idx.msk $0xffff, v23  }
0x374: {  	[tilespmem:v28+s23+$0x0] =	vst.idx.msk $0xffff, v24;
	v24 =	vadd.s32 v3, v13;
	v16 =	vadd.f32 v16, v10;
	v27 =	vld [tilespmem:s15+$0x70]  }
0x375: {  	v28 =	vld [tilespmem:s12+$0xFFFFFF90];
	[tilespmem:v18+s23+$0x0] =	vst.idx.msk $0xffff, v26;
	v26 =	vadd.s32 v2, v8;
	v19 =	vadd.f32 v19, v6  }
0x376: {  	v63 =	vadd.s32 v4, v14;
	v62 =	vld [tilespmem:s12+$0xFFFFFFD0];
	[tilespmem:v15+s23+$0x0] =	vst.idx.msk $0xffff, v16;
	v15 =	vadd.f32 v22, v6  }
0x377: {  	v23 =	vadd.s32 v2, v9;
	v18 =	vld [tilespmem:s12+$0x10];
	v14 =	vadd.f32 v17, v6;
	[tilespmem:v25+s23+$0x0] =	vst.idx.msk $0xffff, v19  }
0x378: {  	s14 =	simm.s32 $0x8;
	v22 =	vadd.s32 v2, v11;
	[tilespmem:v61+s23+$0x0] =	vst.idx.msk $0xffff, v15;
	v19 =	vadd.f32 v29, v7;
	v17 =	vld [tilespmem:s15+$0xFFFFFFF0]  }
0x379: {  	v25 =	vmov s14;
	v15 =	vadd.s32 v2, v12;
	v16 =	vld [tilespmem:s15+$0x30];
	[tilespmem:v24+s23+$0x0] =	vst.idx.msk $0xffff, v14;
	v29 =	vadd.f32 v27, v5  }
0x37a: {  	s13 =	simm.s32 $0x8680;
	s16 =	simm.s32 $0xB;
	v20 =	vadd.s32 v4, v20;
	v14 =	vand.u32 $0x7C, v25;
	v25 =	vadd.f32 v28, v7;
	[tilespmem:v26+s23+$0x0] =	vst.idx.msk $0xffff, v19;
	v19 =	vld [tilespmem:s15+$0xFFFFFFB0]  }
0x37b: {  	v21 =	vadd.s32 v4, v21;
	v27 =	vmov s16;
	v24 =	vld [tilespmem:s13+$0x40];
	s15 =	simm.s32 $0xC;
	v26 =	vadd.f32 v62, v7;
	[tilespmem:v63+s23+$0x0] =	vst.idx.msk $0xffff, v29  }
.LBB2_12:
0x37c: {  	p0 =	slt.u32 s15, $0x7C;
	s16 =	sadd.s32 $0x1, s14;
	v27 =	vand.u32 $0x7F, v27;
	[tilespmem:v23+s23+$0x0] =	vst.idx.msk $0xffff, v25;
	v18 =	vadd.f32 v18, v7;
	v23 =	vld [tilespmem:s12+$0x60];
	v25 =	vadd.s32 v4, v13  }
0x37d: {  	v31 =	vmovc v12;
	v28 =	vld [tilespmem:s13+$0xFFFFFF80];
	v29 =	vmov s16;
	s16 =	sadd.s32 $0x2, s14;
	v30 =	vadd.s32 v0, v27;
	[tilespmem:v22+s23+$0x0] =	vst.idx.msk $0xffff, v26;
	v17 =	vadd.f32 v17, v5;
	s14 =	smov.u32 s15  }
0x37e: {  	v13 =	vmovc v9;
	v22 =	vld [tilespmem:s13+$0xFFFFFFC0];
	v12 =	vmov s16;
	[tilespmem:v15+s23+$0x0] =	vst.idx.msk $0xffff, v18;
	v15 =	vadd.s32 v3, v8;
	v16 =	vadd.f32 v16, v5  }
0x37f: {  	v18 =	vadd.s32 v0, v14;
	v29 =	vand.u32 $0x7D, v29;
	v26 =	vld [tilespmem:s13+$0x0];
	v32 =	vadd.f32 v19, v5;
	[tilespmem:v20+s23+$0x0] =	vst.idx.msk $0xffff, v17  }
0x380: {  	v17 =	vadd.s32 v0, v29;
	v12 =	vand.u32 $0x7E, v12;
	v19 =	vadd.f32 v24, v10;
	v20 =	vld [tilespmem:s12+$0xFFFFFFE0];
	[tilespmem:v21+s23+$0x0] =	vst.idx.msk $0xffff, v16  }
0x381: {  	v9 =	vmov v14;
	v16 =	vadd.s32 v0, v12;
	v21 =	vld [tilespmem:s12+$0x20];
	v23 =	vadd.f32 v23, v6;
	[tilespmem:v25+s23+$0x0] =	vst.idx.msk $0xffff, v32  }
0x382: {  	v24 =	vadd.s32 v3, v11;
	v14 =	vadd.f32 v28, v10;
	[tilespmem:v30+s23+$0x0] =	vst.idx.msk $0xffff, v19;
	v19 =	vld [tilespmem:s12+$0xFFFFFFA0]  }
0x383: {  	v28 =	vadd.s32 v3, v31;
	v22 =	vadd.f32 v22, v10;
	v25 =	vld [tilespmem:s13+$0x50];
	[tilespmem:v15+s23+$0x0] =	vst.idx.msk $0xffff, v23  }
0x384: {  	[tilespmem:v18+s23+$0x0] =	vst.idx.msk $0xffff, v14;
	v14 =	vadd.f32 v26, v10;
	v26 =	vadd.s32 v3, v13;
	v30 =	vld [tilespmem:s12+$0x70]  }
0x385: {  	v33 =	vadd.s32 v2, v27;
	v32 =	vld [tilespmem:s13+$0xFFFFFF90];
	[tilespmem:v17+s23+$0x0] =	vst.idx.msk $0xffff, v22;
	v15 =	vadd.f32 v20, v6  }
0x386: {  	v35 =	vadd.s32 v4, v8;
	v8 =	vmov v27;
	v34 =	vld [tilespmem:s13+$0xFFFFFFD0];
	[tilespmem:v16+s23+$0x0] =	vst.idx.msk $0xffff, v14;
	v14 =	vadd.f32 v21, v6  }
.Ltmp5:
0x387: {  	v23 =	vadd.s32 v2, v9;
	v18 =	vld [tilespmem:s13+$0x10];
	v16 =	vadd.f32 v19, v6;
	[tilespmem:v24+s23+$0x0] =	vst.idx.msk $0xffff, v15;
	(pc) =	sbr.rel @p0 .LBB2_12-.Ltmp5, $4  }
0x388: {  	v22 =	vadd.s32 v2, v29;
	v19 =	vadd.f32 v25, v7;
	v17 =	vld [tilespmem:s12+$0xFFFFFFF0];
	[tilespmem:v28+s23+$0x0] =	vst.idx.msk $0xffff, v14  }
0x389: {  	v15 =	vadd.s32 v2, v12;
	v14 =	vmov s15;
	[tilespmem:v26+s23+$0x0] =	vst.idx.msk $0xffff, v16;
	v16 =	vld [tilespmem:s12+$0x30];
	v28 =	vadd.f32 v30, v5  }
0x38a: {  	s16 =	sadd.s32 $0x3, s15;
	v20 =	vadd.s32 v4, v11;
	v14 =	vand.u32 $0x7C, v14;
	v25 =	vadd.f32 v32, v7;
	[tilespmem:v33+s23+$0x0] =	vst.idx.msk $0xffff, v19;
	v19 =	vld [tilespmem:s12+$0xFFFFFFB0];
	s12 =	smov.u32 s13;
	s13 =	sadd.s32 $0x100, s13  }
0x38b: {  	v27 =	vmov s16;
	v11 =	vmovc v29;
	v21 =	vadd.s32 v4, v31;
	s15 =	sadd.s32 $0x4, s15;
	v24 =	vld [tilespmem:s13+$0x40];
	v26 =	vadd.f32 v34, v7;
	[tilespmem:v35+s23+$0x0] =	vst.idx.msk $0xffff, v28  }
0x38c: {  	s15 =	sadd.s32 $0x1, s14  }
0x38d: {  	v27 =	vand.u32 $0x7F, v27;
	s17 =	sadd.s32 $0x2, s14;
	v29 =	vld [tilespmem:s13+$0xFFFFFFC0];
	v28 =	vmov s15  }
0x38e: {  	v32 =	vld [tilespmem:s13+$0x0];
	v30 =	vadd.s32 v0, v27;
	v31 =	vmov s17;
	v28 =	vand.u32 $0x7D, v28  }
0x38f: {  	v33 =	vld [tilespmem:s13+$0xFFFFFF80];
	v31 =	vand.u32 $0x7E, v31;
	v34 =	vadd.s32 v0, v28  }
0x390: {  	v35 =	vadd.s32 v0, v31  }
0x391: {  	[tilespmem:v23+s23+$0x0] =	vst.idx.msk $0xffff, v25;
	v48 =	vadd.s32 v0, v14;
	v24 =	vadd.f32 v24, v10  }
0x392: {  	[tilespmem:v22+s23+$0x0] =	vst.idx.msk $0xffff, v26;
	v49 =	vadd.f32 v29, v10  }
0x393: {  	v50 =	vadd.f32 v32, v10;
	[tilespmem:v30+s23+$0x0] =	vst.idx.msk $0xffff, v24  }
0x394: {  	v51 =	vadd.f32 v33, v10;
	v52 =	vld [tilespmem:s13+$0x50];
	[tilespmem:v34+s23+$0x0] =	vst.idx.msk $0xffff, v49  }
0x395: {  	v18 =	vadd.f32 v18, v7;
	v13 =	vadd.s32 v4, v13;
	[tilespmem:v35+s23+$0x0] =	vst.idx.msk $0xffff, v50;
	v22 =	vld [tilespmem:s13+$0xFFFFFFD0]  }
0x396: {  	v17 =	vadd.f32 v17, v5;
	v53 =	vadd.s32 v2, v27;
	[tilespmem:v48+s23+$0x0] =	vst.idx.msk $0xffff, v51;
	v54 =	vld [tilespmem:s13+$0x10]  }
0x397: {  	[tilespmem:v15+s23+$0x0] =	vst.idx.msk $0xffff, v18;
	v55 =	vadd.f32 v16, v5;
	v57 =	vadd.s32 v2, v28;
	v56 =	vld [tilespmem:s13+$0xFFFFFF90]  }
0x398: {  	v58 =	vld [tilespmem:s12+$0x60];
	v19 =	vadd.f32 v19, v5;
	[tilespmem:v20+s23+$0x0] =	vst.idx.msk $0xffff, v17;
	v59 =	vadd.s32 v2, v31  }
0x399: {  	v61 =	vadd.s32 v2, v14;
	v60 =	vld [tilespmem:s12+$0xFFFFFFE0];
	[tilespmem:v21+s23+$0x0] =	vst.idx.msk $0xffff, v55;
	v62 =	vadd.f32 v52, v7  }
0x39a: {  	v63 =	vadd.s32 v3, v8;
	[tilespmem:v13+s23+$0x0] =	vst.idx.msk $0xffff, v19;
	v32 =	vld [tilespmem:s12+$0xFFFFFFA0];
	v30 =	vadd.f32 v22, v7  }
0x39b: {  	v29 =	vld [tilespmem:s12+$0x20];
	v33 =	vadd.s32 v3, v11;
	[tilespmem:v53+s23+$0x0] =	vst.idx.msk $0xffff, v62;
	v34 =	vadd.f32 v54, v7  }
0x39c: {  	v38 =	vadd.s32 v3, v9;
	v7 =	vadd.f32 v56, v7;
	v36 =	vld [tilespmem:s13+$0x60];
	[tilespmem:v57+s23+$0x0] =	vst.idx.msk $0xffff, v30  }
0x39d: {  	v37 =	vadd.f32 v58, v6;
	v35 =	vadd.s32 v3, v12;
	[tilespmem:v59+s23+$0x0] =	vst.idx.msk $0xffff, v34;
	v39 =	vld [tilespmem:s13+$0xFFFFFFE0]  }
0x39e: {  	v40 =	vadd.f32 v60, v6;
	[tilespmem:v61+s23+$0x0] =	vst.idx.msk $0xffff, v7;
	v7 =	vadd.s32 v3, v27;
	v41 =	vld [tilespmem:s13+$0x20]  }
0x39f: {  	v44 =	vadd.s32 v3, v28;
	[tilespmem:v63+s23+$0x0] =	vst.idx.msk $0xffff, v37;
	v19 =	vadd.f32 v32, v6;
	v43 =	vld [tilespmem:s13+$0xFFFFFFA0]  }
0x3a0: {  	v46 =	vadd.s32 v3, v31;
	v45 =	vld [tilespmem:s12+$0x70];
	v42 =	vadd.f32 v29, v6;
	[tilespmem:v33+s23+$0x0] =	vst.idx.msk $0xffff, v40  }
0x3a1: {  	v48 =	vadd.s32 v3, v14;
	[tilespmem:v38+s23+$0x0] =	vst.idx.msk $0xffff, v19;
	v22 =	vld [tilespmem:s12+$0xFFFFFFF0];
	v47 =	vadd.f32 v36, v6  }
0x3a2: {  	v49 =	vadd.s32 v4, v8;
	[tilespmem:v35+s23+$0x0] =	vst.idx.msk $0xffff, v42;
	v19 =	vld [tilespmem:s12+$0xFFFFFFB0];
	v10 =	vadd.f32 v39, v6  }
0x3a3: {  	v51 =	vadd.s32 v4, v11;
	v50 =	vld [tilespmem:s12+$0x30];
	[tilespmem:v7+s23+$0x0] =	vst.idx.msk $0xffff, v47;
	v7 =	vadd.f32 v41, v6  }
0x3a4: {  	v54 =	vadd.s32 v4, v9;
	v6 =	vadd.f32 v43, v6;
	v13 =	vld [tilespmem:s13+$0x70];
	[tilespmem:v44+s23+$0x0] =	vst.idx.msk $0xffff, v10  }
0x3a5: {  	v52 =	vadd.s32 v4, v12;
	v53 =	vadd.f32 v45, v5;
	[tilespmem:v46+s23+$0x0] =	vst.idx.msk $0xffff, v7;
	v55 =	vld [tilespmem:s13+$0xFFFFFFF0]  }
0x3a6: {  	v56 =	vadd.s32 v4, v27;
	v7 =	vadd.f32 v22, v5;
	[tilespmem:v48+s23+$0x0] =	vst.idx.msk $0xffff, v6;
	v6 =	vld [tilespmem:s13+$0x30]  }
0x3a7: {  	[tilespmem:v49+s23+$0x0] =	vst.idx.msk $0xffff, v53;
	v59 =	vadd.s32 v4, v28;
	v60 =	vadd.f32 v19, v5;
	v58 =	vld [tilespmem:s13+$0xFFFFFFB0]  }
0x3a8: {  	v57 =	vadd.f32 v50, v5;
	[tilespmem:v51+s23+$0x0] =	vst.idx.msk $0xffff, v7;
	v7 =	vadd.s32 v4, v31  }
0x3a9: {  	v62 =	vadd.s32 v4, v14;
	[tilespmem:v54+s23+$0x0] =	vst.idx.msk $0xffff, v60;
	v61 =	vadd.f32 v13, v5  }
0x3aa: {  	[tilespmem:v52+s23+$0x0] =	vst.idx.msk $0xffff, v57;
	v63 =	vadd.f32 v55, v5  }
0x3ab: {  	[tilespmem:v56+s23+$0x0] =	vst.idx.msk $0xffff, v61;
	v6 =	vadd.f32 v6, v5  }
0x3ac: {  	v5 =	vadd.f32 v58, v5;
	[tilespmem:v59+s23+$0x0] =	vst.idx.msk $0xffff, v63  }
0x3ad: {  	[tilespmem:v7+s23+$0x0] =	vst.idx.msk $0xffff, v6  }
0x3ae: {  	[tilespmem:v62+s23+$0x0] =	vst.idx.msk $0xffff, v5  }
0x3af: {  	s13 =	rddreg [dreg:$0xe]  }
0x3b0: {  	[hbm4b:s13+s3] =	stream.linear.scatter [tilespmem:s23], [sflag:$0x4], $0x80, $0x38;
	[tilespmem:$0x11A00] =	vst v63  }
0x3b1: {  	s19 =	simm.s32 $0xC688;
	s18 =	sadd.s32 $0x10, s13  }
0x3b2: {  	[hbm4b:s18+s3] =	stream.linear.scatter [tilespmem:s19], [sflag:$0x4], $0x80, $0x38;
	[tilespmem:$0x11A00] =	vst v63  }
0x3b3: {  	s17 =	simm.s32 $0xC710;
	s16 =	sadd.s32 $0x20, s13  }
0x3b4: {  	[hbm4b:s16+s3] =	stream.linear.scatter [tilespmem:s17], [sflag:$0x4], $0x80, $0x38;
	[tilespmem:$0x11A00] =	vst v63  }
0x3b5: {  	s18 =	sadd.s32 $0x30, s13;
	s19 =	simm.s32 $0xC798  }
0x3b6: {  	[hbm4b:s18+s3] =	stream.linear.scatter [tilespmem:s19], [sflag:$0x4], $0x80, $0x38;
	[tilespmem:$0x11A00] =	vst v63  }
0x3b7: {  	s16 =	sadd.s32 $0x40, s13;
	s17 =	simm.s32 $0xC820  }
0x3b8: {  	[hbm4b:s16+s3] =	stream.linear.scatter [tilespmem:s17], [sflag:$0x4], $0x80, $0x38;
	[tilespmem:$0x11A00] =	vst v63  }
0x3b9: {  	s18 =	sadd.s32 $0x50, s13;
	s19 =	simm.s32 $0xC8A8  }
0x3ba: {  	[hbm4b:s18+s3] =	stream.linear.scatter [tilespmem:s19], [sflag:$0x4], $0x80, $0x38;
	[tilespmem:$0x11A00] =	vst v63  }
0x3bb: {  	s16 =	sadd.s32 $0x60, s13;
	s17 =	simm.s32 $0xC930  }
0x3bc: {  	[hbm4b:s16+s3] =	stream.linear.scatter [tilespmem:s17], [sflag:$0x4], $0x80, $0x38;
	[tilespmem:$0x11A00] =	vst v63  }
0x3bd: {  	s18 =	sadd.s32 $0x70, s13;
	s19 =	simm.s32 $0xC9B8  }
0x3be: {  	[hbm4b:s18+s3] =	stream.linear.scatter [tilespmem:s19], [sflag:$0x4], $0x80, $0x38;
	[tilespmem:$0x11A00] =	vst v63  }
0x3bf: {  	s14 =	simm.s32 $0xCA40;
	s13 =	rddreg [dreg:$0xf]  }
0x3c0: {  	[hbm4b:s13+s3] =	stream.linear.scatter [tilespmem:s14], [sflag:$0x4], $0x80, $0x38;
	[tilespmem:$0x11A00] =	vst v63  }
0x3c1: {  	s16 =	sadd.s32 $0x10, s13;
	s17 =	simm.s32 $0xCAC8  }
0x3c2: {  	[hbm4b:s16+s3] =	stream.linear.scatter [tilespmem:s17], [sflag:$0x4], $0x80, $0x38;
	[tilespmem:$0x11A00] =	vst v63  }
0x3c3: {  	s18 =	sadd.s32 $0x20, s13;
	s19 =	simm.s32 $0xCB50  }
0x3c4: {  	[hbm4b:s18+s3] =	stream.linear.scatter [tilespmem:s19], [sflag:$0x4], $0x80, $0x38;
	[tilespmem:$0x11A00] =	vst v63  }
0x3c5: {  	s16 =	sadd.s32 $0x30, s13;
	s17 =	simm.s32 $0xCBD8  }
0x3c6: {  	[hbm4b:s16+s3] =	stream.linear.scatter [tilespmem:s17], [sflag:$0x4], $0x80, $0x38;
	[tilespmem:$0x11A00] =	vst v63  }
0x3c7: {  	s18 =	sadd.s32 $0x40, s13;
	s19 =	simm.s32 $0xCC60  }
0x3c8: {  	[hbm4b:s18+s3] =	stream.linear.scatter [tilespmem:s19], [sflag:$0x4], $0x80, $0x38;
	[tilespmem:$0x11A00] =	vst v63  }
0x3c9: {  	s16 =	sadd.s32 $0x50, s13;
	s17 =	simm.s32 $0xCCE8  }
0x3ca: {  	[hbm4b:s16+s3] =	stream.linear.scatter [tilespmem:s17], [sflag:$0x4], $0x80, $0x38;
	[tilespmem:$0x11A00] =	vst v63  }
0x3cb: {  	s18 =	sadd.s32 $0x60, s13;
	s19 =	simm.s32 $0xCD70  }
0x3cc: {  	[hbm4b:s18+s3] =	stream.linear.scatter [tilespmem:s19], [sflag:$0x4], $0x80, $0x38;
	[tilespmem:$0x11A00] =	vst v63  }
0x3cd: {  	s14 =	sadd.s32 $0x70, s13;
	s16 =	simm.s32 $0xCDF8  }
0x3ce: {  	[hbm4b:s14+s3] =	stream.linear.scatter [tilespmem:s16], [sflag:$0x4], $0x80, $0x38;
	[tilespmem:$0x11A00] =	vst v63  }
0x3cf: {  	s13 =	rddreg [dreg:$0x10];
	s17 =	simm.s32 $0xCE80  }
0x3d0: {  	[hbm4b:s13+s3] =	stream.linear.scatter [tilespmem:s17], [sflag:$0x4], $0x80, $0x38;
	[tilespmem:$0x11A00] =	vst v63  }
0x3d1: {  	s18 =	sadd.s32 $0x10, s13;
	s19 =	simm.s32 $0xCF08  }
0x3d2: {  	[hbm4b:s18+s3] =	stream.linear.scatter [tilespmem:s19], [sflag:$0x4], $0x80, $0x38;
	[tilespmem:$0x11A00] =	vst v63  }
0x3d3: {  	s16 =	sadd.s32 $0x20, s13;
	s17 =	simm.s32 $0xCF90  }
0x3d4: {  	[hbm4b:s16+s3] =	stream.linear.scatter [tilespmem:s17], [sflag:$0x4], $0x80, $0x38;
	[tilespmem:$0x11A00] =	vst v63  }
0x3d5: {  	s18 =	sadd.s32 $0x30, s13;
	s19 =	simm.s32 $0xD018  }
0x3d6: {  	[hbm4b:s18+s3] =	stream.linear.scatter [tilespmem:s19], [sflag:$0x4], $0x80, $0x38;
	[tilespmem:$0x11A00] =	vst v63  }
0x3d7: {  	s16 =	sadd.s32 $0x40, s13;
	s17 =	simm.s32 $0xD0A0  }
0x3d8: {  	[hbm4b:s16+s3] =	stream.linear.scatter [tilespmem:s17], [sflag:$0x4], $0x80, $0x38;
	[tilespmem:$0x11A00] =	vst v63  }
0x3d9: {  	s18 =	sadd.s32 $0x50, s13;
	s19 =	simm.s32 $0xD128  }
0x3da: {  	[hbm4b:s18+s3] =	stream.linear.scatter [tilespmem:s19], [sflag:$0x4], $0x80, $0x38;
	[tilespmem:$0x11A00] =	vst v63  }
0x3db: {  	s16 =	sadd.s32 $0x60, s13;
	s17 =	simm.s32 $0xD1B0  }
0x3dc: {  	[hbm4b:s16+s3] =	stream.linear.scatter [tilespmem:s17], [sflag:$0x4], $0x80, $0x38;
	[tilespmem:$0x11A00] =	vst v63  }
0x3dd: {  	s18 =	sadd.s32 $0x70, s13;
	s19 =	simm.s32 $0xD238  }
0x3de: {  	[hbm4b:s18+s3] =	stream.linear.scatter [tilespmem:s19], [sflag:$0x4], $0x80, $0x38;
	[tilespmem:$0x11A00] =	vst v63  }
0x3df: {  	s14 =	simm.s32 $0xD2C0;
	s13 =	rddreg [dreg:$0x11]  }
0x3e0: {  	[hbm4b:s13+s3] =	stream.linear.scatter [tilespmem:s14], [sflag:$0x4], $0x80, $0x38;
	[tilespmem:$0x11A00] =	vst v63  }
0x3e1: {  	s16 =	sadd.s32 $0x10, s13;
	s17 =	simm.s32 $0xD348  }
0x3e2: {  	[hbm4b:s16+s3] =	stream.linear.scatter [tilespmem:s17], [sflag:$0x4], $0x80, $0x38;
	[tilespmem:$0x11A00] =	vst v63  }
0x3e3: {  	s18 =	sadd.s32 $0x20, s13;
	s19 =	simm.s32 $0xD3D0  }
0x3e4: {  	[hbm4b:s18+s3] =	stream.linear.scatter [tilespmem:s19], [sflag:$0x4], $0x80, $0x38;
	[tilespmem:$0x11A00] =	vst v63  }
0x3e5: {  	s16 =	sadd.s32 $0x30, s13;
	s17 =	simm.s32 $0xD458  }
0x3e6: {  	[hbm4b:s16+s3] =	stream.linear.scatter [tilespmem:s17], [sflag:$0x4], $0x80, $0x38;
	[tilespmem:$0x11A00] =	vst v63  }
0x3e7: {  	s18 =	sadd.s32 $0x40, s13;
	s19 =	simm.s32 $0xD4E0  }
0x3e8: {  	[hbm4b:s18+s3] =	stream.linear.scatter [tilespmem:s19], [sflag:$0x4], $0x80, $0x38;
	[tilespmem:$0x11A00] =	vst v63  }
0x3e9: {  	s16 =	sadd.s32 $0x50, s13;
	s17 =	simm.s32 $0xD568  }
0x3ea: {  	[hbm4b:s16+s3] =	stream.linear.scatter [tilespmem:s17], [sflag:$0x4], $0x80, $0x38;
	[tilespmem:$0x11A00] =	vst v63  }
0x3eb: {  	s18 =	sadd.s32 $0x60, s13;
	s19 =	simm.s32 $0xD5F0  }
0x3ec: {  	[hbm4b:s18+s3] =	stream.linear.scatter [tilespmem:s19], [sflag:$0x4], $0x80, $0x38;
	[tilespmem:$0x11A00] =	vst v63  }
0x3ed: {  	s14 =	sadd.s32 $0x70, s13;
	s16 =	simm.s32 $0xD678  }
0x3ee: {  	[hbm4b:s14+s3] =	stream.linear.scatter [tilespmem:s16], [sflag:$0x4], $0x80, $0x38;
	[tilespmem:$0x11A00] =	vst v63  }
0x3ef: {  	s13 =	rddreg [dreg:$0x12];
	s17 =	simm.s32 $0xD700  }
0x3f0: {  	[hbm4b:s13+s3] =	stream.linear.scatter [tilespmem:s17], [sflag:$0x4], $0x80, $0x38;
	[tilespmem:$0x11A00] =	vst v63  }
0x3f1: {  	s18 =	sadd.s32 $0x10, s13;
	s19 =	simm.s32 $0xD788  }
0x3f2: {  	[hbm4b:s18+s3] =	stream.linear.scatter [tilespmem:s19], [sflag:$0x4], $0x80, $0x38;
	[tilespmem:$0x11A00] =	vst v63  }
0x3f3: {  	s16 =	sadd.s32 $0x20, s13;
	s17 =	simm.s32 $0xD810  }
0x3f4: {  	[hbm4b:s16+s3] =	stream.linear.scatter [tilespmem:s17], [sflag:$0x4], $0x80, $0x38;
	[tilespmem:$0x11A00] =	vst v63  }
0x3f5: {  	s18 =	sadd.s32 $0x30, s13;
	s19 =	simm.s32 $0xD898  }
0x3f6: {  	[hbm4b:s18+s3] =	stream.linear.scatter [tilespmem:s19], [sflag:$0x4], $0x80, $0x38;
	[tilespmem:$0x11A00] =	vst v63  }
0x3f7: {  	s16 =	sadd.s32 $0x40, s13;
	s17 =	simm.s32 $0xD920  }
0x3f8: {  	[hbm4b:s16+s3] =	stream.linear.scatter [tilespmem:s17], [sflag:$0x4], $0x80, $0x38;
	[tilespmem:$0x11A00] =	vst v63  }
0x3f9: {  	s18 =	sadd.s32 $0x50, s13;
	s19 =	simm.s32 $0xD9A8  }
0x3fa: {  	[hbm4b:s18+s3] =	stream.linear.scatter [tilespmem:s19], [sflag:$0x4], $0x80, $0x38;
	[tilespmem:$0x11A00] =	vst v63  }
0x3fb: {  	s16 =	sadd.s32 $0x60, s13;
	s17 =	simm.s32 $0xDA30  }
0x3fc: {  	[hbm4b:s16+s3] =	stream.linear.scatter [tilespmem:s17], [sflag:$0x4], $0x80, $0x38;
	[tilespmem:$0x11A00] =	vst v63  }
0x3fd: {  	s18 =	sadd.s32 $0x70, s13;
	s19 =	simm.s32 $0xDAB8  }
0x3fe: {  	[hbm4b:s18+s3] =	stream.linear.scatter [tilespmem:s19], [sflag:$0x4], $0x80, $0x38;
	[tilespmem:$0x11A00] =	vst v63  }
0x3ff: {  	s14 =	simm.s32 $0xDB40;
	s13 =	rddreg [dreg:$0x13]  }
0x400: {  	[hbm4b:s13+s3] =	stream.linear.scatter [tilespmem:s14], [sflag:$0x4], $0x80, $0x38;
	[tilespmem:$0x11A00] =	vst v63  }
0x401: {  	s16 =	sadd.s32 $0x10, s13;
	s17 =	simm.s32 $0xDBC8  }
0x402: {  	[hbm4b:s16+s3] =	stream.linear.scatter [tilespmem:s17], [sflag:$0x4], $0x80, $0x38;
	[tilespmem:$0x11A00] =	vst v63  }
0x403: {  	s18 =	sadd.s32 $0x20, s13;
	s19 =	simm.s32 $0xDC50  }
0x404: {  	[hbm4b:s18+s3] =	stream.linear.scatter [tilespmem:s19], [sflag:$0x4], $0x80, $0x38;
	[tilespmem:$0x11A00] =	vst v63  }
0x405: {  	s16 =	sadd.s32 $0x30, s13;
	s17 =	simm.s32 $0xDCD8  }
0x406: {  	[hbm4b:s16+s3] =	stream.linear.scatter [tilespmem:s17], [sflag:$0x4], $0x80, $0x38;
	[tilespmem:$0x11A00] =	vst v63  }
0x407: {  	s18 =	sadd.s32 $0x40, s13;
	s19 =	simm.s32 $0xDD60  }
0x408: {  	[hbm4b:s18+s3] =	stream.linear.scatter [tilespmem:s19], [sflag:$0x4], $0x80, $0x38;
	[tilespmem:$0x11A00] =	vst v63  }
0x409: {  	s16 =	sadd.s32 $0x50, s13;
	s17 =	simm.s32 $0xDDE8  }
0x40a: {  	[hbm4b:s16+s3] =	stream.linear.scatter [tilespmem:s17], [sflag:$0x4], $0x80, $0x38;
	[tilespmem:$0x11A00] =	vst v63  }
0x40b: {  	s18 =	sadd.s32 $0x60, s13;
	s19 =	simm.s32 $0xDE70  }
0x40c: {  	[hbm4b:s18+s3] =	stream.linear.scatter [tilespmem:s19], [sflag:$0x4], $0x80, $0x38;
	[tilespmem:$0x11A00] =	vst v63  }
0x40d: {  	s14 =	sadd.s32 $0x70, s13;
	s16 =	simm.s32 $0xDEF8  }
0x40e: {  	[hbm4b:s14+s3] =	stream.linear.scatter [tilespmem:s16], [sflag:$0x4], $0x80, $0x38;
	[tilespmem:$0x11A00] =	vst v63  }
0x40f: {  	s13 =	rddreg [dreg:$0x14];
	s17 =	simm.s32 $0xDF80  }
0x410: {  	[hbm4b:s13+s3] =	stream.linear.scatter [tilespmem:s17], [sflag:$0x4], $0x80, $0x38;
	[tilespmem:$0x11A00] =	vst v63  }
0x411: {  	s18 =	sadd.s32 $0x10, s13;
	s19 =	simm.s32 $0xE008  }
0x412: {  	[hbm4b:s18+s3] =	stream.linear.scatter [tilespmem:s19], [sflag:$0x4], $0x80, $0x38;
	[tilespmem:$0x11A00] =	vst v63  }
0x413: {  	s16 =	sadd.s32 $0x20, s13;
	s17 =	simm.s32 $0xE090  }
0x414: {  	[hbm4b:s16+s3] =	stream.linear.scatter [tilespmem:s17], [sflag:$0x4], $0x80, $0x38;
	[tilespmem:$0x11A00] =	vst v63  }
0x415: {  	s18 =	sadd.s32 $0x30, s13;
	s19 =	simm.s32 $0xE118  }
0x416: {  	[hbm4b:s18+s3] =	stream.linear.scatter [tilespmem:s19], [sflag:$0x4], $0x80, $0x38;
	[tilespmem:$0x11A00] =	vst v63  }
0x417: {  	s16 =	sadd.s32 $0x40, s13;
	s17 =	simm.s32 $0xE1A0  }
0x418: {  	[hbm4b:s16+s3] =	stream.linear.scatter [tilespmem:s17], [sflag:$0x4], $0x80, $0x38;
	[tilespmem:$0x11A00] =	vst v63  }
0x419: {  	s18 =	sadd.s32 $0x50, s13;
	s19 =	simm.s32 $0xE228  }
0x41a: {  	[hbm4b:s18+s3] =	stream.linear.scatter [tilespmem:s19], [sflag:$0x4], $0x80, $0x38;
	[tilespmem:$0x11A00] =	vst v63  }
0x41b: {  	s14 =	sadd.s32 $0x60, s13;
	s16 =	simm.s32 $0xE2B0  }
0x41c: {  	[hbm4b:s14+s3] =	stream.linear.scatter [tilespmem:s16], [sflag:$0x4], $0x80, $0x38;
	[tilespmem:$0x11A00] =	vst v63  }
0x41d: {  	s17 =	sadd.s32 $0x70, s13;
	s18 =	simm.s32 $0xE338  }
0x41e: {  	[hbm4b:s17+s3] =	stream.linear.scatter [tilespmem:s18], [sflag:$0x4], $0x80, $0x38;
	[tilespmem:$0x11A00] =	vst v63  }
0x41f: {  	s13 =	rddreg [dreg:$0x15];
	s19 =	simm.s32 $0xE3C0  }
0x420: {  	[hbm4b:s13+s3] =	stream.linear.scatter [tilespmem:s19], [sflag:$0x4], $0x80, $0x38;
	[tilespmem:$0x11A00] =	vst v63  }
0x421: {  	s14 =	sadd.s32 $0x10, s13;
	s16 =	simm.s32 $0xE448  }
0x422: {  	[hbm4b:s14+s3] =	stream.linear.scatter [tilespmem:s16], [sflag:$0x4], $0x80, $0x38;
	[tilespmem:$0x11A00] =	vst v63  }
0x423: {  	s17 =	sadd.s32 $0x20, s13;
	s18 =	simm.s32 $0xE4D0  }
0x424: {  	[hbm4b:s17+s3] =	stream.linear.scatter [tilespmem:s18], [sflag:$0x4], $0x80, $0x38;
	[tilespmem:$0x11A00] =	vst v63  }
0x425: {  	s19 =	sadd.s32 $0x30, s13  }
0x426: {  	[hbm4b:s19+s3] =	stream.linear.scatter [tilespmem:s20], [sflag:$0x4], $0x80, $0x38;
	[tilespmem:$0x11A00] =	vst v63  }
0x427: {  	s14 =	sadd.s32 $0x40, s13  }
0x428: {  	[hbm4b:s14+s3] =	stream.linear.scatter [tilespmem:s21], [sflag:$0x4], $0x80, $0x38;
	[tilespmem:$0x11A00] =	vst v63  }
0x429: {  	s16 =	sadd.s32 $0x50, s13  }
0x42a: {  	[hbm4b:s16+s3] =	stream.linear.scatter [tilespmem:s24], [sflag:$0x4], $0x80, $0x38;
	[tilespmem:$0x11A00] =	vst v63  }
0x42b: {  	s17 =	sadd.s32 $0x60, s13  }
0x42c: {  	[hbm4b:s17+s3] =	stream.linear.scatter [tilespmem:s6], [sflag:$0x4], $0x80, $0x38;
	[tilespmem:$0x11A00] =	vst v63  }
0x42d: {  	s18 =	sadd.s32 $0x70, s13  }
0x42e: {  	[hbm4b:s18+s3] =	stream.linear.scatter [tilespmem:s25], [sflag:$0x4], $0x80, $0x38;
	[tilespmem:$0x11A00] =	vst v63  }
0x42f: {  	s15 =	rddreg [dreg:$0x17];
	_ =	swait.ge [sflag:s10], $0x400  }
0x430: {  	[sflag:s10] =	ssyncset.done $0x0  }
0x431: {  	[sflag:s10] =	ssyncadd.s32 $0xFFFFFC00  }
0x432: {  	_ =	swait.ge [sflag:s10], $0x400  }
0x433: {  	[sflag:s10] =	ssyncset.done $0x0  }
0x434: {  	[sflag:s10] =	ssyncadd.s32 $0xFFFFFC00  }
0x435: {  	_ =	swait.ge [sflag:s10], $0x400  }
0x436: {  	[sflag:s10] =	ssyncset.done $0x0  }
0x437: {  	[sflag:s10] =	ssyncadd.s32 $0xFFFFFC00  }
0x438: {  	_ =	swait.ge [sflag:s10], $0x400  }
0x439: {  	[sflag:s10] =	ssyncset.done $0x0  }
0x43a: {  	[sflag:s10] =	ssyncadd.s32 $0xFFFFFC00  }
0x43b: {  	_ =	swait.ge [sflag:s10], $0x400  }
0x43c: {  	[sflag:s10] =	ssyncset.done $0x0  }
0x43d: {  	[sflag:s10] =	ssyncadd.s32 $0xFFFFFC00  }
0x43e: {  	_ =	swait.ge [sflag:s10], $0x400  }
0x43f: {  	[sflag:s10] =	ssyncset.done $0x0  }
0x440: {  	[sflag:s10] =	ssyncadd.s32 $0xFFFFFC00  }
0x441: {  	_ =	swait.ge [sflag:s10], $0x400  }
0x442: {  	[sflag:s10] =	ssyncset.done $0x0  }
0x443: {  	[sflag:s10] =	ssyncadd.s32 $0xFFFFFC00  }
0x444: {  	_ =	swait.ge [sflag:s10], $0x400  }
0x445: {  	[sflag:s10] =	ssyncset.done $0x0  }
0x446: {  	[sflag:s10] =	ssyncadd.s32 $0xFFFFFC00  }
0x447: {  	_ =	swait.ge [sflag:s11], $0x400  }
0x448: {  	[sflag:s11] =	ssyncset.done $0x0  }
0x449: {  	[sflag:s11] =	ssyncadd.s32 $0xFFFFFC00  }
0x44a: {  	_ =	swait.ge [sflag:s11], $0x400  }
0x44b: {  	[sflag:s11] =	ssyncset.done $0x0  }
0x44c: {  	[sflag:s11] =	ssyncadd.s32 $0xFFFFFC00  }
0x44d: {  	_ =	swait.ge [sflag:s11], $0x400  }
0x44e: {  	[sflag:s11] =	ssyncset.done $0x0  }
0x44f: {  	[sflag:s11] =	ssyncadd.s32 $0xFFFFFC00  }
0x450: {  	_ =	swait.ge [sflag:s11], $0x400  }
0x451: {  	[sflag:s11] =	ssyncset.done $0x0  }
0x452: {  	[sflag:s11] =	ssyncadd.s32 $0xFFFFFC00  }
0x453: {  	_ =	swait.ge [sflag:s11], $0x400  }
0x454: {  	[sflag:s11] =	ssyncset.done $0x0  }
0x455: {  	[sflag:s11] =	ssyncadd.s32 $0xFFFFFC00  }
0x456: {  	_ =	swait.ge [sflag:s11], $0x400  }
0x457: {  	[sflag:s11] =	ssyncset.done $0x0  }
0x458: {  	[sflag:s11] =	ssyncadd.s32 $0xFFFFFC00  }
0x459: {  	_ =	swait.ge [sflag:s11], $0x400  }
0x45a: {  	[sflag:s11] =	ssyncset.done $0x0  }
0x45b: {  	[sflag:s11] =	ssyncadd.s32 $0xFFFFFC00  }
0x45c: {  	_ =	swait.ge [sflag:s11], $0x400  }
0x45d: {  	s15 =	sadd.s32 $0x1, s15;
	s19 =	rddreg [dreg:$0x16]  }
0x45e: {  	p0 =	seq.s32 s15, s19  }
.Ltmp6:
0x45f: {  	_ = 	snop;
	(pc) =	sbr.rel @!p0 .LBB2_1-.Ltmp6, $3  }
0x460: {  	_ =	sdelay $0x1  }
0x461: {  	[sflag:s11] =	ssyncset.done $0x0  }
0x462: {  	[sflag:s11] =	ssyncadd.s32 $0xFFFFFC00  }
0x463: {  	_ =	sfence.sel $0x180000  }
0x464: {  	[bflag:$0x0] =	sbarrier.arrive $0xFFFF  }
0x465: {  	_ =	strace $0x90000047  }
0x466: {  	s0 =	stileid.u32;
	[bflag:$0x2] =	sbarrier.arrive $0xFFFF  }
0x467: {  	p0 =	sne.s32 s0, $0x0;
	s0 =	rddreg [dreg:$0x3]  }
0x468: {  	s0 =	sadd.s32 @!p0 $0x100000, s0  }
0x469: {  	[sflag:s0] =	ssyncadd.tile.s32 @!p0 $0x1;
	_ =	shalt  }
.Lfunc_end2:
_tile_overlayer_lowered:
.L_overlay_start_2:
0x46a: {  	(tag) =	ssettag $0x2  }
0x46b: {  	s0 =	rddreg [dreg:$0x0];
	s2 =	stileid.u32  }
0x46c: {  	s1 =	rddreg [dreg:$0x1];
	p0 =	sne.s32 s2, $0x0  }
0x46d: {  	s3 =	rddreg [dreg:$0x2];
	[bflag:$0x3] =	sbarrier.arrive $0xFFFF;
	s2 =	simm.s32 @!p0 $0x1C05  }
0x46e: {  	[timem:s3], [sflag:s2] =	dma.local @!p0 [hbm:s0], s1  }
0x46f: {  	s0 =	simm.s32 @!p0 $0x5  }
0x470: {  	_ =	swait.ge @!p0 [sflag:s0], s1  }
0x471: {  	s1 =	ssub.s32 @!p0 $0x0, s1;
	[sflag:s0] =	ssyncset.done @!p0 $0x0  }
0x472: {  	[sflag:s0] =	ssyncadd.s32 @!p0 s1  }
0x473: {  	[bflag:$0x3] =	sbarrier.arrive $0xFFFF  }
0x474: {  	_ =	shalt  }

</sc_bundles>
